<compile_context>
chip_gen: v7x
topology: tpu7x:2x2x1
jax: 0.10.2.dev20260603
libtpu: 0.0.44.dev20260713+nightly
codegen_flags: <defaults>
</compile_context>

<pallas_src>
import functools

import jax
import jax.numpy as jnp
from jax import lax
from jax.experimental import pallas as pl
from jax.experimental.pallas import tpu as pltpu
from jax.experimental.pallas import tpu_sc as plsc

N = 10000
F = 128
E = 320000
NC = 2
NS = 16
NW = NC * NS
K = 32
EPT = 10240
CHUNKS = EPT // K
NPAD = 10240
RPT = NPAD // NS


def _sc_mesh():
    return plsc.VectorSubcoreMesh(core_axis_name="c", subcore_axis_name="s")


_DK = 128
_DCH = EPT // _DK


def _sc_degree(dst2):

    @functools.partial(
        pl.kernel,
        out_type=jax.ShapeDtypeStruct((NC, NPAD, 16), jnp.float32),
        mesh=_sc_mesh(),
        scratch_types=[
            pltpu.VMEM((_DCH, _DK), jnp.int32),
            pltpu.VMEM((_DK, 16), jnp.float32),
            pltpu.VMEM((_DK, 16), jnp.float32),
            pltpu.VMEM_SHARED((NPAD, 16), jnp.float32),
            pltpu.SemaphoreType.DMA,
        ],
    )
    def deg_kernel(dst_hbm, out_hbm, dstv, onesb, zb, acc, sem):
        c = lax.axis_index("c")
        s = lax.axis_index("s")
        wid = c * NS + s

        def fill(i, carry):
            onesb[i, pl.ds(0, 16)] = jnp.ones((16,), jnp.float32)
            zb[i, pl.ds(0, 16)] = jnp.zeros((16,), jnp.float32)
            return carry

        lax.fori_loop(0, _DK, fill, 0)
        row0 = s * RPT

        def zrow(b, carry):
            pltpu.sync_copy(zb, acc.at[pl.ds(row0 + b * _DK, _DK)])
            return carry

        lax.fori_loop(0, RPT // _DK, zrow, 0)
        pltpu.sync_copy(dst_hbm.at[wid], dstv)
        plsc.subcore_barrier()

        def group(g, carry):
            def fire(j, carry2):
                pltpu.async_copy(onesb, acc.at[dstv.at[g * 8 + j]], sem, add=True)
                return carry2

            lax.fori_loop(0, 8, fire, 0)

            def drain(j, carry2):
                pltpu.make_async_copy(onesb, acc.at[dstv.at[g * 8 + j]], sem).wait()
                return carry2

            lax.fori_loop(0, 8, drain, 0)
            return carry

        lax.fori_loop(0, _DCH // 8, group, 0)
        plsc.subcore_barrier()
        pltpu.sync_copy(acc.at[pl.ds(row0, RPT)], out_hbm.at[c, pl.ds(row0, RPT)])

    return deg_kernel(dst2)


NB = CHUNKS // 16
RING = 8
LA = RING // 2


def _sc_scatter(h, pairs):

    @functools.partial(
        pl.kernel,
        out_type=jax.ShapeDtypeStruct((NC, NPAD, F), jnp.float32),
        mesh=_sc_mesh(),
        scratch_types=[
            [pltpu.VMEM((32, K), jnp.int32)] * 2,
            [pltpu.VMEM((K, F), jnp.float32)] * RING,
            pltpu.VMEM((32, F), jnp.float32),
            pltpu.VMEM_SHARED((NPAD, F), jnp.float32),
            [pltpu.SemaphoreType.DMA] * RING,
            [pltpu.SemaphoreType.DMA] * RING,
            pltpu.SemaphoreType.DMA,
        ],
    )
    def scat_kernel(h_hbm, pairs_hbm, out_hbm,
                    idx, bufs, zb, acc, gsem, ssem, isem):
        c = lax.axis_index("c")
        s = lax.axis_index("s")
        wid = c * NS + s

        def fill(i, carry):
            r = i // (F // 16)
            cb = (i % (F // 16)) * 16
            zb[r, pl.ds(cb, 16)] = jnp.zeros((16,), jnp.float32)
            return carry

        lax.fori_loop(0, 32 * (F // 16), fill, 0)
        row0 = s * RPT

        def zrow(b, carry):
            pltpu.sync_copy(zb, acc.at[pl.ds(row0 + b * 32, 32)])
            return carry

        lax.fori_loop(0, RPT // 32, zrow, 0)
        plsc.subcore_barrier()

        pltpu.sync_copy(pairs_hbm.at[wid, 0], idx[0])
        for b in range(LA):
            pltpu.async_copy(h_hbm.at[idx[0].at[b]], bufs[b], gsem[b])

        def superblock(q, carry):
            for half in range(2):
                bb = 2 * q + half
                cur = idx[half]
                nxt = idx[1 - half]

                @pl.when(bb + 1 < NB)
                def _():
                    pltpu.async_copy(pairs_hbm.at[wid, bb + 1], nxt, isem)

                def body(g, carry2):
                    for b in range(RING):
                        j = RING * g + b
                        b2 = (b + LA) % RING

                        @pl.when(j >= LA)
                        def _():
                            pltpu.make_async_copy(
                                bufs[b2], acc.at[cur.at[16 + j - LA]],
                                ssem[b2]).wait()

                        @pl.when(j + LA < 16)
                        def _():
                            pltpu.async_copy(
                                h_hbm.at[cur.at[j + LA]], bufs[b2], gsem[b2])

                        pltpu.make_async_copy(
                            h_hbm.at[cur.at[j]], bufs[b], gsem[b]).wait()
                        pltpu.async_copy(
                            bufs[b], acc.at[cur.at[16 + j]], ssem[b], add=True)
                    return carry2

                lax.fori_loop(0, 16 // RING, body, 0)
                for t in range(LA):
                    bt = (16 - LA + t) % RING
                    pltpu.make_async_copy(
                        bufs[bt], acc.at[cur.at[32 - LA + t]], ssem[bt]).wait()

                @pl.when(bb + 1 < NB)
                def _():
                    pltpu.make_async_copy(
                        pairs_hbm.at[wid, bb + 1], nxt, isem).wait()
                    for b in range(LA):
                        pltpu.async_copy(h_hbm.at[nxt.at[b]], bufs[b], gsem[b])

            return carry

        lax.fori_loop(0, NB // 2, superblock, 0)
        plsc.subcore_barrier()
        pltpu.sync_copy(acc.at[pl.ds(row0, RPT)], out_hbm.at[c, pl.ds(row0, RPT)])

    return scat_kernel(h, pairs)


_R = 2000


def _dinv_block(dp):
    deg = dp[0] + dp[1] + 1.0
    d16 = lax.rsqrt(deg)
    return jnp.concatenate([d16] * (F // 16), axis=-1)


_DEG_SPEC = pl.BlockSpec((NC, _R, 16), lambda i: (0, i, 0))


def _tc_layer1(degc, x, W):

    def body(d_ref, x_ref, w_ref, o_ref):
        dinv = _dinv_block(d_ref[...])
        o_ref[...] = dinv * jnp.dot(
            x_ref[...], w_ref[...], preferred_element_type=jnp.float32)

    return pl.pallas_call(
        body,
        grid=(N // _R,),
        in_specs=[
            _DEG_SPEC,
            pl.BlockSpec((_R, F), lambda i: (i, 0)),
            pl.BlockSpec((F, F), lambda i: (0, 0)),
        ],
        out_specs=pl.BlockSpec((_R, F), lambda i: (i, 0)),
        out_shape=jax.ShapeDtypeStruct((N, F), jnp.float32),
    )(degc, x, W)


def _tc_layer2(accp, h1p, degc, W2, b1):

    def body(a_ref, h_ref, d_ref, w_ref, b_ref, o_ref):
        dinv = _dinv_block(d_ref[...])
        acc = a_ref[0] + a_ref[1] + h_ref[...]
        z = jnp.maximum(dinv * acc + b_ref[...], 0.0)
        o_ref[...] = dinv * jnp.dot(
            z, w_ref[...], preferred_element_type=jnp.float32)

    return pl.pallas_call(
        body,
        grid=(N // _R,),
        in_specs=[
            pl.BlockSpec((NC, _R, F), lambda i: (0, i, 0)),
            pl.BlockSpec((_R, F), lambda i: (i, 0)),
            _DEG_SPEC,
            pl.BlockSpec((F, F), lambda i: (0, 0)),
            pl.BlockSpec((1, F), lambda i: (0, 0)),
        ],
        out_specs=pl.BlockSpec((_R, F), lambda i: (i, 0)),
        out_shape=jax.ShapeDtypeStruct((N, F), jnp.float32),
    )(accp, h1p, degc, W2, b1)


def _tc_final(accp, h2p, degc, b2):

    def body(a_ref, h_ref, d_ref, b_ref, o_ref):
        dinv = _dinv_block(d_ref[...])
        acc = a_ref[0] + a_ref[1] + h_ref[...]
        o_ref[...] = dinv * acc + b_ref[...]

    return pl.pallas_call(
        body,
        grid=(N // _R,),
        in_specs=[
            pl.BlockSpec((NC, _R, F), lambda i: (0, i, 0)),
            pl.BlockSpec((_R, F), lambda i: (i, 0)),
            _DEG_SPEC,
            pl.BlockSpec((1, F), lambda i: (0, 0)),
        ],
        out_specs=pl.BlockSpec((_R, F), lambda i: (i, 0)),
        out_shape=jax.ShapeDtypeStruct((N, F), jnp.float32),
    )(accp, h2p, degc, b2)


def kernel(x, edge_index, W1, b1, W2, b2):
    ei = edge_index.astype(jnp.int32)
    pad = NW * EPT - E
    ar = jnp.arange(pad, dtype=jnp.int32)
    src_flat = jnp.concatenate([ei[0], ar % N])
    dst_flat = jnp.concatenate([ei[1], N + ar % (NPAD - N)])
    src4 = src_flat.reshape(NW, NB, 16, K)
    dst4 = dst_flat.reshape(NW, NB, 16, K)
    pairs = jnp.concatenate([src4, dst4], axis=2)

    degp = _sc_degree(dst_flat.reshape(NW, _DCH, _DK))

    h1p = _tc_layer1(degp, x, W1)
    acc1 = _sc_scatter(h1p, pairs)
    h2p = _tc_layer2(acc1, h1p, degp, W2, b1.reshape(1, F))
    acc2 = _sc_scatter(h2p, pairs)
    return _tc_final(acc2, h2p, degp, b2.reshape(1, F))

# --- scband reference (transcript-rebuilt; emitter-appended) ---
"""Pipeline reference for scband-gcn-24919400251509 (READ-ONLY COPY).

The authoritative reference and input builder live on the scoring server;
editing this copy changes nothing except your own understanding.
"""

import jax, jax.numpy as jnp
import numpy as np

N_NODES = 10000
M = 128
HIDDEN = 128
M_Y = 128
E = 320000


def gcn_conv(x, edge_index, W, b, n_nodes):
    # PyG-style GCNConv: add self-loops, symmetric deg^-1/2 normalization,
    # linear transform, scatter-add aggregation, bias.
    src = edge_index[0]
    dst = edge_index[1]
    loop = jnp.arange(n_nodes, dtype=src.dtype)
    src = jnp.concatenate([src, loop])
    dst = jnp.concatenate([dst, loop])
    deg = jnp.zeros((n_nodes,), dtype=x.dtype).at[dst].add(1.0)
    dinv = jnp.where(deg > 0, jax.lax.rsqrt(jnp.maximum(deg, 1e-12)), 0.0)
    norm = dinv[src] * dinv[dst]
    h = x @ W
    msg = h[src] * norm[:, None]
    out = jnp.zeros((n_nodes, W.shape[1]), dtype=x.dtype).at[dst].add(msg)
    return out + b


def setup_inputs(seed: int = 0) -> dict:
    key = jax.random.key(seed)
    k1, k2, k3, k4, k5, k6 = jax.random.split(key, 6)
    x = jax.random.normal(k1, (N_NODES, M), dtype=jnp.float32)
    edge_index = jax.random.randint(k2, (2, E), 0, N_NODES, dtype=jnp.int64)
    W1 = jax.random.normal(k3, (M, HIDDEN), dtype=jnp.float32) * (1.0 / np.sqrt(M))
    b1 = jnp.zeros((HIDDEN,), dtype=jnp.float32)
    W2 = jax.random.normal(k4, (HIDDEN, M_Y), dtype=jnp.float32) * (1.0 / np.sqrt(HIDDEN))
    b2 = jnp.zeros((M_Y,), dtype=jnp.float32)
    return {"x": x, "edge_index": edge_index, "W1": W1, "b1": b1, "W2": W2, "b2": b2}


def reference(x, edge_index, W1, b1, W2, b2):
    # GCN.forward (eval mode: dropout is identity)
    out = gcn_conv(x, edge_index, W1, b1, N_NODES)
    out = jax.nn.relu(out)
    out = gcn_conv(out, edge_index, W2, b2, N_NODES)
    return out

if __name__ == "__main__":
    import jax
    _d = setup_inputs()
    print(jax.jit(kernel)(*tuple(_d.values())))

</pallas_src>

<mosaic_0001>
#map = affine_map<(d0, d1) -> (0, 0, 0)>
module attributes {stable_mosaic.version = 14 : i64} {
  func.func @deg_kernel(%arg0: i32, %arg1: i32, %arg2: memref<32x80x128xi32, #tpu.memory_space<hbm>>, %arg3: memref<2x10240x16xf32, #tpu.memory_space<hbm>>, %arg4: memref<80x128xi32, #tpu.memory_space<vmem>>, %arg5: memref<128x16xf32, #tpu.memory_space<vmem>>, %arg6: memref<128x16xf32, #tpu.memory_space<vmem>>, %arg7: memref<10240x16xf32, #tpu.memory_space<vmem_shared>>, %arg8: memref<!tpu.dma_semaphore, #tpu.memory_space<semaphore_mem>>) attributes {dimension_semantics = [#tpu.dimension_semantics<core_parallel>, #tpu.dimension_semantics<subcore_parallel>], iteration_bounds = array<i64: 2, 16>, scalar_prefetch = 0 : i64, scratch_operands = 5 : i64, tpu.core_type = #tpu.core_type<sc_vector_subcore>, window_params = [{transform_indices = #map}, {transform_indices = #map}]} {
    %mul3A = arith.constant 16 : i32
    %mul3A_0 = arith.muli %arg0, %mul3A : i32
    %add3A = arith.addi %mul3A_0, %arg1 : i32
    %scan3A = arith.constant 0 : i32
    %scan3A_1 = arith.constant 0 : i32
    %scan3A_2 = arith.constant 128 : i32
    %scan3A_3 = arith.addi %scan3A_1, %scan3A_2 : i32
    %scan3A_4 = arith.constant 1 : i32
    scf.for %scan3A_21 = %scan3A_1 to %scan3A_3 step %scan3A_4  : i32 {
      %broadcast_in_dim3A = arith.constant 1.000000e+00 : f32
      %broadcast_in_dim3A_22 = vector.broadcast %broadcast_in_dim3A : f32 to vector<16xf32>
      %swap3A = arith.index_cast %scan3A_21 : i32 to index
      %swap3A_23 = arith.constant 0 : index
      %swap3A_24 = tpu.vector_load %arg5[%swap3A, %swap3A_23] {strides = array<i32>} : memref<128x16xf32, #tpu.memory_space<vmem>>, vector<1x16xf32>,
      %swap3A_25 = vector.shape_cast %swap3A_24 : vector<1x16xf32> to vector<16xf32>
      %swap3A_26 = vector.shape_cast %broadcast_in_dim3A_22 : vector<16xf32> to vector<1x16xf32>
      tpu.vector_store %arg5[%swap3A, %swap3A_23], %swap3A_26 {strides = array<i32>} : memref<128x16xf32, #tpu.memory_space<vmem>>, vector<1x16xf32>,
      %broadcast_in_dim3A_27 = arith.constant 0.000000e+00 : f32
      %broadcast_in_dim3A_28 = vector.broadcast %broadcast_in_dim3A_27 : f32 to vector<16xf32>
      %swap3A_29 = arith.index_cast %scan3A_21 : i32 to index
      %swap3A_30 = arith.constant 0 : index
      %swap3A_31 = tpu.vector_load %arg6[%swap3A_29, %swap3A_30] {strides = array<i32>} : memref<128x16xf32, #tpu.memory_space<vmem>>, vector<1x16xf32>,
      %swap3A_32 = vector.shape_cast %swap3A_31 : vector<1x16xf32> to vector<16xf32>
      %swap3A_33 = vector.shape_cast %broadcast_in_dim3A_28 : vector<16xf32> to vector<1x16xf32>
      tpu.vector_store %arg6[%swap3A_29, %swap3A_30], %swap3A_33 {strides = array<i32>} : memref<128x16xf32, #tpu.memory_space<vmem>>, vector<1x16xf32>,
    }
    %scan3A_5 = arith.constant 128 : i32
    %mul3A_6 = arith.constant 640 : i32
    %mul3A_7 = arith.muli %arg1, %mul3A_6 : i32
    %scan3A_8 = arith.constant 0 : i32
    %scan3A_9 = arith.constant 0 : i32
    %scan3A_10 = arith.constant 5 : i32
    %scan3A_11 = arith.addi %scan3A_9, %scan3A_10 : i32
    %scan3A_12 = arith.constant 1 : i32
    scf.for %scan3A_21 = %scan3A_9 to %scan3A_11 step %scan3A_12  : i32 {
      %mul3A_22 = arith.constant 128 : i32
      %mul3A_23 = arith.muli %scan3A_21, %mul3A_22 : i32
      %add3A_24 = arith.addi %mul3A_7, %mul3A_23 : i32
      "tpu.region"() ({
        %run_scoped3A = tpu.sem_alloc : memref<!tpu.dma_semaphore, #tpu.memory_space<semaphore_mem>>
        %dma_start3A = arith.constant 0 : i32
        %dma_start3A_25 = tpu.memref_slice %arg7[%add3A_24, %dma_start3A] : memref<10240x16xf32, #tpu.memory_space<vmem_shared>> -> memref<128x16xf32, #tpu.memory_space<vmem_shared>>
        %dma_start3A_26 = arith.constant 0 : i32
        %dma_start3A_27 = tpu.memref_slice %arg7[%add3A_24, %dma_start3A_26] : memref<10240x16xf32, #tpu.memory_space<vmem_shared>> -> memref<128x16xf32, #tpu.memory_space<vmem_shared>>
        tpu.enqueue_dma source(%arg6 : memref<128x16xf32, #tpu.memory_space<vmem>>) target(%dma_start3A_27 : memref<128x16xf32, #tpu.memory_space<vmem_shared>>) target_semaphore(%run_scoped3A : memref<!tpu.dma_semaphore, #tpu.memory_space<semaphore_mem>>)
        %dma_wait3A = arith.constant 0 : i32
        %dma_wait3A_28 = tpu.memref_slice %arg7[%add3A_24, %dma_wait3A] : memref<10240x16xf32, #tpu.memory_space<vmem_shared>> -> memref<128x16xf32, #tpu.memory_space<vmem_shared>>
        %dma_wait3A_29 = arith.constant 0 : i32
        %dma_wait3A_30 = tpu.memref_slice %arg7[%add3A_24, %dma_wait3A_29] : memref<10240x16xf32, #tpu.memory_space<vmem_shared>> -> memref<128x16xf32, #tpu.memory_space<vmem_shared>>
        tpu.wait_dma2 semaphore(%run_scoped3A : memref<!tpu.dma_semaphore, #tpu.memory_space<semaphore_mem>>) src(%arg6 : memref<128x16xf32, #tpu.memory_space<vmem>>) dst(%dma_wait3A_30 : memref<128x16xf32, #tpu.memory_space<vmem_shared>>)
        tpu.yield
      }) : () -> ()
    }
    %scan3A_13 = arith.constant 5 : i32
    "tpu.region"() ({
      %run_scoped3A = tpu.sem_alloc : memref<!tpu.dma_semaphore, #tpu.memory_space<semaphore_mem>>
      %dma_start3A = arith.constant 0 : i32
      %dma_start3A_21 = arith.constant 0 : i32
      %dma_start3A_22 = tpu.memref_slice %arg2[%add3A, %dma_start3A, %dma_start3A_21] : memref<32x80x128xi32, #tpu.memory_space<hbm>> -> memref<1x80x128xi32, #tpu.memory_space<hbm>>
      %dma_start3A_23 = tpu.memref_squeeze %dma_start3A_22 : memref<1x80x128xi32, #tpu.memory_space<hbm>> -> memref<80x128xi32, #tpu.memory_space<hbm>>
      %dma_start3A_24 = arith.constant 0 : i32
      %dma_start3A_25 = arith.constant 0 : i32
      %dma_start3A_26 = tpu.memref_slice %arg2[%add3A, %dma_start3A_24, %dma_start3A_25] : memref<32x80x128xi32, #tpu.memory_space<hbm>> -> memref<1x80x128xi32, #tpu.memory_space<hbm>>
      %dma_start3A_27 = tpu.memref_squeeze %dma_start3A_26 : memref<1x80x128xi32, #tpu.memory_space<hbm>> -> memref<80x128xi32, #tpu.memory_space<hbm>>
      tpu.enqueue_dma source(%dma_start3A_27 : memref<80x128xi32, #tpu.memory_space<hbm>>) target(%arg4 : memref<80x128xi32, #tpu.memory_space<vmem>>) target_semaphore(%run_scoped3A : memref<!tpu.dma_semaphore, #tpu.memory_space<semaphore_mem>>)
      %dma_wait3A = arith.constant 0 : i32
      %dma_wait3A_28 = arith.constant 0 : i32
      %dma_wait3A_29 = tpu.memref_slice %arg2[%add3A, %dma_wait3A, %dma_wait3A_28] : memref<32x80x128xi32, #tpu.memory_space<hbm>> -> memref<1x80x128xi32, #tpu.memory_space<hbm>>
      %dma_wait3A_30 = tpu.memref_squeeze %dma_wait3A_29 : memref<1x80x128xi32, #tpu.memory_space<hbm>> -> memref<80x128xi32, #tpu.memory_space<hbm>>
      %dma_wait3A_31 = arith.constant 0 : i32
      %dma_wait3A_32 = arith.constant 0 : i32
      %dma_wait3A_33 = tpu.memref_slice %arg2[%add3A, %dma_wait3A_31, %dma_wait3A_32] : memref<32x80x128xi32, #tpu.memory_space<hbm>> -> memref<1x80x128xi32, #tpu.memory_space<hbm>>
      %dma_wait3A_34 = tpu.memref_squeeze %dma_wait3A_33 : memref<1x80x128xi32, #tpu.memory_space<hbm>> -> memref<80x128xi32, #tpu.memory_space<hbm>>
      tpu.wait_dma2 semaphore(%run_scoped3A : memref<!tpu.dma_semaphore, #tpu.memory_space<semaphore_mem>>) src(%dma_wait3A_34 : memref<80x128xi32, #tpu.memory_space<hbm>>) dst(%arg4 : memref<80x128xi32, #tpu.memory_space<vmem>>)
      tpu.yield
    }) : () -> ()
    %barrier3A = arith.constant 0 : index
    tpu.barrier barrier_id(%barrier3A)
    %scan3A_14 = arith.constant 0 : i32
    %scan3A_15 = arith.constant 0 : i32
    %scan3A_16 = arith.constant 10 : i32
    %scan3A_17 = arith.addi %scan3A_15, %scan3A_16 : i32
    %scan3A_18 = arith.constant 1 : i32
    scf.for %scan3A_21 = %scan3A_15 to %scan3A_17 step %scan3A_18  : i32 {
      %scan3A_22 = arith.constant 0 : i32
      %scan3A_23 = arith.constant 0 : i32
      %scan3A_24 = arith.constant 8 : i32
      %scan3A_25 = arith.addi %scan3A_23, %scan3A_24 : i32
      %scan3A_26 = arith.constant 1 : i32
      scf.for %scan3A_34 = %scan3A_23 to %scan3A_25 step %scan3A_26  : i32 {
        %mul3A_35 = arith.constant 8 : i32
        %mul3A_36 = arith.muli %scan3A_21, %mul3A_35 : i32
        %add3A_37 = arith.addi %mul3A_36, %scan3A_34 : i32
        %dma_start3A = arith.constant 0 : i32
        %dma_start3A_38 = tpu.memref_slice %arg4[%add3A_37, %dma_start3A] : memref<80x128xi32, #tpu.memory_space<vmem>> -> memref<1x128xi32, #tpu.memory_space<vmem>>
        %dma_start3A_39 = tpu.memref_squeeze %dma_start3A_38 : memref<1x128xi32, #tpu.memory_space<vmem>> -> memref<128xi32, #tpu.memory_space<vmem>>
        %dma_start3A_40 = arith.constant 0 : i32
        %dma_start3A_41 = arith.constant 0 : i32
        %dma_start3A_42 = tpu.memref_slice %arg7[%dma_start3A_40, %dma_start3A_41] : memref<10240x16xf32, #tpu.memory_space<vmem_shared>> -> memref<10240x16xf32, #tpu.memory_space<vmem_shared>>
        tpu.enqueue_indirect_dma source(%arg5 : memref<128x16xf32, #tpu.memory_space<vmem>>) target(%dma_start3A_42 : memref<10240x16xf32, #tpu.memory_space<vmem_shared>>) offsets(%dma_start3A_39 : memref<128xi32, #tpu.memory_space<vmem>>) semaphore(%arg8 : memref<!tpu.dma_semaphore, #tpu.memory_space<semaphore_mem>>) {add = true}
      }
      %scan3A_27 = arith.constant 8 : i32
      %scan3A_28 = arith.constant 0 : i32
      %scan3A_29 = arith.constant 0 : i32
      %scan3A_30 = arith.constant 8 : i32
      %scan3A_31 = arith.addi %scan3A_29, %scan3A_30 : i32
      %scan3A_32 = arith.constant 1 : i32
      scf.for %scan3A_34 = %scan3A_29 to %scan3A_31 step %scan3A_32  : i32 {
        %mul3A_35 = arith.constant 8 : i32
        %mul3A_36 = arith.muli %scan3A_21, %mul3A_35 : i32
        %add3A_37 = arith.addi %mul3A_36, %scan3A_34 : i32
        %dma_wait3A = arith.constant 0 : i32
        %dma_wait3A_38 = tpu.memref_slice %arg4[%add3A_37, %dma_wait3A] : memref<80x128xi32, #tpu.memory_space<vmem>> -> memref<1x128xi32, #tpu.memory_space<vmem>>
        %dma_wait3A_39 = tpu.memref_squeeze %dma_wait3A_38 : memref<1x128xi32, #tpu.memory_space<vmem>> -> memref<128xi32, #tpu.memory_space<vmem>>
        %dma_wait3A_40 = arith.constant 0 : i32
        %dma_wait3A_41 = arith.constant 0 : i32
        %dma_wait3A_42 = tpu.memref_slice %arg7[%dma_wait3A_40, %dma_wait3A_41] : memref<10240x16xf32, #tpu.memory_space<vmem_shared>> -> memref<10240x16xf32, #tpu.memory_space<vmem_shared>>
        tpu.wait_indirect_dma semaphore(%arg8 : memref<!tpu.dma_semaphore, #tpu.memory_space<semaphore_mem>>) src(%arg5 : memref<128x16xf32, #tpu.memory_space<vmem>>) dst(%dma_wait3A_42 : memref<10240x16xf32, #tpu.memory_space<vmem_shared>>)
      }
      %scan3A_33 = arith.constant 8 : i32
    }
    %scan3A_19 = arith.constant 10 : i32
    %barrier3A_20 = arith.constant 0 : index
    tpu.barrier barrier_id(%barrier3A_20)
    "tpu.region"() ({
      %run_scoped3A = tpu.sem_alloc : memref<!tpu.dma_semaphore, #tpu.memory_space<semaphore_mem>>
      %dma_start3A = arith.constant 0 : i32
      %dma_start3A_21 = tpu.memref_slice %arg3[%arg0, %mul3A_7, %dma_start3A] : memref<2x10240x16xf32, #tpu.memory_space<hbm>> -> memref<1x640x16xf32, #tpu.memory_space<hbm>>
      %dma_start3A_22 = tpu.memref_squeeze %dma_start3A_21 : memref<1x640x16xf32, #tpu.memory_space<hbm>> -> memref<640x16xf32, #tpu.memory_space<hbm>>
      %dma_start3A_23 = arith.constant 0 : i32
      %dma_start3A_24 = tpu.memref_slice %arg7[%mul3A_7, %dma_start3A_23] : memref<10240x16xf32, #tpu.memory_space<vmem_shared>> -> memref<640x16xf32, #tpu.memory_space<vmem_shared>>
      tpu.enqueue_dma source(%dma_start3A_24 : memref<640x16xf32, #tpu.memory_space<vmem_shared>>) target(%dma_start3A_22 : memref<640x16xf32, #tpu.memory_space<hbm>>) target_semaphore(%run_scoped3A : memref<!tpu.dma_semaphore, #tpu.memory_space<semaphore_mem>>)
      %dma_wait3A = arith.constant 0 : i32
      %dma_wait3A_25 = tpu.memref_slice %arg3[%arg0, %mul3A_7, %dma_wait3A] : memref<2x10240x16xf32, #tpu.memory_space<hbm>> -> memref<1x640x16xf32, #tpu.memory_space<hbm>>
      %dma_wait3A_26 = tpu.memref_squeeze %dma_wait3A_25 : memref<1x640x16xf32, #tpu.memory_space<hbm>> -> memref<640x16xf32, #tpu.memory_space<hbm>>
      %dma_wait3A_27 = arith.constant 0 : i32
      %dma_wait3A_28 = tpu.memref_slice %arg7[%mul3A_7, %dma_wait3A_27] : memref<10240x16xf32, #tpu.memory_space<vmem_shared>> -> memref<640x16xf32, #tpu.memory_space<vmem_shared>>
      tpu.wait_dma2 semaphore(%run_scoped3A : memref<!tpu.dma_semaphore, #tpu.memory_space<semaphore_mem>>) src(%dma_wait3A_28 : memref<640x16xf32, #tpu.memory_space<vmem_shared>>) dst(%dma_wait3A_26 : memref<640x16xf32, #tpu.memory_space<hbm>>)
      tpu.yield
    }) : () -> ()
    return
  }
}

#map = affine_map<(d0, d1) -> (0, 0)>
#map1 = affine_map<(d0, d1) -> (0, 0, 0, 0)>
#map2 = affine_map<(d0, d1) -> (0, 0, 0)>
module attributes {stable_mosaic.version = 14 : i64} {
  func.func @scat_kernel(%arg0: i32, %arg1: i32, %arg2: memref<10000x128xf32, #tpu.memory_space<hbm>>, %arg3: memref<32x20x32x32xi32, #tpu.memory_space<hbm>>, %arg4: memref<2x10240x128xf32, #tpu.memory_space<hbm>>, %arg5: memref<32x32xi32, #tpu.memory_space<vmem>>, %arg6: memref<32x32xi32, #tpu.memory_space<vmem>>, %arg7: memref<32x128xf32, #tpu.memory_space<vmem>>, %arg8: memref<32x128xf32, #tpu.memory_space<vmem>>, %arg9: memref<32x128xf32, #tpu.memory_space<vmem>>, %arg10: memref<32x128xf32, #tpu.memory_space<vmem>>, %arg11: memref<32x128xf32, #tpu.memory_space<vmem>>, %arg12: memref<32x128xf32, #tpu.memory_space<vmem>>, %arg13: memref<32x128xf32, #tpu.memory_space<vmem>>, %arg14: memref<32x128xf32, #tpu.memory_space<vmem>>, %arg15: memref<32x128xf32, #tpu.memory_space<vmem>>, %arg16: memref<10240x128xf32, #tpu.memory_space<vmem_shared>>, %arg17: memref<!tpu.dma_semaphore, #tpu.memory_space<semaphore_mem>>, %arg18: memref<!tpu.dma_semaphore, #tpu.memory_space<semaphore_mem>>, %arg19: memref<!tpu.dma_semaphore, #tpu.memory_space<semaphore_mem>>, %arg20: memref<!tpu.dma_semaphore, #tpu.memory_space<semaphore_mem>>, %arg21: memref<!tpu.dma_semaphore, #tpu.memory_space<semaphore_mem>>, %arg22: memref<!tpu.dma_semaphore, #tpu.memory_space<semaphore_mem>>, %arg23: memref<!tpu.dma_semaphore, #tpu.memory_space<semaphore_mem>>, %arg24: memref<!tpu.dma_semaphore, #tpu.memory_space<semaphore_mem>>, %arg25: memref<!tpu.dma_semaphore, #tpu.memory_space<semaphore_mem>>, %arg26: memref<!tpu.dma_semaphore, #tpu.memory_space<semaphore_mem>>, %arg27: memref<!tpu.dma_semaphore, #tpu.memory_space<semaphore_mem>>, %arg28: memref<!tpu.dma_semaphore, #tpu.memory_space<semaphore_mem>>, %arg29: memref<!tpu.dma_semaphore, #tpu.memory_space<semaphore_mem>>, %arg30: memref<!tpu.dma_semaphore, #tpu.memory_space<semaphore_mem>>, %arg31: memref<!tpu.dma_semaphore, #tpu.memory_space<semaphore_mem>>, %arg32: memref<!tpu.dma_semaphore, #tpu.memory_space<semaphore_mem>>, %arg33: memref<!tpu.dma_semaphore, #tpu.memory_space<semaphore_mem>>) attributes {dimension_semantics = [#tpu.dimension_semantics<core_parallel>, #tpu.dimension_semantics<subcore_parallel>], iteration_bounds = array<i64: 2, 16>, scalar_prefetch = 0 : i64, scratch_operands = 29 : i64, tpu.core_type = #tpu.core_type<sc_vector_subcore>, window_params = [{transform_indices = #map}, {transform_indices = #map1}, {transform_indices = #map2}]} {
    %mul3A = arith.constant 16 : i32
    %mul3A_0 = arith.muli %arg0, %mul3A : i32
    %add3A = arith.addi %mul3A_0, %arg1 : i32
    %scan3A = arith.constant 0 : i32
    %scan3A_1 = arith.constant 0 : i32
    %scan3A_2 = arith.constant 256 : i32
    %scan3A_3 = arith.addi %scan3A_1, %scan3A_2 : i32
    %scan3A_4 = arith.constant 1 : i32
    scf.for %scan3A_48 = %scan3A_1 to %scan3A_3 step %scan3A_4  : i32 {
      %jit3A = arith.constant 8 : i32
      %div3A = arith.divsi %scan3A_48, %jit3A : i32
      %sign3A = arith.constant 0 : i32
      %sign3A_49 = arith.cmpi sgt, %scan3A_48, %sign3A : i32
      %sign3A_50 = arith.extui %sign3A_49 : i1 to i32
      %sign3A_51 = arith.constant 0 : i32
      %sign3A_52 = arith.cmpi slt, %scan3A_48, %sign3A_51 : i32
      %sign3A_53 = arith.extui %sign3A_52 : i1 to i32
      %sign3A_54 = arith.subi %sign3A_50, %sign3A_53 : i32
      %sign3A_55 = arith.constant 0 : i32
      %sign3A_56 = arith.cmpi sgt, %jit3A, %sign3A_55 : i32
      %sign3A_57 = arith.extui %sign3A_56 : i1 to i32
      %sign3A_58 = arith.constant 0 : i32
      %sign3A_59 = arith.cmpi slt, %jit3A, %sign3A_58 : i32
      %sign3A_60 = arith.extui %sign3A_59 : i1 to i32
      %sign3A_61 = arith.subi %sign3A_57, %sign3A_60 : i32
      %ne3A = arith.cmpi ne, %sign3A_54, %sign3A_61 : i32
      %rem3A = arith.remsi %scan3A_48, %jit3A : i32
      %ne3A_62 = arith.constant 0 : i32
      %ne3A_63 = arith.cmpi ne, %rem3A, %ne3A_62 : i32
      %and3A = arith.andi %ne3A, %ne3A_63 : i1
      %sub3A = arith.constant 1 : i32
      %sub3A_64 = arith.subi %div3A, %sub3A : i32
      %select_n3A = arith.select %and3A, %sub3A_64, %div3A : i32
      %jit3A_65 = arith.constant 8 : i32
      %eq3A = arith.constant 0 : i32
      %eq3A_66 = arith.cmpi eq, %jit3A_65, %eq3A : i32
      %jit3A_67 = arith.constant 1 : i32
      %select_n3A_68 = arith.select %eq3A_66, %jit3A_67, %jit3A_65 : i32
      %rem3A_69 = arith.remsi %scan3A_48, %select_n3A_68 : i32
      %ne3A_70 = arith.constant 0 : i32
      %ne3A_71 = arith.cmpi ne, %rem3A_69, %ne3A_70 : i32
      %lt3A = arith.constant 0 : i32
      %lt3A_72 = arith.cmpi slt, %rem3A_69, %lt3A : i32
      %lt3A_73 = arith.constant 0 : i32
      %lt3A_74 = arith.cmpi slt, %select_n3A_68, %lt3A_73 : i32
      %ne3A_75 = arith.xori %lt3A_72, %lt3A_74 : i1
      %and3A_76 = arith.andi %ne3A_75, %ne3A_71 : i1
      %add3A_77 = arith.addi %rem3A_69, %select_n3A_68 : i32
      %select_n3A_78 = arith.select %and3A_76, %add3A_77, %rem3A_69 : i32
      %mul3A_79 = arith.constant 16 : i32
      %mul3A_80 = arith.muli %select_n3A_78, %mul3A_79 : i32
      %broadcast_in_dim3A = arith.constant 0.000000e+00 : f32
      %broadcast_in_dim3A_81 = vector.broadcast %broadcast_in_dim3A : f32 to vector<16xf32>
      %swap3A = arith.index_cast %select_n3A : i32 to index
      %swap3A_82 = arith.index_cast %mul3A_80 : i32 to index
      %swap3A_83 = tpu.vector_load %arg15[%swap3A, %swap3A_82] {strides = array<i32>} : memref<32x128xf32, #tpu.memory_space<vmem>>, vector<1x16xf32>,
      %swap3A_84 = vector.shape_cast %swap3A_83 : vector<1x16xf32> to vector<16xf32>
      %swap3A_85 = vector.shape_cast %broadcast_in_dim3A_81 : vector<16xf32> to vector<1x16xf32>
      tpu.vector_store %arg15[%swap3A, %swap3A_82], %swap3A_85 {strides = array<i32>} : memref<32x128xf32, #tpu.memory_space<vmem>>, vector<1x16xf32>,
    }
    %scan3A_5 = arith.constant 256 : i32
    %mul3A_6 = arith.constant 640 : i32
    %mul3A_7 = arith.muli %arg1, %mul3A_6 : i32
    %scan3A_8 = arith.constant 0 : i32
    %scan3A_9 = arith.constant 0 : i32
    %scan3A_10 = arith.constant 20 : i32
    %scan3A_11 = arith.addi %scan3A_9, %scan3A_10 : i32
    %scan3A_12 = arith.constant 1 : i32
    scf.for %scan3A_48 = %scan3A_9 to %scan3A_11 step %scan3A_12  : i32 {
      %mul3A_49 = arith.constant 32 : i32
      %mul3A_50 = arith.muli %scan3A_48, %mul3A_49 : i32
      %add3A_51 = arith.addi %mul3A_7, %mul3A_50 : i32
      "tpu.region"() ({
        %run_scoped3A_52 = tpu.sem_alloc : memref<!tpu.dma_semaphore, #tpu.memory_space<semaphore_mem>>
        %dma_start3A_53 = arith.constant 0 : i32
        %dma_start3A_54 = tpu.memref_slice %arg16[%add3A_51, %dma_start3A_53] : memref<10240x128xf32, #tpu.memory_space<vmem_shared>> -> memref<32x128xf32, #tpu.memory_space<vmem_shared>>
        %dma_start3A_55 = arith.constant 0 : i32
        %dma_start3A_56 = tpu.memref_slice %arg16[%add3A_51, %dma_start3A_55] : memref<10240x128xf32, #tpu.memory_space<vmem_shared>> -> memref<32x128xf32, #tpu.memory_space<vmem_shared>>
        tpu.enqueue_dma source(%arg15 : memref<32x128xf32, #tpu.memory_space<vmem>>) target(%dma_start3A_56 : memref<32x128xf32, #tpu.memory_space<vmem_shared>>) target_semaphore(%run_scoped3A_52 : memref<!tpu.dma_semaphore, #tpu.memory_space<semaphore_mem>>)
        %dma_wait3A = arith.constant 0 : i32
        %dma_wait3A_57 = tpu.memref_slice %arg16[%add3A_51, %dma_wait3A] : memref<10240x128xf32, #tpu.memory_space<vmem_shared>> -> memref<32x128xf32, #tpu.memory_space<vmem_shared>>
        %dma_wait3A_58 = arith.constant 0 : i32
        %dma_wait3A_59 = tpu.memref_slice %arg16[%add3A_51, %dma_wait3A_58] : memref<10240x128xf32, #tpu.memory_space<vmem_shared>> -> memref<32x128xf32, #tpu.memory_space<vmem_shared>>
        tpu.wait_dma2 semaphore(%run_scoped3A_52 : memref<!tpu.dma_semaphore, #tpu.memory_space<semaphore_mem>>) src(%arg15 : memref<32x128xf32, #tpu.memory_space<vmem>>) dst(%dma_wait3A_59 : memref<32x128xf32, #tpu.memory_space<vmem_shared>>)
        tpu.yield
      }) : () -> ()
    }
    %scan3A_13 = arith.constant 20 : i32
    %barrier3A = arith.constant 0 : index
    tpu.barrier barrier_id(%barrier3A)
    %run_scoped3A = arith.constant 0 : i32
    "tpu.region"() ({
      %run_scoped3A_48 = tpu.sem_alloc : memref<!tpu.dma_semaphore, #tpu.memory_space<semaphore_mem>>
      %dma_start3A_49 = arith.constant 0 : i32
      %dma_start3A_50 = arith.constant 0 : i32
      %dma_start3A_51 = tpu.memref_slice %arg3[%add3A, %run_scoped3A, %dma_start3A_49, %dma_start3A_50] : memref<32x20x32x32xi32, #tpu.memory_space<hbm>> -> memref<1x1x32x32xi32, #tpu.memory_space<hbm>>
      %dma_start3A_52 = tpu.memref_squeeze %dma_start3A_51 : memref<1x1x32x32xi32, #tpu.memory_space<hbm>> -> memref<32x32xi32, #tpu.memory_space<hbm>>
      %dma_start3A_53 = arith.constant 0 : i32
      %dma_start3A_54 = arith.constant 0 : i32
      %dma_start3A_55 = tpu.memref_slice %arg3[%add3A, %run_scoped3A, %dma_start3A_53, %dma_start3A_54] : memref<32x20x32x32xi32, #tpu.memory_space<hbm>> -> memref<1x1x32x32xi32, #tpu.memory_space<hbm>>
      %dma_start3A_56 = tpu.memref_squeeze %dma_start3A_55 : memref<1x1x32x32xi32, #tpu.memory_space<hbm>> -> memref<32x32xi32, #tpu.memory_space<hbm>>
      tpu.enqueue_dma source(%dma_start3A_56 : memref<32x32xi32, #tpu.memory_space<hbm>>) target(%arg5 : memref<32x32xi32, #tpu.memory_space<vmem>>) target_semaphore(%run_scoped3A_48 : memref<!tpu.dma_semaphore, #tpu.memory_space<semaphore_mem>>)
      %dma_wait3A = arith.constant 0 : i32
      %dma_wait3A_57 = arith.constant 0 : i32
      %dma_wait3A_58 = tpu.memref_slice %arg3[%add3A, %run_scoped3A, %dma_wait3A, %dma_wait3A_57] : memref<32x20x32x32xi32, #tpu.memory_space<hbm>> -> memref<1x1x32x32xi32, #tpu.memory_space<hbm>>
      %dma_wait3A_59 = tpu.memref_squeeze %dma_wait3A_58 : memref<1x1x32x32xi32, #tpu.memory_space<hbm>> -> memref<32x32xi32, #tpu.memory_space<hbm>>
      %dma_wait3A_60 = arith.constant 0 : i32
      %dma_wait3A_61 = arith.constant 0 : i32
      %dma_wait3A_62 = tpu.memref_slice %arg3[%add3A, %run_scoped3A, %dma_wait3A_60, %dma_wait3A_61] : memref<32x20x32x32xi32, #tpu.memory_space<hbm>> -> memref<1x1x32x32xi32, #tpu.memory_space<hbm>>
      %dma_wait3A_63 = tpu.memref_squeeze %dma_wait3A_62 : memref<1x1x32x32xi32, #tpu.memory_space<hbm>> -> memref<32x32xi32, #tpu.memory_space<hbm>>
      tpu.wait_dma2 semaphore(%run_scoped3A_48 : memref<!tpu.dma_semaphore, #tpu.memory_space<semaphore_mem>>) src(%dma_wait3A_63 : memref<32x32xi32, #tpu.memory_space<hbm>>) dst(%arg5 : memref<32x32xi32, #tpu.memory_space<vmem>>)
      tpu.yield
    }) : () -> ()
    %dma_start3A = arith.constant 0 : i32
    %dma_start3A_14 = arith.constant 0 : i32
    %dma_start3A_15 = tpu.memref_slice %arg5[%dma_start3A, %dma_start3A_14] : memref<32x32xi32, #tpu.memory_space<vmem>> -> memref<1x32xi32, #tpu.memory_space<vmem>>
    %dma_start3A_16 = tpu.memref_squeeze %dma_start3A_15 : memref<1x32xi32, #tpu.memory_space<vmem>> -> memref<32xi32, #tpu.memory_space<vmem>>
    %dma_start3A_17 = arith.constant 0 : i32
    %dma_start3A_18 = arith.constant 0 : i32
    %dma_start3A_19 = tpu.memref_slice %arg2[%dma_start3A_17, %dma_start3A_18] : memref<10000x128xf32, #tpu.memory_space<hbm>> -> memref<10000x128xf32, #tpu.memory_space<hbm>>
    tpu.enqueue_indirect_dma source(%dma_start3A_19 : memref<10000x128xf32, #tpu.memory_space<hbm>>) target(%arg7 : memref<32x128xf32, #tpu.memory_space<vmem>>) offsets(%dma_start3A_16 : memref<32xi32, #tpu.memory_space<vmem>>) semaphore(%arg17 : memref<!tpu.dma_semaphore, #tpu.memory_space<semaphore_mem>>)
    %dma_start3A_20 = arith.constant 1 : i32
    %dma_start3A_21 = arith.constant 0 : i32
    %dma_start3A_22 = tpu.memref_slice %arg5[%dma_start3A_20, %dma_start3A_21] : memref<32x32xi32, #tpu.memory_space<vmem>> -> memref<1x32xi32, #tpu.memory_space<vmem>>
    %dma_start3A_23 = tpu.memref_squeeze %dma_start3A_22 : memref<1x32xi32, #tpu.memory_space<vmem>> -> memref<32xi32, #tpu.memory_space<vmem>>
    %dma_start3A_24 = arith.constant 0 : i32
    %dma_start3A_25 = arith.constant 0 : i32
    %dma_start3A_26 = tpu.memref_slice %arg2[%dma_start3A_24, %dma_start3A_25] : memref<10000x128xf32, #tpu.memory_space<hbm>> -> memref<10000x128xf32, #tpu.memory_space<hbm>>
    tpu.enqueue_indirect_dma source(%dma_start3A_26 : memref<10000x128xf32, #tpu.memory_space<hbm>>) target(%arg8 : memref<32x128xf32, #tpu.memory_space<vmem>>) offsets(%dma_start3A_23 : memref<32xi32, #tpu.memory_space<vmem>>) semaphore(%arg18 : memref<!tpu.dma_semaphore, #tpu.memory_space<semaphore_mem>>)
    %dma_start3A_27 = arith.constant 2 : i32
    %dma_start3A_28 = arith.constant 0 : i32
    %dma_start3A_29 = tpu.memref_slice %arg5[%dma_start3A_27, %dma_start3A_28] : memref<32x32xi32, #tpu.memory_space<vmem>> -> memref<1x32xi32, #tpu.memory_space<vmem>>
    %dma_start3A_30 = tpu.memref_squeeze %dma_start3A_29 : memref<1x32xi32, #tpu.memory_space<vmem>> -> memref<32xi32, #tpu.memory_space<vmem>>
    %dma_start3A_31 = arith.constant 0 : i32
    %dma_start3A_32 = arith.constant 0 : i32
    %dma_start3A_33 = tpu.memref_slice %arg2[%dma_start3A_31, %dma_start3A_32] : memref<10000x128xf32, #tpu.memory_space<hbm>> -> memref<10000x128xf32, #tpu.memory_space<hbm>>
    tpu.enqueue_indirect_dma source(%dma_start3A_33 : memref<10000x128xf32, #tpu.memory_space<hbm>>) target(%arg9 : memref<32x128xf32, #tpu.memory_space<vmem>>) offsets(%dma_start3A_30 : memref<32xi32, #tpu.memory_space<vmem>>) semaphore(%arg19 : memref<!tpu.dma_semaphore, #tpu.memory_space<semaphore_mem>>)
    %dma_start3A_34 = arith.constant 3 : i32
    %dma_start3A_35 = arith.constant 0 : i32
    %dma_start3A_36 = tpu.memref_slice %arg5[%dma_start3A_34, %dma_start3A_35] : memref<32x32xi32, #tpu.memory_space<vmem>> -> memref<1x32xi32, #tpu.memory_space<vmem>>
    %dma_start3A_37 = tpu.memref_squeeze %dma_start3A_36 : memref<1x32xi32, #tpu.memory_space<vmem>> -> memref<32xi32, #tpu.memory_space<vmem>>
    %dma_start3A_38 = arith.constant 0 : i32
    %dma_start3A_39 = arith.constant 0 : i32
    %dma_start3A_40 = tpu.memref_slice %arg2[%dma_start3A_38, %dma_start3A_39] : memref<10000x128xf32, #tpu.memory_space<hbm>> -> memref<10000x128xf32, #tpu.memory_space<hbm>>
    tpu.enqueue_indirect_dma source(%dma_start3A_40 : memref<10000x128xf32, #tpu.memory_space<hbm>>) target(%arg10 : memref<32x128xf32, #tpu.memory_space<vmem>>) offsets(%dma_start3A_37 : memref<32xi32, #tpu.memory_space<vmem>>) semaphore(%arg20 : memref<!tpu.dma_semaphore, #tpu.memory_space<semaphore_mem>>)
    %scan3A_41 = arith.constant 0 : i32
    %scan3A_42 = arith.constant 0 : i32
    %scan3A_43 = arith.constant 10 : i32
    %scan3A_44 = arith.addi %scan3A_42, %scan3A_43 : i32
    %scan3A_45 = arith.constant 1 : i32
    scf.for %scan3A_48 = %scan3A_42 to %scan3A_44 step %scan3A_45  : i32 {
      %mul3A_49 = arith.constant 2 : i32
      %mul3A_50 = arith.muli %mul3A_49, %scan3A_48 : i32
      %add3A_51 = arith.constant 0 : i32
      %add3A_52 = arith.addi %mul3A_50, %add3A_51 : i32
      %add3A_53 = arith.constant 1 : i32
      %add3A_54 = arith.addi %add3A_52, %add3A_53 : i32
      %lt3A = arith.constant 20 : i32
      %lt3A_55 = arith.cmpi slt, %add3A_54, %lt3A : i32
      %convert_element_type3A = arith.extui %lt3A_55 : i1 to i32
      %cond3A = arith.constant 0 : i32
      %cond3A_56 = arith.cmpi ne, %convert_element_type3A, %cond3A : i32
      scf.if %cond3A_56 {
        %add3A_149 = arith.constant 1 : i32
        %add3A_150 = arith.addi %add3A_52, %add3A_149 : i32
        %dma_start3A_151 = arith.constant 0 : i32
        %dma_start3A_152 = arith.constant 0 : i32
        %dma_start3A_153 = tpu.memref_slice %arg3[%add3A, %add3A_150, %dma_start3A_151, %dma_start3A_152] : memref<32x20x32x32xi32, #tpu.memory_space<hbm>> -> memref<1x1x32x32xi32, #tpu.memory_space<hbm>>
        %dma_start3A_154 = tpu.memref_squeeze %dma_start3A_153 : memref<1x1x32x32xi32, #tpu.memory_space<hbm>> -> memref<32x32xi32, #tpu.memory_space<hbm>>
        %dma_start3A_155 = arith.constant 0 : i32
        %dma_start3A_156 = arith.constant 0 : i32
        %dma_start3A_157 = tpu.memref_slice %arg3[%add3A, %add3A_150, %dma_start3A_155, %dma_start3A_156] : memref<32x20x32x32xi32, #tpu.memory_space<hbm>> -> memref<1x1x32x32xi32, #tpu.memory_space<hbm>>
        %dma_start3A_158 = tpu.memref_squeeze %dma_start3A_157 : memref<1x1x32x32xi32, #tpu.memory_space<hbm>> -> memref<32x32xi32, #tpu.memory_space<hbm>>
        tpu.enqueue_dma source(%dma_start3A_158 : memref<32x32xi32, #tpu.memory_space<hbm>>) target(%arg6 : memref<32x32xi32, #tpu.memory_space<vmem>>) target_semaphore(%arg33 : memref<!tpu.dma_semaphore, #tpu.memory_space<semaphore_mem>>)
      } else {
      }
      %scan3A_57 = arith.constant 0 : i32
      %scan3A_58 = arith.constant 0 : i32
      %scan3A_59 = arith.constant 2 : i32
      %scan3A_60 = arith.addi %scan3A_58, %scan3A_59 : i32
      %scan3A_61 = arith.constant 1 : i32
      scf.for %scan3A_149 = %scan3A_58 to %scan3A_60 step %scan3A_61  : i32 {
        %mul3A_150 = arith.constant 8 : i32
        %mul3A_151 = arith.muli %mul3A_150, %scan3A_149 : i32
        %add3A_152 = arith.constant 0 : i32
        %add3A_153 = arith.addi %mul3A_151, %add3A_152 : i32
        %ge3A = arith.constant 4 : i32
        %ge3A_154 = arith.cmpi sge, %add3A_153, %ge3A : i32
        %convert_element_type3A_155 = arith.extui %ge3A_154 : i1 to i32
        %cond3A_156 = arith.constant 0 : i32
        %cond3A_157 = arith.cmpi ne, %convert_element_type3A_155, %cond3A_156 : i32
        scf.if %cond3A_157 {
          %add3A_389 = arith.constant 16 : i32
          %add3A_390 = arith.addi %add3A_389, %add3A_153 : i32
          %sub3A = arith.constant 4 : i32
          %sub3A_391 = arith.subi %add3A_390, %sub3A : i32
          %dma_wait3A_392 = arith.constant 0 : i32
          %dma_wait3A_393 = tpu.memref_slice %arg5[%sub3A_391, %dma_wait3A_392] : memref<32x32xi32, #tpu.memory_space<vmem>> -> memref<1x32xi32, #tpu.memory_space<vmem>>
          %dma_wait3A_394 = tpu.memref_squeeze %dma_wait3A_393 : memref<1x32xi32, #tpu.memory_space<vmem>> -> memref<32xi32, #tpu.memory_space<vmem>>
          %dma_wait3A_395 = arith.constant 0 : i32
          %dma_wait3A_396 = arith.constant 0 : i32
          %dma_wait3A_397 = tpu.memref_slice %arg16[%dma_wait3A_395, %dma_wait3A_396] : memref<10240x128xf32, #tpu.memory_space<vmem_shared>> -> memref<10240x128xf32, #tpu.memory_space<vmem_shared>>
          tpu.wait_indirect_dma semaphore(%arg29 : memref<!tpu.dma_semaphore, #tpu.memory_space<semaphore_mem>>) src(%arg11 : memref<32x128xf32, #tpu.memory_space<vmem>>) dst(%dma_wait3A_397 : memref<10240x128xf32, #tpu.memory_space<vmem_shared>>)
        } else {
        }
        %add3A_158 = arith.constant 4 : i32
        %add3A_159 = arith.addi %add3A_153, %add3A_158 : i32
        %lt3A_160 = arith.constant 16 : i32
        %lt3A_161 = arith.cmpi slt, %add3A_159, %lt3A_160 : i32
        %convert_element_type3A_162 = arith.extui %lt3A_161 : i1 to i32
        %cond3A_163 = arith.constant 0 : i32
        %cond3A_164 = arith.cmpi ne, %convert_element_type3A_162, %cond3A_163 : i32
        scf.if %cond3A_164 {
          %add3A_389 = arith.constant 4 : i32
          %add3A_390 = arith.addi %add3A_153, %add3A_389 : i32
          %dma_start3A_391 = arith.constant 0 : i32
          %dma_start3A_392 = tpu.memref_slice %arg5[%add3A_390, %dma_start3A_391] : memref<32x32xi32, #tpu.memory_space<vmem>> -> memref<1x32xi32, #tpu.memory_space<vmem>>
          %dma_start3A_393 = tpu.memref_squeeze %dma_start3A_392 : memref<1x32xi32, #tpu.memory_space<vmem>> -> memref<32xi32, #tpu.memory_space<vmem>>
          %dma_start3A_394 = arith.constant 0 : i32
          %dma_start3A_395 = arith.constant 0 : i32
          %dma_start3A_396 = tpu.memref_slice %arg2[%dma_start3A_394, %dma_start3A_395] : memref<10000x128xf32, #tpu.memory_space<hbm>> -> memref<10000x128xf32, #tpu.memory_space<hbm>>
          tpu.enqueue_indirect_dma source(%dma_start3A_396 : memref<10000x128xf32, #tpu.memory_space<hbm>>) target(%arg11 : memref<32x128xf32, #tpu.memory_space<vmem>>) offsets(%dma_start3A_393 : memref<32xi32, #tpu.memory_space<vmem>>) semaphore(%arg21 : memref<!tpu.dma_semaphore, #tpu.memory_space<semaphore_mem>>)
        } else {
        }
        %dma_wait3A_165 = arith.constant 0 : i32
        %dma_wait3A_166 = tpu.memref_slice %arg5[%add3A_153, %dma_wait3A_165] : memref<32x32xi32, #tpu.memory_space<vmem>> -> memref<1x32xi32, #tpu.memory_space<vmem>>
        %dma_wait3A_167 = tpu.memref_squeeze %dma_wait3A_166 : memref<1x32xi32, #tpu.memory_space<vmem>> -> memref<32xi32, #tpu.memory_space<vmem>>
        %dma_wait3A_168 = arith.constant 0 : i32
        %dma_wait3A_169 = arith.constant 0 : i32
        %dma_wait3A_170 = tpu.memref_slice %arg2[%dma_wait3A_168, %dma_wait3A_169] : memref<10000x128xf32, #tpu.memory_space<hbm>> -> memref<10000x128xf32, #tpu.memory_space<hbm>>
        tpu.wait_indirect_dma semaphore(%arg17 : memref<!tpu.dma_semaphore, #tpu.memory_space<semaphore_mem>>) src(%dma_wait3A_170 : memref<10000x128xf32, #tpu.memory_space<hbm>>) dst(%arg7 : memref<32x128xf32, #tpu.memory_space<vmem>>)
        %add3A_171 = arith.constant 16 : i32
        %add3A_172 = arith.addi %add3A_171, %add3A_153 : i32
        %dma_start3A_173 = arith.constant 0 : i32
        %dma_start3A_174 = tpu.memref_slice %arg5[%add3A_172, %dma_start3A_173] : memref<32x32xi32, #tpu.memory_space<vmem>> -> memref<1x32xi32, #tpu.memory_space<vmem>>
        %dma_start3A_175 = tpu.memref_squeeze %dma_start3A_174 : memref<1x32xi32, #tpu.memory_space<vmem>> -> memref<32xi32, #tpu.memory_space<vmem>>
        %dma_start3A_176 = arith.constant 0 : i32
        %dma_start3A_177 = arith.constant 0 : i32
        %dma_start3A_178 = tpu.memref_slice %arg16[%dma_start3A_176, %dma_start3A_177] : memref<10240x128xf32, #tpu.memory_space<vmem_shared>> -> memref<10240x128xf32, #tpu.memory_space<vmem_shared>>
        tpu.enqueue_indirect_dma source(%arg7 : memref<32x128xf32, #tpu.memory_space<vmem>>) target(%dma_start3A_178 : memref<10240x128xf32, #tpu.memory_space<vmem_shared>>) offsets(%dma_start3A_175 : memref<32xi32, #tpu.memory_space<vmem>>) semaphore(%arg25 : memref<!tpu.dma_semaphore, #tpu.memory_space<semaphore_mem>>) {add = true}
        %mul3A_179 = arith.constant 8 : i32
        %mul3A_180 = arith.muli %mul3A_179, %scan3A_149 : i32
        %add3A_181 = arith.constant 1 : i32
        %add3A_182 = arith.addi %mul3A_180, %add3A_181 : i32
        %ge3A_183 = arith.constant 4 : i32
        %ge3A_184 = arith.cmpi sge, %add3A_182, %ge3A_183 : i32
        %convert_element_type3A_185 = arith.extui %ge3A_184 : i1 to i32
        %cond3A_186 = arith.constant 0 : i32
        %cond3A_187 = arith.cmpi ne, %convert_element_type3A_185, %cond3A_186 : i32
        scf.if %cond3A_187 {
          %add3A_389 = arith.constant 16 : i32
          %add3A_390 = arith.addi %add3A_389, %add3A_182 : i32
          %sub3A = arith.constant 4 : i32
          %sub3A_391 = arith.subi %add3A_390, %sub3A : i32
          %dma_wait3A_392 = arith.constant 0 : i32
          %dma_wait3A_393 = tpu.memref_slice %arg5[%sub3A_391, %dma_wait3A_392] : memref<32x32xi32, #tpu.memory_space<vmem>> -> memref<1x32xi32, #tpu.memory_space<vmem>>
          %dma_wait3A_394 = tpu.memref_squeeze %dma_wait3A_393 : memref<1x32xi32, #tpu.memory_space<vmem>> -> memref<32xi32, #tpu.memory_space<vmem>>
          %dma_wait3A_395 = arith.constant 0 : i32
          %dma_wait3A_396 = arith.constant 0 : i32
          %dma_wait3A_397 = tpu.memref_slice %arg16[%dma_wait3A_395, %dma_wait3A_396] : memref<10240x128xf32, #tpu.memory_space<vmem_shared>> -> memref<10240x128xf32, #tpu.memory_space<vmem_shared>>
          tpu.wait_indirect_dma semaphore(%arg30 : memref<!tpu.dma_semaphore, #tpu.memory_space<semaphore_mem>>) src(%arg12 : memref<32x128xf32, #tpu.memory_space<vmem>>) dst(%dma_wait3A_397 : memref<10240x128xf32, #tpu.memory_space<vmem_shared>>)
        } else {
        }
        %add3A_188 = arith.constant 4 : i32
        %add3A_189 = arith.addi %add3A_182, %add3A_188 : i32
        %lt3A_190 = arith.constant 16 : i32
        %lt3A_191 = arith.cmpi slt, %add3A_189, %lt3A_190 : i32
        %convert_element_type3A_192 = arith.extui %lt3A_191 : i1 to i32
        %cond3A_193 = arith.constant 0 : i32
        %cond3A_194 = arith.cmpi ne, %convert_element_type3A_192, %cond3A_193 : i32
        scf.if %cond3A_194 {
          %add3A_389 = arith.constant 4 : i32
          %add3A_390 = arith.addi %add3A_182, %add3A_389 : i32
          %dma_start3A_391 = arith.constant 0 : i32
          %dma_start3A_392 = tpu.memref_slice %arg5[%add3A_390, %dma_start3A_391] : memref<32x32xi32, #tpu.memory_space<vmem>> -> memref<1x32xi32, #tpu.memory_space<vmem>>
          %dma_start3A_393 = tpu.memref_squeeze %dma_start3A_392 : memref<1x32xi32, #tpu.memory_space<vmem>> -> memref<32xi32, #tpu.memory_space<vmem>>
          %dma_start3A_394 = arith.constant 0 : i32
          %dma_start3A_395 = arith.constant 0 : i32
          %dma_start3A_396 = tpu.memref_slice %arg2[%dma_start3A_394, %dma_start3A_395] : memref<10000x128xf32, #tpu.memory_space<hbm>> -> memref<10000x128xf32, #tpu.memory_space<hbm>>
          tpu.enqueue_indirect_dma source(%dma_start3A_396 : memref<10000x128xf32, #tpu.memory_space<hbm>>) target(%arg12 : memref<32x128xf32, #tpu.memory_space<vmem>>) offsets(%dma_start3A_393 : memref<32xi32, #tpu.memory_space<vmem>>) semaphore(%arg22 : memref<!tpu.dma_semaphore, #tpu.memory_space<semaphore_mem>>)
        } else {
        }
        %dma_wait3A_195 = arith.constant 0 : i32
        %dma_wait3A_196 = tpu.memref_slice %arg5[%add3A_182, %dma_wait3A_195] : memref<32x32xi32, #tpu.memory_space<vmem>> -> memref<1x32xi32, #tpu.memory_space<vmem>>
        %dma_wait3A_197 = tpu.memref_squeeze %dma_wait3A_196 : memref<1x32xi32, #tpu.memory_space<vmem>> -> memref<32xi32, #tpu.memory_space<vmem>>
        %dma_wait3A_198 = arith.constant 0 : i32
        %dma_wait3A_199 = arith.constant 0 : i32
        %dma_wait3A_200 = tpu.memref_slice %arg2[%dma_wait3A_198, %dma_wait3A_199] : memref<10000x128xf32, #tpu.memory_space<hbm>> -> memref<10000x128xf32, #tpu.memory_space<hbm>>
        tpu.wait_indirect_dma semaphore(%arg18 : memref<!tpu.dma_semaphore, #tpu.memory_space<semaphore_mem>>) src(%dma_wait3A_200 : memref<10000x128xf32, #tpu.memory_space<hbm>>) dst(%arg8 : memref<32x128xf32, #tpu.memory_space<vmem>>)
        %add3A_201 = arith.constant 16 : i32
        %add3A_202 = arith.addi %add3A_201, %add3A_182 : i32
        %dma_start3A_203 = arith.constant 0 : i32
        %dma_start3A_204 = tpu.memref_slice %arg5[%add3A_202, %dma_start3A_203] : memref<32x32xi32, #tpu.memory_space<vmem>> -> memref<1x32xi32, #tpu.memory_space<vmem>>
        %dma_start3A_205 = tpu.memref_squeeze %dma_start3A_204 : memref<1x32xi32, #tpu.memory_space<vmem>> -> memref<32xi32, #tpu.memory_space<vmem>>
        %dma_start3A_206 = arith.constant 0 : i32
        %dma_start3A_207 = arith.constant 0 : i32
        %dma_start3A_208 = tpu.memref_slice %arg16[%dma_start3A_206, %dma_start3A_207] : memref<10240x128xf32, #tpu.memory_space<vmem_shared>> -> memref<10240x128xf32, #tpu.memory_space<vmem_shared>>
        tpu.enqueue_indirect_dma source(%arg8 : memref<32x128xf32, #tpu.memory_space<vmem>>) target(%dma_start3A_208 : memref<10240x128xf32, #tpu.memory_space<vmem_shared>>) offsets(%dma_start3A_205 : memref<32xi32, #tpu.memory_space<vmem>>) semaphore(%arg26 : memref<!tpu.dma_semaphore, #tpu.memory_space<semaphore_mem>>) {add = true}
        %mul3A_209 = arith.constant 8 : i32
        %mul3A_210 = arith.muli %mul3A_209, %scan3A_149 : i32
        %add3A_211 = arith.constant 2 : i32
        %add3A_212 = arith.addi %mul3A_210, %add3A_211 : i32
        %ge3A_213 = arith.constant 4 : i32
        %ge3A_214 = arith.cmpi sge, %add3A_212, %ge3A_213 : i32
        %convert_element_type3A_215 = arith.extui %ge3A_214 : i1 to i32
        %cond3A_216 = arith.constant 0 : i32
        %cond3A_217 = arith.cmpi ne, %convert_element_type3A_215, %cond3A_216 : i32
        scf.if %cond3A_217 {
          %add3A_389 = arith.constant 16 : i32
          %add3A_390 = arith.addi %add3A_389, %add3A_212 : i32
          %sub3A = arith.constant 4 : i32
          %sub3A_391 = arith.subi %add3A_390, %sub3A : i32
          %dma_wait3A_392 = arith.constant 0 : i32
          %dma_wait3A_393 = tpu.memref_slice %arg5[%sub3A_391, %dma_wait3A_392] : memref<32x32xi32, #tpu.memory_space<vmem>> -> memref<1x32xi32, #tpu.memory_space<vmem>>
          %dma_wait3A_394 = tpu.memref_squeeze %dma_wait3A_393 : memref<1x32xi32, #tpu.memory_space<vmem>> -> memref<32xi32, #tpu.memory_space<vmem>>
          %dma_wait3A_395 = arith.constant 0 : i32
          %dma_wait3A_396 = arith.constant 0 : i32
          %dma_wait3A_397 = tpu.memref_slice %arg16[%dma_wait3A_395, %dma_wait3A_396] : memref<10240x128xf32, #tpu.memory_space<vmem_shared>> -> memref<10240x128xf32, #tpu.memory_space<vmem_shared>>
          tpu.wait_indirect_dma semaphore(%arg31 : memref<!tpu.dma_semaphore, #tpu.memory_space<semaphore_mem>>) src(%arg13 : memref<32x128xf32, #tpu.memory_space<vmem>>) dst(%dma_wait3A_397 : memref<10240x128xf32, #tpu.memory_space<vmem_shared>>)
        } else {
        }
        %add3A_218 = arith.constant 4 : i32
        %add3A_219 = arith.addi %add3A_212, %add3A_218 : i32
        %lt3A_220 = arith.constant 16 : i32
        %lt3A_221 = arith.cmpi slt, %add3A_219, %lt3A_220 : i32
        %convert_element_type3A_222 = arith.extui %lt3A_221 : i1 to i32
        %cond3A_223 = arith.constant 0 : i32
        %cond3A_224 = arith.cmpi ne, %convert_element_type3A_222, %cond3A_223 : i32
        scf.if %cond3A_224 {
          %add3A_389 = arith.constant 4 : i32
          %add3A_390 = arith.addi %add3A_212, %add3A_389 : i32
          %dma_start3A_391 = arith.constant 0 : i32
          %dma_start3A_392 = tpu.memref_slice %arg5[%add3A_390, %dma_start3A_391] : memref<32x32xi32, #tpu.memory_space<vmem>> -> memref<1x32xi32, #tpu.memory_space<vmem>>
          %dma_start3A_393 = tpu.memref_squeeze %dma_start3A_392 : memref<1x32xi32, #tpu.memory_space<vmem>> -> memref<32xi32, #tpu.memory_space<vmem>>
          %dma_start3A_394 = arith.constant 0 : i32
          %dma_start3A_395 = arith.constant 0 : i32
          %dma_start3A_396 = tpu.memref_slice %arg2[%dma_start3A_394, %dma_start3A_395] : memref<10000x128xf32, #tpu.memory_space<hbm>> -> memref<10000x128xf32, #tpu.memory_space<hbm>>
          tpu.enqueue_indirect_dma source(%dma_start3A_396 : memref<10000x128xf32, #tpu.memory_space<hbm>>) target(%arg13 : memref<32x128xf32, #tpu.memory_space<vmem>>) offsets(%dma_start3A_393 : memref<32xi32, #tpu.memory_space<vmem>>) semaphore(%arg23 : memref<!tpu.dma_semaphore, #tpu.memory_space<semaphore_mem>>)
        } else {
        }
        %dma_wait3A_225 = arith.constant 0 : i32
        %dma_wait3A_226 = tpu.memref_slice %arg5[%add3A_212, %dma_wait3A_225] : memref<32x32xi32, #tpu.memory_space<vmem>> -> memref<1x32xi32, #tpu.memory_space<vmem>>
        %dma_wait3A_227 = tpu.memref_squeeze %dma_wait3A_226 : memref<1x32xi32, #tpu.memory_space<vmem>> -> memref<32xi32, #tpu.memory_space<vmem>>
        %dma_wait3A_228 = arith.constant 0 : i32
        %dma_wait3A_229 = arith.constant 0 : i32
        %dma_wait3A_230 = tpu.memref_slice %arg2[%dma_wait3A_228, %dma_wait3A_229] : memref<10000x128xf32, #tpu.memory_space<hbm>> -> memref<10000x128xf32, #tpu.memory_space<hbm>>
        tpu.wait_indirect_dma semaphore(%arg19 : memref<!tpu.dma_semaphore, #tpu.memory_space<semaphore_mem>>) src(%dma_wait3A_230 : memref<10000x128xf32, #tpu.memory_space<hbm>>) dst(%arg9 : memref<32x128xf32, #tpu.memory_space<vmem>>)
        %add3A_231 = arith.constant 16 : i32
        %add3A_232 = arith.addi %add3A_231, %add3A_212 : i32
        %dma_start3A_233 = arith.constant 0 : i32
        %dma_start3A_234 = tpu.memref_slice %arg5[%add3A_232, %dma_start3A_233] : memref<32x32xi32, #tpu.memory_space<vmem>> -> memref<1x32xi32, #tpu.memory_space<vmem>>
        %dma_start3A_235 = tpu.memref_squeeze %dma_start3A_234 : memref<1x32xi32, #tpu.memory_space<vmem>> -> memref<32xi32, #tpu.memory_space<vmem>>
        %dma_start3A_236 = arith.constant 0 : i32
        %dma_start3A_237 = arith.constant 0 : i32
        %dma_start3A_238 = tpu.memref_slice %arg16[%dma_start3A_236, %dma_start3A_237] : memref<10240x128xf32, #tpu.memory_space<vmem_shared>> -> memref<10240x128xf32, #tpu.memory_space<vmem_shared>>
        tpu.enqueue_indirect_dma source(%arg9 : memref<32x128xf32, #tpu.memory_space<vmem>>) target(%dma_start3A_238 : memref<10240x128xf32, #tpu.memory_space<vmem_shared>>) offsets(%dma_start3A_235 : memref<32xi32, #tpu.memory_space<vmem>>) semaphore(%arg27 : memref<!tpu.dma_semaphore, #tpu.memory_space<semaphore_mem>>) {add = true}
        %mul3A_239 = arith.constant 8 : i32
        %mul3A_240 = arith.muli %mul3A_239, %scan3A_149 : i32
        %add3A_241 = arith.constant 3 : i32
        %add3A_242 = arith.addi %mul3A_240, %add3A_241 : i32
        %ge3A_243 = arith.constant 4 : i32
        %ge3A_244 = arith.cmpi sge, %add3A_242, %ge3A_243 : i32
        %convert_element_type3A_245 = arith.extui %ge3A_244 : i1 to i32
        %cond3A_246 = arith.constant 0 : i32
        %cond3A_247 = arith.cmpi ne, %convert_element_type3A_245, %cond3A_246 : i32
        scf.if %cond3A_247 {
          %add3A_389 = arith.constant 16 : i32
          %add3A_390 = arith.addi %add3A_389, %add3A_242 : i32
          %sub3A = arith.constant 4 : i32
          %sub3A_391 = arith.subi %add3A_390, %sub3A : i32
          %dma_wait3A_392 = arith.constant 0 : i32
          %dma_wait3A_393 = tpu.memref_slice %arg5[%sub3A_391, %dma_wait3A_392] : memref<32x32xi32, #tpu.memory_space<vmem>> -> memref<1x32xi32, #tpu.memory_space<vmem>>
          %dma_wait3A_394 = tpu.memref_squeeze %dma_wait3A_393 : memref<1x32xi32, #tpu.memory_space<vmem>> -> memref<32xi32, #tpu.memory_space<vmem>>
          %dma_wait3A_395 = arith.constant 0 : i32
          %dma_wait3A_396 = arith.constant 0 : i32
          %dma_wait3A_397 = tpu.memref_slice %arg16[%dma_wait3A_395, %dma_wait3A_396] : memref<10240x128xf32, #tpu.memory_space<vmem_shared>> -> memref<10240x128xf32, #tpu.memory_space<vmem_shared>>
          tpu.wait_indirect_dma semaphore(%arg32 : memref<!tpu.dma_semaphore, #tpu.memory_space<semaphore_mem>>) src(%arg14 : memref<32x128xf32, #tpu.memory_space<vmem>>) dst(%dma_wait3A_397 : memref<10240x128xf32, #tpu.memory_space<vmem_shared>>)
        } else {
        }
        %add3A_248 = arith.constant 4 : i32
        %add3A_249 = arith.addi %add3A_242, %add3A_248 : i32
        %lt3A_250 = arith.constant 16 : i32
        %lt3A_251 = arith.cmpi slt, %add3A_249, %lt3A_250 : i32
        %convert_element_type3A_252 = arith.extui %lt3A_251 : i1 to i32
        %cond3A_253 = arith.constant 0 : i32
        %cond3A_254 = arith.cmpi ne, %convert_element_type3A_252, %cond3A_253 : i32
        scf.if %cond3A_254 {
          %add3A_389 = arith.constant 4 : i32
          %add3A_390 = arith.addi %add3A_242, %add3A_389 : i32
          %dma_start3A_391 = arith.constant 0 : i32
          %dma_start3A_392 = tpu.memref_slice %arg5[%add3A_390, %dma_start3A_391] : memref<32x32xi32, #tpu.memory_space<vmem>> -> memref<1x32xi32, #tpu.memory_space<vmem>>
          %dma_start3A_393 = tpu.memref_squeeze %dma_start3A_392 : memref<1x32xi32, #tpu.memory_space<vmem>> -> memref<32xi32, #tpu.memory_space<vmem>>
          %dma_start3A_394 = arith.constant 0 : i32
          %dma_start3A_395 = arith.constant 0 : i32
          %dma_start3A_396 = tpu.memref_slice %arg2[%dma_start3A_394, %dma_start3A_395] : memref<10000x128xf32, #tpu.memory_space<hbm>> -> memref<10000x128xf32, #tpu.memory_space<hbm>>
          tpu.enqueue_indirect_dma source(%dma_start3A_396 : memref<10000x128xf32, #tpu.memory_space<hbm>>) target(%arg14 : memref<32x128xf32, #tpu.memory_space<vmem>>) offsets(%dma_start3A_393 : memref<32xi32, #tpu.memory_space<vmem>>) semaphore(%arg24 : memref<!tpu.dma_semaphore, #tpu.memory_space<semaphore_mem>>)
        } else {
        }
        %dma_wait3A_255 = arith.constant 0 : i32
        %dma_wait3A_256 = tpu.memref_slice %arg5[%add3A_242, %dma_wait3A_255] : memref<32x32xi32, #tpu.memory_space<vmem>> -> memref<1x32xi32, #tpu.memory_space<vmem>>
        %dma_wait3A_257 = tpu.memref_squeeze %dma_wait3A_256 : memref<1x32xi32, #tpu.memory_space<vmem>> -> memref<32xi32, #tpu.memory_space<vmem>>
        %dma_wait3A_258 = arith.constant 0 : i32
        %dma_wait3A_259 = arith.constant 0 : i32
        %dma_wait3A_260 = tpu.memref_slice %arg2[%dma_wait3A_258, %dma_wait3A_259] : memref<10000x128xf32, #tpu.memory_space<hbm>> -> memref<10000x128xf32, #tpu.memory_space<hbm>>
        tpu.wait_indirect_dma semaphore(%arg20 : memref<!tpu.dma_semaphore, #tpu.memory_space<semaphore_mem>>) src(%dma_wait3A_260 : memref<10000x128xf32, #tpu.memory_space<hbm>>) dst(%arg10 : memref<32x128xf32, #tpu.memory_space<vmem>>)
        %add3A_261 = arith.constant 16 : i32
        %add3A_262 = arith.addi %add3A_261, %add3A_242 : i32
        %dma_start3A_263 = arith.constant 0 : i32
        %dma_start3A_264 = tpu.memref_slice %arg5[%add3A_262, %dma_start3A_263] : memref<32x32xi32, #tpu.memory_space<vmem>> -> memref<1x32xi32, #tpu.memory_space<vmem>>
        %dma_start3A_265 = tpu.memref_squeeze %dma_start3A_264 : memref<1x32xi32, #tpu.memory_space<vmem>> -> memref<32xi32, #tpu.memory_space<vmem>>
        %dma_start3A_266 = arith.constant 0 : i32
        %dma_start3A_267 = arith.constant 0 : i32
        %dma_start3A_268 = tpu.memref_slice %arg16[%dma_start3A_266, %dma_start3A_267] : memref<10240x128xf32, #tpu.memory_space<vmem_shared>> -> memref<10240x128xf32, #tpu.memory_space<vmem_shared>>
        tpu.enqueue_indirect_dma source(%arg10 : memref<32x128xf32, #tpu.memory_space<vmem>>) target(%dma_start3A_268 : memref<10240x128xf32, #tpu.memory_space<vmem_shared>>) offsets(%dma_start3A_265 : memref<32xi32, #tpu.memory_space<vmem>>) semaphore(%arg28 : memref<!tpu.dma_semaphore, #tpu.memory_space<semaphore_mem>>) {add = true}
        %mul3A_269 = arith.constant 8 : i32
        %mul3A_270 = arith.muli %mul3A_269, %scan3A_149 : i32
        %add3A_271 = arith.constant 4 : i32
        %add3A_272 = arith.addi %mul3A_270, %add3A_271 : i32
        %ge3A_273 = arith.constant 4 : i32
        %ge3A_274 = arith.cmpi sge, %add3A_272, %ge3A_273 : i32
        %convert_element_type3A_275 = arith.extui %ge3A_274 : i1 to i32
        %cond3A_276 = arith.constant 0 : i32
        %cond3A_277 = arith.cmpi ne, %convert_element_type3A_275, %cond3A_276 : i32
        scf.if %cond3A_277 {
          %add3A_389 = arith.constant 16 : i32
          %add3A_390 = arith.addi %add3A_389, %add3A_272 : i32
          %sub3A = arith.constant 4 : i32
          %sub3A_391 = arith.subi %add3A_390, %sub3A : i32
          %dma_wait3A_392 = arith.constant 0 : i32
          %dma_wait3A_393 = tpu.memref_slice %arg5[%sub3A_391, %dma_wait3A_392] : memref<32x32xi32, #tpu.memory_space<vmem>> -> memref<1x32xi32, #tpu.memory_space<vmem>>
          %dma_wait3A_394 = tpu.memref_squeeze %dma_wait3A_393 : memref<1x32xi32, #tpu.memory_space<vmem>> -> memref<32xi32, #tpu.memory_space<vmem>>
          %dma_wait3A_395 = arith.constant 0 : i32
          %dma_wait3A_396 = arith.constant 0 : i32
          %dma_wait3A_397 = tpu.memref_slice %arg16[%dma_wait3A_395, %dma_wait3A_396] : memref<10240x128xf32, #tpu.memory_space<vmem_shared>> -> memref<10240x128xf32, #tpu.memory_space<vmem_shared>>
          tpu.wait_indirect_dma semaphore(%arg25 : memref<!tpu.dma_semaphore, #tpu.memory_space<semaphore_mem>>) src(%arg7 : memref<32x128xf32, #tpu.memory_space<vmem>>) dst(%dma_wait3A_397 : memref<10240x128xf32, #tpu.memory_space<vmem_shared>>)
        } else {
        }
        %add3A_278 = arith.constant 4 : i32
        %add3A_279 = arith.addi %add3A_272, %add3A_278 : i32
        %lt3A_280 = arith.constant 16 : i32
        %lt3A_281 = arith.cmpi slt, %add3A_279, %lt3A_280 : i32
        %convert_element_type3A_282 = arith.extui %lt3A_281 : i1 to i32
        %cond3A_283 = arith.constant 0 : i32
        %cond3A_284 = arith.cmpi ne, %convert_element_type3A_282, %cond3A_283 : i32
        scf.if %cond3A_284 {
          %add3A_389 = arith.constant 4 : i32
          %add3A_390 = arith.addi %add3A_272, %add3A_389 : i32
          %dma_start3A_391 = arith.constant 0 : i32
          %dma_start3A_392 = tpu.memref_slice %arg5[%add3A_390, %dma_start3A_391] : memref<32x32xi32, #tpu.memory_space<vmem>> -> memref<1x32xi32, #tpu.memory_space<vmem>>
          %dma_start3A_393 = tpu.memref_squeeze %dma_start3A_392 : memref<1x32xi32, #tpu.memory_space<vmem>> -> memref<32xi32, #tpu.memory_space<vmem>>
          %dma_start3A_394 = arith.constant 0 : i32
          %dma_start3A_395 = arith.constant 0 : i32
          %dma_start3A_396 = tpu.memref_slice %arg2[%dma_start3A_394, %dma_start3A_395] : memref<10000x128xf32, #tpu.memory_space<hbm>> -> memref<10000x128xf32, #tpu.memory_space<hbm>>
          tpu.enqueue_indirect_dma source(%dma_start3A_396 : memref<10000x128xf32, #tpu.memory_space<hbm>>) target(%arg7 : memref<32x128xf32, #tpu.memory_space<vmem>>) offsets(%dma_start3A_393 : memref<32xi32, #tpu.memory_space<vmem>>) semaphore(%arg17 : memref<!tpu.dma_semaphore, #tpu.memory_space<semaphore_mem>>)
        } else {
        }
        %dma_wait3A_285 = arith.constant 0 : i32
        %dma_wait3A_286 = tpu.memref_slice %arg5[%add3A_272, %dma_wait3A_285] : memref<32x32xi32, #tpu.memory_space<vmem>> -> memref<1x32xi32, #tpu.memory_space<vmem>>
        %dma_wait3A_287 = tpu.memref_squeeze %dma_wait3A_286 : memref<1x32xi32, #tpu.memory_space<vmem>> -> memref<32xi32, #tpu.memory_space<vmem>>
        %dma_wait3A_288 = arith.constant 0 : i32
        %dma_wait3A_289 = arith.constant 0 : i32
        %dma_wait3A_290 = tpu.memref_slice %arg2[%dma_wait3A_288, %dma_wait3A_289] : memref<10000x128xf32, #tpu.memory_space<hbm>> -> memref<10000x128xf32, #tpu.memory_space<hbm>>
        tpu.wait_indirect_dma semaphore(%arg21 : memref<!tpu.dma_semaphore, #tpu.memory_space<semaphore_mem>>) src(%dma_wait3A_290 : memref<10000x128xf32, #tpu.memory_space<hbm>>) dst(%arg11 : memref<32x128xf32, #tpu.memory_space<vmem>>)
        %add3A_291 = arith.constant 16 : i32
        %add3A_292 = arith.addi %add3A_291, %add3A_272 : i32
        %dma_start3A_293 = arith.constant 0 : i32
        %dma_start3A_294 = tpu.memref_slice %arg5[%add3A_292, %dma_start3A_293] : memref<32x32xi32, #tpu.memory_space<vmem>> -> memref<1x32xi32, #tpu.memory_space<vmem>>
        %dma_start3A_295 = tpu.memref_squeeze %dma_start3A_294 : memref<1x32xi32, #tpu.memory_space<vmem>> -> memref<32xi32, #tpu.memory_space<vmem>>
        %dma_start3A_296 = arith.constant 0 : i32
        %dma_start3A_297 = arith.constant 0 : i32
        %dma_start3A_298 = tpu.memref_slice %arg16[%dma_start3A_296, %dma_start3A_297] : memref<10240x128xf32, #tpu.memory_space<vmem_shared>> -> memref<10240x128xf32, #tpu.memory_space<vmem_shared>>
        tpu.enqueue_indirect_dma source(%arg11 : memref<32x128xf32, #tpu.memory_space<vmem>>) target(%dma_start3A_298 : memref<10240x128xf32, #tpu.memory_space<vmem_shared>>) offsets(%dma_start3A_295 : memref<32xi32, #tpu.memory_space<vmem>>) semaphore(%arg29 : memref<!tpu.dma_semaphore, #tpu.memory_space<semaphore_mem>>) {add = true}
        %mul3A_299 = arith.constant 8 : i32
        %mul3A_300 = arith.muli %mul3A_299, %scan3A_149 : i32
        %add3A_301 = arith.constant 5 : i32
        %add3A_302 = arith.addi %mul3A_300, %add3A_301 : i32
        %ge3A_303 = arith.constant 4 : i32
        %ge3A_304 = arith.cmpi sge, %add3A_302, %ge3A_303 : i32
        %convert_element_type3A_305 = arith.extui %ge3A_304 : i1 to i32
        %cond3A_306 = arith.constant 0 : i32
        %cond3A_307 = arith.cmpi ne, %convert_element_type3A_305, %cond3A_306 : i32
        scf.if %cond3A_307 {
          %add3A_389 = arith.constant 16 : i32
          %add3A_390 = arith.addi %add3A_389, %add3A_302 : i32
          %sub3A = arith.constant 4 : i32
          %sub3A_391 = arith.subi %add3A_390, %sub3A : i32
          %dma_wait3A_392 = arith.constant 0 : i32
          %dma_wait3A_393 = tpu.memref_slice %arg5[%sub3A_391, %dma_wait3A_392] : memref<32x32xi32, #tpu.memory_space<vmem>> -> memref<1x32xi32, #tpu.memory_space<vmem>>
          %dma_wait3A_394 = tpu.memref_squeeze %dma_wait3A_393 : memref<1x32xi32, #tpu.memory_space<vmem>> -> memref<32xi32, #tpu.memory_space<vmem>>
          %dma_wait3A_395 = arith.constant 0 : i32
          %dma_wait3A_396 = arith.constant 0 : i32
          %dma_wait3A_397 = tpu.memref_slice %arg16[%dma_wait3A_395, %dma_wait3A_396] : memref<10240x128xf32, #tpu.memory_space<vmem_shared>> -> memref<10240x128xf32, #tpu.memory_space<vmem_shared>>
          tpu.wait_indirect_dma semaphore(%arg26 : memref<!tpu.dma_semaphore, #tpu.memory_space<semaphore_mem>>) src(%arg8 : memref<32x128xf32, #tpu.memory_space<vmem>>) dst(%dma_wait3A_397 : memref<10240x128xf32, #tpu.memory_space<vmem_shared>>)
        } else {
        }
        %add3A_308 = arith.constant 4 : i32
        %add3A_309 = arith.addi %add3A_302, %add3A_308 : i32
        %lt3A_310 = arith.constant 16 : i32
        %lt3A_311 = arith.cmpi slt, %add3A_309, %lt3A_310 : i32
        %convert_element_type3A_312 = arith.extui %lt3A_311 : i1 to i32
        %cond3A_313 = arith.constant 0 : i32
        %cond3A_314 = arith.cmpi ne, %convert_element_type3A_312, %cond3A_313 : i32
        scf.if %cond3A_314 {
          %add3A_389 = arith.constant 4 : i32
          %add3A_390 = arith.addi %add3A_302, %add3A_389 : i32
          %dma_start3A_391 = arith.constant 0 : i32
          %dma_start3A_392 = tpu.memref_slice %arg5[%add3A_390, %dma_start3A_391] : memref<32x32xi32, #tpu.memory_space<vmem>> -> memref<1x32xi32, #tpu.memory_space<vmem>>
          %dma_start3A_393 = tpu.memref_squeeze %dma_start3A_392 : memref<1x32xi32, #tpu.memory_space<vmem>> -> memref<32xi32, #tpu.memory_space<vmem>>
          %dma_start3A_394 = arith.constant 0 : i32
          %dma_start3A_395 = arith.constant 0 : i32
          %dma_start3A_396 = tpu.memref_slice %arg2[%dma_start3A_394, %dma_start3A_395] : memref<10000x128xf32, #tpu.memory_space<hbm>> -> memref<10000x128xf32, #tpu.memory_space<hbm>>
          tpu.enqueue_indirect_dma source(%dma_start3A_396 : memref<10000x128xf32, #tpu.memory_space<hbm>>) target(%arg8 : memref<32x128xf32, #tpu.memory_space<vmem>>) offsets(%dma_start3A_393 : memref<32xi32, #tpu.memory_space<vmem>>) semaphore(%arg18 : memref<!tpu.dma_semaphore, #tpu.memory_space<semaphore_mem>>)
        } else {
        }
        %dma_wait3A_315 = arith.constant 0 : i32
        %dma_wait3A_316 = tpu.memref_slice %arg5[%add3A_302, %dma_wait3A_315] : memref<32x32xi32, #tpu.memory_space<vmem>> -> memref<1x32xi32, #tpu.memory_space<vmem>>
        %dma_wait3A_317 = tpu.memref_squeeze %dma_wait3A_316 : memref<1x32xi32, #tpu.memory_space<vmem>> -> memref<32xi32, #tpu.memory_space<vmem>>
        %dma_wait3A_318 = arith.constant 0 : i32
        %dma_wait3A_319 = arith.constant 0 : i32
        %dma_wait3A_320 = tpu.memref_slice %arg2[%dma_wait3A_318, %dma_wait3A_319] : memref<10000x128xf32, #tpu.memory_space<hbm>> -> memref<10000x128xf32, #tpu.memory_space<hbm>>
        tpu.wait_indirect_dma semaphore(%arg22 : memref<!tpu.dma_semaphore, #tpu.memory_space<semaphore_mem>>) src(%dma_wait3A_320 : memref<10000x128xf32, #tpu.memory_space<hbm>>) dst(%arg12 : memref<32x128xf32, #tpu.memory_space<vmem>>)
        %add3A_321 = arith.constant 16 : i32
        %add3A_322 = arith.addi %add3A_321, %add3A_302 : i32
        %dma_start3A_323 = arith.constant 0 : i32
        %dma_start3A_324 = tpu.memref_slice %arg5[%add3A_322, %dma_start3A_323] : memref<32x32xi32, #tpu.memory_space<vmem>> -> memref<1x32xi32, #tpu.memory_space<vmem>>
        %dma_start3A_325 = tpu.memref_squeeze %dma_start3A_324 : memref<1x32xi32, #tpu.memory_space<vmem>> -> memref<32xi32, #tpu.memory_space<vmem>>
        %dma_start3A_326 = arith.constant 0 : i32
        %dma_start3A_327 = arith.constant 0 : i32
        %dma_start3A_328 = tpu.memref_slice %arg16[%dma_start3A_326, %dma_start3A_327] : memref<10240x128xf32, #tpu.memory_space<vmem_shared>> -> memref<10240x128xf32, #tpu.memory_space<vmem_shared>>
        tpu.enqueue_indirect_dma source(%arg12 : memref<32x128xf32, #tpu.memory_space<vmem>>) target(%dma_start3A_328 : memref<10240x128xf32, #tpu.memory_space<vmem_shared>>) offsets(%dma_start3A_325 : memref<32xi32, #tpu.memory_space<vmem>>) semaphore(%arg30 : memref<!tpu.dma_semaphore, #tpu.memory_space<semaphore_mem>>) {add = true}
        %mul3A_329 = arith.constant 8 : i32
        %mul3A_330 = arith.muli %mul3A_329, %scan3A_149 : i32
        %add3A_331 = arith.constant 6 : i32
        %add3A_332 = arith.addi %mul3A_330, %add3A_331 : i32
        %ge3A_333 = arith.constant 4 : i32
        %ge3A_334 = arith.cmpi sge, %add3A_332, %ge3A_333 : i32
        %convert_element_type3A_335 = arith.extui %ge3A_334 : i1 to i32
        %cond3A_336 = arith.constant 0 : i32
        %cond3A_337 = arith.cmpi ne, %convert_element_type3A_335, %cond3A_336 : i32
        scf.if %cond3A_337 {
          %add3A_389 = arith.constant 16 : i32
          %add3A_390 = arith.addi %add3A_389, %add3A_332 : i32
          %sub3A = arith.constant 4 : i32
          %sub3A_391 = arith.subi %add3A_390, %sub3A : i32
          %dma_wait3A_392 = arith.constant 0 : i32
          %dma_wait3A_393 = tpu.memref_slice %arg5[%sub3A_391, %dma_wait3A_392] : memref<32x32xi32, #tpu.memory_space<vmem>> -> memref<1x32xi32, #tpu.memory_space<vmem>>
          %dma_wait3A_394 = tpu.memref_squeeze %dma_wait3A_393 : memref<1x32xi32, #tpu.memory_space<vmem>> -> memref<32xi32, #tpu.memory_space<vmem>>
          %dma_wait3A_395 = arith.constant 0 : i32
          %dma_wait3A_396 = arith.constant 0 : i32
          %dma_wait3A_397 = tpu.memref_slice %arg16[%dma_wait3A_395, %dma_wait3A_396] : memref<10240x128xf32, #tpu.memory_space<vmem_shared>> -> memref<10240x128xf32, #tpu.memory_space<vmem_shared>>
          tpu.wait_indirect_dma semaphore(%arg27 : memref<!tpu.dma_semaphore, #tpu.memory_space<semaphore_mem>>) src(%arg9 : memref<32x128xf32, #tpu.memory_space<vmem>>) dst(%dma_wait3A_397 : memref<10240x128xf32, #tpu.memory_space<vmem_shared>>)
        } else {
        }
        %add3A_338 = arith.constant 4 : i32
        %add3A_339 = arith.addi %add3A_332, %add3A_338 : i32
        %lt3A_340 = arith.constant 16 : i32
        %lt3A_341 = arith.cmpi slt, %add3A_339, %lt3A_340 : i32
        %convert_element_type3A_342 = arith.extui %lt3A_341 : i1 to i32
        %cond3A_343 = arith.constant 0 : i32
        %cond3A_344 = arith.cmpi ne, %convert_element_type3A_342, %cond3A_343 : i32
        scf.if %cond3A_344 {
          %add3A_389 = arith.constant 4 : i32
          %add3A_390 = arith.addi %add3A_332, %add3A_389 : i32
          %dma_start3A_391 = arith.constant 0 : i32
          %dma_start3A_392 = tpu.memref_slice %arg5[%add3A_390, %dma_start3A_391] : memref<32x32xi32, #tpu.memory_space<vmem>> -> memref<1x32xi32, #tpu.memory_space<vmem>>
          %dma_start3A_393 = tpu.memref_squeeze %dma_start3A_392 : memref<1x32xi32, #tpu.memory_space<vmem>> -> memref<32xi32, #tpu.memory_space<vmem>>
          %dma_start3A_394 = arith.constant 0 : i32
          %dma_start3A_395 = arith.constant 0 : i32
          %dma_start3A_396 = tpu.memref_slice %arg2[%dma_start3A_394, %dma_start3A_395] : memref<10000x128xf32, #tpu.memory_space<hbm>> -> memref<10000x128xf32, #tpu.memory_space<hbm>>
          tpu.enqueue_indirect_dma source(%dma_start3A_396 : memref<10000x128xf32, #tpu.memory_space<hbm>>) target(%arg9 : memref<32x128xf32, #tpu.memory_space<vmem>>) offsets(%dma_start3A_393 : memref<32xi32, #tpu.memory_space<vmem>>) semaphore(%arg19 : memref<!tpu.dma_semaphore, #tpu.memory_space<semaphore_mem>>)
        } else {
        }
        %dma_wait3A_345 = arith.constant 0 : i32
        %dma_wait3A_346 = tpu.memref_slice %arg5[%add3A_332, %dma_wait3A_345] : memref<32x32xi32, #tpu.memory_space<vmem>> -> memref<1x32xi32, #tpu.memory_space<vmem>>
        %dma_wait3A_347 = tpu.memref_squeeze %dma_wait3A_346 : memref<1x32xi32, #tpu.memory_space<vmem>> -> memref<32xi32, #tpu.memory_space<vmem>>
        %dma_wait3A_348 = arith.constant 0 : i32
        %dma_wait3A_349 = arith.constant 0 : i32
        %dma_wait3A_350 = tpu.memref_slice %arg2[%dma_wait3A_348, %dma_wait3A_349] : memref<10000x128xf32, #tpu.memory_space<hbm>> -> memref<10000x128xf32, #tpu.memory_space<hbm>>
        tpu.wait_indirect_dma semaphore(%arg23 : memref<!tpu.dma_semaphore, #tpu.memory_space<semaphore_mem>>) src(%dma_wait3A_350 : memref<10000x128xf32, #tpu.memory_space<hbm>>) dst(%arg13 : memref<32x128xf32, #tpu.memory_space<vmem>>)
        %add3A_351 = arith.constant 16 : i32
        %add3A_352 = arith.addi %add3A_351, %add3A_332 : i32
        %dma_start3A_353 = arith.constant 0 : i32
        %dma_start3A_354 = tpu.memref_slice %arg5[%add3A_352, %dma_start3A_353] : memref<32x32xi32, #tpu.memory_space<vmem>> -> memref<1x32xi32, #tpu.memory_space<vmem>>
        %dma_start3A_355 = tpu.memref_squeeze %dma_start3A_354 : memref<1x32xi32, #tpu.memory_space<vmem>> -> memref<32xi32, #tpu.memory_space<vmem>>
        %dma_start3A_356 = arith.constant 0 : i32
        %dma_start3A_357 = arith.constant 0 : i32
        %dma_start3A_358 = tpu.memref_slice %arg16[%dma_start3A_356, %dma_start3A_357] : memref<10240x128xf32, #tpu.memory_space<vmem_shared>> -> memref<10240x128xf32, #tpu.memory_space<vmem_shared>>
        tpu.enqueue_indirect_dma source(%arg13 : memref<32x128xf32, #tpu.memory_space<vmem>>) target(%dma_start3A_358 : memref<10240x128xf32, #tpu.memory_space<vmem_shared>>) offsets(%dma_start3A_355 : memref<32xi32, #tpu.memory_space<vmem>>) semaphore(%arg31 : memref<!tpu.dma_semaphore, #tpu.memory_space<semaphore_mem>>) {add = true}
        %mul3A_359 = arith.constant 8 : i32
        %mul3A_360 = arith.muli %mul3A_359, %scan3A_149 : i32
        %add3A_361 = arith.constant 7 : i32
        %add3A_362 = arith.addi %mul3A_360, %add3A_361 : i32
        %ge3A_363 = arith.constant 4 : i32
        %ge3A_364 = arith.cmpi sge, %add3A_362, %ge3A_363 : i32
        %convert_element_type3A_365 = arith.extui %ge3A_364 : i1 to i32
        %cond3A_366 = arith.constant 0 : i32
        %cond3A_367 = arith.cmpi ne, %convert_element_type3A_365, %cond3A_366 : i32
        scf.if %cond3A_367 {
          %add3A_389 = arith.constant 16 : i32
          %add3A_390 = arith.addi %add3A_389, %add3A_362 : i32
          %sub3A = arith.constant 4 : i32
          %sub3A_391 = arith.subi %add3A_390, %sub3A : i32
          %dma_wait3A_392 = arith.constant 0 : i32
          %dma_wait3A_393 = tpu.memref_slice %arg5[%sub3A_391, %dma_wait3A_392] : memref<32x32xi32, #tpu.memory_space<vmem>> -> memref<1x32xi32, #tpu.memory_space<vmem>>
          %dma_wait3A_394 = tpu.memref_squeeze %dma_wait3A_393 : memref<1x32xi32, #tpu.memory_space<vmem>> -> memref<32xi32, #tpu.memory_space<vmem>>
          %dma_wait3A_395 = arith.constant 0 : i32
          %dma_wait3A_396 = arith.constant 0 : i32
          %dma_wait3A_397 = tpu.memref_slice %arg16[%dma_wait3A_395, %dma_wait3A_396] : memref<10240x128xf32, #tpu.memory_space<vmem_shared>> -> memref<10240x128xf32, #tpu.memory_space<vmem_shared>>
          tpu.wait_indirect_dma semaphore(%arg28 : memref<!tpu.dma_semaphore, #tpu.memory_space<semaphore_mem>>) src(%arg10 : memref<32x128xf32, #tpu.memory_space<vmem>>) dst(%dma_wait3A_397 : memref<10240x128xf32, #tpu.memory_space<vmem_shared>>)
        } else {
        }
        %add3A_368 = arith.constant 4 : i32
        %add3A_369 = arith.addi %add3A_362, %add3A_368 : i32
        %lt3A_370 = arith.constant 16 : i32
        %lt3A_371 = arith.cmpi slt, %add3A_369, %lt3A_370 : i32
        %convert_element_type3A_372 = arith.extui %lt3A_371 : i1 to i32
        %cond3A_373 = arith.constant 0 : i32
        %cond3A_374 = arith.cmpi ne, %convert_element_type3A_372, %cond3A_373 : i32
        scf.if %cond3A_374 {
          %add3A_389 = arith.constant 4 : i32
          %add3A_390 = arith.addi %add3A_362, %add3A_389 : i32
          %dma_start3A_391 = arith.constant 0 : i32
          %dma_start3A_392 = tpu.memref_slice %arg5[%add3A_390, %dma_start3A_391] : memref<32x32xi32, #tpu.memory_space<vmem>> -> memref<1x32xi32, #tpu.memory_space<vmem>>
          %dma_start3A_393 = tpu.memref_squeeze %dma_start3A_392 : memref<1x32xi32, #tpu.memory_space<vmem>> -> memref<32xi32, #tpu.memory_space<vmem>>
          %dma_start3A_394 = arith.constant 0 : i32
          %dma_start3A_395 = arith.constant 0 : i32
          %dma_start3A_396 = tpu.memref_slice %arg2[%dma_start3A_394, %dma_start3A_395] : memref<10000x128xf32, #tpu.memory_space<hbm>> -> memref<10000x128xf32, #tpu.memory_space<hbm>>
          tpu.enqueue_indirect_dma source(%dma_start3A_396 : memref<10000x128xf32, #tpu.memory_space<hbm>>) target(%arg10 : memref<32x128xf32, #tpu.memory_space<vmem>>) offsets(%dma_start3A_393 : memref<32xi32, #tpu.memory_space<vmem>>) semaphore(%arg20 : memref<!tpu.dma_semaphore, #tpu.memory_space<semaphore_mem>>)
        } else {
        }
        %dma_wait3A_375 = arith.constant 0 : i32
        %dma_wait3A_376 = tpu.memref_slice %arg5[%add3A_362, %dma_wait3A_375] : memref<32x32xi32, #tpu.memory_space<vmem>> -> memref<1x32xi32, #tpu.memory_space<vmem>>
        %dma_wait3A_377 = tpu.memref_squeeze %dma_wait3A_376 : memref<1x32xi32, #tpu.memory_space<vmem>> -> memref<32xi32, #tpu.memory_space<vmem>>
        %dma_wait3A_378 = arith.constant 0 : i32
        %dma_wait3A_379 = arith.constant 0 : i32
        %dma_wait3A_380 = tpu.memref_slice %arg2[%dma_wait3A_378, %dma_wait3A_379] : memref<10000x128xf32, #tpu.memory_space<hbm>> -> memref<10000x128xf32, #tpu.memory_space<hbm>>
        tpu.wait_indirect_dma semaphore(%arg24 : memref<!tpu.dma_semaphore, #tpu.memory_space<semaphore_mem>>) src(%dma_wait3A_380 : memref<10000x128xf32, #tpu.memory_space<hbm>>) dst(%arg14 : memref<32x128xf32, #tpu.memory_space<vmem>>)
        %add3A_381 = arith.constant 16 : i32
        %add3A_382 = arith.addi %add3A_381, %add3A_362 : i32
        %dma_start3A_383 = arith.constant 0 : i32
        %dma_start3A_384 = tpu.memref_slice %arg5[%add3A_382, %dma_start3A_383] : memref<32x32xi32, #tpu.memory_space<vmem>> -> memref<1x32xi32, #tpu.memory_space<vmem>>
        %dma_start3A_385 = tpu.memref_squeeze %dma_start3A_384 : memref<1x32xi32, #tpu.memory_space<vmem>> -> memref<32xi32, #tpu.memory_space<vmem>>
        %dma_start3A_386 = arith.constant 0 : i32
        %dma_start3A_387 = arith.constant 0 : i32
        %dma_start3A_388 = tpu.memref_slice %arg16[%dma_start3A_386, %dma_start3A_387] : memref<10240x128xf32, #tpu.memory_space<vmem_shared>> -> memref<10240x128xf32, #tpu.memory_space<vmem_shared>>
        tpu.enqueue_indirect_dma source(%arg14 : memref<32x128xf32, #tpu.memory_space<vmem>>) target(%dma_start3A_388 : memref<10240x128xf32, #tpu.memory_space<vmem_shared>>) offsets(%dma_start3A_385 : memref<32xi32, #tpu.memory_space<vmem>>) semaphore(%arg32 : memref<!tpu.dma_semaphore, #tpu.memory_space<semaphore_mem>>) {add = true}
      }
      %scan3A_62 = arith.constant 2 : i32
      %dma_wait3A = arith.constant 28 : i32
      %dma_wait3A_63 = arith.constant 0 : i32
      %dma_wait3A_64 = tpu.memref_slice %arg5[%dma_wait3A, %dma_wait3A_63] : memref<32x32xi32, #tpu.memory_space<vmem>> -> memref<1x32xi32, #tpu.memory_space<vmem>>
      %dma_wait3A_65 = tpu.memref_squeeze %dma_wait3A_64 : memref<1x32xi32, #tpu.memory_space<vmem>> -> memref<32xi32, #tpu.memory_space<vmem>>
      %dma_wait3A_66 = arith.constant 0 : i32
      %dma_wait3A_67 = arith.constant 0 : i32
      %dma_wait3A_68 = tpu.memref_slice %arg16[%dma_wait3A_66, %dma_wait3A_67] : memref<10240x128xf32, #tpu.memory_space<vmem_shared>> -> memref<10240x128xf32, #tpu.memory_space<vmem_shared>>
      tpu.wait_indirect_dma semaphore(%arg29 : memref<!tpu.dma_semaphore, #tpu.memory_space<semaphore_mem>>) src(%arg11 : memref<32x128xf32, #tpu.memory_space<vmem>>) dst(%dma_wait3A_68 : memref<10240x128xf32, #tpu.memory_space<vmem_shared>>)
      %dma_wait3A_69 = arith.constant 29 : i32
      %dma_wait3A_70 = arith.constant 0 : i32
      %dma_wait3A_71 = tpu.memref_slice %arg5[%dma_wait3A_69, %dma_wait3A_70] : memref<32x32xi32, #tpu.memory_space<vmem>> -> memref<1x32xi32, #tpu.memory_space<vmem>>
      %dma_wait3A_72 = tpu.memref_squeeze %dma_wait3A_71 : memref<1x32xi32, #tpu.memory_space<vmem>> -> memref<32xi32, #tpu.memory_space<vmem>>
      %dma_wait3A_73 = arith.constant 0 : i32
      %dma_wait3A_74 = arith.constant 0 : i32
      %dma_wait3A_75 = tpu.memref_slice %arg16[%dma_wait3A_73, %dma_wait3A_74] : memref<10240x128xf32, #tpu.memory_space<vmem_shared>> -> memref<10240x128xf32, #tpu.memory_space<vmem_shared>>
      tpu.wait_indirect_dma semaphore(%arg30 : memref<!tpu.dma_semaphore, #tpu.memory_space<semaphore_mem>>) src(%arg12 : memref<32x128xf32, #tpu.memory_space<vmem>>) dst(%dma_wait3A_75 : memref<10240x128xf32, #tpu.memory_space<vmem_shared>>)
      %dma_wait3A_76 = arith.constant 30 : i32
      %dma_wait3A_77 = arith.constant 0 : i32
      %dma_wait3A_78 = tpu.memref_slice %arg5[%dma_wait3A_76, %dma_wait3A_77] : memref<32x32xi32, #tpu.memory_space<vmem>> -> memref<1x32xi32, #tpu.memory_space<vmem>>
      %dma_wait3A_79 = tpu.memref_squeeze %dma_wait3A_78 : memref<1x32xi32, #tpu.memory_space<vmem>> -> memref<32xi32, #tpu.memory_space<vmem>>
      %dma_wait3A_80 = arith.constant 0 : i32
      %dma_wait3A_81 = arith.constant 0 : i32
      %dma_wait3A_82 = tpu.memref_slice %arg16[%dma_wait3A_80, %dma_wait3A_81] : memref<10240x128xf32, #tpu.memory_space<vmem_shared>> -> memref<10240x128xf32, #tpu.memory_space<vmem_shared>>
      tpu.wait_indirect_dma semaphore(%arg31 : memref<!tpu.dma_semaphore, #tpu.memory_space<semaphore_mem>>) src(%arg13 : memref<32x128xf32, #tpu.memory_space<vmem>>) dst(%dma_wait3A_82 : memref<10240x128xf32, #tpu.memory_space<vmem_shared>>)
      %dma_wait3A_83 = arith.constant 31 : i32
      %dma_wait3A_84 = arith.constant 0 : i32
      %dma_wait3A_85 = tpu.memref_slice %arg5[%dma_wait3A_83, %dma_wait3A_84] : memref<32x32xi32, #tpu.memory_space<vmem>> -> memref<1x32xi32, #tpu.memory_space<vmem>>
      %dma_wait3A_86 = tpu.memref_squeeze %dma_wait3A_85 : memref<1x32xi32, #tpu.memory_space<vmem>> -> memref<32xi32, #tpu.memory_space<vmem>>
      %dma_wait3A_87 = arith.constant 0 : i32
      %dma_wait3A_88 = arith.constant 0 : i32
      %dma_wait3A_89 = tpu.memref_slice %arg16[%dma_wait3A_87, %dma_wait3A_88] : memref<10240x128xf32, #tpu.memory_space<vmem_shared>> -> memref<10240x128xf32, #tpu.memory_space<vmem_shared>>
      tpu.wait_indirect_dma semaphore(%arg32 : memref<!tpu.dma_semaphore, #tpu.memory_space<semaphore_mem>>) src(%arg14 : memref<32x128xf32, #tpu.memory_space<vmem>>) dst(%dma_wait3A_89 : memref<10240x128xf32, #tpu.memory_space<vmem_shared>>)
      %add3A_90 = arith.constant 1 : i32
      %add3A_91 = arith.addi %add3A_52, %add3A_90 : i32
      %lt3A_92 = arith.constant 20 : i32
      %lt3A_93 = arith.cmpi slt, %add3A_91, %lt3A_92 : i32
      %convert_element_type3A_94 = arith.extui %lt3A_93 : i1 to i32
      %cond3A_95 = arith.constant 0 : i32
      %cond3A_96 = arith.cmpi ne, %convert_element_type3A_94, %cond3A_95 : i32
      scf.if %cond3A_96 {
        %add3A_149 = arith.constant 1 : i32
        %add3A_150 = arith.addi %add3A_52, %add3A_149 : i32
        %dma_wait3A_151 = arith.constant 0 : i32
        %dma_wait3A_152 = arith.constant 0 : i32
        %dma_wait3A_153 = tpu.memref_slice %arg3[%add3A, %add3A_150, %dma_wait3A_151, %dma_wait3A_152] : memref<32x20x32x32xi32, #tpu.memory_space<hbm>> -> memref<1x1x32x32xi32, #tpu.memory_space<hbm>>
        %dma_wait3A_154 = tpu.memref_squeeze %dma_wait3A_153 : memref<1x1x32x32xi32, #tpu.memory_space<hbm>> -> memref<32x32xi32, #tpu.memory_space<hbm>>
        %dma_wait3A_155 = arith.constant 0 : i32
        %dma_wait3A_156 = arith.constant 0 : i32
        %dma_wait3A_157 = tpu.memref_slice %arg3[%add3A, %add3A_150, %dma_wait3A_155, %dma_wait3A_156] : memref<32x20x32x32xi32, #tpu.memory_space<hbm>> -> memref<1x1x32x32xi32, #tpu.memory_space<hbm>>
        %dma_wait3A_158 = tpu.memref_squeeze %dma_wait3A_157 : memref<1x1x32x32xi32, #tpu.memory_space<hbm>> -> memref<32x32xi32, #tpu.memory_space<hbm>>
        tpu.wait_dma2 semaphore(%arg33 : memref<!tpu.dma_semaphore, #tpu.memory_space<semaphore_mem>>) src(%dma_wait3A_158 : memref<32x32xi32, #tpu.memory_space<hbm>>) dst(%arg6 : memref<32x32xi32, #tpu.memory_space<vmem>>)
        %dma_start3A_159 = arith.constant 0 : i32
        %dma_start3A_160 = arith.constant 0 : i32
        %dma_start3A_161 = tpu.memref_slice %arg6[%dma_start3A_159, %dma_start3A_160] : memref<32x32xi32, #tpu.memory_space<vmem>> -> memref<1x32xi32, #tpu.memory_space<vmem>>
        %dma_start3A_162 = tpu.memref_squeeze %dma_start3A_161 : memref<1x32xi32, #tpu.memory_space<vmem>> -> memref<32xi32, #tpu.memory_space<vmem>>
        %dma_start3A_163 = arith.constant 0 : i32
        %dma_start3A_164 = arith.constant 0 : i32
        %dma_start3A_165 = tpu.memref_slice %arg2[%dma_start3A_163, %dma_start3A_164] : memref<10000x128xf32, #tpu.memory_space<hbm>> -> memref<10000x128xf32, #tpu.memory_space<hbm>>
        tpu.enqueue_indirect_dma source(%dma_start3A_165 : memref<10000x128xf32, #tpu.memory_space<hbm>>) target(%arg7 : memref<32x128xf32, #tpu.memory_space<vmem>>) offsets(%dma_start3A_162 : memref<32xi32, #tpu.memory_space<vmem>>) semaphore(%arg17 : memref<!tpu.dma_semaphore, #tpu.memory_space<semaphore_mem>>)
        %dma_start3A_166 = arith.constant 1 : i32
        %dma_start3A_167 = arith.constant 0 : i32
        %dma_start3A_168 = tpu.memref_slice %arg6[%dma_start3A_166, %dma_start3A_167] : memref<32x32xi32, #tpu.memory_space<vmem>> -> memref<1x32xi32, #tpu.memory_space<vmem>>
        %dma_start3A_169 = tpu.memref_squeeze %dma_start3A_168 : memref<1x32xi32, #tpu.memory_space<vmem>> -> memref<32xi32, #tpu.memory_space<vmem>>
        %dma_start3A_170 = arith.constant 0 : i32
        %dma_start3A_171 = arith.constant 0 : i32
        %dma_start3A_172 = tpu.memref_slice %arg2[%dma_start3A_170, %dma_start3A_171] : memref<10000x128xf32, #tpu.memory_space<hbm>> -> memref<10000x128xf32, #tpu.memory_space<hbm>>
        tpu.enqueue_indirect_dma source(%dma_start3A_172 : memref<10000x128xf32, #tpu.memory_space<hbm>>) target(%arg8 : memref<32x128xf32, #tpu.memory_space<vmem>>) offsets(%dma_start3A_169 : memref<32xi32, #tpu.memory_space<vmem>>) semaphore(%arg18 : memref<!tpu.dma_semaphore, #tpu.memory_space<semaphore_mem>>)
        %dma_start3A_173 = arith.constant 2 : i32
        %dma_start3A_174 = arith.constant 0 : i32
        %dma_start3A_175 = tpu.memref_slice %arg6[%dma_start3A_173, %dma_start3A_174] : memref<32x32xi32, #tpu.memory_space<vmem>> -> memref<1x32xi32, #tpu.memory_space<vmem>>
        %dma_start3A_176 = tpu.memref_squeeze %dma_start3A_175 : memref<1x32xi32, #tpu.memory_space<vmem>> -> memref<32xi32, #tpu.memory_space<vmem>>
        %dma_start3A_177 = arith.constant 0 : i32
        %dma_start3A_178 = arith.constant 0 : i32
        %dma_start3A_179 = tpu.memref_slice %arg2[%dma_start3A_177, %dma_start3A_178] : memref<10000x128xf32, #tpu.memory_space<hbm>> -> memref<10000x128xf32, #tpu.memory_space<hbm>>
        tpu.enqueue_indirect_dma source(%dma_start3A_179 : memref<10000x128xf32, #tpu.memory_space<hbm>>) target(%arg9 : memref<32x128xf32, #tpu.memory_space<vmem>>) offsets(%dma_start3A_176 : memref<32xi32, #tpu.memory_space<vmem>>) semaphore(%arg19 : memref<!tpu.dma_semaphore, #tpu.memory_space<semaphore_mem>>)
        %dma_start3A_180 = arith.constant 3 : i32
        %dma_start3A_181 = arith.constant 0 : i32
        %dma_start3A_182 = tpu.memref_slice %arg6[%dma_start3A_180, %dma_start3A_181] : memref<32x32xi32, #tpu.memory_space<vmem>> -> memref<1x32xi32, #tpu.memory_space<vmem>>
        %dma_start3A_183 = tpu.memref_squeeze %dma_start3A_182 : memref<1x32xi32, #tpu.memory_space<vmem>> -> memref<32xi32, #tpu.memory_space<vmem>>
        %dma_start3A_184 = arith.constant 0 : i32
        %dma_start3A_185 = arith.constant 0 : i32
        %dma_start3A_186 = tpu.memref_slice %arg2[%dma_start3A_184, %dma_start3A_185] : memref<10000x128xf32, #tpu.memory_space<hbm>> -> memref<10000x128xf32, #tpu.memory_space<hbm>>
        tpu.enqueue_indirect_dma source(%dma_start3A_186 : memref<10000x128xf32, #tpu.memory_space<hbm>>) target(%arg10 : memref<32x128xf32, #tpu.memory_space<vmem>>) offsets(%dma_start3A_183 : memref<32xi32, #tpu.memory_space<vmem>>) semaphore(%arg20 : memref<!tpu.dma_semaphore, #tpu.memory_space<semaphore_mem>>)
      } else {
      }
      %mul3A_97 = arith.constant 2 : i32
      %mul3A_98 = arith.muli %mul3A_97, %scan3A_48 : i32
      %add3A_99 = arith.constant 1 : i32
      %add3A_100 = arith.addi %mul3A_98, %add3A_99 : i32
      %add3A_101 = arith.constant 1 : i32
      %add3A_102 = arith.addi %add3A_100, %add3A_101 : i32
      %lt3A_103 = arith.constant 20 : i32
      %lt3A_104 = arith.cmpi slt, %add3A_102, %lt3A_103 : i32
      %convert_element_type3A_105 = arith.extui %lt3A_104 : i1 to i32
      %cond3A_106 = arith.constant 0 : i32
      %cond3A_107 = arith.cmpi ne, %convert_element_type3A_105, %cond3A_106 : i32
      scf.if %cond3A_107 {
        %add3A_149 = arith.constant 1 : i32
        %add3A_150 = arith.addi %add3A_100, %add3A_149 : i32
        %dma_start3A_151 = arith.constant 0 : i32
        %dma_start3A_152 = arith.constant 0 : i32
        %dma_start3A_153 = tpu.memref_slice %arg3[%add3A, %add3A_150, %dma_start3A_151, %dma_start3A_152] : memref<32x20x32x32xi32, #tpu.memory_space<hbm>> -> memref<1x1x32x32xi32, #tpu.memory_space<hbm>>
        %dma_start3A_154 = tpu.memref_squeeze %dma_start3A_153 : memref<1x1x32x32xi32, #tpu.memory_space<hbm>> -> memref<32x32xi32, #tpu.memory_space<hbm>>
        %dma_start3A_155 = arith.constant 0 : i32
        %dma_start3A_156 = arith.constant 0 : i32
        %dma_start3A_157 = tpu.memref_slice %arg3[%add3A, %add3A_150, %dma_start3A_155, %dma_start3A_156] : memref<32x20x32x32xi32, #tpu.memory_space<hbm>> -> memref<1x1x32x32xi32, #tpu.memory_space<hbm>>
        %dma_start3A_158 = tpu.memref_squeeze %dma_start3A_157 : memref<1x1x32x32xi32, #tpu.memory_space<hbm>> -> memref<32x32xi32, #tpu.memory_space<hbm>>
        tpu.enqueue_dma source(%dma_start3A_158 : memref<32x32xi32, #tpu.memory_space<hbm>>) target(%arg5 : memref<32x32xi32, #tpu.memory_space<vmem>>) target_semaphore(%arg33 : memref<!tpu.dma_semaphore, #tpu.memory_space<semaphore_mem>>)
      } else {
      }
      %scan3A_108 = arith.constant 0 : i32
      %scan3A_109 = arith.constant 0 : i32
      %scan3A_110 = arith.constant 2 : i32
      %scan3A_111 = arith.addi %scan3A_109, %scan3A_110 : i32
      %scan3A_112 = arith.constant 1 : i32
      scf.for %scan3A_149 = %scan3A_109 to %scan3A_111 step %scan3A_112  : i32 {
        %mul3A_150 = arith.constant 8 : i32
        %mul3A_151 = arith.muli %mul3A_150, %scan3A_149 : i32
        %add3A_152 = arith.constant 0 : i32
        %add3A_153 = arith.addi %mul3A_151, %add3A_152 : i32
        %ge3A = arith.constant 4 : i32
        %ge3A_154 = arith.cmpi sge, %add3A_153, %ge3A : i32
        %convert_element_type3A_155 = arith.extui %ge3A_154 : i1 to i32
        %cond3A_156 = arith.constant 0 : i32
        %cond3A_157 = arith.cmpi ne, %convert_element_type3A_155, %cond3A_156 : i32
        scf.if %cond3A_157 {
          %add3A_389 = arith.constant 16 : i32
          %add3A_390 = arith.addi %add3A_389, %add3A_153 : i32
          %sub3A = arith.constant 4 : i32
          %sub3A_391 = arith.subi %add3A_390, %sub3A : i32
          %dma_wait3A_392 = arith.constant 0 : i32
          %dma_wait3A_393 = tpu.memref_slice %arg6[%sub3A_391, %dma_wait3A_392] : memref<32x32xi32, #tpu.memory_space<vmem>> -> memref<1x32xi32, #tpu.memory_space<vmem>>
          %dma_wait3A_394 = tpu.memref_squeeze %dma_wait3A_393 : memref<1x32xi32, #tpu.memory_space<vmem>> -> memref<32xi32, #tpu.memory_space<vmem>>
          %dma_wait3A_395 = arith.constant 0 : i32
          %dma_wait3A_396 = arith.constant 0 : i32
          %dma_wait3A_397 = tpu.memref_slice %arg16[%dma_wait3A_395, %dma_wait3A_396] : memref<10240x128xf32, #tpu.memory_space<vmem_shared>> -> memref<10240x128xf32, #tpu.memory_space<vmem_shared>>
          tpu.wait_indirect_dma semaphore(%arg29 : memref<!tpu.dma_semaphore, #tpu.memory_space<semaphore_mem>>) src(%arg11 : memref<32x128xf32, #tpu.memory_space<vmem>>) dst(%dma_wait3A_397 : memref<10240x128xf32, #tpu.memory_space<vmem_shared>>)
        } else {
        }
        %add3A_158 = arith.constant 4 : i32
        %add3A_159 = arith.addi %add3A_153, %add3A_158 : i32
        %lt3A_160 = arith.constant 16 : i32
        %lt3A_161 = arith.cmpi slt, %add3A_159, %lt3A_160 : i32
        %convert_element_type3A_162 = arith.extui %lt3A_161 : i1 to i32
        %cond3A_163 = arith.constant 0 : i32
        %cond3A_164 = arith.cmpi ne, %convert_element_type3A_162, %cond3A_163 : i32
        scf.if %cond3A_164 {
          %add3A_389 = arith.constant 4 : i32
          %add3A_390 = arith.addi %add3A_153, %add3A_389 : i32
          %dma_start3A_391 = arith.constant 0 : i32
          %dma_start3A_392 = tpu.memref_slice %arg6[%add3A_390, %dma_start3A_391] : memref<32x32xi32, #tpu.memory_space<vmem>> -> memref<1x32xi32, #tpu.memory_space<vmem>>
          %dma_start3A_393 = tpu.memref_squeeze %dma_start3A_392 : memref<1x32xi32, #tpu.memory_space<vmem>> -> memref<32xi32, #tpu.memory_space<vmem>>
          %dma_start3A_394 = arith.constant 0 : i32
          %dma_start3A_395 = arith.constant 0 : i32
          %dma_start3A_396 = tpu.memref_slice %arg2[%dma_start3A_394, %dma_start3A_395] : memref<10000x128xf32, #tpu.memory_space<hbm>> -> memref<10000x128xf32, #tpu.memory_space<hbm>>
          tpu.enqueue_indirect_dma source(%dma_start3A_396 : memref<10000x128xf32, #tpu.memory_space<hbm>>) target(%arg11 : memref<32x128xf32, #tpu.memory_space<vmem>>) offsets(%dma_start3A_393 : memref<32xi32, #tpu.memory_space<vmem>>) semaphore(%arg21 : memref<!tpu.dma_semaphore, #tpu.memory_space<semaphore_mem>>)
        } else {
        }
        %dma_wait3A_165 = arith.constant 0 : i32
        %dma_wait3A_166 = tpu.memref_slice %arg6[%add3A_153, %dma_wait3A_165] : memref<32x32xi32, #tpu.memory_space<vmem>> -> memref<1x32xi32, #tpu.memory_space<vmem>>
        %dma_wait3A_167 = tpu.memref_squeeze %dma_wait3A_166 : memref<1x32xi32, #tpu.memory_space<vmem>> -> memref<32xi32, #tpu.memory_space<vmem>>
        %dma_wait3A_168 = arith.constant 0 : i32
        %dma_wait3A_169 = arith.constant 0 : i32
        %dma_wait3A_170 = tpu.memref_slice %arg2[%dma_wait3A_168, %dma_wait3A_169] : memref<10000x128xf32, #tpu.memory_space<hbm>> -> memref<10000x128xf32, #tpu.memory_space<hbm>>
        tpu.wait_indirect_dma semaphore(%arg17 : memref<!tpu.dma_semaphore, #tpu.memory_space<semaphore_mem>>) src(%dma_wait3A_170 : memref<10000x128xf32, #tpu.memory_space<hbm>>) dst(%arg7 : memref<32x128xf32, #tpu.memory_space<vmem>>)
        %add3A_171 = arith.constant 16 : i32
        %add3A_172 = arith.addi %add3A_171, %add3A_153 : i32
        %dma_start3A_173 = arith.constant 0 : i32
        %dma_start3A_174 = tpu.memref_slice %arg6[%add3A_172, %dma_start3A_173] : memref<32x32xi32, #tpu.memory_space<vmem>> -> memref<1x32xi32, #tpu.memory_space<vmem>>
        %dma_start3A_175 = tpu.memref_squeeze %dma_start3A_174 : memref<1x32xi32, #tpu.memory_space<vmem>> -> memref<32xi32, #tpu.memory_space<vmem>>
        %dma_start3A_176 = arith.constant 0 : i32
        %dma_start3A_177 = arith.constant 0 : i32
        %dma_start3A_178 = tpu.memref_slice %arg16[%dma_start3A_176, %dma_start3A_177] : memref<10240x128xf32, #tpu.memory_space<vmem_shared>> -> memref<10240x128xf32, #tpu.memory_space<vmem_shared>>
        tpu.enqueue_indirect_dma source(%arg7 : memref<32x128xf32, #tpu.memory_space<vmem>>) target(%dma_start3A_178 : memref<10240x128xf32, #tpu.memory_space<vmem_shared>>) offsets(%dma_start3A_175 : memref<32xi32, #tpu.memory_space<vmem>>) semaphore(%arg25 : memref<!tpu.dma_semaphore, #tpu.memory_space<semaphore_mem>>) {add = true}
        %mul3A_179 = arith.constant 8 : i32
        %mul3A_180 = arith.muli %mul3A_179, %scan3A_149 : i32
        %add3A_181 = arith.constant 1 : i32
        %add3A_182 = arith.addi %mul3A_180, %add3A_181 : i32
        %ge3A_183 = arith.constant 4 : i32
        %ge3A_184 = arith.cmpi sge, %add3A_182, %ge3A_183 : i32
        %convert_element_type3A_185 = arith.extui %ge3A_184 : i1 to i32
        %cond3A_186 = arith.constant 0 : i32
        %cond3A_187 = arith.cmpi ne, %convert_element_type3A_185, %cond3A_186 : i32
        scf.if %cond3A_187 {
          %add3A_389 = arith.constant 16 : i32
          %add3A_390 = arith.addi %add3A_389, %add3A_182 : i32
          %sub3A = arith.constant 4 : i32
          %sub3A_391 = arith.subi %add3A_390, %sub3A : i32
          %dma_wait3A_392 = arith.constant 0 : i32
          %dma_wait3A_393 = tpu.memref_slice %arg6[%sub3A_391, %dma_wait3A_392] : memref<32x32xi32, #tpu.memory_space<vmem>> -> memref<1x32xi32, #tpu.memory_space<vmem>>
          %dma_wait3A_394 = tpu.memref_squeeze %dma_wait3A_393 : memref<1x32xi32, #tpu.memory_space<vmem>> -> memref<32xi32, #tpu.memory_space<vmem>>
          %dma_wait3A_395 = arith.constant 0 : i32
          %dma_wait3A_396 = arith.constant 0 : i32
          %dma_wait3A_397 = tpu.memref_slice %arg16[%dma_wait3A_395, %dma_wait3A_396] : memref<10240x128xf32, #tpu.memory_space<vmem_shared>> -> memref<10240x128xf32, #tpu.memory_space<vmem_shared>>
          tpu.wait_indirect_dma semaphore(%arg30 : memref<!tpu.dma_semaphore, #tpu.memory_space<semaphore_mem>>) src(%arg12 : memref<32x128xf32, #tpu.memory_space<vmem>>) dst(%dma_wait3A_397 : memref<10240x128xf32, #tpu.memory_space<vmem_shared>>)
        } else {
        }
        %add3A_188 = arith.constant 4 : i32
        %add3A_189 = arith.addi %add3A_182, %add3A_188 : i32
        %lt3A_190 = arith.constant 16 : i32
        %lt3A_191 = arith.cmpi slt, %add3A_189, %lt3A_190 : i32
        %convert_element_type3A_192 = arith.extui %lt3A_191 : i1 to i32
        %cond3A_193 = arith.constant 0 : i32
        %cond3A_194 = arith.cmpi ne, %convert_element_type3A_192, %cond3A_193 : i32
        scf.if %cond3A_194 {
          %add3A_389 = arith.constant 4 : i32
          %add3A_390 = arith.addi %add3A_182, %add3A_389 : i32
          %dma_start3A_391 = arith.constant 0 : i32
          %dma_start3A_392 = tpu.memref_slice %arg6[%add3A_390, %dma_start3A_391] : memref<32x32xi32, #tpu.memory_space<vmem>> -> memref<1x32xi32, #tpu.memory_space<vmem>>
          %dma_start3A_393 = tpu.memref_squeeze %dma_start3A_392 : memref<1x32xi32, #tpu.memory_space<vmem>> -> memref<32xi32, #tpu.memory_space<vmem>>
          %dma_start3A_394 = arith.constant 0 : i32
          %dma_start3A_395 = arith.constant 0 : i32
          %dma_start3A_396 = tpu.memref_slice %arg2[%dma_start3A_394, %dma_start3A_395] : memref<10000x128xf32, #tpu.memory_space<hbm>> -> memref<10000x128xf32, #tpu.memory_space<hbm>>
          tpu.enqueue_indirect_dma source(%dma_start3A_396 : memref<10000x128xf32, #tpu.memory_space<hbm>>) target(%arg12 : memref<32x128xf32, #tpu.memory_space<vmem>>) offsets(%dma_start3A_393 : memref<32xi32, #tpu.memory_space<vmem>>) semaphore(%arg22 : memref<!tpu.dma_semaphore, #tpu.memory_space<semaphore_mem>>)
        } else {
        }
        %dma_wait3A_195 = arith.constant 0 : i32
        %dma_wait3A_196 = tpu.memref_slice %arg6[%add3A_182, %dma_wait3A_195] : memref<32x32xi32, #tpu.memory_space<vmem>> -> memref<1x32xi32, #tpu.memory_space<vmem>>
        %dma_wait3A_197 = tpu.memref_squeeze %dma_wait3A_196 : memref<1x32xi32, #tpu.memory_space<vmem>> -> memref<32xi32, #tpu.memory_space<vmem>>
        %dma_wait3A_198 = arith.constant 0 : i32
        %dma_wait3A_199 = arith.constant 0 : i32
        %dma_wait3A_200 = tpu.memref_slice %arg2[%dma_wait3A_198, %dma_wait3A_199] : memref<10000x128xf32, #tpu.memory_space<hbm>> -> memref<10000x128xf32, #tpu.memory_space<hbm>>
        tpu.wait_indirect_dma semaphore(%arg18 : memref<!tpu.dma_semaphore, #tpu.memory_space<semaphore_mem>>) src(%dma_wait3A_200 : memref<10000x128xf32, #tpu.memory_space<hbm>>) dst(%arg8 : memref<32x128xf32, #tpu.memory_space<vmem>>)
        %add3A_201 = arith.constant 16 : i32
        %add3A_202 = arith.addi %add3A_201, %add3A_182 : i32
        %dma_start3A_203 = arith.constant 0 : i32
        %dma_start3A_204 = tpu.memref_slice %arg6[%add3A_202, %dma_start3A_203] : memref<32x32xi32, #tpu.memory_space<vmem>> -> memref<1x32xi32, #tpu.memory_space<vmem>>
        %dma_start3A_205 = tpu.memref_squeeze %dma_start3A_204 : memref<1x32xi32, #tpu.memory_space<vmem>> -> memref<32xi32, #tpu.memory_space<vmem>>
        %dma_start3A_206 = arith.constant 0 : i32
        %dma_start3A_207 = arith.constant 0 : i32
        %dma_start3A_208 = tpu.memref_slice %arg16[%dma_start3A_206, %dma_start3A_207] : memref<10240x128xf32, #tpu.memory_space<vmem_shared>> -> memref<10240x128xf32, #tpu.memory_space<vmem_shared>>
        tpu.enqueue_indirect_dma source(%arg8 : memref<32x128xf32, #tpu.memory_space<vmem>>) target(%dma_start3A_208 : memref<10240x128xf32, #tpu.memory_space<vmem_shared>>) offsets(%dma_start3A_205 : memref<32xi32, #tpu.memory_space<vmem>>) semaphore(%arg26 : memref<!tpu.dma_semaphore, #tpu.memory_space<semaphore_mem>>) {add = true}
        %mul3A_209 = arith.constant 8 : i32
        %mul3A_210 = arith.muli %mul3A_209, %scan3A_149 : i32
        %add3A_211 = arith.constant 2 : i32
        %add3A_212 = arith.addi %mul3A_210, %add3A_211 : i32
        %ge3A_213 = arith.constant 4 : i32
        %ge3A_214 = arith.cmpi sge, %add3A_212, %ge3A_213 : i32
        %convert_element_type3A_215 = arith.extui %ge3A_214 : i1 to i32
        %cond3A_216 = arith.constant 0 : i32
        %cond3A_217 = arith.cmpi ne, %convert_element_type3A_215, %cond3A_216 : i32
        scf.if %cond3A_217 {
          %add3A_389 = arith.constant 16 : i32
          %add3A_390 = arith.addi %add3A_389, %add3A_212 : i32
          %sub3A = arith.constant 4 : i32
          %sub3A_391 = arith.subi %add3A_390, %sub3A : i32
          %dma_wait3A_392 = arith.constant 0 : i32
          %dma_wait3A_393 = tpu.memref_slice %arg6[%sub3A_391, %dma_wait3A_392] : memref<32x32xi32, #tpu.memory_space<vmem>> -> memref<1x32xi32, #tpu.memory_space<vmem>>
          %dma_wait3A_394 = tpu.memref_squeeze %dma_wait3A_393 : memref<1x32xi32, #tpu.memory_space<vmem>> -> memref<32xi32, #tpu.memory_space<vmem>>
          %dma_wait3A_395 = arith.constant 0 : i32
          %dma_wait3A_396 = arith.constant 0 : i32
          %dma_wait3A_397 = tpu.memref_slice %arg16[%dma_wait3A_395, %dma_wait3A_396] : memref<10240x128xf32, #tpu.memory_space<vmem_shared>> -> memref<10240x128xf32, #tpu.memory_space<vmem_shared>>
          tpu.wait_indirect_dma semaphore(%arg31 : memref<!tpu.dma_semaphore, #tpu.memory_space<semaphore_mem>>) src(%arg13 : memref<32x128xf32, #tpu.memory_space<vmem>>) dst(%dma_wait3A_397 : memref<10240x128xf32, #tpu.memory_space<vmem_shared>>)
        } else {
        }
        %add3A_218 = arith.constant 4 : i32
        %add3A_219 = arith.addi %add3A_212, %add3A_218 : i32
        %lt3A_220 = arith.constant 16 : i32
        %lt3A_221 = arith.cmpi slt, %add3A_219, %lt3A_220 : i32
        %convert_element_type3A_222 = arith.extui %lt3A_221 : i1 to i32
        %cond3A_223 = arith.constant 0 : i32
        %cond3A_224 = arith.cmpi ne, %convert_element_type3A_222, %cond3A_223 : i32
        scf.if %cond3A_224 {
          %add3A_389 = arith.constant 4 : i32
          %add3A_390 = arith.addi %add3A_212, %add3A_389 : i32
          %dma_start3A_391 = arith.constant 0 : i32
          %dma_start3A_392 = tpu.memref_slice %arg6[%add3A_390, %dma_start3A_391] : memref<32x32xi32, #tpu.memory_space<vmem>> -> memref<1x32xi32, #tpu.memory_space<vmem>>
          %dma_start3A_393 = tpu.memref_squeeze %dma_start3A_392 : memref<1x32xi32, #tpu.memory_space<vmem>> -> memref<32xi32, #tpu.memory_space<vmem>>
          %dma_start3A_394 = arith.constant 0 : i32
          %dma_start3A_395 = arith.constant 0 : i32
          %dma_start3A_396 = tpu.memref_slice %arg2[%dma_start3A_394, %dma_start3A_395] : memref<10000x128xf32, #tpu.memory_space<hbm>> -> memref<10000x128xf32, #tpu.memory_space<hbm>>
          tpu.enqueue_indirect_dma source(%dma_start3A_396 : memref<10000x128xf32, #tpu.memory_space<hbm>>) target(%arg13 : memref<32x128xf32, #tpu.memory_space<vmem>>) offsets(%dma_start3A_393 : memref<32xi32, #tpu.memory_space<vmem>>) semaphore(%arg23 : memref<!tpu.dma_semaphore, #tpu.memory_space<semaphore_mem>>)
        } else {
        }
        %dma_wait3A_225 = arith.constant 0 : i32
        %dma_wait3A_226 = tpu.memref_slice %arg6[%add3A_212, %dma_wait3A_225] : memref<32x32xi32, #tpu.memory_space<vmem>> -> memref<1x32xi32, #tpu.memory_space<vmem>>
        %dma_wait3A_227 = tpu.memref_squeeze %dma_wait3A_226 : memref<1x32xi32, #tpu.memory_space<vmem>> -> memref<32xi32, #tpu.memory_space<vmem>>
        %dma_wait3A_228 = arith.constant 0 : i32
        %dma_wait3A_229 = arith.constant 0 : i32
        %dma_wait3A_230 = tpu.memref_slice %arg2[%dma_wait3A_228, %dma_wait3A_229] : memref<10000x128xf32, #tpu.memory_space<hbm>> -> memref<10000x128xf32, #tpu.memory_space<hbm>>
        tpu.wait_indirect_dma semaphore(%arg19 : memref<!tpu.dma_semaphore, #tpu.memory_space<semaphore_mem>>) src(%dma_wait3A_230 : memref<10000x128xf32, #tpu.memory_space<hbm>>) dst(%arg9 : memref<32x128xf32, #tpu.memory_space<vmem>>)
        %add3A_231 = arith.constant 16 : i32
        %add3A_232 = arith.addi %add3A_231, %add3A_212 : i32
        %dma_start3A_233 = arith.constant 0 : i32
        %dma_start3A_234 = tpu.memref_slice %arg6[%add3A_232, %dma_start3A_233] : memref<32x32xi32, #tpu.memory_space<vmem>> -> memref<1x32xi32, #tpu.memory_space<vmem>>
        %dma_start3A_235 = tpu.memref_squeeze %dma_start3A_234 : memref<1x32xi32, #tpu.memory_space<vmem>> -> memref<32xi32, #tpu.memory_space<vmem>>
        %dma_start3A_236 = arith.constant 0 : i32
        %dma_start3A_237 = arith.constant 0 : i32
        %dma_start3A_238 = tpu.memref_slice %arg16[%dma_start3A_236, %dma_start3A_237] : memref<10240x128xf32, #tpu.memory_space<vmem_shared>> -> memref<10240x128xf32, #tpu.memory_space<vmem_shared>>
        tpu.enqueue_indirect_dma source(%arg9 : memref<32x128xf32, #tpu.memory_space<vmem>>) target(%dma_start3A_238 : memref<10240x128xf32, #tpu.memory_space<vmem_shared>>) offsets(%dma_start3A_235 : memref<32xi32, #tpu.memory_space<vmem>>) semaphore(%arg27 : memref<!tpu.dma_semaphore, #tpu.memory_space<semaphore_mem>>) {add = true}
        %mul3A_239 = arith.constant 8 : i32
        %mul3A_240 = arith.muli %mul3A_239, %scan3A_149 : i32
        %add3A_241 = arith.constant 3 : i32
        %add3A_242 = arith.addi %mul3A_240, %add3A_241 : i32
        %ge3A_243 = arith.constant 4 : i32
        %ge3A_244 = arith.cmpi sge, %add3A_242, %ge3A_243 : i32
        %convert_element_type3A_245 = arith.extui %ge3A_244 : i1 to i32
        %cond3A_246 = arith.constant 0 : i32
        %cond3A_247 = arith.cmpi ne, %convert_element_type3A_245, %cond3A_246 : i32
        scf.if %cond3A_247 {
          %add3A_389 = arith.constant 16 : i32
          %add3A_390 = arith.addi %add3A_389, %add3A_242 : i32
          %sub3A = arith.constant 4 : i32
          %sub3A_391 = arith.subi %add3A_390, %sub3A : i32
          %dma_wait3A_392 = arith.constant 0 : i32
          %dma_wait3A_393 = tpu.memref_slice %arg6[%sub3A_391, %dma_wait3A_392] : memref<32x32xi32, #tpu.memory_space<vmem>> -> memref<1x32xi32, #tpu.memory_space<vmem>>
          %dma_wait3A_394 = tpu.memref_squeeze %dma_wait3A_393 : memref<1x32xi32, #tpu.memory_space<vmem>> -> memref<32xi32, #tpu.memory_space<vmem>>
          %dma_wait3A_395 = arith.constant 0 : i32
          %dma_wait3A_396 = arith.constant 0 : i32
          %dma_wait3A_397 = tpu.memref_slice %arg16[%dma_wait3A_395, %dma_wait3A_396] : memref<10240x128xf32, #tpu.memory_space<vmem_shared>> -> memref<10240x128xf32, #tpu.memory_space<vmem_shared>>
          tpu.wait_indirect_dma semaphore(%arg32 : memref<!tpu.dma_semaphore, #tpu.memory_space<semaphore_mem>>) src(%arg14 : memref<32x128xf32, #tpu.memory_space<vmem>>) dst(%dma_wait3A_397 : memref<10240x128xf32, #tpu.memory_space<vmem_shared>>)
        } else {
        }
        %add3A_248 = arith.constant 4 : i32
        %add3A_249 = arith.addi %add3A_242, %add3A_248 : i32
        %lt3A_250 = arith.constant 16 : i32
        %lt3A_251 = arith.cmpi slt, %add3A_249, %lt3A_250 : i32
        %convert_element_type3A_252 = arith.extui %lt3A_251 : i1 to i32
        %cond3A_253 = arith.constant 0 : i32
        %cond3A_254 = arith.cmpi ne, %convert_element_type3A_252, %cond3A_253 : i32
        scf.if %cond3A_254 {
          %add3A_389 = arith.constant 4 : i32
          %add3A_390 = arith.addi %add3A_242, %add3A_389 : i32
          %dma_start3A_391 = arith.constant 0 : i32
          %dma_start3A_392 = tpu.memref_slice %arg6[%add3A_390, %dma_start3A_391] : memref<32x32xi32, #tpu.memory_space<vmem>> -> memref<1x32xi32, #tpu.memory_space<vmem>>
          %dma_start3A_393 = tpu.memref_squeeze %dma_start3A_392 : memref<1x32xi32, #tpu.memory_space<vmem>> -> memref<32xi32, #tpu.memory_space<vmem>>
          %dma_start3A_394 = arith.constant 0 : i32
          %dma_start3A_395 = arith.constant 0 : i32
          %dma_start3A_396 = tpu.memref_slice %arg2[%dma_start3A_394, %dma_start3A_395] : memref<10000x128xf32, #tpu.memory_space<hbm>> -> memref<10000x128xf32, #tpu.memory_space<hbm>>
          tpu.enqueue_indirect_dma source(%dma_start3A_396 : memref<10000x128xf32, #tpu.memory_space<hbm>>) target(%arg14 : memref<32x128xf32, #tpu.memory_space<vmem>>) offsets(%dma_start3A_393 : memref<32xi32, #tpu.memory_space<vmem>>) semaphore(%arg24 : memref<!tpu.dma_semaphore, #tpu.memory_space<semaphore_mem>>)
        } else {
        }
        %dma_wait3A_255 = arith.constant 0 : i32
        %dma_wait3A_256 = tpu.memref_slice %arg6[%add3A_242, %dma_wait3A_255] : memref<32x32xi32, #tpu.memory_space<vmem>> -> memref<1x32xi32, #tpu.memory_space<vmem>>
        %dma_wait3A_257 = tpu.memref_squeeze %dma_wait3A_256 : memref<1x32xi32, #tpu.memory_space<vmem>> -> memref<32xi32, #tpu.memory_space<vmem>>
        %dma_wait3A_258 = arith.constant 0 : i32
        %dma_wait3A_259 = arith.constant 0 : i32
        %dma_wait3A_260 = tpu.memref_slice %arg2[%dma_wait3A_258, %dma_wait3A_259] : memref<10000x128xf32, #tpu.memory_space<hbm>> -> memref<10000x128xf32, #tpu.memory_space<hbm>>
        tpu.wait_indirect_dma semaphore(%arg20 : memref<!tpu.dma_semaphore, #tpu.memory_space<semaphore_mem>>) src(%dma_wait3A_260 : memref<10000x128xf32, #tpu.memory_space<hbm>>) dst(%arg10 : memref<32x128xf32, #tpu.memory_space<vmem>>)
        %add3A_261 = arith.constant 16 : i32
        %add3A_262 = arith.addi %add3A_261, %add3A_242 : i32
        %dma_start3A_263 = arith.constant 0 : i32
        %dma_start3A_264 = tpu.memref_slice %arg6[%add3A_262, %dma_start3A_263] : memref<32x32xi32, #tpu.memory_space<vmem>> -> memref<1x32xi32, #tpu.memory_space<vmem>>
        %dma_start3A_265 = tpu.memref_squeeze %dma_start3A_264 : memref<1x32xi32, #tpu.memory_space<vmem>> -> memref<32xi32, #tpu.memory_space<vmem>>
        %dma_start3A_266 = arith.constant 0 : i32
        %dma_start3A_267 = arith.constant 0 : i32
        %dma_start3A_268 = tpu.memref_slice %arg16[%dma_start3A_266, %dma_start3A_267] : memref<10240x128xf32, #tpu.memory_space<vmem_shared>> -> memref<10240x128xf32, #tpu.memory_space<vmem_shared>>
        tpu.enqueue_indirect_dma source(%arg10 : memref<32x128xf32, #tpu.memory_space<vmem>>) target(%dma_start3A_268 : memref<10240x128xf32, #tpu.memory_space<vmem_shared>>) offsets(%dma_start3A_265 : memref<32xi32, #tpu.memory_space<vmem>>) semaphore(%arg28 : memref<!tpu.dma_semaphore, #tpu.memory_space<semaphore_mem>>) {add = true}
        %mul3A_269 = arith.constant 8 : i32
        %mul3A_270 = arith.muli %mul3A_269, %scan3A_149 : i32
        %add3A_271 = arith.constant 4 : i32
        %add3A_272 = arith.addi %mul3A_270, %add3A_271 : i32
        %ge3A_273 = arith.constant 4 : i32
        %ge3A_274 = arith.cmpi sge, %add3A_272, %ge3A_273 : i32
        %convert_element_type3A_275 = arith.extui %ge3A_274 : i1 to i32
        %cond3A_276 = arith.constant 0 : i32
        %cond3A_277 = arith.cmpi ne, %convert_element_type3A_275, %cond3A_276 : i32
        scf.if %cond3A_277 {
          %add3A_389 = arith.constant 16 : i32
          %add3A_390 = arith.addi %add3A_389, %add3A_272 : i32
          %sub3A = arith.constant 4 : i32
          %sub3A_391 = arith.subi %add3A_390, %sub3A : i32
          %dma_wait3A_392 = arith.constant 0 : i32
          %dma_wait3A_393 = tpu.memref_slice %arg6[%sub3A_391, %dma_wait3A_392] : memref<32x32xi32, #tpu.memory_space<vmem>> -> memref<1x32xi32, #tpu.memory_space<vmem>>
          %dma_wait3A_394 = tpu.memref_squeeze %dma_wait3A_393 : memref<1x32xi32, #tpu.memory_space<vmem>> -> memref<32xi32, #tpu.memory_space<vmem>>
          %dma_wait3A_395 = arith.constant 0 : i32
          %dma_wait3A_396 = arith.constant 0 : i32
          %dma_wait3A_397 = tpu.memref_slice %arg16[%dma_wait3A_395, %dma_wait3A_396] : memref<10240x128xf32, #tpu.memory_space<vmem_shared>> -> memref<10240x128xf32, #tpu.memory_space<vmem_shared>>
          tpu.wait_indirect_dma semaphore(%arg25 : memref<!tpu.dma_semaphore, #tpu.memory_space<semaphore_mem>>) src(%arg7 : memref<32x128xf32, #tpu.memory_space<vmem>>) dst(%dma_wait3A_397 : memref<10240x128xf32, #tpu.memory_space<vmem_shared>>)
        } else {
        }
        %add3A_278 = arith.constant 4 : i32
        %add3A_279 = arith.addi %add3A_272, %add3A_278 : i32
        %lt3A_280 = arith.constant 16 : i32
        %lt3A_281 = arith.cmpi slt, %add3A_279, %lt3A_280 : i32
        %convert_element_type3A_282 = arith.extui %lt3A_281 : i1 to i32
        %cond3A_283 = arith.constant 0 : i32
        %cond3A_284 = arith.cmpi ne, %convert_element_type3A_282, %cond3A_283 : i32
        scf.if %cond3A_284 {
          %add3A_389 = arith.constant 4 : i32
          %add3A_390 = arith.addi %add3A_272, %add3A_389 : i32
          %dma_start3A_391 = arith.constant 0 : i32
          %dma_start3A_392 = tpu.memref_slice %arg6[%add3A_390, %dma_start3A_391] : memref<32x32xi32, #tpu.memory_space<vmem>> -> memref<1x32xi32, #tpu.memory_space<vmem>>
          %dma_start3A_393 = tpu.memref_squeeze %dma_start3A_392 : memref<1x32xi32, #tpu.memory_space<vmem>> -> memref<32xi32, #tpu.memory_space<vmem>>
          %dma_start3A_394 = arith.constant 0 : i32
          %dma_start3A_395 = arith.constant 0 : i32
          %dma_start3A_396 = tpu.memref_slice %arg2[%dma_start3A_394, %dma_start3A_395] : memref<10000x128xf32, #tpu.memory_space<hbm>> -> memref<10000x128xf32, #tpu.memory_space<hbm>>
          tpu.enqueue_indirect_dma source(%dma_start3A_396 : memref<10000x128xf32, #tpu.memory_space<hbm>>) target(%arg7 : memref<32x128xf32, #tpu.memory_space<vmem>>) offsets(%dma_start3A_393 : memref<32xi32, #tpu.memory_space<vmem>>) semaphore(%arg17 : memref<!tpu.dma_semaphore, #tpu.memory_space<semaphore_mem>>)
        } else {
        }
        %dma_wait3A_285 = arith.constant 0 : i32
        %dma_wait3A_286 = tpu.memref_slice %arg6[%add3A_272, %dma_wait3A_285] : memref<32x32xi32, #tpu.memory_space<vmem>> -> memref<1x32xi32, #tpu.memory_space<vmem>>
        %dma_wait3A_287 = tpu.memref_squeeze %dma_wait3A_286 : memref<1x32xi32, #tpu.memory_space<vmem>> -> memref<32xi32, #tpu.memory_space<vmem>>
        %dma_wait3A_288 = arith.constant 0 : i32
        %dma_wait3A_289 = arith.constant 0 : i32
        %dma_wait3A_290 = tpu.memref_slice %arg2[%dma_wait3A_288, %dma_wait3A_289] : memref<10000x128xf32, #tpu.memory_space<hbm>> -> memref<10000x128xf32, #tpu.memory_space<hbm>>
        tpu.wait_indirect_dma semaphore(%arg21 : memref<!tpu.dma_semaphore, #tpu.memory_space<semaphore_mem>>) src(%dma_wait3A_290 : memref<10000x128xf32, #tpu.memory_space<hbm>>) dst(%arg11 : memref<32x128xf32, #tpu.memory_space<vmem>>)
        %add3A_291 = arith.constant 16 : i32
        %add3A_292 = arith.addi %add3A_291, %add3A_272 : i32
        %dma_start3A_293 = arith.constant 0 : i32
        %dma_start3A_294 = tpu.memref_slice %arg6[%add3A_292, %dma_start3A_293] : memref<32x32xi32, #tpu.memory_space<vmem>> -> memref<1x32xi32, #tpu.memory_space<vmem>>
        %dma_start3A_295 = tpu.memref_squeeze %dma_start3A_294 : memref<1x32xi32, #tpu.memory_space<vmem>> -> memref<32xi32, #tpu.memory_space<vmem>>
        %dma_start3A_296 = arith.constant 0 : i32
        %dma_start3A_297 = arith.constant 0 : i32
        %dma_start3A_298 = tpu.memref_slice %arg16[%dma_start3A_296, %dma_start3A_297] : memref<10240x128xf32, #tpu.memory_space<vmem_shared>> -> memref<10240x128xf32, #tpu.memory_space<vmem_shared>>
        tpu.enqueue_indirect_dma source(%arg11 : memref<32x128xf32, #tpu.memory_space<vmem>>) target(%dma_start3A_298 : memref<10240x128xf32, #tpu.memory_space<vmem_shared>>) offsets(%dma_start3A_295 : memref<32xi32, #tpu.memory_space<vmem>>) semaphore(%arg29 : memref<!tpu.dma_semaphore, #tpu.memory_space<semaphore_mem>>) {add = true}
        %mul3A_299 = arith.constant 8 : i32
        %mul3A_300 = arith.muli %mul3A_299, %scan3A_149 : i32
        %add3A_301 = arith.constant 5 : i32
        %add3A_302 = arith.addi %mul3A_300, %add3A_301 : i32
        %ge3A_303 = arith.constant 4 : i32
        %ge3A_304 = arith.cmpi sge, %add3A_302, %ge3A_303 : i32
        %convert_element_type3A_305 = arith.extui %ge3A_304 : i1 to i32
        %cond3A_306 = arith.constant 0 : i32
        %cond3A_307 = arith.cmpi ne, %convert_element_type3A_305, %cond3A_306 : i32
        scf.if %cond3A_307 {
          %add3A_389 = arith.constant 16 : i32
          %add3A_390 = arith.addi %add3A_389, %add3A_302 : i32
          %sub3A = arith.constant 4 : i32
          %sub3A_391 = arith.subi %add3A_390, %sub3A : i32
          %dma_wait3A_392 = arith.constant 0 : i32
          %dma_wait3A_393 = tpu.memref_slice %arg6[%sub3A_391, %dma_wait3A_392] : memref<32x32xi32, #tpu.memory_space<vmem>> -> memref<1x32xi32, #tpu.memory_space<vmem>>
          %dma_wait3A_394 = tpu.memref_squeeze %dma_wait3A_393 : memref<1x32xi32, #tpu.memory_space<vmem>> -> memref<32xi32, #tpu.memory_space<vmem>>
          %dma_wait3A_395 = arith.constant 0 : i32
          %dma_wait3A_396 = arith.constant 0 : i32
          %dma_wait3A_397 = tpu.memref_slice %arg16[%dma_wait3A_395, %dma_wait3A_396] : memref<10240x128xf32, #tpu.memory_space<vmem_shared>> -> memref<10240x128xf32, #tpu.memory_space<vmem_shared>>
          tpu.wait_indirect_dma semaphore(%arg26 : memref<!tpu.dma_semaphore, #tpu.memory_space<semaphore_mem>>) src(%arg8 : memref<32x128xf32, #tpu.memory_space<vmem>>) dst(%dma_wait3A_397 : memref<10240x128xf32, #tpu.memory_space<vmem_shared>>)
        } else {
        }
        %add3A_308 = arith.constant 4 : i32
        %add3A_309 = arith.addi %add3A_302, %add3A_308 : i32
        %lt3A_310 = arith.constant 16 : i32
        %lt3A_311 = arith.cmpi slt, %add3A_309, %lt3A_310 : i32
        %convert_element_type3A_312 = arith.extui %lt3A_311 : i1 to i32
        %cond3A_313 = arith.constant 0 : i32
        %cond3A_314 = arith.cmpi ne, %convert_element_type3A_312, %cond3A_313 : i32
        scf.if %cond3A_314 {
          %add3A_389 = arith.constant 4 : i32
          %add3A_390 = arith.addi %add3A_302, %add3A_389 : i32
          %dma_start3A_391 = arith.constant 0 : i32
          %dma_start3A_392 = tpu.memref_slice %arg6[%add3A_390, %dma_start3A_391] : memref<32x32xi32, #tpu.memory_space<vmem>> -> memref<1x32xi32, #tpu.memory_space<vmem>>
          %dma_start3A_393 = tpu.memref_squeeze %dma_start3A_392 : memref<1x32xi32, #tpu.memory_space<vmem>> -> memref<32xi32, #tpu.memory_space<vmem>>
          %dma_start3A_394 = arith.constant 0 : i32
          %dma_start3A_395 = arith.constant 0 : i32
          %dma_start3A_396 = tpu.memref_slice %arg2[%dma_start3A_394, %dma_start3A_395] : memref<10000x128xf32, #tpu.memory_space<hbm>> -> memref<10000x128xf32, #tpu.memory_space<hbm>>
          tpu.enqueue_indirect_dma source(%dma_start3A_396 : memref<10000x128xf32, #tpu.memory_space<hbm>>) target(%arg8 : memref<32x128xf32, #tpu.memory_space<vmem>>) offsets(%dma_start3A_393 : memref<32xi32, #tpu.memory_space<vmem>>) semaphore(%arg18 : memref<!tpu.dma_semaphore, #tpu.memory_space<semaphore_mem>>)
        } else {
        }
        %dma_wait3A_315 = arith.constant 0 : i32
        %dma_wait3A_316 = tpu.memref_slice %arg6[%add3A_302, %dma_wait3A_315] : memref<32x32xi32, #tpu.memory_space<vmem>> -> memref<1x32xi32, #tpu.memory_space<vmem>>
        %dma_wait3A_317 = tpu.memref_squeeze %dma_wait3A_316 : memref<1x32xi32, #tpu.memory_space<vmem>> -> memref<32xi32, #tpu.memory_space<vmem>>
        %dma_wait3A_318 = arith.constant 0 : i32
        %dma_wait3A_319 = arith.constant 0 : i32
        %dma_wait3A_320 = tpu.memref_slice %arg2[%dma_wait3A_318, %dma_wait3A_319] : memref<10000x128xf32, #tpu.memory_space<hbm>> -> memref<10000x128xf32, #tpu.memory_space<hbm>>
        tpu.wait_indirect_dma semaphore(%arg22 : memref<!tpu.dma_semaphore, #tpu.memory_space<semaphore_mem>>) src(%dma_wait3A_320 : memref<10000x128xf32, #tpu.memory_space<hbm>>) dst(%arg12 : memref<32x128xf32, #tpu.memory_space<vmem>>)
        %add3A_321 = arith.constant 16 : i32
        %add3A_322 = arith.addi %add3A_321, %add3A_302 : i32
        %dma_start3A_323 = arith.constant 0 : i32
        %dma_start3A_324 = tpu.memref_slice %arg6[%add3A_322, %dma_start3A_323] : memref<32x32xi32, #tpu.memory_space<vmem>> -> memref<1x32xi32, #tpu.memory_space<vmem>>
        %dma_start3A_325 = tpu.memref_squeeze %dma_start3A_324 : memref<1x32xi32, #tpu.memory_space<vmem>> -> memref<32xi32, #tpu.memory_space<vmem>>
        %dma_start3A_326 = arith.constant 0 : i32
        %dma_start3A_327 = arith.constant 0 : i32
        %dma_start3A_328 = tpu.memref_slice %arg16[%dma_start3A_326, %dma_start3A_327] : memref<10240x128xf32, #tpu.memory_space<vmem_shared>> -> memref<10240x128xf32, #tpu.memory_space<vmem_shared>>
        tpu.enqueue_indirect_dma source(%arg12 : memref<32x128xf32, #tpu.memory_space<vmem>>) target(%dma_start3A_328 : memref<10240x128xf32, #tpu.memory_space<vmem_shared>>) offsets(%dma_start3A_325 : memref<32xi32, #tpu.memory_space<vmem>>) semaphore(%arg30 : memref<!tpu.dma_semaphore, #tpu.memory_space<semaphore_mem>>) {add = true}
        %mul3A_329 = arith.constant 8 : i32
        %mul3A_330 = arith.muli %mul3A_329, %scan3A_149 : i32
        %add3A_331 = arith.constant 6 : i32
        %add3A_332 = arith.addi %mul3A_330, %add3A_331 : i32
        %ge3A_333 = arith.constant 4 : i32
        %ge3A_334 = arith.cmpi sge, %add3A_332, %ge3A_333 : i32
        %convert_element_type3A_335 = arith.extui %ge3A_334 : i1 to i32
        %cond3A_336 = arith.constant 0 : i32
        %cond3A_337 = arith.cmpi ne, %convert_element_type3A_335, %cond3A_336 : i32
        scf.if %cond3A_337 {
          %add3A_389 = arith.constant 16 : i32
          %add3A_390 = arith.addi %add3A_389, %add3A_332 : i32
          %sub3A = arith.constant 4 : i32
          %sub3A_391 = arith.subi %add3A_390, %sub3A : i32
          %dma_wait3A_392 = arith.constant 0 : i32
          %dma_wait3A_393 = tpu.memref_slice %arg6[%sub3A_391, %dma_wait3A_392] : memref<32x32xi32, #tpu.memory_space<vmem>> -> memref<1x32xi32, #tpu.memory_space<vmem>>
          %dma_wait3A_394 = tpu.memref_squeeze %dma_wait3A_393 : memref<1x32xi32, #tpu.memory_space<vmem>> -> memref<32xi32, #tpu.memory_space<vmem>>
          %dma_wait3A_395 = arith.constant 0 : i32
          %dma_wait3A_396 = arith.constant 0 : i32
          %dma_wait3A_397 = tpu.memref_slice %arg16[%dma_wait3A_395, %dma_wait3A_396] : memref<10240x128xf32, #tpu.memory_space<vmem_shared>> -> memref<10240x128xf32, #tpu.memory_space<vmem_shared>>
          tpu.wait_indirect_dma semaphore(%arg27 : memref<!tpu.dma_semaphore, #tpu.memory_space<semaphore_mem>>) src(%arg9 : memref<32x128xf32, #tpu.memory_space<vmem>>) dst(%dma_wait3A_397 : memref<10240x128xf32, #tpu.memory_space<vmem_shared>>)
        } else {
        }
        %add3A_338 = arith.constant 4 : i32
        %add3A_339 = arith.addi %add3A_332, %add3A_338 : i32
        %lt3A_340 = arith.constant 16 : i32
        %lt3A_341 = arith.cmpi slt, %add3A_339, %lt3A_340 : i32
        %convert_element_type3A_342 = arith.extui %lt3A_341 : i1 to i32
        %cond3A_343 = arith.constant 0 : i32
        %cond3A_344 = arith.cmpi ne, %convert_element_type3A_342, %cond3A_343 : i32
        scf.if %cond3A_344 {
          %add3A_389 = arith.constant 4 : i32
          %add3A_390 = arith.addi %add3A_332, %add3A_389 : i32
          %dma_start3A_391 = arith.constant 0 : i32
          %dma_start3A_392 = tpu.memref_slice %arg6[%add3A_390, %dma_start3A_391] : memref<32x32xi32, #tpu.memory_space<vmem>> -> memref<1x32xi32, #tpu.memory_space<vmem>>
          %dma_start3A_393 = tpu.memref_squeeze %dma_start3A_392 : memref<1x32xi32, #tpu.memory_space<vmem>> -> memref<32xi32, #tpu.memory_space<vmem>>
          %dma_start3A_394 = arith.constant 0 : i32
          %dma_start3A_395 = arith.constant 0 : i32
          %dma_start3A_396 = tpu.memref_slice %arg2[%dma_start3A_394, %dma_start3A_395] : memref<10000x128xf32, #tpu.memory_space<hbm>> -> memref<10000x128xf32, #tpu.memory_space<hbm>>
          tpu.enqueue_indirect_dma source(%dma_start3A_396 : memref<10000x128xf32, #tpu.memory_space<hbm>>) target(%arg9 : memref<32x128xf32, #tpu.memory_space<vmem>>) offsets(%dma_start3A_393 : memref<32xi32, #tpu.memory_space<vmem>>) semaphore(%arg19 : memref<!tpu.dma_semaphore, #tpu.memory_space<semaphore_mem>>)
        } else {
        }
        %dma_wait3A_345 = arith.constant 0 : i32
        %dma_wait3A_346 = tpu.memref_slice %arg6[%add3A_332, %dma_wait3A_345] : memref<32x32xi32, #tpu.memory_space<vmem>> -> memref<1x32xi32, #tpu.memory_space<vmem>>
        %dma_wait3A_347 = tpu.memref_squeeze %dma_wait3A_346 : memref<1x32xi32, #tpu.memory_space<vmem>> -> memref<32xi32, #tpu.memory_space<vmem>>
        %dma_wait3A_348 = arith.constant 0 : i32
        %dma_wait3A_349 = arith.constant 0 : i32
        %dma_wait3A_350 = tpu.memref_slice %arg2[%dma_wait3A_348, %dma_wait3A_349] : memref<10000x128xf32, #tpu.memory_space<hbm>> -> memref<10000x128xf32, #tpu.memory_space<hbm>>
        tpu.wait_indirect_dma semaphore(%arg23 : memref<!tpu.dma_semaphore, #tpu.memory_space<semaphore_mem>>) src(%dma_wait3A_350 : memref<10000x128xf32, #tpu.memory_space<hbm>>) dst(%arg13 : memref<32x128xf32, #tpu.memory_space<vmem>>)
        %add3A_351 = arith.constant 16 : i32
        %add3A_352 = arith.addi %add3A_351, %add3A_332 : i32
        %dma_start3A_353 = arith.constant 0 : i32
        %dma_start3A_354 = tpu.memref_slice %arg6[%add3A_352, %dma_start3A_353] : memref<32x32xi32, #tpu.memory_space<vmem>> -> memref<1x32xi32, #tpu.memory_space<vmem>>
        %dma_start3A_355 = tpu.memref_squeeze %dma_start3A_354 : memref<1x32xi32, #tpu.memory_space<vmem>> -> memref<32xi32, #tpu.memory_space<vmem>>
        %dma_start3A_356 = arith.constant 0 : i32
        %dma_start3A_357 = arith.constant 0 : i32
        %dma_start3A_358 = tpu.memref_slice %arg16[%dma_start3A_356, %dma_start3A_357] : memref<10240x128xf32, #tpu.memory_space<vmem_shared>> -> memref<10240x128xf32, #tpu.memory_space<vmem_shared>>
        tpu.enqueue_indirect_dma source(%arg13 : memref<32x128xf32, #tpu.memory_space<vmem>>) target(%dma_start3A_358 : memref<10240x128xf32, #tpu.memory_space<vmem_shared>>) offsets(%dma_start3A_355 : memref<32xi32, #tpu.memory_space<vmem>>) semaphore(%arg31 : memref<!tpu.dma_semaphore, #tpu.memory_space<semaphore_mem>>) {add = true}
        %mul3A_359 = arith.constant 8 : i32
        %mul3A_360 = arith.muli %mul3A_359, %scan3A_149 : i32
        %add3A_361 = arith.constant 7 : i32
        %add3A_362 = arith.addi %mul3A_360, %add3A_361 : i32
        %ge3A_363 = arith.constant 4 : i32
        %ge3A_364 = arith.cmpi sge, %add3A_362, %ge3A_363 : i32
        %convert_element_type3A_365 = arith.extui %ge3A_364 : i1 to i32
        %cond3A_366 = arith.constant 0 : i32
        %cond3A_367 = arith.cmpi ne, %convert_element_type3A_365, %cond3A_366 : i32
        scf.if %cond3A_367 {
          %add3A_389 = arith.constant 16 : i32
          %add3A_390 = arith.addi %add3A_389, %add3A_362 : i32
          %sub3A = arith.constant 4 : i32
          %sub3A_391 = arith.subi %add3A_390, %sub3A : i32
          %dma_wait3A_392 = arith.constant 0 : i32
          %dma_wait3A_393 = tpu.memref_slice %arg6[%sub3A_391, %dma_wait3A_392] : memref<32x32xi32, #tpu.memory_space<vmem>> -> memref<1x32xi32, #tpu.memory_space<vmem>>
          %dma_wait3A_394 = tpu.memref_squeeze %dma_wait3A_393 : memref<1x32xi32, #tpu.memory_space<vmem>> -> memref<32xi32, #tpu.memory_space<vmem>>
          %dma_wait3A_395 = arith.constant 0 : i32
          %dma_wait3A_396 = arith.constant 0 : i32
          %dma_wait3A_397 = tpu.memref_slice %arg16[%dma_wait3A_395, %dma_wait3A_396] : memref<10240x128xf32, #tpu.memory_space<vmem_shared>> -> memref<10240x128xf32, #tpu.memory_space<vmem_shared>>
          tpu.wait_indirect_dma semaphore(%arg28 : memref<!tpu.dma_semaphore, #tpu.memory_space<semaphore_mem>>) src(%arg10 : memref<32x128xf32, #tpu.memory_space<vmem>>) dst(%dma_wait3A_397 : memref<10240x128xf32, #tpu.memory_space<vmem_shared>>)
        } else {
        }
        %add3A_368 = arith.constant 4 : i32
        %add3A_369 = arith.addi %add3A_362, %add3A_368 : i32
        %lt3A_370 = arith.constant 16 : i32
        %lt3A_371 = arith.cmpi slt, %add3A_369, %lt3A_370 : i32
        %convert_element_type3A_372 = arith.extui %lt3A_371 : i1 to i32
        %cond3A_373 = arith.constant 0 : i32
        %cond3A_374 = arith.cmpi ne, %convert_element_type3A_372, %cond3A_373 : i32
        scf.if %cond3A_374 {
          %add3A_389 = arith.constant 4 : i32
          %add3A_390 = arith.addi %add3A_362, %add3A_389 : i32
          %dma_start3A_391 = arith.constant 0 : i32
          %dma_start3A_392 = tpu.memref_slice %arg6[%add3A_390, %dma_start3A_391] : memref<32x32xi32, #tpu.memory_space<vmem>> -> memref<1x32xi32, #tpu.memory_space<vmem>>
          %dma_start3A_393 = tpu.memref_squeeze %dma_start3A_392 : memref<1x32xi32, #tpu.memory_space<vmem>> -> memref<32xi32, #tpu.memory_space<vmem>>
          %dma_start3A_394 = arith.constant 0 : i32
          %dma_start3A_395 = arith.constant 0 : i32
          %dma_start3A_396 = tpu.memref_slice %arg2[%dma_start3A_394, %dma_start3A_395] : memref<10000x128xf32, #tpu.memory_space<hbm>> -> memref<10000x128xf32, #tpu.memory_space<hbm>>
          tpu.enqueue_indirect_dma source(%dma_start3A_396 : memref<10000x128xf32, #tpu.memory_space<hbm>>) target(%arg10 : memref<32x128xf32, #tpu.memory_space<vmem>>) offsets(%dma_start3A_393 : memref<32xi32, #tpu.memory_space<vmem>>) semaphore(%arg20 : memref<!tpu.dma_semaphore, #tpu.memory_space<semaphore_mem>>)
        } else {
        }
        %dma_wait3A_375 = arith.constant 0 : i32
        %dma_wait3A_376 = tpu.memref_slice %arg6[%add3A_362, %dma_wait3A_375] : memref<32x32xi32, #tpu.memory_space<vmem>> -> memref<1x32xi32, #tpu.memory_space<vmem>>
        %dma_wait3A_377 = tpu.memref_squeeze %dma_wait3A_376 : memref<1x32xi32, #tpu.memory_space<vmem>> -> memref<32xi32, #tpu.memory_space<vmem>>
        %dma_wait3A_378 = arith.constant 0 : i32
        %dma_wait3A_379 = arith.constant 0 : i32
        %dma_wait3A_380 = tpu.memref_slice %arg2[%dma_wait3A_378, %dma_wait3A_379] : memref<10000x128xf32, #tpu.memory_space<hbm>> -> memref<10000x128xf32, #tpu.memory_space<hbm>>
        tpu.wait_indirect_dma semaphore(%arg24 : memref<!tpu.dma_semaphore, #tpu.memory_space<semaphore_mem>>) src(%dma_wait3A_380 : memref<10000x128xf32, #tpu.memory_space<hbm>>) dst(%arg14 : memref<32x128xf32, #tpu.memory_space<vmem>>)
        %add3A_381 = arith.constant 16 : i32
        %add3A_382 = arith.addi %add3A_381, %add3A_362 : i32
        %dma_start3A_383 = arith.constant 0 : i32
        %dma_start3A_384 = tpu.memref_slice %arg6[%add3A_382, %dma_start3A_383] : memref<32x32xi32, #tpu.memory_space<vmem>> -> memref<1x32xi32, #tpu.memory_space<vmem>>
        %dma_start3A_385 = tpu.memref_squeeze %dma_start3A_384 : memref<1x32xi32, #tpu.memory_space<vmem>> -> memref<32xi32, #tpu.memory_space<vmem>>
        %dma_start3A_386 = arith.constant 0 : i32
        %dma_start3A_387 = arith.constant 0 : i32
        %dma_start3A_388 = tpu.memref_slice %arg16[%dma_start3A_386, %dma_start3A_387] : memref<10240x128xf32, #tpu.memory_space<vmem_shared>> -> memref<10240x128xf32, #tpu.memory_space<vmem_shared>>
        tpu.enqueue_indirect_dma source(%arg14 : memref<32x128xf32, #tpu.memory_space<vmem>>) target(%dma_start3A_388 : memref<10240x128xf32, #tpu.memory_space<vmem_shared>>) offsets(%dma_start3A_385 : memref<32xi32, #tpu.memory_space<vmem>>) semaphore(%arg32 : memref<!tpu.dma_semaphore, #tpu.memory_space<semaphore_mem>>) {add = true}
      }
      %scan3A_113 = arith.constant 2 : i32
      %dma_wait3A_114 = arith.constant 28 : i32
      %dma_wait3A_115 = arith.constant 0 : i32
      %dma_wait3A_116 = tpu.memref_slice %arg6[%dma_wait3A_114, %dma_wait3A_115] : memref<32x32xi32, #tpu.memory_space<vmem>> -> memref<1x32xi32, #tpu.memory_space<vmem>>
      %dma_wait3A_117 = tpu.memref_squeeze %dma_wait3A_116 : memref<1x32xi32, #tpu.memory_space<vmem>> -> memref<32xi32, #tpu.memory_space<vmem>>
      %dma_wait3A_118 = arith.constant 0 : i32
      %dma_wait3A_119 = arith.constant 0 : i32
      %dma_wait3A_120 = tpu.memref_slice %arg16[%dma_wait3A_118, %dma_wait3A_119] : memref<10240x128xf32, #tpu.memory_space<vmem_shared>> -> memref<10240x128xf32, #tpu.memory_space<vmem_shared>>
      tpu.wait_indirect_dma semaphore(%arg29 : memref<!tpu.dma_semaphore, #tpu.memory_space<semaphore_mem>>) src(%arg11 : memref<32x128xf32, #tpu.memory_space<vmem>>) dst(%dma_wait3A_120 : memref<10240x128xf32, #tpu.memory_space<vmem_shared>>)
      %dma_wait3A_121 = arith.constant 29 : i32
      %dma_wait3A_122 = arith.constant 0 : i32
      %dma_wait3A_123 = tpu.memref_slice %arg6[%dma_wait3A_121, %dma_wait3A_122] : memref<32x32xi32, #tpu.memory_space<vmem>> -> memref<1x32xi32, #tpu.memory_space<vmem>>
      %dma_wait3A_124 = tpu.memref_squeeze %dma_wait3A_123 : memref<1x32xi32, #tpu.memory_space<vmem>> -> memref<32xi32, #tpu.memory_space<vmem>>
      %dma_wait3A_125 = arith.constant 0 : i32
      %dma_wait3A_126 = arith.constant 0 : i32
      %dma_wait3A_127 = tpu.memref_slice %arg16[%dma_wait3A_125, %dma_wait3A_126] : memref<10240x128xf32, #tpu.memory_space<vmem_shared>> -> memref<10240x128xf32, #tpu.memory_space<vmem_shared>>
      tpu.wait_indirect_dma semaphore(%arg30 : memref<!tpu.dma_semaphore, #tpu.memory_space<semaphore_mem>>) src(%arg12 : memref<32x128xf32, #tpu.memory_space<vmem>>) dst(%dma_wait3A_127 : memref<10240x128xf32, #tpu.memory_space<vmem_shared>>)
      %dma_wait3A_128 = arith.constant 30 : i32
      %dma_wait3A_129 = arith.constant 0 : i32
      %dma_wait3A_130 = tpu.memref_slice %arg6[%dma_wait3A_128, %dma_wait3A_129] : memref<32x32xi32, #tpu.memory_space<vmem>> -> memref<1x32xi32, #tpu.memory_space<vmem>>
      %dma_wait3A_131 = tpu.memref_squeeze %dma_wait3A_130 : memref<1x32xi32, #tpu.memory_space<vmem>> -> memref<32xi32, #tpu.memory_space<vmem>>
      %dma_wait3A_132 = arith.constant 0 : i32
      %dma_wait3A_133 = arith.constant 0 : i32
      %dma_wait3A_134 = tpu.memref_slice %arg16[%dma_wait3A_132, %dma_wait3A_133] : memref<10240x128xf32, #tpu.memory_space<vmem_shared>> -> memref<10240x128xf32, #tpu.memory_space<vmem_shared>>
      tpu.wait_indirect_dma semaphore(%arg31 : memref<!tpu.dma_semaphore, #tpu.memory_space<semaphore_mem>>) src(%arg13 : memref<32x128xf32, #tpu.memory_space<vmem>>) dst(%dma_wait3A_134 : memref<10240x128xf32, #tpu.memory_space<vmem_shared>>)
      %dma_wait3A_135 = arith.constant 31 : i32
      %dma_wait3A_136 = arith.constant 0 : i32
      %dma_wait3A_137 = tpu.memref_slice %arg6[%dma_wait3A_135, %dma_wait3A_136] : memref<32x32xi32, #tpu.memory_space<vmem>> -> memref<1x32xi32, #tpu.memory_space<vmem>>
      %dma_wait3A_138 = tpu.memref_squeeze %dma_wait3A_137 : memref<1x32xi32, #tpu.memory_space<vmem>> -> memref<32xi32, #tpu.memory_space<vmem>>
      %dma_wait3A_139 = arith.constant 0 : i32
      %dma_wait3A_140 = arith.constant 0 : i32
      %dma_wait3A_141 = tpu.memref_slice %arg16[%dma_wait3A_139, %dma_wait3A_140] : memref<10240x128xf32, #tpu.memory_space<vmem_shared>> -> memref<10240x128xf32, #tpu.memory_space<vmem_shared>>
      tpu.wait_indirect_dma semaphore(%arg32 : memref<!tpu.dma_semaphore, #tpu.memory_space<semaphore_mem>>) src(%arg14 : memref<32x128xf32, #tpu.memory_space<vmem>>) dst(%dma_wait3A_141 : memref<10240x128xf32, #tpu.memory_space<vmem_shared>>)
      %add3A_142 = arith.constant 1 : i32
      %add3A_143 = arith.addi %add3A_100, %add3A_142 : i32
      %lt3A_144 = arith.constant 20 : i32
      %lt3A_145 = arith.cmpi slt, %add3A_143, %lt3A_144 : i32
      %convert_element_type3A_146 = arith.extui %lt3A_145 : i1 to i32
      %cond3A_147 = arith.constant 0 : i32
      %cond3A_148 = arith.cmpi ne, %convert_element_type3A_146, %cond3A_147 : i32
      scf.if %cond3A_148 {
        %add3A_149 = arith.constant 1 : i32
        %add3A_150 = arith.addi %add3A_100, %add3A_149 : i32
        %dma_wait3A_151 = arith.constant 0 : i32
        %dma_wait3A_152 = arith.constant 0 : i32
        %dma_wait3A_153 = tpu.memref_slice %arg3[%add3A, %add3A_150, %dma_wait3A_151, %dma_wait3A_152] : memref<32x20x32x32xi32, #tpu.memory_space<hbm>> -> memref<1x1x32x32xi32, #tpu.memory_space<hbm>>
        %dma_wait3A_154 = tpu.memref_squeeze %dma_wait3A_153 : memref<1x1x32x32xi32, #tpu.memory_space<hbm>> -> memref<32x32xi32, #tpu.memory_space<hbm>>
        %dma_wait3A_155 = arith.constant 0 : i32
        %dma_wait3A_156 = arith.constant 0 : i32
        %dma_wait3A_157 = tpu.memref_slice %arg3[%add3A, %add3A_150, %dma_wait3A_155, %dma_wait3A_156] : memref<32x20x32x32xi32, #tpu.memory_space<hbm>> -> memref<1x1x32x32xi32, #tpu.memory_space<hbm>>
        %dma_wait3A_158 = tpu.memref_squeeze %dma_wait3A_157 : memref<1x1x32x32xi32, #tpu.memory_space<hbm>> -> memref<32x32xi32, #tpu.memory_space<hbm>>
        tpu.wait_dma2 semaphore(%arg33 : memref<!tpu.dma_semaphore, #tpu.memory_space<semaphore_mem>>) src(%dma_wait3A_158 : memref<32x32xi32, #tpu.memory_space<hbm>>) dst(%arg5 : memref<32x32xi32, #tpu.memory_space<vmem>>)
        %dma_start3A_159 = arith.constant 0 : i32
        %dma_start3A_160 = arith.constant 0 : i32
        %dma_start3A_161 = tpu.memref_slice %arg5[%dma_start3A_159, %dma_start3A_160] : memref<32x32xi32, #tpu.memory_space<vmem>> -> memref<1x32xi32, #tpu.memory_space<vmem>>
        %dma_start3A_162 = tpu.memref_squeeze %dma_start3A_161 : memref<1x32xi32, #tpu.memory_space<vmem>> -> memref<32xi32, #tpu.memory_space<vmem>>
        %dma_start3A_163 = arith.constant 0 : i32
        %dma_start3A_164 = arith.constant 0 : i32
        %dma_start3A_165 = tpu.memref_slice %arg2[%dma_start3A_163, %dma_start3A_164] : memref<10000x128xf32, #tpu.memory_space<hbm>> -> memref<10000x128xf32, #tpu.memory_space<hbm>>
        tpu.enqueue_indirect_dma source(%dma_start3A_165 : memref<10000x128xf32, #tpu.memory_space<hbm>>) target(%arg7 : memref<32x128xf32, #tpu.memory_space<vmem>>) offsets(%dma_start3A_162 : memref<32xi32, #tpu.memory_space<vmem>>) semaphore(%arg17 : memref<!tpu.dma_semaphore, #tpu.memory_space<semaphore_mem>>)
        %dma_start3A_166 = arith.constant 1 : i32
        %dma_start3A_167 = arith.constant 0 : i32
        %dma_start3A_168 = tpu.memref_slice %arg5[%dma_start3A_166, %dma_start3A_167] : memref<32x32xi32, #tpu.memory_space<vmem>> -> memref<1x32xi32, #tpu.memory_space<vmem>>
        %dma_start3A_169 = tpu.memref_squeeze %dma_start3A_168 : memref<1x32xi32, #tpu.memory_space<vmem>> -> memref<32xi32, #tpu.memory_space<vmem>>
        %dma_start3A_170 = arith.constant 0 : i32
        %dma_start3A_171 = arith.constant 0 : i32
        %dma_start3A_172 = tpu.memref_slice %arg2[%dma_start3A_170, %dma_start3A_171] : memref<10000x128xf32, #tpu.memory_space<hbm>> -> memref<10000x128xf32, #tpu.memory_space<hbm>>
        tpu.enqueue_indirect_dma source(%dma_start3A_172 : memref<10000x128xf32, #tpu.memory_space<hbm>>) target(%arg8 : memref<32x128xf32, #tpu.memory_space<vmem>>) offsets(%dma_start3A_169 : memref<32xi32, #tpu.memory_space<vmem>>) semaphore(%arg18 : memref<!tpu.dma_semaphore, #tpu.memory_space<semaphore_mem>>)
        %dma_start3A_173 = arith.constant 2 : i32
        %dma_start3A_174 = arith.constant 0 : i32
        %dma_start3A_175 = tpu.memref_slice %arg5[%dma_start3A_173, %dma_start3A_174] : memref<32x32xi32, #tpu.memory_space<vmem>> -> memref<1x32xi32, #tpu.memory_space<vmem>>
        %dma_start3A_176 = tpu.memref_squeeze %dma_start3A_175 : memref<1x32xi32, #tpu.memory_space<vmem>> -> memref<32xi32, #tpu.memory_space<vmem>>
        %dma_start3A_177 = arith.constant 0 : i32
        %dma_start3A_178 = arith.constant 0 : i32
        %dma_start3A_179 = tpu.memref_slice %arg2[%dma_start3A_177, %dma_start3A_178] : memref<10000x128xf32, #tpu.memory_space<hbm>> -> memref<10000x128xf32, #tpu.memory_space<hbm>>
        tpu.enqueue_indirect_dma source(%dma_start3A_179 : memref<10000x128xf32, #tpu.memory_space<hbm>>) target(%arg9 : memref<32x128xf32, #tpu.memory_space<vmem>>) offsets(%dma_start3A_176 : memref<32xi32, #tpu.memory_space<vmem>>) semaphore(%arg19 : memref<!tpu.dma_semaphore, #tpu.memory_space<semaphore_mem>>)
        %dma_start3A_180 = arith.constant 3 : i32
        %dma_start3A_181 = arith.constant 0 : i32
        %dma_start3A_182 = tpu.memref_slice %arg5[%dma_start3A_180, %dma_start3A_181] : memref<32x32xi32, #tpu.memory_space<vmem>> -> memref<1x32xi32, #tpu.memory_space<vmem>>
        %dma_start3A_183 = tpu.memref_squeeze %dma_start3A_182 : memref<1x32xi32, #tpu.memory_space<vmem>> -> memref<32xi32, #tpu.memory_space<vmem>>
        %dma_start3A_184 = arith.constant 0 : i32
        %dma_start3A_185 = arith.constant 0 : i32
        %dma_start3A_186 = tpu.memref_slice %arg2[%dma_start3A_184, %dma_start3A_185] : memref<10000x128xf32, #tpu.memory_space<hbm>> -> memref<10000x128xf32, #tpu.memory_space<hbm>>
        tpu.enqueue_indirect_dma source(%dma_start3A_186 : memref<10000x128xf32, #tpu.memory_space<hbm>>) target(%arg10 : memref<32x128xf32, #tpu.memory_space<vmem>>) offsets(%dma_start3A_183 : memref<32xi32, #tpu.memory_space<vmem>>) semaphore(%arg20 : memref<!tpu.dma_semaphore, #tpu.memory_space<semaphore_mem>>)
      } else {
      }
    }
    %scan3A_46 = arith.constant 10 : i32
    %barrier3A_47 = arith.constant 0 : index
    tpu.barrier barrier_id(%barrier3A_47)
    "tpu.region"() ({
      %run_scoped3A_48 = tpu.sem_alloc : memref<!tpu.dma_semaphore, #tpu.memory_space<semaphore_mem>>
      %dma_start3A_49 = arith.constant 0 : i32
      %dma_start3A_50 = tpu.memref_slice %arg4[%arg0, %mul3A_7, %dma_start3A_49] : memref<2x10240x128xf32, #tpu.memory_space<hbm>> -> memref<1x640x128xf32, #tpu.memory_space<hbm>>
      %dma_start3A_51 = tpu.memref_squeeze %dma_start3A_50 : memref<1x640x128xf32, #tpu.memory_space<hbm>> -> memref<640x128xf32, #tpu.memory_space<hbm>>
      %dma_start3A_52 = arith.constant 0 : i32
      %dma_start3A_53 = tpu.memref_slice %arg16[%mul3A_7, %dma_start3A_52] : memref<10240x128xf32, #tpu.memory_space<vmem_shared>> -> memref<640x128xf32, #tpu.memory_space<vmem_shared>>
      tpu.enqueue_dma source(%dma_start3A_53 : memref<640x128xf32, #tpu.memory_space<vmem_shared>>) target(%dma_start3A_51 : memref<640x128xf32, #tpu.memory_space<hbm>>) target_semaphore(%run_scoped3A_48 : memref<!tpu.dma_semaphore, #tpu.memory_space<semaphore_mem>>)
      %dma_wait3A = arith.constant 0 : i32
      %dma_wait3A_54 = tpu.memref_slice %arg4[%arg0, %mul3A_7, %dma_wait3A] : memref<2x10240x128xf32, #tpu.memory_space<hbm>> -> memref<1x640x128xf32, #tpu.memory_space<hbm>>
      %dma_wait3A_55 = tpu.memref_squeeze %dma_wait3A_54 : memref<1x640x128xf32, #tpu.memory_space<hbm>> -> memref<640x128xf32, #tpu.memory_space<hbm>>
      %dma_wait3A_56 = arith.constant 0 : i32
      %dma_wait3A_57 = tpu.memref_slice %arg16[%mul3A_7, %dma_wait3A_56] : memref<10240x128xf32, #tpu.memory_space<vmem_shared>> -> memref<640x128xf32, #tpu.memory_space<vmem_shared>>
      tpu.wait_dma2 semaphore(%run_scoped3A_48 : memref<!tpu.dma_semaphore, #tpu.memory_space<semaphore_mem>>) src(%dma_wait3A_57 : memref<640x128xf32, #tpu.memory_space<vmem_shared>>) dst(%dma_wait3A_55 : memref<640x128xf32, #tpu.memory_space<hbm>>)
      tpu.yield
    }) : () -> ()
    return
  }
}

#map = affine_map<(d0, d1) -> (0, 0)>
#map1 = affine_map<(d0, d1) -> (0, 0, 0, 0)>
#map2 = affine_map<(d0, d1) -> (0, 0, 0)>
module attributes {stable_mosaic.version = 14 : i64} {
  func.func @scat_kernel(%arg0: i32, %arg1: i32, %arg2: memref<10000x128xf32, #tpu.memory_space<hbm>>, %arg3: memref<32x20x32x32xi32, #tpu.memory_space<hbm>>, %arg4: memref<2x10240x128xf32, #tpu.memory_space<hbm>>, %arg5: memref<32x32xi32, #tpu.memory_space<vmem>>, %arg6: memref<32x32xi32, #tpu.memory_space<vmem>>, %arg7: memref<32x128xf32, #tpu.memory_space<vmem>>, %arg8: memref<32x128xf32, #tpu.memory_space<vmem>>, %arg9: memref<32x128xf32, #tpu.memory_space<vmem>>, %arg10: memref<32x128xf32, #tpu.memory_space<vmem>>, %arg11: memref<32x128xf32, #tpu.memory_space<vmem>>, %arg12: memref<32x128xf32, #tpu.memory_space<vmem>>, %arg13: memref<32x128xf32, #tpu.memory_space<vmem>>, %arg14: memref<32x128xf32, #tpu.memory_space<vmem>>, %arg15: memref<32x128xf32, #tpu.memory_space<vmem>>, %arg16: memref<10240x128xf32, #tpu.memory_space<vmem_shared>>, %arg17: memref<!tpu.dma_semaphore, #tpu.memory_space<semaphore_mem>>, %arg18: memref<!tpu.dma_semaphore, #tpu.memory_space<semaphore_mem>>, %arg19: memref<!tpu.dma_semaphore, #tpu.memory_space<semaphore_mem>>, %arg20: memref<!tpu.dma_semaphore, #tpu.memory_space<semaphore_mem>>, %arg21: memref<!tpu.dma_semaphore, #tpu.memory_space<semaphore_mem>>, %arg22: memref<!tpu.dma_semaphore, #tpu.memory_space<semaphore_mem>>, %arg23: memref<!tpu.dma_semaphore, #tpu.memory_space<semaphore_mem>>, %arg24: memref<!tpu.dma_semaphore, #tpu.memory_space<semaphore_mem>>, %arg25: memref<!tpu.dma_semaphore, #tpu.memory_space<semaphore_mem>>, %arg26: memref<!tpu.dma_semaphore, #tpu.memory_space<semaphore_mem>>, %arg27: memref<!tpu.dma_semaphore, #tpu.memory_space<semaphore_mem>>, %arg28: memref<!tpu.dma_semaphore, #tpu.memory_space<semaphore_mem>>, %arg29: memref<!tpu.dma_semaphore, #tpu.memory_space<semaphore_mem>>, %arg30: memref<!tpu.dma_semaphore, #tpu.memory_space<semaphore_mem>>, %arg31: memref<!tpu.dma_semaphore, #tpu.memory_space<semaphore_mem>>, %arg32: memref<!tpu.dma_semaphore, #tpu.memory_space<semaphore_mem>>, %arg33: memref<!tpu.dma_semaphore, #tpu.memory_space<semaphore_mem>>) attributes {dimension_semantics = [#tpu.dimension_semantics<core_parallel>, #tpu.dimension_semantics<subcore_parallel>], iteration_bounds = array<i64: 2, 16>, scalar_prefetch = 0 : i64, scratch_operands = 29 : i64, tpu.core_type = #tpu.core_type<sc_vector_subcore>, window_params = [{transform_indices = #map}, {transform_indices = #map1}, {transform_indices = #map2}]} {
    %mul3A = arith.constant 16 : i32
    %mul3A_0 = arith.muli %arg0, %mul3A : i32
    %add3A = arith.addi %mul3A_0, %arg1 : i32
    %scan3A = arith.constant 0 : i32
    %scan3A_1 = arith.constant 0 : i32
    %scan3A_2 = arith.constant 256 : i32
    %scan3A_3 = arith.addi %scan3A_1, %scan3A_2 : i32
    %scan3A_4 = arith.constant 1 : i32
    scf.for %scan3A_48 = %scan3A_1 to %scan3A_3 step %scan3A_4  : i32 {
      %jit3A = arith.constant 8 : i32
      %div3A = arith.divsi %scan3A_48, %jit3A : i32
      %sign3A = arith.constant 0 : i32
      %sign3A_49 = arith.cmpi sgt, %scan3A_48, %sign3A : i32
      %sign3A_50 = arith.extui %sign3A_49 : i1 to i32
      %sign3A_51 = arith.constant 0 : i32
      %sign3A_52 = arith.cmpi slt, %scan3A_48, %sign3A_51 : i32
      %sign3A_53 = arith.extui %sign3A_52 : i1 to i32
      %sign3A_54 = arith.subi %sign3A_50, %sign3A_53 : i32
      %sign3A_55 = arith.constant 0 : i32
      %sign3A_56 = arith.cmpi sgt, %jit3A, %sign3A_55 : i32
      %sign3A_57 = arith.extui %sign3A_56 : i1 to i32
      %sign3A_58 = arith.constant 0 : i32
      %sign3A_59 = arith.cmpi slt, %jit3A, %sign3A_58 : i32
      %sign3A_60 = arith.extui %sign3A_59 : i1 to i32
      %sign3A_61 = arith.subi %sign3A_57, %sign3A_60 : i32
      %ne3A = arith.cmpi ne, %sign3A_54, %sign3A_61 : i32
      %rem3A = arith.remsi %scan3A_48, %jit3A : i32
      %ne3A_62 = arith.constant 0 : i32
      %ne3A_63 = arith.cmpi ne, %rem3A, %ne3A_62 : i32
      %and3A = arith.andi %ne3A, %ne3A_63 : i1
      %sub3A = arith.constant 1 : i32
      %sub3A_64 = arith.subi %div3A, %sub3A : i32
      %select_n3A = arith.select %and3A, %sub3A_64, %div3A : i32
      %jit3A_65 = arith.constant 8 : i32
      %eq3A = arith.constant 0 : i32
      %eq3A_66 = arith.cmpi eq, %jit3A_65, %eq3A : i32
      %jit3A_67 = arith.constant 1 : i32
      %select_n3A_68 = arith.select %eq3A_66, %jit3A_67, %jit3A_65 : i32
      %rem3A_69 = arith.remsi %scan3A_48, %select_n3A_68 : i32
      %ne3A_70 = arith.constant 0 : i32
      %ne3A_71 = arith.cmpi ne, %rem3A_69, %ne3A_70 : i32
      %lt3A = arith.constant 0 : i32
      %lt3A_72 = arith.cmpi slt, %rem3A_69, %lt3A : i32
      %lt3A_73 = arith.constant 0 : i32
      %lt3A_74 = arith.cmpi slt, %select_n3A_68, %lt3A_73 : i32
      %ne3A_75 = arith.xori %lt3A_72, %lt3A_74 : i1
      %and3A_76 = arith.andi %ne3A_75, %ne3A_71 : i1
      %add3A_77 = arith.addi %rem3A_69, %select_n3A_68 : i32
      %select_n3A_78 = arith.select %and3A_76, %add3A_77, %rem3A_69 : i32
      %mul3A_79 = arith.constant 16 : i32
      %mul3A_80 = arith.muli %select_n3A_78, %mul3A_79 : i32
      %broadcast_in_dim3A = arith.constant 0.000000e+00 : f32
      %broadcast_in_dim3A_81 = vector.broadcast %broadcast_in_dim3A : f32 to vector<16xf32>
      %swap3A = arith.index_cast %select_n3A : i32 to index
      %swap3A_82 = arith.index_cast %mul3A_80 : i32 to index
      %swap3A_83 = tpu.vector_load %arg15[%swap3A, %swap3A_82] {strides = array<i32>} : memref<32x128xf32, #tpu.memory_space<vmem>>, vector<1x16xf32>,
      %swap3A_84 = vector.shape_cast %swap3A_83 : vector<1x16xf32> to vector<16xf32>
      %swap3A_85 = vector.shape_cast %broadcast_in_dim3A_81 : vector<16xf32> to vector<1x16xf32>
      tpu.vector_store %arg15[%swap3A, %swap3A_82], %swap3A_85 {strides = array<i32>} : memref<32x128xf32, #tpu.memory_space<vmem>>, vector<1x16xf32>,
    }
    %scan3A_5 = arith.constant 256 : i32
    %mul3A_6 = arith.constant 640 : i32
    %mul3A_7 = arith.muli %arg1, %mul3A_6 : i32
    %scan3A_8 = arith.constant 0 : i32
    %scan3A_9 = arith.constant 0 : i32
    %scan3A_10 = arith.constant 20 : i32
    %scan3A_11 = arith.addi %scan3A_9, %scan3A_10 : i32
    %scan3A_12 = arith.constant 1 : i32
    scf.for %scan3A_48 = %scan3A_9 to %scan3A_11 step %scan3A_12  : i32 {
      %mul3A_49 = arith.constant 32 : i32
      %mul3A_50 = arith.muli %scan3A_48, %mul3A_49 : i32
      %add3A_51 = arith.addi %mul3A_7, %mul3A_50 : i32
      "tpu.region"() ({
        %run_scoped3A_52 = tpu.sem_alloc : memref<!tpu.dma_semaphore, #tpu.memory_space<semaphore_mem>>
        %dma_start3A_53 = arith.constant 0 : i32
        %dma_start3A_54 = tpu.memref_slice %arg16[%add3A_51, %dma_start3A_53] : memref<10240x128xf32, #tpu.memory_space<vmem_shared>> -> memref<32x128xf32, #tpu.memory_space<vmem_shared>>
        %dma_start3A_55 = arith.constant 0 : i32
        %dma_start3A_56 = tpu.memref_slice %arg16[%add3A_51, %dma_start3A_55] : memref<10240x128xf32, #tpu.memory_space<vmem_shared>> -> memref<32x128xf32, #tpu.memory_space<vmem_shared>>
        tpu.enqueue_dma source(%arg15 : memref<32x128xf32, #tpu.memory_space<vmem>>) target(%dma_start3A_56 : memref<32x128xf32, #tpu.memory_space<vmem_shared>>) target_semaphore(%run_scoped3A_52 : memref<!tpu.dma_semaphore, #tpu.memory_space<semaphore_mem>>)
        %dma_wait3A = arith.constant 0 : i32
        %dma_wait3A_57 = tpu.memref_slice %arg16[%add3A_51, %dma_wait3A] : memref<10240x128xf32, #tpu.memory_space<vmem_shared>> -> memref<32x128xf32, #tpu.memory_space<vmem_shared>>
        %dma_wait3A_58 = arith.constant 0 : i32
        %dma_wait3A_59 = tpu.memref_slice %arg16[%add3A_51, %dma_wait3A_58] : memref<10240x128xf32, #tpu.memory_space<vmem_shared>> -> memref<32x128xf32, #tpu.memory_space<vmem_shared>>
        tpu.wait_dma2 semaphore(%run_scoped3A_52 : memref<!tpu.dma_semaphore, #tpu.memory_space<semaphore_mem>>) src(%arg15 : memref<32x128xf32, #tpu.memory_space<vmem>>) dst(%dma_wait3A_59 : memref<32x128xf32, #tpu.memory_space<vmem_shared>>)
        tpu.yield
      }) : () -> ()
    }
    %scan3A_13 = arith.constant 20 : i32
    %barrier3A = arith.constant 0 : index
    tpu.barrier barrier_id(%barrier3A)
    %run_scoped3A = arith.constant 0 : i32
    "tpu.region"() ({
      %run_scoped3A_48 = tpu.sem_alloc : memref<!tpu.dma_semaphore, #tpu.memory_space<semaphore_mem>>
      %dma_start3A_49 = arith.constant 0 : i32
      %dma_start3A_50 = arith.constant 0 : i32
      %dma_start3A_51 = tpu.memref_slice %arg3[%add3A, %run_scoped3A, %dma_start3A_49, %dma_start3A_50] : memref<32x20x32x32xi32, #tpu.memory_space<hbm>> -> memref<1x1x32x32xi32, #tpu.memory_space<hbm>>
      %dma_start3A_52 = tpu.memref_squeeze %dma_start3A_51 : memref<1x1x32x32xi32, #tpu.memory_space<hbm>> -> memref<32x32xi32, #tpu.memory_space<hbm>>
      %dma_start3A_53 = arith.constant 0 : i32
      %dma_start3A_54 = arith.constant 0 : i32
      %dma_start3A_55 = tpu.memref_slice %arg3[%add3A, %run_scoped3A, %dma_start3A_53, %dma_start3A_54] : memref<32x20x32x32xi32, #tpu.memory_space<hbm>> -> memref<1x1x32x32xi32, #tpu.memory_space<hbm>>
      %dma_start3A_56 = tpu.memref_squeeze %dma_start3A_55 : memref<1x1x32x32xi32, #tpu.memory_space<hbm>> -> memref<32x32xi32, #tpu.memory_space<hbm>>
      tpu.enqueue_dma source(%dma_start3A_56 : memref<32x32xi32, #tpu.memory_space<hbm>>) target(%arg5 : memref<32x32xi32, #tpu.memory_space<vmem>>) target_semaphore(%run_scoped3A_48 : memref<!tpu.dma_semaphore, #tpu.memory_space<semaphore_mem>>)
      %dma_wait3A = arith.constant 0 : i32
      %dma_wait3A_57 = arith.constant 0 : i32
      %dma_wait3A_58 = tpu.memref_slice %arg3[%add3A, %run_scoped3A, %dma_wait3A, %dma_wait3A_57] : memref<32x20x32x32xi32, #tpu.memory_space<hbm>> -> memref<1x1x32x32xi32, #tpu.memory_space<hbm>>
      %dma_wait3A_59 = tpu.memref_squeeze %dma_wait3A_58 : memref<1x1x32x32xi32, #tpu.memory_space<hbm>> -> memref<32x32xi32, #tpu.memory_space<hbm>>
      %dma_wait3A_60 = arith.constant 0 : i32
      %dma_wait3A_61 = arith.constant 0 : i32
      %dma_wait3A_62 = tpu.memref_slice %arg3[%add3A, %run_scoped3A, %dma_wait3A_60, %dma_wait3A_61] : memref<32x20x32x32xi32, #tpu.memory_space<hbm>> -> memref<1x1x32x32xi32, #tpu.memory_space<hbm>>
      %dma_wait3A_63 = tpu.memref_squeeze %dma_wait3A_62 : memref<1x1x32x32xi32, #tpu.memory_space<hbm>> -> memref<32x32xi32, #tpu.memory_space<hbm>>
      tpu.wait_dma2 semaphore(%run_scoped3A_48 : memref<!tpu.dma_semaphore, #tpu.memory_space<semaphore_mem>>) src(%dma_wait3A_63 : memref<32x32xi32, #tpu.memory_space<hbm>>) dst(%arg5 : memref<32x32xi32, #tpu.memory_space<vmem>>)
      tpu.yield
    }) : () -> ()
    %dma_start3A = arith.constant 0 : i32
    %dma_start3A_14 = arith.constant 0 : i32
    %dma_start3A_15 = tpu.memref_slice %arg5[%dma_start3A, %dma_start3A_14] : memref<32x32xi32, #tpu.memory_space<vmem>> -> memref<1x32xi32, #tpu.memory_space<vmem>>
    %dma_start3A_16 = tpu.memref_squeeze %dma_start3A_15 : memref<1x32xi32, #tpu.memory_space<vmem>> -> memref<32xi32, #tpu.memory_space<vmem>>
    %dma_start3A_17 = arith.constant 0 : i32
    %dma_start3A_18 = arith.constant 0 : i32
    %dma_start3A_19 = tpu.memref_slice %arg2[%dma_start3A_17, %dma_start3A_18] : memref<10000x128xf32, #tpu.memory_space<hbm>> -> memref<10000x128xf32, #tpu.memory_space<hbm>>
    tpu.enqueue_indirect_dma source(%dma_start3A_19 : memref<10000x128xf32, #tpu.memory_space<hbm>>) target(%arg7 : memref<32x128xf32, #tpu.memory_space<vmem>>) offsets(%dma_start3A_16 : memref<32xi32, #tpu.memory_space<vmem>>) semaphore(%arg17 : memref<!tpu.dma_semaphore, #tpu.memory_space<semaphore_mem>>)
    %dma_start3A_20 = arith.constant 1 : i32
    %dma_start3A_21 = arith.constant 0 : i32
    %dma_start3A_22 = tpu.memref_slice %arg5[%dma_start3A_20, %dma_start3A_21] : memref<32x32xi32, #tpu.memory_space<vmem>> -> memref<1x32xi32, #tpu.memory_space<vmem>>
    %dma_start3A_23 = tpu.memref_squeeze %dma_start3A_22 : memref<1x32xi32, #tpu.memory_space<vmem>> -> memref<32xi32, #tpu.memory_space<vmem>>
    %dma_start3A_24 = arith.constant 0 : i32
    %dma_start3A_25 = arith.constant 0 : i32
    %dma_start3A_26 = tpu.memref_slice %arg2[%dma_start3A_24, %dma_start3A_25] : memref<10000x128xf32, #tpu.memory_space<hbm>> -> memref<10000x128xf32, #tpu.memory_space<hbm>>
    tpu.enqueue_indirect_dma source(%dma_start3A_26 : memref<10000x128xf32, #tpu.memory_space<hbm>>) target(%arg8 : memref<32x128xf32, #tpu.memory_space<vmem>>) offsets(%dma_start3A_23 : memref<32xi32, #tpu.memory_space<vmem>>) semaphore(%arg18 : memref<!tpu.dma_semaphore, #tpu.memory_space<semaphore_mem>>)
    %dma_start3A_27 = arith.constant 2 : i32
    %dma_start3A_28 = arith.constant 0 : i32
    %dma_start3A_29 = tpu.memref_slice %arg5[%dma_start3A_27, %dma_start3A_28] : memref<32x32xi32, #tpu.memory_space<vmem>> -> memref<1x32xi32, #tpu.memory_space<vmem>>
    %dma_start3A_30 = tpu.memref_squeeze %dma_start3A_29 : memref<1x32xi32, #tpu.memory_space<vmem>> -> memref<32xi32, #tpu.memory_space<vmem>>
    %dma_start3A_31 = arith.constant 0 : i32
    %dma_start3A_32 = arith.constant 0 : i32
    %dma_start3A_33 = tpu.memref_slice %arg2[%dma_start3A_31, %dma_start3A_32] : memref<10000x128xf32, #tpu.memory_space<hbm>> -> memref<10000x128xf32, #tpu.memory_space<hbm>>
    tpu.enqueue_indirect_dma source(%dma_start3A_33 : memref<10000x128xf32, #tpu.memory_space<hbm>>) target(%arg9 : memref<32x128xf32, #tpu.memory_space<vmem>>) offsets(%dma_start3A_30 : memref<32xi32, #tpu.memory_space<vmem>>) semaphore(%arg19 : memref<!tpu.dma_semaphore, #tpu.memory_space<semaphore_mem>>)
    %dma_start3A_34 = arith.constant 3 : i32
    %dma_start3A_35 = arith.constant 0 : i32
    %dma_start3A_36 = tpu.memref_slice %arg5[%dma_start3A_34, %dma_start3A_35] : memref<32x32xi32, #tpu.memory_space<vmem>> -> memref<1x32xi32, #tpu.memory_space<vmem>>
    %dma_start3A_37 = tpu.memref_squeeze %dma_start3A_36 : memref<1x32xi32, #tpu.memory_space<vmem>> -> memref<32xi32, #tpu.memory_space<vmem>>
    %dma_start3A_38 = arith.constant 0 : i32
    %dma_start3A_39 = arith.constant 0 : i32
    %dma_start3A_40 = tpu.memref_slice %arg2[%dma_start3A_38, %dma_start3A_39] : memref<10000x128xf32, #tpu.memory_space<hbm>> -> memref<10000x128xf32, #tpu.memory_space<hbm>>
    tpu.enqueue_indirect_dma source(%dma_start3A_40 : memref<10000x128xf32, #tpu.memory_space<hbm>>) target(%arg10 : memref<32x128xf32, #tpu.memory_space<vmem>>) offsets(%dma_start3A_37 : memref<32xi32, #tpu.memory_space<vmem>>) semaphore(%arg20 : memref<!tpu.dma_semaphore, #tpu.memory_space<semaphore_mem>>)
    %scan3A_41 = arith.constant 0 : i32
    %scan3A_42 = arith.constant 0 : i32
    %scan3A_43 = arith.constant 10 : i32
    %scan3A_44 = arith.addi %scan3A_42, %scan3A_43 : i32
    %scan3A_45 = arith.constant 1 : i32
    scf.for %scan3A_48 = %scan3A_42 to %scan3A_44 step %scan3A_45  : i32 {
      %mul3A_49 = arith.constant 2 : i32
      %mul3A_50 = arith.muli %mul3A_49, %scan3A_48 : i32
      %add3A_51 = arith.constant 0 : i32
      %add3A_52 = arith.addi %mul3A_50, %add3A_51 : i32
      %add3A_53 = arith.constant 1 : i32
      %add3A_54 = arith.addi %add3A_52, %add3A_53 : i32
      %lt3A = arith.constant 20 : i32
      %lt3A_55 = arith.cmpi slt, %add3A_54, %lt3A : i32
      %convert_element_type3A = arith.extui %lt3A_55 : i1 to i32
      %cond3A = arith.constant 0 : i32
      %cond3A_56 = arith.cmpi ne, %convert_element_type3A, %cond3A : i32
      scf.if %cond3A_56 {
        %add3A_149 = arith.constant 1 : i32
        %add3A_150 = arith.addi %add3A_52, %add3A_149 : i32
        %dma_start3A_151 = arith.constant 0 : i32
        %dma_start3A_152 = arith.constant 0 : i32
        %dma_start3A_153 = tpu.memref_slice %arg3[%add3A, %add3A_150, %dma_start3A_151, %dma_start3A_152] : memref<32x20x32x32xi32, #tpu.memory_space<hbm>> -> memref<1x1x32x32xi32, #tpu.memory_space<hbm>>
        %dma_start3A_154 = tpu.memref_squeeze %dma_start3A_153 : memref<1x1x32x32xi32, #tpu.memory_space<hbm>> -> memref<32x32xi32, #tpu.memory_space<hbm>>
        %dma_start3A_155 = arith.constant 0 : i32
        %dma_start3A_156 = arith.constant 0 : i32
        %dma_start3A_157 = tpu.memref_slice %arg3[%add3A, %add3A_150, %dma_start3A_155, %dma_start3A_156] : memref<32x20x32x32xi32, #tpu.memory_space<hbm>> -> memref<1x1x32x32xi32, #tpu.memory_space<hbm>>
        %dma_start3A_158 = tpu.memref_squeeze %dma_start3A_157 : memref<1x1x32x32xi32, #tpu.memory_space<hbm>> -> memref<32x32xi32, #tpu.memory_space<hbm>>
        tpu.enqueue_dma source(%dma_start3A_158 : memref<32x32xi32, #tpu.memory_space<hbm>>) target(%arg6 : memref<32x32xi32, #tpu.memory_space<vmem>>) target_semaphore(%arg33 : memref<!tpu.dma_semaphore, #tpu.memory_space<semaphore_mem>>)
      } else {
      }
      %scan3A_57 = arith.constant 0 : i32
      %scan3A_58 = arith.constant 0 : i32
      %scan3A_59 = arith.constant 2 : i32
      %scan3A_60 = arith.addi %scan3A_58, %scan3A_59 : i32
      %scan3A_61 = arith.constant 1 : i32
      scf.for %scan3A_149 = %scan3A_58 to %scan3A_60 step %scan3A_61  : i32 {
        %mul3A_150 = arith.constant 8 : i32
        %mul3A_151 = arith.muli %mul3A_150, %scan3A_149 : i32
        %add3A_152 = arith.constant 0 : i32
        %add3A_153 = arith.addi %mul3A_151, %add3A_152 : i32
        %ge3A = arith.constant 4 : i32
        %ge3A_154 = arith.cmpi sge, %add3A_153, %ge3A : i32
        %convert_element_type3A_155 = arith.extui %ge3A_154 : i1 to i32
        %cond3A_156 = arith.constant 0 : i32
        %cond3A_157 = arith.cmpi ne, %convert_element_type3A_155, %cond3A_156 : i32
        scf.if %cond3A_157 {
          %add3A_389 = arith.constant 16 : i32
          %add3A_390 = arith.addi %add3A_389, %add3A_153 : i32
          %sub3A = arith.constant 4 : i32
          %sub3A_391 = arith.subi %add3A_390, %sub3A : i32
          %dma_wait3A_392 = arith.constant 0 : i32
          %dma_wait3A_393 = tpu.memref_slice %arg5[%sub3A_391, %dma_wait3A_392] : memref<32x32xi32, #tpu.memory_space<vmem>> -> memref<1x32xi32, #tpu.memory_space<vmem>>
          %dma_wait3A_394 = tpu.memref_squeeze %dma_wait3A_393 : memref<1x32xi32, #tpu.memory_space<vmem>> -> memref<32xi32, #tpu.memory_space<vmem>>
          %dma_wait3A_395 = arith.constant 0 : i32
          %dma_wait3A_396 = arith.constant 0 : i32
          %dma_wait3A_397 = tpu.memref_slice %arg16[%dma_wait3A_395, %dma_wait3A_396] : memref<10240x128xf32, #tpu.memory_space<vmem_shared>> -> memref<10240x128xf32, #tpu.memory_space<vmem_shared>>
          tpu.wait_indirect_dma semaphore(%arg29 : memref<!tpu.dma_semaphore, #tpu.memory_space<semaphore_mem>>) src(%arg11 : memref<32x128xf32, #tpu.memory_space<vmem>>) dst(%dma_wait3A_397 : memref<10240x128xf32, #tpu.memory_space<vmem_shared>>)
        } else {
        }
        %add3A_158 = arith.constant 4 : i32
        %add3A_159 = arith.addi %add3A_153, %add3A_158 : i32
        %lt3A_160 = arith.constant 16 : i32
        %lt3A_161 = arith.cmpi slt, %add3A_159, %lt3A_160 : i32
        %convert_element_type3A_162 = arith.extui %lt3A_161 : i1 to i32
        %cond3A_163 = arith.constant 0 : i32
        %cond3A_164 = arith.cmpi ne, %convert_element_type3A_162, %cond3A_163 : i32
        scf.if %cond3A_164 {
          %add3A_389 = arith.constant 4 : i32
          %add3A_390 = arith.addi %add3A_153, %add3A_389 : i32
          %dma_start3A_391 = arith.constant 0 : i32
          %dma_start3A_392 = tpu.memref_slice %arg5[%add3A_390, %dma_start3A_391] : memref<32x32xi32, #tpu.memory_space<vmem>> -> memref<1x32xi32, #tpu.memory_space<vmem>>
          %dma_start3A_393 = tpu.memref_squeeze %dma_start3A_392 : memref<1x32xi32, #tpu.memory_space<vmem>> -> memref<32xi32, #tpu.memory_space<vmem>>
          %dma_start3A_394 = arith.constant 0 : i32
          %dma_start3A_395 = arith.constant 0 : i32
          %dma_start3A_396 = tpu.memref_slice %arg2[%dma_start3A_394, %dma_start3A_395] : memref<10000x128xf32, #tpu.memory_space<hbm>> -> memref<10000x128xf32, #tpu.memory_space<hbm>>
          tpu.enqueue_indirect_dma source(%dma_start3A_396 : memref<10000x128xf32, #tpu.memory_space<hbm>>) target(%arg11 : memref<32x128xf32, #tpu.memory_space<vmem>>) offsets(%dma_start3A_393 : memref<32xi32, #tpu.memory_space<vmem>>) semaphore(%arg21 : memref<!tpu.dma_semaphore, #tpu.memory_space<semaphore_mem>>)
        } else {
        }
        %dma_wait3A_165 = arith.constant 0 : i32
        %dma_wait3A_166 = tpu.memref_slice %arg5[%add3A_153, %dma_wait3A_165] : memref<32x32xi32, #tpu.memory_space<vmem>> -> memref<1x32xi32, #tpu.memory_space<vmem>>
        %dma_wait3A_167 = tpu.memref_squeeze %dma_wait3A_166 : memref<1x32xi32, #tpu.memory_space<vmem>> -> memref<32xi32, #tpu.memory_space<vmem>>
        %dma_wait3A_168 = arith.constant 0 : i32
        %dma_wait3A_169 = arith.constant 0 : i32
        %dma_wait3A_170 = tpu.memref_slice %arg2[%dma_wait3A_168, %dma_wait3A_169] : memref<10000x128xf32, #tpu.memory_space<hbm>> -> memref<10000x128xf32, #tpu.memory_space<hbm>>
        tpu.wait_indirect_dma semaphore(%arg17 : memref<!tpu.dma_semaphore, #tpu.memory_space<semaphore_mem>>) src(%dma_wait3A_170 : memref<10000x128xf32, #tpu.memory_space<hbm>>) dst(%arg7 : memref<32x128xf32, #tpu.memory_space<vmem>>)
        %add3A_171 = arith.constant 16 : i32
        %add3A_172 = arith.addi %add3A_171, %add3A_153 : i32
        %dma_start3A_173 = arith.constant 0 : i32
        %dma_start3A_174 = tpu.memref_slice %arg5[%add3A_172, %dma_start3A_173] : memref<32x32xi32, #tpu.memory_space<vmem>> -> memref<1x32xi32, #tpu.memory_space<vmem>>
        %dma_start3A_175 = tpu.memref_squeeze %dma_start3A_174 : memref<1x32xi32, #tpu.memory_space<vmem>> -> memref<32xi32, #tpu.memory_space<vmem>>
        %dma_start3A_176 = arith.constant 0 : i32
        %dma_start3A_177 = arith.constant 0 : i32
        %dma_start3A_178 = tpu.memref_slice %arg16[%dma_start3A_176, %dma_start3A_177] : memref<10240x128xf32, #tpu.memory_space<vmem_shared>> -> memref<10240x128xf32, #tpu.memory_space<vmem_shared>>
        tpu.enqueue_indirect_dma source(%arg7 : memref<32x128xf32, #tpu.memory_space<vmem>>) target(%dma_start3A_178 : memref<10240x128xf32, #tpu.memory_space<vmem_shared>>) offsets(%dma_start3A_175 : memref<32xi32, #tpu.memory_space<vmem>>) semaphore(%arg25 : memref<!tpu.dma_semaphore, #tpu.memory_space<semaphore_mem>>) {add = true}
        %mul3A_179 = arith.constant 8 : i32
        %mul3A_180 = arith.muli %mul3A_179, %scan3A_149 : i32
        %add3A_181 = arith.constant 1 : i32
        %add3A_182 = arith.addi %mul3A_180, %add3A_181 : i32
        %ge3A_183 = arith.constant 4 : i32
        %ge3A_184 = arith.cmpi sge, %add3A_182, %ge3A_183 : i32
        %convert_element_type3A_185 = arith.extui %ge3A_184 : i1 to i32
        %cond3A_186 = arith.constant 0 : i32
        %cond3A_187 = arith.cmpi ne, %convert_element_type3A_185, %cond3A_186 : i32
        scf.if %cond3A_187 {
          %add3A_389 = arith.constant 16 : i32
          %add3A_390 = arith.addi %add3A_389, %add3A_182 : i32
          %sub3A = arith.constant 4 : i32
          %sub3A_391 = arith.subi %add3A_390, %sub3A : i32
          %dma_wait3A_392 = arith.constant 0 : i32
          %dma_wait3A_393 = tpu.memref_slice %arg5[%sub3A_391, %dma_wait3A_392] : memref<32x32xi32, #tpu.memory_space<vmem>> -> memref<1x32xi32, #tpu.memory_space<vmem>>
          %dma_wait3A_394 = tpu.memref_squeeze %dma_wait3A_393 : memref<1x32xi32, #tpu.memory_space<vmem>> -> memref<32xi32, #tpu.memory_space<vmem>>
          %dma_wait3A_395 = arith.constant 0 : i32
          %dma_wait3A_396 = arith.constant 0 : i32
          %dma_wait3A_397 = tpu.memref_slice %arg16[%dma_wait3A_395, %dma_wait3A_396] : memref<10240x128xf32, #tpu.memory_space<vmem_shared>> -> memref<10240x128xf32, #tpu.memory_space<vmem_shared>>
          tpu.wait_indirect_dma semaphore(%arg30 : memref<!tpu.dma_semaphore, #tpu.memory_space<semaphore_mem>>) src(%arg12 : memref<32x128xf32, #tpu.memory_space<vmem>>) dst(%dma_wait3A_397 : memref<10240x128xf32, #tpu.memory_space<vmem_shared>>)
        } else {
        }
        %add3A_188 = arith.constant 4 : i32
        %add3A_189 = arith.addi %add3A_182, %add3A_188 : i32
        %lt3A_190 = arith.constant 16 : i32
        %lt3A_191 = arith.cmpi slt, %add3A_189, %lt3A_190 : i32
        %convert_element_type3A_192 = arith.extui %lt3A_191 : i1 to i32
        %cond3A_193 = arith.constant 0 : i32
        %cond3A_194 = arith.cmpi ne, %convert_element_type3A_192, %cond3A_193 : i32
        scf.if %cond3A_194 {
          %add3A_389 = arith.constant 4 : i32
          %add3A_390 = arith.addi %add3A_182, %add3A_389 : i32
          %dma_start3A_391 = arith.constant 0 : i32
          %dma_start3A_392 = tpu.memref_slice %arg5[%add3A_390, %dma_start3A_391] : memref<32x32xi32, #tpu.memory_space<vmem>> -> memref<1x32xi32, #tpu.memory_space<vmem>>
          %dma_start3A_393 = tpu.memref_squeeze %dma_start3A_392 : memref<1x32xi32, #tpu.memory_space<vmem>> -> memref<32xi32, #tpu.memory_space<vmem>>
          %dma_start3A_394 = arith.constant 0 : i32
          %dma_start3A_395 = arith.constant 0 : i32
          %dma_start3A_396 = tpu.memref_slice %arg2[%dma_start3A_394, %dma_start3A_395] : memref<10000x128xf32, #tpu.memory_space<hbm>> -> memref<10000x128xf32, #tpu.memory_space<hbm>>
          tpu.enqueue_indirect_dma source(%dma_start3A_396 : memref<10000x128xf32, #tpu.memory_space<hbm>>) target(%arg12 : memref<32x128xf32, #tpu.memory_space<vmem>>) offsets(%dma_start3A_393 : memref<32xi32, #tpu.memory_space<vmem>>) semaphore(%arg22 : memref<!tpu.dma_semaphore, #tpu.memory_space<semaphore_mem>>)
        } else {
        }
        %dma_wait3A_195 = arith.constant 0 : i32
        %dma_wait3A_196 = tpu.memref_slice %arg5[%add3A_182, %dma_wait3A_195] : memref<32x32xi32, #tpu.memory_space<vmem>> -> memref<1x32xi32, #tpu.memory_space<vmem>>
        %dma_wait3A_197 = tpu.memref_squeeze %dma_wait3A_196 : memref<1x32xi32, #tpu.memory_space<vmem>> -> memref<32xi32, #tpu.memory_space<vmem>>
        %dma_wait3A_198 = arith.constant 0 : i32
        %dma_wait3A_199 = arith.constant 0 : i32
        %dma_wait3A_200 = tpu.memref_slice %arg2[%dma_wait3A_198, %dma_wait3A_199] : memref<10000x128xf32, #tpu.memory_space<hbm>> -> memref<10000x128xf32, #tpu.memory_space<hbm>>
        tpu.wait_indirect_dma semaphore(%arg18 : memref<!tpu.dma_semaphore, #tpu.memory_space<semaphore_mem>>) src(%dma_wait3A_200 : memref<10000x128xf32, #tpu.memory_space<hbm>>) dst(%arg8 : memref<32x128xf32, #tpu.memory_space<vmem>>)
        %add3A_201 = arith.constant 16 : i32
        %add3A_202 = arith.addi %add3A_201, %add3A_182 : i32
        %dma_start3A_203 = arith.constant 0 : i32
        %dma_start3A_204 = tpu.memref_slice %arg5[%add3A_202, %dma_start3A_203] : memref<32x32xi32, #tpu.memory_space<vmem>> -> memref<1x32xi32, #tpu.memory_space<vmem>>
        %dma_start3A_205 = tpu.memref_squeeze %dma_start3A_204 : memref<1x32xi32, #tpu.memory_space<vmem>> -> memref<32xi32, #tpu.memory_space<vmem>>
        %dma_start3A_206 = arith.constant 0 : i32
        %dma_start3A_207 = arith.constant 0 : i32
        %dma_start3A_208 = tpu.memref_slice %arg16[%dma_start3A_206, %dma_start3A_207] : memref<10240x128xf32, #tpu.memory_space<vmem_shared>> -> memref<10240x128xf32, #tpu.memory_space<vmem_shared>>
        tpu.enqueue_indirect_dma source(%arg8 : memref<32x128xf32, #tpu.memory_space<vmem>>) target(%dma_start3A_208 : memref<10240x128xf32, #tpu.memory_space<vmem_shared>>) offsets(%dma_start3A_205 : memref<32xi32, #tpu.memory_space<vmem>>) semaphore(%arg26 : memref<!tpu.dma_semaphore, #tpu.memory_space<semaphore_mem>>) {add = true}
        %mul3A_209 = arith.constant 8 : i32
        %mul3A_210 = arith.muli %mul3A_209, %scan3A_149 : i32
        %add3A_211 = arith.constant 2 : i32
        %add3A_212 = arith.addi %mul3A_210, %add3A_211 : i32
        %ge3A_213 = arith.constant 4 : i32
        %ge3A_214 = arith.cmpi sge, %add3A_212, %ge3A_213 : i32
        %convert_element_type3A_215 = arith.extui %ge3A_214 : i1 to i32
        %cond3A_216 = arith.constant 0 : i32
        %cond3A_217 = arith.cmpi ne, %convert_element_type3A_215, %cond3A_216 : i32
        scf.if %cond3A_217 {
          %add3A_389 = arith.constant 16 : i32
          %add3A_390 = arith.addi %add3A_389, %add3A_212 : i32
          %sub3A = arith.constant 4 : i32
          %sub3A_391 = arith.subi %add3A_390, %sub3A : i32
          %dma_wait3A_392 = arith.constant 0 : i32
          %dma_wait3A_393 = tpu.memref_slice %arg5[%sub3A_391, %dma_wait3A_392] : memref<32x32xi32, #tpu.memory_space<vmem>> -> memref<1x32xi32, #tpu.memory_space<vmem>>
          %dma_wait3A_394 = tpu.memref_squeeze %dma_wait3A_393 : memref<1x32xi32, #tpu.memory_space<vmem>> -> memref<32xi32, #tpu.memory_space<vmem>>
          %dma_wait3A_395 = arith.constant 0 : i32
          %dma_wait3A_396 = arith.constant 0 : i32
          %dma_wait3A_397 = tpu.memref_slice %arg16[%dma_wait3A_395, %dma_wait3A_396] : memref<10240x128xf32, #tpu.memory_space<vmem_shared>> -> memref<10240x128xf32, #tpu.memory_space<vmem_shared>>
          tpu.wait_indirect_dma semaphore(%arg31 : memref<!tpu.dma_semaphore, #tpu.memory_space<semaphore_mem>>) src(%arg13 : memref<32x128xf32, #tpu.memory_space<vmem>>) dst(%dma_wait3A_397 : memref<10240x128xf32, #tpu.memory_space<vmem_shared>>)
        } else {
        }
        %add3A_218 = arith.constant 4 : i32
        %add3A_219 = arith.addi %add3A_212, %add3A_218 : i32
        %lt3A_220 = arith.constant 16 : i32
        %lt3A_221 = arith.cmpi slt, %add3A_219, %lt3A_220 : i32
        %convert_element_type3A_222 = arith.extui %lt3A_221 : i1 to i32
        %cond3A_223 = arith.constant 0 : i32
        %cond3A_224 = arith.cmpi ne, %convert_element_type3A_222, %cond3A_223 : i32
        scf.if %cond3A_224 {
          %add3A_389 = arith.constant 4 : i32
          %add3A_390 = arith.addi %add3A_212, %add3A_389 : i32
          %dma_start3A_391 = arith.constant 0 : i32
          %dma_start3A_392 = tpu.memref_slice %arg5[%add3A_390, %dma_start3A_391] : memref<32x32xi32, #tpu.memory_space<vmem>> -> memref<1x32xi32, #tpu.memory_space<vmem>>
          %dma_start3A_393 = tpu.memref_squeeze %dma_start3A_392 : memref<1x32xi32, #tpu.memory_space<vmem>> -> memref<32xi32, #tpu.memory_space<vmem>>
          %dma_start3A_394 = arith.constant 0 : i32
          %dma_start3A_395 = arith.constant 0 : i32
          %dma_start3A_396 = tpu.memref_slice %arg2[%dma_start3A_394, %dma_start3A_395] : memref<10000x128xf32, #tpu.memory_space<hbm>> -> memref<10000x128xf32, #tpu.memory_space<hbm>>
          tpu.enqueue_indirect_dma source(%dma_start3A_396 : memref<10000x128xf32, #tpu.memory_space<hbm>>) target(%arg13 : memref<32x128xf32, #tpu.memory_space<vmem>>) offsets(%dma_start3A_393 : memref<32xi32, #tpu.memory_space<vmem>>) semaphore(%arg23 : memref<!tpu.dma_semaphore, #tpu.memory_space<semaphore_mem>>)
        } else {
        }
        %dma_wait3A_225 = arith.constant 0 : i32
        %dma_wait3A_226 = tpu.memref_slice %arg5[%add3A_212, %dma_wait3A_225] : memref<32x32xi32, #tpu.memory_space<vmem>> -> memref<1x32xi32, #tpu.memory_space<vmem>>
        %dma_wait3A_227 = tpu.memref_squeeze %dma_wait3A_226 : memref<1x32xi32, #tpu.memory_space<vmem>> -> memref<32xi32, #tpu.memory_space<vmem>>
        %dma_wait3A_228 = arith.constant 0 : i32
        %dma_wait3A_229 = arith.constant 0 : i32
        %dma_wait3A_230 = tpu.memref_slice %arg2[%dma_wait3A_228, %dma_wait3A_229] : memref<10000x128xf32, #tpu.memory_space<hbm>> -> memref<10000x128xf32, #tpu.memory_space<hbm>>
        tpu.wait_indirect_dma semaphore(%arg19 : memref<!tpu.dma_semaphore, #tpu.memory_space<semaphore_mem>>) src(%dma_wait3A_230 : memref<10000x128xf32, #tpu.memory_space<hbm>>) dst(%arg9 : memref<32x128xf32, #tpu.memory_space<vmem>>)
        %add3A_231 = arith.constant 16 : i32
        %add3A_232 = arith.addi %add3A_231, %add3A_212 : i32
        %dma_start3A_233 = arith.constant 0 : i32
        %dma_start3A_234 = tpu.memref_slice %arg5[%add3A_232, %dma_start3A_233] : memref<32x32xi32, #tpu.memory_space<vmem>> -> memref<1x32xi32, #tpu.memory_space<vmem>>
        %dma_start3A_235 = tpu.memref_squeeze %dma_start3A_234 : memref<1x32xi32, #tpu.memory_space<vmem>> -> memref<32xi32, #tpu.memory_space<vmem>>
        %dma_start3A_236 = arith.constant 0 : i32
        %dma_start3A_237 = arith.constant 0 : i32
        %dma_start3A_238 = tpu.memref_slice %arg16[%dma_start3A_236, %dma_start3A_237] : memref<10240x128xf32, #tpu.memory_space<vmem_shared>> -> memref<10240x128xf32, #tpu.memory_space<vmem_shared>>
        tpu.enqueue_indirect_dma source(%arg9 : memref<32x128xf32, #tpu.memory_space<vmem>>) target(%dma_start3A_238 : memref<10240x128xf32, #tpu.memory_space<vmem_shared>>) offsets(%dma_start3A_235 : memref<32xi32, #tpu.memory_space<vmem>>) semaphore(%arg27 : memref<!tpu.dma_semaphore, #tpu.memory_space<semaphore_mem>>) {add = true}
        %mul3A_239 = arith.constant 8 : i32
        %mul3A_240 = arith.muli %mul3A_239, %scan3A_149 : i32
        %add3A_241 = arith.constant 3 : i32
        %add3A_242 = arith.addi %mul3A_240, %add3A_241 : i32
        %ge3A_243 = arith.constant 4 : i32
        %ge3A_244 = arith.cmpi sge, %add3A_242, %ge3A_243 : i32
        %convert_element_type3A_245 = arith.extui %ge3A_244 : i1 to i32
        %cond3A_246 = arith.constant 0 : i32
        %cond3A_247 = arith.cmpi ne, %convert_element_type3A_245, %cond3A_246 : i32
        scf.if %cond3A_247 {
          %add3A_389 = arith.constant 16 : i32
          %add3A_390 = arith.addi %add3A_389, %add3A_242 : i32
          %sub3A = arith.constant 4 : i32
          %sub3A_391 = arith.subi %add3A_390, %sub3A : i32
          %dma_wait3A_392 = arith.constant 0 : i32
          %dma_wait3A_393 = tpu.memref_slice %arg5[%sub3A_391, %dma_wait3A_392] : memref<32x32xi32, #tpu.memory_space<vmem>> -> memref<1x32xi32, #tpu.memory_space<vmem>>
          %dma_wait3A_394 = tpu.memref_squeeze %dma_wait3A_393 : memref<1x32xi32, #tpu.memory_space<vmem>> -> memref<32xi32, #tpu.memory_space<vmem>>
          %dma_wait3A_395 = arith.constant 0 : i32
          %dma_wait3A_396 = arith.constant 0 : i32
          %dma_wait3A_397 = tpu.memref_slice %arg16[%dma_wait3A_395, %dma_wait3A_396] : memref<10240x128xf32, #tpu.memory_space<vmem_shared>> -> memref<10240x128xf32, #tpu.memory_space<vmem_shared>>
          tpu.wait_indirect_dma semaphore(%arg32 : memref<!tpu.dma_semaphore, #tpu.memory_space<semaphore_mem>>) src(%arg14 : memref<32x128xf32, #tpu.memory_space<vmem>>) dst(%dma_wait3A_397 : memref<10240x128xf32, #tpu.memory_space<vmem_shared>>)
        } else {
        }
        %add3A_248 = arith.constant 4 : i32
        %add3A_249 = arith.addi %add3A_242, %add3A_248 : i32
        %lt3A_250 = arith.constant 16 : i32
        %lt3A_251 = arith.cmpi slt, %add3A_249, %lt3A_250 : i32
        %convert_element_type3A_252 = arith.extui %lt3A_251 : i1 to i32
        %cond3A_253 = arith.constant 0 : i32
        %cond3A_254 = arith.cmpi ne, %convert_element_type3A_252, %cond3A_253 : i32
        scf.if %cond3A_254 {
          %add3A_389 = arith.constant 4 : i32
          %add3A_390 = arith.addi %add3A_242, %add3A_389 : i32
          %dma_start3A_391 = arith.constant 0 : i32
          %dma_start3A_392 = tpu.memref_slice %arg5[%add3A_390, %dma_start3A_391] : memref<32x32xi32, #tpu.memory_space<vmem>> -> memref<1x32xi32, #tpu.memory_space<vmem>>
          %dma_start3A_393 = tpu.memref_squeeze %dma_start3A_392 : memref<1x32xi32, #tpu.memory_space<vmem>> -> memref<32xi32, #tpu.memory_space<vmem>>
          %dma_start3A_394 = arith.constant 0 : i32
          %dma_start3A_395 = arith.constant 0 : i32
          %dma_start3A_396 = tpu.memref_slice %arg2[%dma_start3A_394, %dma_start3A_395] : memref<10000x128xf32, #tpu.memory_space<hbm>> -> memref<10000x128xf32, #tpu.memory_space<hbm>>
          tpu.enqueue_indirect_dma source(%dma_start3A_396 : memref<10000x128xf32, #tpu.memory_space<hbm>>) target(%arg14 : memref<32x128xf32, #tpu.memory_space<vmem>>) offsets(%dma_start3A_393 : memref<32xi32, #tpu.memory_space<vmem>>) semaphore(%arg24 : memref<!tpu.dma_semaphore, #tpu.memory_space<semaphore_mem>>)
        } else {
        }
        %dma_wait3A_255 = arith.constant 0 : i32
        %dma_wait3A_256 = tpu.memref_slice %arg5[%add3A_242, %dma_wait3A_255] : memref<32x32xi32, #tpu.memory_space<vmem>> -> memref<1x32xi32, #tpu.memory_space<vmem>>
        %dma_wait3A_257 = tpu.memref_squeeze %dma_wait3A_256 : memref<1x32xi32, #tpu.memory_space<vmem>> -> memref<32xi32, #tpu.memory_space<vmem>>
        %dma_wait3A_258 = arith.constant 0 : i32
        %dma_wait3A_259 = arith.constant 0 : i32
        %dma_wait3A_260 = tpu.memref_slice %arg2[%dma_wait3A_258, %dma_wait3A_259] : memref<10000x128xf32, #tpu.memory_space<hbm>> -> memref<10000x128xf32, #tpu.memory_space<hbm>>
        tpu.wait_indirect_dma semaphore(%arg20 : memref<!tpu.dma_semaphore, #tpu.memory_space<semaphore_mem>>) src(%dma_wait3A_260 : memref<10000x128xf32, #tpu.memory_space<hbm>>) dst(%arg10 : memref<32x128xf32, #tpu.memory_space<vmem>>)
        %add3A_261 = arith.constant 16 : i32
        %add3A_262 = arith.addi %add3A_261, %add3A_242 : i32
        %dma_start3A_263 = arith.constant 0 : i32
        %dma_start3A_264 = tpu.memref_slice %arg5[%add3A_262, %dma_start3A_263] : memref<32x32xi32, #tpu.memory_space<vmem>> -> memref<1x32xi32, #tpu.memory_space<vmem>>
        %dma_start3A_265 = tpu.memref_squeeze %dma_start3A_264 : memref<1x32xi32, #tpu.memory_space<vmem>> -> memref<32xi32, #tpu.memory_space<vmem>>
        %dma_start3A_266 = arith.constant 0 : i32
        %dma_start3A_267 = arith.constant 0 : i32
        %dma_start3A_268 = tpu.memref_slice %arg16[%dma_start3A_266, %dma_start3A_267] : memref<10240x128xf32, #tpu.memory_space<vmem_shared>> -> memref<10240x128xf32, #tpu.memory_space<vmem_shared>>
        tpu.enqueue_indirect_dma source(%arg10 : memref<32x128xf32, #tpu.memory_space<vmem>>) target(%dma_start3A_268 : memref<10240x128xf32, #tpu.memory_space<vmem_shared>>) offsets(%dma_start3A_265 : memref<32xi32, #tpu.memory_space<vmem>>) semaphore(%arg28 : memref<!tpu.dma_semaphore, #tpu.memory_space<semaphore_mem>>) {add = true}
        %mul3A_269 = arith.constant 8 : i32
        %mul3A_270 = arith.muli %mul3A_269, %scan3A_149 : i32
        %add3A_271 = arith.constant 4 : i32
        %add3A_272 = arith.addi %mul3A_270, %add3A_271 : i32
        %ge3A_273 = arith.constant 4 : i32
        %ge3A_274 = arith.cmpi sge, %add3A_272, %ge3A_273 : i32
        %convert_element_type3A_275 = arith.extui %ge3A_274 : i1 to i32
        %cond3A_276 = arith.constant 0 : i32
        %cond3A_277 = arith.cmpi ne, %convert_element_type3A_275, %cond3A_276 : i32
        scf.if %cond3A_277 {
          %add3A_389 = arith.constant 16 : i32
          %add3A_390 = arith.addi %add3A_389, %add3A_272 : i32
          %sub3A = arith.constant 4 : i32
          %sub3A_391 = arith.subi %add3A_390, %sub3A : i32
          %dma_wait3A_392 = arith.constant 0 : i32
          %dma_wait3A_393 = tpu.memref_slice %arg5[%sub3A_391, %dma_wait3A_392] : memref<32x32xi32, #tpu.memory_space<vmem>> -> memref<1x32xi32, #tpu.memory_space<vmem>>
          %dma_wait3A_394 = tpu.memref_squeeze %dma_wait3A_393 : memref<1x32xi32, #tpu.memory_space<vmem>> -> memref<32xi32, #tpu.memory_space<vmem>>
          %dma_wait3A_395 = arith.constant 0 : i32
          %dma_wait3A_396 = arith.constant 0 : i32
          %dma_wait3A_397 = tpu.memref_slice %arg16[%dma_wait3A_395, %dma_wait3A_396] : memref<10240x128xf32, #tpu.memory_space<vmem_shared>> -> memref<10240x128xf32, #tpu.memory_space<vmem_shared>>
          tpu.wait_indirect_dma semaphore(%arg25 : memref<!tpu.dma_semaphore, #tpu.memory_space<semaphore_mem>>) src(%arg7 : memref<32x128xf32, #tpu.memory_space<vmem>>) dst(%dma_wait3A_397 : memref<10240x128xf32, #tpu.memory_space<vmem_shared>>)
        } else {
        }
        %add3A_278 = arith.constant 4 : i32
        %add3A_279 = arith.addi %add3A_272, %add3A_278 : i32
        %lt3A_280 = arith.constant 16 : i32
        %lt3A_281 = arith.cmpi slt, %add3A_279, %lt3A_280 : i32
        %convert_element_type3A_282 = arith.extui %lt3A_281 : i1 to i32
        %cond3A_283 = arith.constant 0 : i32
        %cond3A_284 = arith.cmpi ne, %convert_element_type3A_282, %cond3A_283 : i32
        scf.if %cond3A_284 {
          %add3A_389 = arith.constant 4 : i32
          %add3A_390 = arith.addi %add3A_272, %add3A_389 : i32
          %dma_start3A_391 = arith.constant 0 : i32
          %dma_start3A_392 = tpu.memref_slice %arg5[%add3A_390, %dma_start3A_391] : memref<32x32xi32, #tpu.memory_space<vmem>> -> memref<1x32xi32, #tpu.memory_space<vmem>>
          %dma_start3A_393 = tpu.memref_squeeze %dma_start3A_392 : memref<1x32xi32, #tpu.memory_space<vmem>> -> memref<32xi32, #tpu.memory_space<vmem>>
          %dma_start3A_394 = arith.constant 0 : i32
          %dma_start3A_395 = arith.constant 0 : i32
          %dma_start3A_396 = tpu.memref_slice %arg2[%dma_start3A_394, %dma_start3A_395] : memref<10000x128xf32, #tpu.memory_space<hbm>> -> memref<10000x128xf32, #tpu.memory_space<hbm>>
          tpu.enqueue_indirect_dma source(%dma_start3A_396 : memref<10000x128xf32, #tpu.memory_space<hbm>>) target(%arg7 : memref<32x128xf32, #tpu.memory_space<vmem>>) offsets(%dma_start3A_393 : memref<32xi32, #tpu.memory_space<vmem>>) semaphore(%arg17 : memref<!tpu.dma_semaphore, #tpu.memory_space<semaphore_mem>>)
        } else {
        }
        %dma_wait3A_285 = arith.constant 0 : i32
        %dma_wait3A_286 = tpu.memref_slice %arg5[%add3A_272, %dma_wait3A_285] : memref<32x32xi32, #tpu.memory_space<vmem>> -> memref<1x32xi32, #tpu.memory_space<vmem>>
        %dma_wait3A_287 = tpu.memref_squeeze %dma_wait3A_286 : memref<1x32xi32, #tpu.memory_space<vmem>> -> memref<32xi32, #tpu.memory_space<vmem>>
        %dma_wait3A_288 = arith.constant 0 : i32
        %dma_wait3A_289 = arith.constant 0 : i32
        %dma_wait3A_290 = tpu.memref_slice %arg2[%dma_wait3A_288, %dma_wait3A_289] : memref<10000x128xf32, #tpu.memory_space<hbm>> -> memref<10000x128xf32, #tpu.memory_space<hbm>>
        tpu.wait_indirect_dma semaphore(%arg21 : memref<!tpu.dma_semaphore, #tpu.memory_space<semaphore_mem>>) src(%dma_wait3A_290 : memref<10000x128xf32, #tpu.memory_space<hbm>>) dst(%arg11 : memref<32x128xf32, #tpu.memory_space<vmem>>)
        %add3A_291 = arith.constant 16 : i32
        %add3A_292 = arith.addi %add3A_291, %add3A_272 : i32
        %dma_start3A_293 = arith.constant 0 : i32
        %dma_start3A_294 = tpu.memref_slice %arg5[%add3A_292, %dma_start3A_293] : memref<32x32xi32, #tpu.memory_space<vmem>> -> memref<1x32xi32, #tpu.memory_space<vmem>>
        %dma_start3A_295 = tpu.memref_squeeze %dma_start3A_294 : memref<1x32xi32, #tpu.memory_space<vmem>> -> memref<32xi32, #tpu.memory_space<vmem>>
        %dma_start3A_296 = arith.constant 0 : i32
        %dma_start3A_297 = arith.constant 0 : i32
        %dma_start3A_298 = tpu.memref_slice %arg16[%dma_start3A_296, %dma_start3A_297] : memref<10240x128xf32, #tpu.memory_space<vmem_shared>> -> memref<10240x128xf32, #tpu.memory_space<vmem_shared>>
        tpu.enqueue_indirect_dma source(%arg11 : memref<32x128xf32, #tpu.memory_space<vmem>>) target(%dma_start3A_298 : memref<10240x128xf32, #tpu.memory_space<vmem_shared>>) offsets(%dma_start3A_295 : memref<32xi32, #tpu.memory_space<vmem>>) semaphore(%arg29 : memref<!tpu.dma_semaphore, #tpu.memory_space<semaphore_mem>>) {add = true}
        %mul3A_299 = arith.constant 8 : i32
        %mul3A_300 = arith.muli %mul3A_299, %scan3A_149 : i32
        %add3A_301 = arith.constant 5 : i32
        %add3A_302 = arith.addi %mul3A_300, %add3A_301 : i32
        %ge3A_303 = arith.constant 4 : i32
        %ge3A_304 = arith.cmpi sge, %add3A_302, %ge3A_303 : i32
        %convert_element_type3A_305 = arith.extui %ge3A_304 : i1 to i32
        %cond3A_306 = arith.constant 0 : i32
        %cond3A_307 = arith.cmpi ne, %convert_element_type3A_305, %cond3A_306 : i32
        scf.if %cond3A_307 {
          %add3A_389 = arith.constant 16 : i32
          %add3A_390 = arith.addi %add3A_389, %add3A_302 : i32
          %sub3A = arith.constant 4 : i32
          %sub3A_391 = arith.subi %add3A_390, %sub3A : i32
          %dma_wait3A_392 = arith.constant 0 : i32
          %dma_wait3A_393 = tpu.memref_slice %arg5[%sub3A_391, %dma_wait3A_392] : memref<32x32xi32, #tpu.memory_space<vmem>> -> memref<1x32xi32, #tpu.memory_space<vmem>>
          %dma_wait3A_394 = tpu.memref_squeeze %dma_wait3A_393 : memref<1x32xi32, #tpu.memory_space<vmem>> -> memref<32xi32, #tpu.memory_space<vmem>>
          %dma_wait3A_395 = arith.constant 0 : i32
          %dma_wait3A_396 = arith.constant 0 : i32
          %dma_wait3A_397 = tpu.memref_slice %arg16[%dma_wait3A_395, %dma_wait3A_396] : memref<10240x128xf32, #tpu.memory_space<vmem_shared>> -> memref<10240x128xf32, #tpu.memory_space<vmem_shared>>
          tpu.wait_indirect_dma semaphore(%arg26 : memref<!tpu.dma_semaphore, #tpu.memory_space<semaphore_mem>>) src(%arg8 : memref<32x128xf32, #tpu.memory_space<vmem>>) dst(%dma_wait3A_397 : memref<10240x128xf32, #tpu.memory_space<vmem_shared>>)
        } else {
        }
        %add3A_308 = arith.constant 4 : i32
        %add3A_309 = arith.addi %add3A_302, %add3A_308 : i32
        %lt3A_310 = arith.constant 16 : i32
        %lt3A_311 = arith.cmpi slt, %add3A_309, %lt3A_310 : i32
        %convert_element_type3A_312 = arith.extui %lt3A_311 : i1 to i32
        %cond3A_313 = arith.constant 0 : i32
        %cond3A_314 = arith.cmpi ne, %convert_element_type3A_312, %cond3A_313 : i32
        scf.if %cond3A_314 {
          %add3A_389 = arith.constant 4 : i32
          %add3A_390 = arith.addi %add3A_302, %add3A_389 : i32
          %dma_start3A_391 = arith.constant 0 : i32
          %dma_start3A_392 = tpu.memref_slice %arg5[%add3A_390, %dma_start3A_391] : memref<32x32xi32, #tpu.memory_space<vmem>> -> memref<1x32xi32, #tpu.memory_space<vmem>>
          %dma_start3A_393 = tpu.memref_squeeze %dma_start3A_392 : memref<1x32xi32, #tpu.memory_space<vmem>> -> memref<32xi32, #tpu.memory_space<vmem>>
          %dma_start3A_394 = arith.constant 0 : i32
          %dma_start3A_395 = arith.constant 0 : i32
          %dma_start3A_396 = tpu.memref_slice %arg2[%dma_start3A_394, %dma_start3A_395] : memref<10000x128xf32, #tpu.memory_space<hbm>> -> memref<10000x128xf32, #tpu.memory_space<hbm>>
          tpu.enqueue_indirect_dma source(%dma_start3A_396 : memref<10000x128xf32, #tpu.memory_space<hbm>>) target(%arg8 : memref<32x128xf32, #tpu.memory_space<vmem>>) offsets(%dma_start3A_393 : memref<32xi32, #tpu.memory_space<vmem>>) semaphore(%arg18 : memref<!tpu.dma_semaphore, #tpu.memory_space<semaphore_mem>>)
        } else {
        }
        %dma_wait3A_315 = arith.constant 0 : i32
        %dma_wait3A_316 = tpu.memref_slice %arg5[%add3A_302, %dma_wait3A_315] : memref<32x32xi32, #tpu.memory_space<vmem>> -> memref<1x32xi32, #tpu.memory_space<vmem>>
        %dma_wait3A_317 = tpu.memref_squeeze %dma_wait3A_316 : memref<1x32xi32, #tpu.memory_space<vmem>> -> memref<32xi32, #tpu.memory_space<vmem>>
        %dma_wait3A_318 = arith.constant 0 : i32
        %dma_wait3A_319 = arith.constant 0 : i32
        %dma_wait3A_320 = tpu.memref_slice %arg2[%dma_wait3A_318, %dma_wait3A_319] : memref<10000x128xf32, #tpu.memory_space<hbm>> -> memref<10000x128xf32, #tpu.memory_space<hbm>>
        tpu.wait_indirect_dma semaphore(%arg22 : memref<!tpu.dma_semaphore, #tpu.memory_space<semaphore_mem>>) src(%dma_wait3A_320 : memref<10000x128xf32, #tpu.memory_space<hbm>>) dst(%arg12 : memref<32x128xf32, #tpu.memory_space<vmem>>)
        %add3A_321 = arith.constant 16 : i32
        %add3A_322 = arith.addi %add3A_321, %add3A_302 : i32
        %dma_start3A_323 = arith.constant 0 : i32
        %dma_start3A_324 = tpu.memref_slice %arg5[%add3A_322, %dma_start3A_323] : memref<32x32xi32, #tpu.memory_space<vmem>> -> memref<1x32xi32, #tpu.memory_space<vmem>>
        %dma_start3A_325 = tpu.memref_squeeze %dma_start3A_324 : memref<1x32xi32, #tpu.memory_space<vmem>> -> memref<32xi32, #tpu.memory_space<vmem>>
        %dma_start3A_326 = arith.constant 0 : i32
        %dma_start3A_327 = arith.constant 0 : i32
        %dma_start3A_328 = tpu.memref_slice %arg16[%dma_start3A_326, %dma_start3A_327] : memref<10240x128xf32, #tpu.memory_space<vmem_shared>> -> memref<10240x128xf32, #tpu.memory_space<vmem_shared>>
        tpu.enqueue_indirect_dma source(%arg12 : memref<32x128xf32, #tpu.memory_space<vmem>>) target(%dma_start3A_328 : memref<10240x128xf32, #tpu.memory_space<vmem_shared>>) offsets(%dma_start3A_325 : memref<32xi32, #tpu.memory_space<vmem>>) semaphore(%arg30 : memref<!tpu.dma_semaphore, #tpu.memory_space<semaphore_mem>>) {add = true}
        %mul3A_329 = arith.constant 8 : i32
        %mul3A_330 = arith.muli %mul3A_329, %scan3A_149 : i32
        %add3A_331 = arith.constant 6 : i32
        %add3A_332 = arith.addi %mul3A_330, %add3A_331 : i32
        %ge3A_333 = arith.constant 4 : i32
        %ge3A_334 = arith.cmpi sge, %add3A_332, %ge3A_333 : i32
        %convert_element_type3A_335 = arith.extui %ge3A_334 : i1 to i32
        %cond3A_336 = arith.constant 0 : i32
        %cond3A_337 = arith.cmpi ne, %convert_element_type3A_335, %cond3A_336 : i32
        scf.if %cond3A_337 {
          %add3A_389 = arith.constant 16 : i32
          %add3A_390 = arith.addi %add3A_389, %add3A_332 : i32
          %sub3A = arith.constant 4 : i32
          %sub3A_391 = arith.subi %add3A_390, %sub3A : i32
          %dma_wait3A_392 = arith.constant 0 : i32
          %dma_wait3A_393 = tpu.memref_slice %arg5[%sub3A_391, %dma_wait3A_392] : memref<32x32xi32, #tpu.memory_space<vmem>> -> memref<1x32xi32, #tpu.memory_space<vmem>>
          %dma_wait3A_394 = tpu.memref_squeeze %dma_wait3A_393 : memref<1x32xi32, #tpu.memory_space<vmem>> -> memref<32xi32, #tpu.memory_space<vmem>>
          %dma_wait3A_395 = arith.constant 0 : i32
          %dma_wait3A_396 = arith.constant 0 : i32
          %dma_wait3A_397 = tpu.memref_slice %arg16[%dma_wait3A_395, %dma_wait3A_396] : memref<10240x128xf32, #tpu.memory_space<vmem_shared>> -> memref<10240x128xf32, #tpu.memory_space<vmem_shared>>
          tpu.wait_indirect_dma semaphore(%arg27 : memref<!tpu.dma_semaphore, #tpu.memory_space<semaphore_mem>>) src(%arg9 : memref<32x128xf32, #tpu.memory_space<vmem>>) dst(%dma_wait3A_397 : memref<10240x128xf32, #tpu.memory_space<vmem_shared>>)
        } else {
        }
        %add3A_338 = arith.constant 4 : i32
        %add3A_339 = arith.addi %add3A_332, %add3A_338 : i32
        %lt3A_340 = arith.constant 16 : i32
        %lt3A_341 = arith.cmpi slt, %add3A_339, %lt3A_340 : i32
        %convert_element_type3A_342 = arith.extui %lt3A_341 : i1 to i32
        %cond3A_343 = arith.constant 0 : i32
        %cond3A_344 = arith.cmpi ne, %convert_element_type3A_342, %cond3A_343 : i32
        scf.if %cond3A_344 {
          %add3A_389 = arith.constant 4 : i32
          %add3A_390 = arith.addi %add3A_332, %add3A_389 : i32
          %dma_start3A_391 = arith.constant 0 : i32
          %dma_start3A_392 = tpu.memref_slice %arg5[%add3A_390, %dma_start3A_391] : memref<32x32xi32, #tpu.memory_space<vmem>> -> memref<1x32xi32, #tpu.memory_space<vmem>>
          %dma_start3A_393 = tpu.memref_squeeze %dma_start3A_392 : memref<1x32xi32, #tpu.memory_space<vmem>> -> memref<32xi32, #tpu.memory_space<vmem>>
          %dma_start3A_394 = arith.constant 0 : i32
          %dma_start3A_395 = arith.constant 0 : i32
          %dma_start3A_396 = tpu.memref_slice %arg2[%dma_start3A_394, %dma_start3A_395] : memref<10000x128xf32, #tpu.memory_space<hbm>> -> memref<10000x128xf32, #tpu.memory_space<hbm>>
          tpu.enqueue_indirect_dma source(%dma_start3A_396 : memref<10000x128xf32, #tpu.memory_space<hbm>>) target(%arg9 : memref<32x128xf32, #tpu.memory_space<vmem>>) offsets(%dma_start3A_393 : memref<32xi32, #tpu.memory_space<vmem>>) semaphore(%arg19 : memref<!tpu.dma_semaphore, #tpu.memory_space<semaphore_mem>>)
        } else {
        }
        %dma_wait3A_345 = arith.constant 0 : i32
        %dma_wait3A_346 = tpu.memref_slice %arg5[%add3A_332, %dma_wait3A_345] : memref<32x32xi32, #tpu.memory_space<vmem>> -> memref<1x32xi32, #tpu.memory_space<vmem>>
        %dma_wait3A_347 = tpu.memref_squeeze %dma_wait3A_346 : memref<1x32xi32, #tpu.memory_space<vmem>> -> memref<32xi32, #tpu.memory_space<vmem>>
        %dma_wait3A_348 = arith.constant 0 : i32
        %dma_wait3A_349 = arith.constant 0 : i32
        %dma_wait3A_350 = tpu.memref_slice %arg2[%dma_wait3A_348, %dma_wait3A_349] : memref<10000x128xf32, #tpu.memory_space<hbm>> -> memref<10000x128xf32, #tpu.memory_space<hbm>>
        tpu.wait_indirect_dma semaphore(%arg23 : memref<!tpu.dma_semaphore, #tpu.memory_space<semaphore_mem>>) src(%dma_wait3A_350 : memref<10000x128xf32, #tpu.memory_space<hbm>>) dst(%arg13 : memref<32x128xf32, #tpu.memory_space<vmem>>)
        %add3A_351 = arith.constant 16 : i32
        %add3A_352 = arith.addi %add3A_351, %add3A_332 : i32
        %dma_start3A_353 = arith.constant 0 : i32
        %dma_start3A_354 = tpu.memref_slice %arg5[%add3A_352, %dma_start3A_353] : memref<32x32xi32, #tpu.memory_space<vmem>> -> memref<1x32xi32, #tpu.memory_space<vmem>>
        %dma_start3A_355 = tpu.memref_squeeze %dma_start3A_354 : memref<1x32xi32, #tpu.memory_space<vmem>> -> memref<32xi32, #tpu.memory_space<vmem>>
        %dma_start3A_356 = arith.constant 0 : i32
        %dma_start3A_357 = arith.constant 0 : i32
        %dma_start3A_358 = tpu.memref_slice %arg16[%dma_start3A_356, %dma_start3A_357] : memref<10240x128xf32, #tpu.memory_space<vmem_shared>> -> memref<10240x128xf32, #tpu.memory_space<vmem_shared>>
        tpu.enqueue_indirect_dma source(%arg13 : memref<32x128xf32, #tpu.memory_space<vmem>>) target(%dma_start3A_358 : memref<10240x128xf32, #tpu.memory_space<vmem_shared>>) offsets(%dma_start3A_355 : memref<32xi32, #tpu.memory_space<vmem>>) semaphore(%arg31 : memref<!tpu.dma_semaphore, #tpu.memory_space<semaphore_mem>>) {add = true}
        %mul3A_359 = arith.constant 8 : i32
        %mul3A_360 = arith.muli %mul3A_359, %scan3A_149 : i32
        %add3A_361 = arith.constant 7 : i32
        %add3A_362 = arith.addi %mul3A_360, %add3A_361 : i32
        %ge3A_363 = arith.constant 4 : i32
        %ge3A_364 = arith.cmpi sge, %add3A_362, %ge3A_363 : i32
        %convert_element_type3A_365 = arith.extui %ge3A_364 : i1 to i32
        %cond3A_366 = arith.constant 0 : i32
        %cond3A_367 = arith.cmpi ne, %convert_element_type3A_365, %cond3A_366 : i32
        scf.if %cond3A_367 {
          %add3A_389 = arith.constant 16 : i32
          %add3A_390 = arith.addi %add3A_389, %add3A_362 : i32
          %sub3A = arith.constant 4 : i32
          %sub3A_391 = arith.subi %add3A_390, %sub3A : i32
          %dma_wait3A_392 = arith.constant 0 : i32
          %dma_wait3A_393 = tpu.memref_slice %arg5[%sub3A_391, %dma_wait3A_392] : memref<32x32xi32, #tpu.memory_space<vmem>> -> memref<1x32xi32, #tpu.memory_space<vmem>>
          %dma_wait3A_394 = tpu.memref_squeeze %dma_wait3A_393 : memref<1x32xi32, #tpu.memory_space<vmem>> -> memref<32xi32, #tpu.memory_space<vmem>>
          %dma_wait3A_395 = arith.constant 0 : i32
          %dma_wait3A_396 = arith.constant 0 : i32
          %dma_wait3A_397 = tpu.memref_slice %arg16[%dma_wait3A_395, %dma_wait3A_396] : memref<10240x128xf32, #tpu.memory_space<vmem_shared>> -> memref<10240x128xf32, #tpu.memory_space<vmem_shared>>
          tpu.wait_indirect_dma semaphore(%arg28 : memref<!tpu.dma_semaphore, #tpu.memory_space<semaphore_mem>>) src(%arg10 : memref<32x128xf32, #tpu.memory_space<vmem>>) dst(%dma_wait3A_397 : memref<10240x128xf32, #tpu.memory_space<vmem_shared>>)
        } else {
        }
        %add3A_368 = arith.constant 4 : i32
        %add3A_369 = arith.addi %add3A_362, %add3A_368 : i32
        %lt3A_370 = arith.constant 16 : i32
        %lt3A_371 = arith.cmpi slt, %add3A_369, %lt3A_370 : i32
        %convert_element_type3A_372 = arith.extui %lt3A_371 : i1 to i32
        %cond3A_373 = arith.constant 0 : i32
        %cond3A_374 = arith.cmpi ne, %convert_element_type3A_372, %cond3A_373 : i32
        scf.if %cond3A_374 {
          %add3A_389 = arith.constant 4 : i32
          %add3A_390 = arith.addi %add3A_362, %add3A_389 : i32
          %dma_start3A_391 = arith.constant 0 : i32
          %dma_start3A_392 = tpu.memref_slice %arg5[%add3A_390, %dma_start3A_391] : memref<32x32xi32, #tpu.memory_space<vmem>> -> memref<1x32xi32, #tpu.memory_space<vmem>>
          %dma_start3A_393 = tpu.memref_squeeze %dma_start3A_392 : memref<1x32xi32, #tpu.memory_space<vmem>> -> memref<32xi32, #tpu.memory_space<vmem>>
          %dma_start3A_394 = arith.constant 0 : i32
          %dma_start3A_395 = arith.constant 0 : i32
          %dma_start3A_396 = tpu.memref_slice %arg2[%dma_start3A_394, %dma_start3A_395] : memref<10000x128xf32, #tpu.memory_space<hbm>> -> memref<10000x128xf32, #tpu.memory_space<hbm>>
          tpu.enqueue_indirect_dma source(%dma_start3A_396 : memref<10000x128xf32, #tpu.memory_space<hbm>>) target(%arg10 : memref<32x128xf32, #tpu.memory_space<vmem>>) offsets(%dma_start3A_393 : memref<32xi32, #tpu.memory_space<vmem>>) semaphore(%arg20 : memref<!tpu.dma_semaphore, #tpu.memory_space<semaphore_mem>>)
        } else {
        }
        %dma_wait3A_375 = arith.constant 0 : i32
        %dma_wait3A_376 = tpu.memref_slice %arg5[%add3A_362, %dma_wait3A_375] : memref<32x32xi32, #tpu.memory_space<vmem>> -> memref<1x32xi32, #tpu.memory_space<vmem>>
        %dma_wait3A_377 = tpu.memref_squeeze %dma_wait3A_376 : memref<1x32xi32, #tpu.memory_space<vmem>> -> memref<32xi32, #tpu.memory_space<vmem>>
        %dma_wait3A_378 = arith.constant 0 : i32
        %dma_wait3A_379 = arith.constant 0 : i32
        %dma_wait3A_380 = tpu.memref_slice %arg2[%dma_wait3A_378, %dma_wait3A_379] : memref<10000x128xf32, #tpu.memory_space<hbm>> -> memref<10000x128xf32, #tpu.memory_space<hbm>>
        tpu.wait_indirect_dma semaphore(%arg24 : memref<!tpu.dma_semaphore, #tpu.memory_space<semaphore_mem>>) src(%dma_wait3A_380 : memref<10000x128xf32, #tpu.memory_space<hbm>>) dst(%arg14 : memref<32x128xf32, #tpu.memory_space<vmem>>)
        %add3A_381 = arith.constant 16 : i32
        %add3A_382 = arith.addi %add3A_381, %add3A_362 : i32
        %dma_start3A_383 = arith.constant 0 : i32
        %dma_start3A_384 = tpu.memref_slice %arg5[%add3A_382, %dma_start3A_383] : memref<32x32xi32, #tpu.memory_space<vmem>> -> memref<1x32xi32, #tpu.memory_space<vmem>>
        %dma_start3A_385 = tpu.memref_squeeze %dma_start3A_384 : memref<1x32xi32, #tpu.memory_space<vmem>> -> memref<32xi32, #tpu.memory_space<vmem>>
        %dma_start3A_386 = arith.constant 0 : i32
        %dma_start3A_387 = arith.constant 0 : i32
        %dma_start3A_388 = tpu.memref_slice %arg16[%dma_start3A_386, %dma_start3A_387] : memref<10240x128xf32, #tpu.memory_space<vmem_shared>> -> memref<10240x128xf32, #tpu.memory_space<vmem_shared>>
        tpu.enqueue_indirect_dma source(%arg14 : memref<32x128xf32, #tpu.memory_space<vmem>>) target(%dma_start3A_388 : memref<10240x128xf32, #tpu.memory_space<vmem_shared>>) offsets(%dma_start3A_385 : memref<32xi32, #tpu.memory_space<vmem>>) semaphore(%arg32 : memref<!tpu.dma_semaphore, #tpu.memory_space<semaphore_mem>>) {add = true}
      }
      %scan3A_62 = arith.constant 2 : i32
      %dma_wait3A = arith.constant 28 : i32
      %dma_wait3A_63 = arith.constant 0 : i32
      %dma_wait3A_64 = tpu.memref_slice %arg5[%dma_wait3A, %dma_wait3A_63] : memref<32x32xi32, #tpu.memory_space<vmem>> -> memref<1x32xi32, #tpu.memory_space<vmem>>
      %dma_wait3A_65 = tpu.memref_squeeze %dma_wait3A_64 : memref<1x32xi32, #tpu.memory_space<vmem>> -> memref<32xi32, #tpu.memory_space<vmem>>
      %dma_wait3A_66 = arith.constant 0 : i32
      %dma_wait3A_67 = arith.constant 0 : i32
      %dma_wait3A_68 = tpu.memref_slice %arg16[%dma_wait3A_66, %dma_wait3A_67] : memref<10240x128xf32, #tpu.memory_space<vmem_shared>> -> memref<10240x128xf32, #tpu.memory_space<vmem_shared>>
      tpu.wait_indirect_dma semaphore(%arg29 : memref<!tpu.dma_semaphore, #tpu.memory_space<semaphore_mem>>) src(%arg11 : memref<32x128xf32, #tpu.memory_space<vmem>>) dst(%dma_wait3A_68 : memref<10240x128xf32, #tpu.memory_space<vmem_shared>>)
      %dma_wait3A_69 = arith.constant 29 : i32
      %dma_wait3A_70 = arith.constant 0 : i32
      %dma_wait3A_71 = tpu.memref_slice %arg5[%dma_wait3A_69, %dma_wait3A_70] : memref<32x32xi32, #tpu.memory_space<vmem>> -> memref<1x32xi32, #tpu.memory_space<vmem>>
      %dma_wait3A_72 = tpu.memref_squeeze %dma_wait3A_71 : memref<1x32xi32, #tpu.memory_space<vmem>> -> memref<32xi32, #tpu.memory_space<vmem>>
      %dma_wait3A_73 = arith.constant 0 : i32
      %dma_wait3A_74 = arith.constant 0 : i32
      %dma_wait3A_75 = tpu.memref_slice %arg16[%dma_wait3A_73, %dma_wait3A_74] : memref<10240x128xf32, #tpu.memory_space<vmem_shared>> -> memref<10240x128xf32, #tpu.memory_space<vmem_shared>>
      tpu.wait_indirect_dma semaphore(%arg30 : memref<!tpu.dma_semaphore, #tpu.memory_space<semaphore_mem>>) src(%arg12 : memref<32x128xf32, #tpu.memory_space<vmem>>) dst(%dma_wait3A_75 : memref<10240x128xf32, #tpu.memory_space<vmem_shared>>)
      %dma_wait3A_76 = arith.constant 30 : i32
      %dma_wait3A_77 = arith.constant 0 : i32
      %dma_wait3A_78 = tpu.memref_slice %arg5[%dma_wait3A_76, %dma_wait3A_77] : memref<32x32xi32, #tpu.memory_space<vmem>> -> memref<1x32xi32, #tpu.memory_space<vmem>>
      %dma_wait3A_79 = tpu.memref_squeeze %dma_wait3A_78 : memref<1x32xi32, #tpu.memory_space<vmem>> -> memref<32xi32, #tpu.memory_space<vmem>>
      %dma_wait3A_80 = arith.constant 0 : i32
      %dma_wait3A_81 = arith.constant 0 : i32
      %dma_wait3A_82 = tpu.memref_slice %arg16[%dma_wait3A_80, %dma_wait3A_81] : memref<10240x128xf32, #tpu.memory_space<vmem_shared>> -> memref<10240x128xf32, #tpu.memory_space<vmem_shared>>
      tpu.wait_indirect_dma semaphore(%arg31 : memref<!tpu.dma_semaphore, #tpu.memory_space<semaphore_mem>>) src(%arg13 : memref<32x128xf32, #tpu.memory_space<vmem>>) dst(%dma_wait3A_82 : memref<10240x128xf32, #tpu.memory_space<vmem_shared>>)
      %dma_wait3A_83 = arith.constant 31 : i32
      %dma_wait3A_84 = arith.constant 0 : i32
      %dma_wait3A_85 = tpu.memref_slice %arg5[%dma_wait3A_83, %dma_wait3A_84] : memref<32x32xi32, #tpu.memory_space<vmem>> -> memref<1x32xi32, #tpu.memory_space<vmem>>
      %dma_wait3A_86 = tpu.memref_squeeze %dma_wait3A_85 : memref<1x32xi32, #tpu.memory_space<vmem>> -> memref<32xi32, #tpu.memory_space<vmem>>
      %dma_wait3A_87 = arith.constant 0 : i32
      %dma_wait3A_88 = arith.constant 0 : i32
      %dma_wait3A_89 = tpu.memref_slice %arg16[%dma_wait3A_87, %dma_wait3A_88] : memref<10240x128xf32, #tpu.memory_space<vmem_shared>> -> memref<10240x128xf32, #tpu.memory_space<vmem_shared>>
      tpu.wait_indirect_dma semaphore(%arg32 : memref<!tpu.dma_semaphore, #tpu.memory_space<semaphore_mem>>) src(%arg14 : memref<32x128xf32, #tpu.memory_space<vmem>>) dst(%dma_wait3A_89 : memref<10240x128xf32, #tpu.memory_space<vmem_shared>>)
      %add3A_90 = arith.constant 1 : i32
      %add3A_91 = arith.addi %add3A_52, %add3A_90 : i32
      %lt3A_92 = arith.constant 20 : i32
      %lt3A_93 = arith.cmpi slt, %add3A_91, %lt3A_92 : i32
      %convert_element_type3A_94 = arith.extui %lt3A_93 : i1 to i32
      %cond3A_95 = arith.constant 0 : i32
      %cond3A_96 = arith.cmpi ne, %convert_element_type3A_94, %cond3A_95 : i32
      scf.if %cond3A_96 {
        %add3A_149 = arith.constant 1 : i32
        %add3A_150 = arith.addi %add3A_52, %add3A_149 : i32
        %dma_wait3A_151 = arith.constant 0 : i32
        %dma_wait3A_152 = arith.constant 0 : i32
        %dma_wait3A_153 = tpu.memref_slice %arg3[%add3A, %add3A_150, %dma_wait3A_151, %dma_wait3A_152] : memref<32x20x32x32xi32, #tpu.memory_space<hbm>> -> memref<1x1x32x32xi32, #tpu.memory_space<hbm>>
        %dma_wait3A_154 = tpu.memref_squeeze %dma_wait3A_153 : memref<1x1x32x32xi32, #tpu.memory_space<hbm>> -> memref<32x32xi32, #tpu.memory_space<hbm>>
        %dma_wait3A_155 = arith.constant 0 : i32
        %dma_wait3A_156 = arith.constant 0 : i32
        %dma_wait3A_157 = tpu.memref_slice %arg3[%add3A, %add3A_150, %dma_wait3A_155, %dma_wait3A_156] : memref<32x20x32x32xi32, #tpu.memory_space<hbm>> -> memref<1x1x32x32xi32, #tpu.memory_space<hbm>>
        %dma_wait3A_158 = tpu.memref_squeeze %dma_wait3A_157 : memref<1x1x32x32xi32, #tpu.memory_space<hbm>> -> memref<32x32xi32, #tpu.memory_space<hbm>>
        tpu.wait_dma2 semaphore(%arg33 : memref<!tpu.dma_semaphore, #tpu.memory_space<semaphore_mem>>) src(%dma_wait3A_158 : memref<32x32xi32, #tpu.memory_space<hbm>>) dst(%arg6 : memref<32x32xi32, #tpu.memory_space<vmem>>)
        %dma_start3A_159 = arith.constant 0 : i32
        %dma_start3A_160 = arith.constant 0 : i32
        %dma_start3A_161 = tpu.memref_slice %arg6[%dma_start3A_159, %dma_start3A_160] : memref<32x32xi32, #tpu.memory_space<vmem>> -> memref<1x32xi32, #tpu.memory_space<vmem>>
        %dma_start3A_162 = tpu.memref_squeeze %dma_start3A_161 : memref<1x32xi32, #tpu.memory_space<vmem>> -> memref<32xi32, #tpu.memory_space<vmem>>
        %dma_start3A_163 = arith.constant 0 : i32
        %dma_start3A_164 = arith.constant 0 : i32
        %dma_start3A_165 = tpu.memref_slice %arg2[%dma_start3A_163, %dma_start3A_164] : memref<10000x128xf32, #tpu.memory_space<hbm>> -> memref<10000x128xf32, #tpu.memory_space<hbm>>
        tpu.enqueue_indirect_dma source(%dma_start3A_165 : memref<10000x128xf32, #tpu.memory_space<hbm>>) target(%arg7 : memref<32x128xf32, #tpu.memory_space<vmem>>) offsets(%dma_start3A_162 : memref<32xi32, #tpu.memory_space<vmem>>) semaphore(%arg17 : memref<!tpu.dma_semaphore, #tpu.memory_space<semaphore_mem>>)
        %dma_start3A_166 = arith.constant 1 : i32
        %dma_start3A_167 = arith.constant 0 : i32
        %dma_start3A_168 = tpu.memref_slice %arg6[%dma_start3A_166, %dma_start3A_167] : memref<32x32xi32, #tpu.memory_space<vmem>> -> memref<1x32xi32, #tpu.memory_space<vmem>>
        %dma_start3A_169 = tpu.memref_squeeze %dma_start3A_168 : memref<1x32xi32, #tpu.memory_space<vmem>> -> memref<32xi32, #tpu.memory_space<vmem>>
        %dma_start3A_170 = arith.constant 0 : i32
        %dma_start3A_171 = arith.constant 0 : i32
        %dma_start3A_172 = tpu.memref_slice %arg2[%dma_start3A_170, %dma_start3A_171] : memref<10000x128xf32, #tpu.memory_space<hbm>> -> memref<10000x128xf32, #tpu.memory_space<hbm>>
        tpu.enqueue_indirect_dma source(%dma_start3A_172 : memref<10000x128xf32, #tpu.memory_space<hbm>>) target(%arg8 : memref<32x128xf32, #tpu.memory_space<vmem>>) offsets(%dma_start3A_169 : memref<32xi32, #tpu.memory_space<vmem>>) semaphore(%arg18 : memref<!tpu.dma_semaphore, #tpu.memory_space<semaphore_mem>>)
        %dma_start3A_173 = arith.constant 2 : i32
        %dma_start3A_174 = arith.constant 0 : i32
        %dma_start3A_175 = tpu.memref_slice %arg6[%dma_start3A_173, %dma_start3A_174] : memref<32x32xi32, #tpu.memory_space<vmem>> -> memref<1x32xi32, #tpu.memory_space<vmem>>
        %dma_start3A_176 = tpu.memref_squeeze %dma_start3A_175 : memref<1x32xi32, #tpu.memory_space<vmem>> -> memref<32xi32, #tpu.memory_space<vmem>>
        %dma_start3A_177 = arith.constant 0 : i32
        %dma_start3A_178 = arith.constant 0 : i32
        %dma_start3A_179 = tpu.memref_slice %arg2[%dma_start3A_177, %dma_start3A_178] : memref<10000x128xf32, #tpu.memory_space<hbm>> -> memref<10000x128xf32, #tpu.memory_space<hbm>>
        tpu.enqueue_indirect_dma source(%dma_start3A_179 : memref<10000x128xf32, #tpu.memory_space<hbm>>) target(%arg9 : memref<32x128xf32, #tpu.memory_space<vmem>>) offsets(%dma_start3A_176 : memref<32xi32, #tpu.memory_space<vmem>>) semaphore(%arg19 : memref<!tpu.dma_semaphore, #tpu.memory_space<semaphore_mem>>)
        %dma_start3A_180 = arith.constant 3 : i32
        %dma_start3A_181 = arith.constant 0 : i32
        %dma_start3A_182 = tpu.memref_slice %arg6[%dma_start3A_180, %dma_start3A_181] : memref<32x32xi32, #tpu.memory_space<vmem>> -> memref<1x32xi32, #tpu.memory_space<vmem>>
        %dma_start3A_183 = tpu.memref_squeeze %dma_start3A_182 : memref<1x32xi32, #tpu.memory_space<vmem>> -> memref<32xi32, #tpu.memory_space<vmem>>
        %dma_start3A_184 = arith.constant 0 : i32
        %dma_start3A_185 = arith.constant 0 : i32
        %dma_start3A_186 = tpu.memref_slice %arg2[%dma_start3A_184, %dma_start3A_185] : memref<10000x128xf32, #tpu.memory_space<hbm>> -> memref<10000x128xf32, #tpu.memory_space<hbm>>
        tpu.enqueue_indirect_dma source(%dma_start3A_186 : memref<10000x128xf32, #tpu.memory_space<hbm>>) target(%arg10 : memref<32x128xf32, #tpu.memory_space<vmem>>) offsets(%dma_start3A_183 : memref<32xi32, #tpu.memory_space<vmem>>) semaphore(%arg20 : memref<!tpu.dma_semaphore, #tpu.memory_space<semaphore_mem>>)
      } else {
      }
      %mul3A_97 = arith.constant 2 : i32
      %mul3A_98 = arith.muli %mul3A_97, %scan3A_48 : i32
      %add3A_99 = arith.constant 1 : i32
      %add3A_100 = arith.addi %mul3A_98, %add3A_99 : i32
      %add3A_101 = arith.constant 1 : i32
      %add3A_102 = arith.addi %add3A_100, %add3A_101 : i32
      %lt3A_103 = arith.constant 20 : i32
      %lt3A_104 = arith.cmpi slt, %add3A_102, %lt3A_103 : i32
      %convert_element_type3A_105 = arith.extui %lt3A_104 : i1 to i32
      %cond3A_106 = arith.constant 0 : i32
      %cond3A_107 = arith.cmpi ne, %convert_element_type3A_105, %cond3A_106 : i32
      scf.if %cond3A_107 {
        %add3A_149 = arith.constant 1 : i32
        %add3A_150 = arith.addi %add3A_100, %add3A_149 : i32
        %dma_start3A_151 = arith.constant 0 : i32
        %dma_start3A_152 = arith.constant 0 : i32
        %dma_start3A_153 = tpu.memref_slice %arg3[%add3A, %add3A_150, %dma_start3A_151, %dma_start3A_152] : memref<32x20x32x32xi32, #tpu.memory_space<hbm>> -> memref<1x1x32x32xi32, #tpu.memory_space<hbm>>
        %dma_start3A_154 = tpu.memref_squeeze %dma_start3A_153 : memref<1x1x32x32xi32, #tpu.memory_space<hbm>> -> memref<32x32xi32, #tpu.memory_space<hbm>>
        %dma_start3A_155 = arith.constant 0 : i32
        %dma_start3A_156 = arith.constant 0 : i32
        %dma_start3A_157 = tpu.memref_slice %arg3[%add3A, %add3A_150, %dma_start3A_155, %dma_start3A_156] : memref<32x20x32x32xi32, #tpu.memory_space<hbm>> -> memref<1x1x32x32xi32, #tpu.memory_space<hbm>>
        %dma_start3A_158 = tpu.memref_squeeze %dma_start3A_157 : memref<1x1x32x32xi32, #tpu.memory_space<hbm>> -> memref<32x32xi32, #tpu.memory_space<hbm>>
        tpu.enqueue_dma source(%dma_start3A_158 : memref<32x32xi32, #tpu.memory_space<hbm>>) target(%arg5 : memref<32x32xi32, #tpu.memory_space<vmem>>) target_semaphore(%arg33 : memref<!tpu.dma_semaphore, #tpu.memory_space<semaphore_mem>>)
      } else {
      }
      %scan3A_108 = arith.constant 0 : i32
      %scan3A_109 = arith.constant 0 : i32
      %scan3A_110 = arith.constant 2 : i32
      %scan3A_111 = arith.addi %scan3A_109, %scan3A_110 : i32
      %scan3A_112 = arith.constant 1 : i32
      scf.for %scan3A_149 = %scan3A_109 to %scan3A_111 step %scan3A_112  : i32 {
        %mul3A_150 = arith.constant 8 : i32
        %mul3A_151 = arith.muli %mul3A_150, %scan3A_149 : i32
        %add3A_152 = arith.constant 0 : i32
        %add3A_153 = arith.addi %mul3A_151, %add3A_152 : i32
        %ge3A = arith.constant 4 : i32
        %ge3A_154 = arith.cmpi sge, %add3A_153, %ge3A : i32
        %convert_element_type3A_155 = arith.extui %ge3A_154 : i1 to i32
        %cond3A_156 = arith.constant 0 : i32
        %cond3A_157 = arith.cmpi ne, %convert_element_type3A_155, %cond3A_156 : i32
        scf.if %cond3A_157 {
          %add3A_389 = arith.constant 16 : i32
          %add3A_390 = arith.addi %add3A_389, %add3A_153 : i32
          %sub3A = arith.constant 4 : i32
          %sub3A_391 = arith.subi %add3A_390, %sub3A : i32
          %dma_wait3A_392 = arith.constant 0 : i32
          %dma_wait3A_393 = tpu.memref_slice %arg6[%sub3A_391, %dma_wait3A_392] : memref<32x32xi32, #tpu.memory_space<vmem>> -> memref<1x32xi32, #tpu.memory_space<vmem>>
          %dma_wait3A_394 = tpu.memref_squeeze %dma_wait3A_393 : memref<1x32xi32, #tpu.memory_space<vmem>> -> memref<32xi32, #tpu.memory_space<vmem>>
          %dma_wait3A_395 = arith.constant 0 : i32
          %dma_wait3A_396 = arith.constant 0 : i32
          %dma_wait3A_397 = tpu.memref_slice %arg16[%dma_wait3A_395, %dma_wait3A_396] : memref<10240x128xf32, #tpu.memory_space<vmem_shared>> -> memref<10240x128xf32, #tpu.memory_space<vmem_shared>>
          tpu.wait_indirect_dma semaphore(%arg29 : memref<!tpu.dma_semaphore, #tpu.memory_space<semaphore_mem>>) src(%arg11 : memref<32x128xf32, #tpu.memory_space<vmem>>) dst(%dma_wait3A_397 : memref<10240x128xf32, #tpu.memory_space<vmem_shared>>)
        } else {
        }
        %add3A_158 = arith.constant 4 : i32
        %add3A_159 = arith.addi %add3A_153, %add3A_158 : i32
        %lt3A_160 = arith.constant 16 : i32
        %lt3A_161 = arith.cmpi slt, %add3A_159, %lt3A_160 : i32
        %convert_element_type3A_162 = arith.extui %lt3A_161 : i1 to i32
        %cond3A_163 = arith.constant 0 : i32
        %cond3A_164 = arith.cmpi ne, %convert_element_type3A_162, %cond3A_163 : i32
        scf.if %cond3A_164 {
          %add3A_389 = arith.constant 4 : i32
          %add3A_390 = arith.addi %add3A_153, %add3A_389 : i32
          %dma_start3A_391 = arith.constant 0 : i32
          %dma_start3A_392 = tpu.memref_slice %arg6[%add3A_390, %dma_start3A_391] : memref<32x32xi32, #tpu.memory_space<vmem>> -> memref<1x32xi32, #tpu.memory_space<vmem>>
          %dma_start3A_393 = tpu.memref_squeeze %dma_start3A_392 : memref<1x32xi32, #tpu.memory_space<vmem>> -> memref<32xi32, #tpu.memory_space<vmem>>
          %dma_start3A_394 = arith.constant 0 : i32
          %dma_start3A_395 = arith.constant 0 : i32
          %dma_start3A_396 = tpu.memref_slice %arg2[%dma_start3A_394, %dma_start3A_395] : memref<10000x128xf32, #tpu.memory_space<hbm>> -> memref<10000x128xf32, #tpu.memory_space<hbm>>
          tpu.enqueue_indirect_dma source(%dma_start3A_396 : memref<10000x128xf32, #tpu.memory_space<hbm>>) target(%arg11 : memref<32x128xf32, #tpu.memory_space<vmem>>) offsets(%dma_start3A_393 : memref<32xi32, #tpu.memory_space<vmem>>) semaphore(%arg21 : memref<!tpu.dma_semaphore, #tpu.memory_space<semaphore_mem>>)
        } else {
        }
        %dma_wait3A_165 = arith.constant 0 : i32
        %dma_wait3A_166 = tpu.memref_slice %arg6[%add3A_153, %dma_wait3A_165] : memref<32x32xi32, #tpu.memory_space<vmem>> -> memref<1x32xi32, #tpu.memory_space<vmem>>
        %dma_wait3A_167 = tpu.memref_squeeze %dma_wait3A_166 : memref<1x32xi32, #tpu.memory_space<vmem>> -> memref<32xi32, #tpu.memory_space<vmem>>
        %dma_wait3A_168 = arith.constant 0 : i32
        %dma_wait3A_169 = arith.constant 0 : i32
        %dma_wait3A_170 = tpu.memref_slice %arg2[%dma_wait3A_168, %dma_wait3A_169] : memref<10000x128xf32, #tpu.memory_space<hbm>> -> memref<10000x128xf32, #tpu.memory_space<hbm>>
        tpu.wait_indirect_dma semaphore(%arg17 : memref<!tpu.dma_semaphore, #tpu.memory_space<semaphore_mem>>) src(%dma_wait3A_170 : memref<10000x128xf32, #tpu.memory_space<hbm>>) dst(%arg7 : memref<32x128xf32, #tpu.memory_space<vmem>>)
        %add3A_171 = arith.constant 16 : i32
        %add3A_172 = arith.addi %add3A_171, %add3A_153 : i32
        %dma_start3A_173 = arith.constant 0 : i32
        %dma_start3A_174 = tpu.memref_slice %arg6[%add3A_172, %dma_start3A_173] : memref<32x32xi32, #tpu.memory_space<vmem>> -> memref<1x32xi32, #tpu.memory_space<vmem>>
        %dma_start3A_175 = tpu.memref_squeeze %dma_start3A_174 : memref<1x32xi32, #tpu.memory_space<vmem>> -> memref<32xi32, #tpu.memory_space<vmem>>
        %dma_start3A_176 = arith.constant 0 : i32
        %dma_start3A_177 = arith.constant 0 : i32
        %dma_start3A_178 = tpu.memref_slice %arg16[%dma_start3A_176, %dma_start3A_177] : memref<10240x128xf32, #tpu.memory_space<vmem_shared>> -> memref<10240x128xf32, #tpu.memory_space<vmem_shared>>
        tpu.enqueue_indirect_dma source(%arg7 : memref<32x128xf32, #tpu.memory_space<vmem>>) target(%dma_start3A_178 : memref<10240x128xf32, #tpu.memory_space<vmem_shared>>) offsets(%dma_start3A_175 : memref<32xi32, #tpu.memory_space<vmem>>) semaphore(%arg25 : memref<!tpu.dma_semaphore, #tpu.memory_space<semaphore_mem>>) {add = true}
        %mul3A_179 = arith.constant 8 : i32
        %mul3A_180 = arith.muli %mul3A_179, %scan3A_149 : i32
        %add3A_181 = arith.constant 1 : i32
        %add3A_182 = arith.addi %mul3A_180, %add3A_181 : i32
        %ge3A_183 = arith.constant 4 : i32
        %ge3A_184 = arith.cmpi sge, %add3A_182, %ge3A_183 : i32
        %convert_element_type3A_185 = arith.extui %ge3A_184 : i1 to i32
        %cond3A_186 = arith.constant 0 : i32
        %cond3A_187 = arith.cmpi ne, %convert_element_type3A_185, %cond3A_186 : i32
        scf.if %cond3A_187 {
          %add3A_389 = arith.constant 16 : i32
          %add3A_390 = arith.addi %add3A_389, %add3A_182 : i32
          %sub3A = arith.constant 4 : i32
          %sub3A_391 = arith.subi %add3A_390, %sub3A : i32
          %dma_wait3A_392 = arith.constant 0 : i32
          %dma_wait3A_393 = tpu.memref_slice %arg6[%sub3A_391, %dma_wait3A_392] : memref<32x32xi32, #tpu.memory_space<vmem>> -> memref<1x32xi32, #tpu.memory_space<vmem>>
          %dma_wait3A_394 = tpu.memref_squeeze %dma_wait3A_393 : memref<1x32xi32, #tpu.memory_space<vmem>> -> memref<32xi32, #tpu.memory_space<vmem>>
          %dma_wait3A_395 = arith.constant 0 : i32
          %dma_wait3A_396 = arith.constant 0 : i32
          %dma_wait3A_397 = tpu.memref_slice %arg16[%dma_wait3A_395, %dma_wait3A_396] : memref<10240x128xf32, #tpu.memory_space<vmem_shared>> -> memref<10240x128xf32, #tpu.memory_space<vmem_shared>>
          tpu.wait_indirect_dma semaphore(%arg30 : memref<!tpu.dma_semaphore, #tpu.memory_space<semaphore_mem>>) src(%arg12 : memref<32x128xf32, #tpu.memory_space<vmem>>) dst(%dma_wait3A_397 : memref<10240x128xf32, #tpu.memory_space<vmem_shared>>)
        } else {
        }
        %add3A_188 = arith.constant 4 : i32
        %add3A_189 = arith.addi %add3A_182, %add3A_188 : i32
        %lt3A_190 = arith.constant 16 : i32
        %lt3A_191 = arith.cmpi slt, %add3A_189, %lt3A_190 : i32
        %convert_element_type3A_192 = arith.extui %lt3A_191 : i1 to i32
        %cond3A_193 = arith.constant 0 : i32
        %cond3A_194 = arith.cmpi ne, %convert_element_type3A_192, %cond3A_193 : i32
        scf.if %cond3A_194 {
          %add3A_389 = arith.constant 4 : i32
          %add3A_390 = arith.addi %add3A_182, %add3A_389 : i32
          %dma_start3A_391 = arith.constant 0 : i32
          %dma_start3A_392 = tpu.memref_slice %arg6[%add3A_390, %dma_start3A_391] : memref<32x32xi32, #tpu.memory_space<vmem>> -> memref<1x32xi32, #tpu.memory_space<vmem>>
          %dma_start3A_393 = tpu.memref_squeeze %dma_start3A_392 : memref<1x32xi32, #tpu.memory_space<vmem>> -> memref<32xi32, #tpu.memory_space<vmem>>
          %dma_start3A_394 = arith.constant 0 : i32
          %dma_start3A_395 = arith.constant 0 : i32
          %dma_start3A_396 = tpu.memref_slice %arg2[%dma_start3A_394, %dma_start3A_395] : memref<10000x128xf32, #tpu.memory_space<hbm>> -> memref<10000x128xf32, #tpu.memory_space<hbm>>
          tpu.enqueue_indirect_dma source(%dma_start3A_396 : memref<10000x128xf32, #tpu.memory_space<hbm>>) target(%arg12 : memref<32x128xf32, #tpu.memory_space<vmem>>) offsets(%dma_start3A_393 : memref<32xi32, #tpu.memory_space<vmem>>) semaphore(%arg22 : memref<!tpu.dma_semaphore, #tpu.memory_space<semaphore_mem>>)
        } else {
        }
        %dma_wait3A_195 = arith.constant 0 : i32
        %dma_wait3A_196 = tpu.memref_slice %arg6[%add3A_182, %dma_wait3A_195] : memref<32x32xi32, #tpu.memory_space<vmem>> -> memref<1x32xi32, #tpu.memory_space<vmem>>
        %dma_wait3A_197 = tpu.memref_squeeze %dma_wait3A_196 : memref<1x32xi32, #tpu.memory_space<vmem>> -> memref<32xi32, #tpu.memory_space<vmem>>
        %dma_wait3A_198 = arith.constant 0 : i32
        %dma_wait3A_199 = arith.constant 0 : i32
        %dma_wait3A_200 = tpu.memref_slice %arg2[%dma_wait3A_198, %dma_wait3A_199] : memref<10000x128xf32, #tpu.memory_space<hbm>> -> memref<10000x128xf32, #tpu.memory_space<hbm>>
        tpu.wait_indirect_dma semaphore(%arg18 : memref<!tpu.dma_semaphore, #tpu.memory_space<semaphore_mem>>) src(%dma_wait3A_200 : memref<10000x128xf32, #tpu.memory_space<hbm>>) dst(%arg8 : memref<32x128xf32, #tpu.memory_space<vmem>>)
        %add3A_201 = arith.constant 16 : i32
        %add3A_202 = arith.addi %add3A_201, %add3A_182 : i32
        %dma_start3A_203 = arith.constant 0 : i32
        %dma_start3A_204 = tpu.memref_slice %arg6[%add3A_202, %dma_start3A_203] : memref<32x32xi32, #tpu.memory_space<vmem>> -> memref<1x32xi32, #tpu.memory_space<vmem>>
        %dma_start3A_205 = tpu.memref_squeeze %dma_start3A_204 : memref<1x32xi32, #tpu.memory_space<vmem>> -> memref<32xi32, #tpu.memory_space<vmem>>
        %dma_start3A_206 = arith.constant 0 : i32
        %dma_start3A_207 = arith.constant 0 : i32
        %dma_start3A_208 = tpu.memref_slice %arg16[%dma_start3A_206, %dma_start3A_207] : memref<10240x128xf32, #tpu.memory_space<vmem_shared>> -> memref<10240x128xf32, #tpu.memory_space<vmem_shared>>
        tpu.enqueue_indirect_dma source(%arg8 : memref<32x128xf32, #tpu.memory_space<vmem>>) target(%dma_start3A_208 : memref<10240x128xf32, #tpu.memory_space<vmem_shared>>) offsets(%dma_start3A_205 : memref<32xi32, #tpu.memory_space<vmem>>) semaphore(%arg26 : memref<!tpu.dma_semaphore, #tpu.memory_space<semaphore_mem>>) {add = true}
        %mul3A_209 = arith.constant 8 : i32
        %mul3A_210 = arith.muli %mul3A_209, %scan3A_149 : i32
        %add3A_211 = arith.constant 2 : i32
        %add3A_212 = arith.addi %mul3A_210, %add3A_211 : i32
        %ge3A_213 = arith.constant 4 : i32
        %ge3A_214 = arith.cmpi sge, %add3A_212, %ge3A_213 : i32
        %convert_element_type3A_215 = arith.extui %ge3A_214 : i1 to i32
        %cond3A_216 = arith.constant 0 : i32
        %cond3A_217 = arith.cmpi ne, %convert_element_type3A_215, %cond3A_216 : i32
        scf.if %cond3A_217 {
          %add3A_389 = arith.constant 16 : i32
          %add3A_390 = arith.addi %add3A_389, %add3A_212 : i32
          %sub3A = arith.constant 4 : i32
          %sub3A_391 = arith.subi %add3A_390, %sub3A : i32
          %dma_wait3A_392 = arith.constant 0 : i32
          %dma_wait3A_393 = tpu.memref_slice %arg6[%sub3A_391, %dma_wait3A_392] : memref<32x32xi32, #tpu.memory_space<vmem>> -> memref<1x32xi32, #tpu.memory_space<vmem>>
          %dma_wait3A_394 = tpu.memref_squeeze %dma_wait3A_393 : memref<1x32xi32, #tpu.memory_space<vmem>> -> memref<32xi32, #tpu.memory_space<vmem>>
          %dma_wait3A_395 = arith.constant 0 : i32
          %dma_wait3A_396 = arith.constant 0 : i32
          %dma_wait3A_397 = tpu.memref_slice %arg16[%dma_wait3A_395, %dma_wait3A_396] : memref<10240x128xf32, #tpu.memory_space<vmem_shared>> -> memref<10240x128xf32, #tpu.memory_space<vmem_shared>>
          tpu.wait_indirect_dma semaphore(%arg31 : memref<!tpu.dma_semaphore, #tpu.memory_space<semaphore_mem>>) src(%arg13 : memref<32x128xf32, #tpu.memory_space<vmem>>) dst(%dma_wait3A_397 : memref<10240x128xf32, #tpu.memory_space<vmem_shared>>)
        } else {
        }
        %add3A_218 = arith.constant 4 : i32
        %add3A_219 = arith.addi %add3A_212, %add3A_218 : i32
        %lt3A_220 = arith.constant 16 : i32
        %lt3A_221 = arith.cmpi slt, %add3A_219, %lt3A_220 : i32
        %convert_element_type3A_222 = arith.extui %lt3A_221 : i1 to i32
        %cond3A_223 = arith.constant 0 : i32
        %cond3A_224 = arith.cmpi ne, %convert_element_type3A_222, %cond3A_223 : i32
        scf.if %cond3A_224 {
          %add3A_389 = arith.constant 4 : i32
          %add3A_390 = arith.addi %add3A_212, %add3A_389 : i32
          %dma_start3A_391 = arith.constant 0 : i32
          %dma_start3A_392 = tpu.memref_slice %arg6[%add3A_390, %dma_start3A_391] : memref<32x32xi32, #tpu.memory_space<vmem>> -> memref<1x32xi32, #tpu.memory_space<vmem>>
          %dma_start3A_393 = tpu.memref_squeeze %dma_start3A_392 : memref<1x32xi32, #tpu.memory_space<vmem>> -> memref<32xi32, #tpu.memory_space<vmem>>
          %dma_start3A_394 = arith.constant 0 : i32
          %dma_start3A_395 = arith.constant 0 : i32
          %dma_start3A_396 = tpu.memref_slice %arg2[%dma_start3A_394, %dma_start3A_395] : memref<10000x128xf32, #tpu.memory_space<hbm>> -> memref<10000x128xf32, #tpu.memory_space<hbm>>
          tpu.enqueue_indirect_dma source(%dma_start3A_396 : memref<10000x128xf32, #tpu.memory_space<hbm>>) target(%arg13 : memref<32x128xf32, #tpu.memory_space<vmem>>) offsets(%dma_start3A_393 : memref<32xi32, #tpu.memory_space<vmem>>) semaphore(%arg23 : memref<!tpu.dma_semaphore, #tpu.memory_space<semaphore_mem>>)
        } else {
        }
        %dma_wait3A_225 = arith.constant 0 : i32
        %dma_wait3A_226 = tpu.memref_slice %arg6[%add3A_212, %dma_wait3A_225] : memref<32x32xi32, #tpu.memory_space<vmem>> -> memref<1x32xi32, #tpu.memory_space<vmem>>
        %dma_wait3A_227 = tpu.memref_squeeze %dma_wait3A_226 : memref<1x32xi32, #tpu.memory_space<vmem>> -> memref<32xi32, #tpu.memory_space<vmem>>
        %dma_wait3A_228 = arith.constant 0 : i32
        %dma_wait3A_229 = arith.constant 0 : i32
        %dma_wait3A_230 = tpu.memref_slice %arg2[%dma_wait3A_228, %dma_wait3A_229] : memref<10000x128xf32, #tpu.memory_space<hbm>> -> memref<10000x128xf32, #tpu.memory_space<hbm>>
        tpu.wait_indirect_dma semaphore(%arg19 : memref<!tpu.dma_semaphore, #tpu.memory_space<semaphore_mem>>) src(%dma_wait3A_230 : memref<10000x128xf32, #tpu.memory_space<hbm>>) dst(%arg9 : memref<32x128xf32, #tpu.memory_space<vmem>>)
        %add3A_231 = arith.constant 16 : i32
        %add3A_232 = arith.addi %add3A_231, %add3A_212 : i32
        %dma_start3A_233 = arith.constant 0 : i32
        %dma_start3A_234 = tpu.memref_slice %arg6[%add3A_232, %dma_start3A_233] : memref<32x32xi32, #tpu.memory_space<vmem>> -> memref<1x32xi32, #tpu.memory_space<vmem>>
        %dma_start3A_235 = tpu.memref_squeeze %dma_start3A_234 : memref<1x32xi32, #tpu.memory_space<vmem>> -> memref<32xi32, #tpu.memory_space<vmem>>
        %dma_start3A_236 = arith.constant 0 : i32
        %dma_start3A_237 = arith.constant 0 : i32
        %dma_start3A_238 = tpu.memref_slice %arg16[%dma_start3A_236, %dma_start3A_237] : memref<10240x128xf32, #tpu.memory_space<vmem_shared>> -> memref<10240x128xf32, #tpu.memory_space<vmem_shared>>
        tpu.enqueue_indirect_dma source(%arg9 : memref<32x128xf32, #tpu.memory_space<vmem>>) target(%dma_start3A_238 : memref<10240x128xf32, #tpu.memory_space<vmem_shared>>) offsets(%dma_start3A_235 : memref<32xi32, #tpu.memory_space<vmem>>) semaphore(%arg27 : memref<!tpu.dma_semaphore, #tpu.memory_space<semaphore_mem>>) {add = true}
        %mul3A_239 = arith.constant 8 : i32
        %mul3A_240 = arith.muli %mul3A_239, %scan3A_149 : i32
        %add3A_241 = arith.constant 3 : i32
        %add3A_242 = arith.addi %mul3A_240, %add3A_241 : i32
        %ge3A_243 = arith.constant 4 : i32
        %ge3A_244 = arith.cmpi sge, %add3A_242, %ge3A_243 : i32
        %convert_element_type3A_245 = arith.extui %ge3A_244 : i1 to i32
        %cond3A_246 = arith.constant 0 : i32
        %cond3A_247 = arith.cmpi ne, %convert_element_type3A_245, %cond3A_246 : i32
        scf.if %cond3A_247 {
          %add3A_389 = arith.constant 16 : i32
          %add3A_390 = arith.addi %add3A_389, %add3A_242 : i32
          %sub3A = arith.constant 4 : i32
          %sub3A_391 = arith.subi %add3A_390, %sub3A : i32
          %dma_wait3A_392 = arith.constant 0 : i32
          %dma_wait3A_393 = tpu.memref_slice %arg6[%sub3A_391, %dma_wait3A_392] : memref<32x32xi32, #tpu.memory_space<vmem>> -> memref<1x32xi32, #tpu.memory_space<vmem>>
          %dma_wait3A_394 = tpu.memref_squeeze %dma_wait3A_393 : memref<1x32xi32, #tpu.memory_space<vmem>> -> memref<32xi32, #tpu.memory_space<vmem>>
          %dma_wait3A_395 = arith.constant 0 : i32
          %dma_wait3A_396 = arith.constant 0 : i32
          %dma_wait3A_397 = tpu.memref_slice %arg16[%dma_wait3A_395, %dma_wait3A_396] : memref<10240x128xf32, #tpu.memory_space<vmem_shared>> -> memref<10240x128xf32, #tpu.memory_space<vmem_shared>>
          tpu.wait_indirect_dma semaphore(%arg32 : memref<!tpu.dma_semaphore, #tpu.memory_space<semaphore_mem>>) src(%arg14 : memref<32x128xf32, #tpu.memory_space<vmem>>) dst(%dma_wait3A_397 : memref<10240x128xf32, #tpu.memory_space<vmem_shared>>)
        } else {
        }
        %add3A_248 = arith.constant 4 : i32
        %add3A_249 = arith.addi %add3A_242, %add3A_248 : i32
        %lt3A_250 = arith.constant 16 : i32
        %lt3A_251 = arith.cmpi slt, %add3A_249, %lt3A_250 : i32
        %convert_element_type3A_252 = arith.extui %lt3A_251 : i1 to i32
        %cond3A_253 = arith.constant 0 : i32
        %cond3A_254 = arith.cmpi ne, %convert_element_type3A_252, %cond3A_253 : i32
        scf.if %cond3A_254 {
          %add3A_389 = arith.constant 4 : i32
          %add3A_390 = arith.addi %add3A_242, %add3A_389 : i32
          %dma_start3A_391 = arith.constant 0 : i32
          %dma_start3A_392 = tpu.memref_slice %arg6[%add3A_390, %dma_start3A_391] : memref<32x32xi32, #tpu.memory_space<vmem>> -> memref<1x32xi32, #tpu.memory_space<vmem>>
          %dma_start3A_393 = tpu.memref_squeeze %dma_start3A_392 : memref<1x32xi32, #tpu.memory_space<vmem>> -> memref<32xi32, #tpu.memory_space<vmem>>
          %dma_start3A_394 = arith.constant 0 : i32
          %dma_start3A_395 = arith.constant 0 : i32
          %dma_start3A_396 = tpu.memref_slice %arg2[%dma_start3A_394, %dma_start3A_395] : memref<10000x128xf32, #tpu.memory_space<hbm>> -> memref<10000x128xf32, #tpu.memory_space<hbm>>
          tpu.enqueue_indirect_dma source(%dma_start3A_396 : memref<10000x128xf32, #tpu.memory_space<hbm>>) target(%arg14 : memref<32x128xf32, #tpu.memory_space<vmem>>) offsets(%dma_start3A_393 : memref<32xi32, #tpu.memory_space<vmem>>) semaphore(%arg24 : memref<!tpu.dma_semaphore, #tpu.memory_space<semaphore_mem>>)
        } else {
        }
        %dma_wait3A_255 = arith.constant 0 : i32
        %dma_wait3A_256 = tpu.memref_slice %arg6[%add3A_242, %dma_wait3A_255] : memref<32x32xi32, #tpu.memory_space<vmem>> -> memref<1x32xi32, #tpu.memory_space<vmem>>
        %dma_wait3A_257 = tpu.memref_squeeze %dma_wait3A_256 : memref<1x32xi32, #tpu.memory_space<vmem>> -> memref<32xi32, #tpu.memory_space<vmem>>
        %dma_wait3A_258 = arith.constant 0 : i32
        %dma_wait3A_259 = arith.constant 0 : i32
        %dma_wait3A_260 = tpu.memref_slice %arg2[%dma_wait3A_258, %dma_wait3A_259] : memref<10000x128xf32, #tpu.memory_space<hbm>> -> memref<10000x128xf32, #tpu.memory_space<hbm>>
        tpu.wait_indirect_dma semaphore(%arg20 : memref<!tpu.dma_semaphore, #tpu.memory_space<semaphore_mem>>) src(%dma_wait3A_260 : memref<10000x128xf32, #tpu.memory_space<hbm>>) dst(%arg10 : memref<32x128xf32, #tpu.memory_space<vmem>>)
        %add3A_261 = arith.constant 16 : i32
        %add3A_262 = arith.addi %add3A_261, %add3A_242 : i32
        %dma_start3A_263 = arith.constant 0 : i32
        %dma_start3A_264 = tpu.memref_slice %arg6[%add3A_262, %dma_start3A_263] : memref<32x32xi32, #tpu.memory_space<vmem>> -> memref<1x32xi32, #tpu.memory_space<vmem>>
        %dma_start3A_265 = tpu.memref_squeeze %dma_start3A_264 : memref<1x32xi32, #tpu.memory_space<vmem>> -> memref<32xi32, #tpu.memory_space<vmem>>
        %dma_start3A_266 = arith.constant 0 : i32
        %dma_start3A_267 = arith.constant 0 : i32
        %dma_start3A_268 = tpu.memref_slice %arg16[%dma_start3A_266, %dma_start3A_267] : memref<10240x128xf32, #tpu.memory_space<vmem_shared>> -> memref<10240x128xf32, #tpu.memory_space<vmem_shared>>
        tpu.enqueue_indirect_dma source(%arg10 : memref<32x128xf32, #tpu.memory_space<vmem>>) target(%dma_start3A_268 : memref<10240x128xf32, #tpu.memory_space<vmem_shared>>) offsets(%dma_start3A_265 : memref<32xi32, #tpu.memory_space<vmem>>) semaphore(%arg28 : memref<!tpu.dma_semaphore, #tpu.memory_space<semaphore_mem>>) {add = true}
        %mul3A_269 = arith.constant 8 : i32
        %mul3A_270 = arith.muli %mul3A_269, %scan3A_149 : i32
        %add3A_271 = arith.constant 4 : i32
        %add3A_272 = arith.addi %mul3A_270, %add3A_271 : i32
        %ge3A_273 = arith.constant 4 : i32
        %ge3A_274 = arith.cmpi sge, %add3A_272, %ge3A_273 : i32
        %convert_element_type3A_275 = arith.extui %ge3A_274 : i1 to i32
        %cond3A_276 = arith.constant 0 : i32
        %cond3A_277 = arith.cmpi ne, %convert_element_type3A_275, %cond3A_276 : i32
        scf.if %cond3A_277 {
          %add3A_389 = arith.constant 16 : i32
          %add3A_390 = arith.addi %add3A_389, %add3A_272 : i32
          %sub3A = arith.constant 4 : i32
          %sub3A_391 = arith.subi %add3A_390, %sub3A : i32
          %dma_wait3A_392 = arith.constant 0 : i32
          %dma_wait3A_393 = tpu.memref_slice %arg6[%sub3A_391, %dma_wait3A_392] : memref<32x32xi32, #tpu.memory_space<vmem>> -> memref<1x32xi32, #tpu.memory_space<vmem>>
          %dma_wait3A_394 = tpu.memref_squeeze %dma_wait3A_393 : memref<1x32xi32, #tpu.memory_space<vmem>> -> memref<32xi32, #tpu.memory_space<vmem>>
          %dma_wait3A_395 = arith.constant 0 : i32
          %dma_wait3A_396 = arith.constant 0 : i32
          %dma_wait3A_397 = tpu.memref_slice %arg16[%dma_wait3A_395, %dma_wait3A_396] : memref<10240x128xf32, #tpu.memory_space<vmem_shared>> -> memref<10240x128xf32, #tpu.memory_space<vmem_shared>>
          tpu.wait_indirect_dma semaphore(%arg25 : memref<!tpu.dma_semaphore, #tpu.memory_space<semaphore_mem>>) src(%arg7 : memref<32x128xf32, #tpu.memory_space<vmem>>) dst(%dma_wait3A_397 : memref<10240x128xf32, #tpu.memory_space<vmem_shared>>)
        } else {
        }
        %add3A_278 = arith.constant 4 : i32
        %add3A_279 = arith.addi %add3A_272, %add3A_278 : i32
        %lt3A_280 = arith.constant 16 : i32
        %lt3A_281 = arith.cmpi slt, %add3A_279, %lt3A_280 : i32
        %convert_element_type3A_282 = arith.extui %lt3A_281 : i1 to i32
        %cond3A_283 = arith.constant 0 : i32
        %cond3A_284 = arith.cmpi ne, %convert_element_type3A_282, %cond3A_283 : i32
        scf.if %cond3A_284 {
          %add3A_389 = arith.constant 4 : i32
          %add3A_390 = arith.addi %add3A_272, %add3A_389 : i32
          %dma_start3A_391 = arith.constant 0 : i32
          %dma_start3A_392 = tpu.memref_slice %arg6[%add3A_390, %dma_start3A_391] : memref<32x32xi32, #tpu.memory_space<vmem>> -> memref<1x32xi32, #tpu.memory_space<vmem>>
          %dma_start3A_393 = tpu.memref_squeeze %dma_start3A_392 : memref<1x32xi32, #tpu.memory_space<vmem>> -> memref<32xi32, #tpu.memory_space<vmem>>
          %dma_start3A_394 = arith.constant 0 : i32
          %dma_start3A_395 = arith.constant 0 : i32
          %dma_start3A_396 = tpu.memref_slice %arg2[%dma_start3A_394, %dma_start3A_395] : memref<10000x128xf32, #tpu.memory_space<hbm>> -> memref<10000x128xf32, #tpu.memory_space<hbm>>
          tpu.enqueue_indirect_dma source(%dma_start3A_396 : memref<10000x128xf32, #tpu.memory_space<hbm>>) target(%arg7 : memref<32x128xf32, #tpu.memory_space<vmem>>) offsets(%dma_start3A_393 : memref<32xi32, #tpu.memory_space<vmem>>) semaphore(%arg17 : memref<!tpu.dma_semaphore, #tpu.memory_space<semaphore_mem>>)
        } else {
        }
        %dma_wait3A_285 = arith.constant 0 : i32
        %dma_wait3A_286 = tpu.memref_slice %arg6[%add3A_272, %dma_wait3A_285] : memref<32x32xi32, #tpu.memory_space<vmem>> -> memref<1x32xi32, #tpu.memory_space<vmem>>
        %dma_wait3A_287 = tpu.memref_squeeze %dma_wait3A_286 : memref<1x32xi32, #tpu.memory_space<vmem>> -> memref<32xi32, #tpu.memory_space<vmem>>
        %dma_wait3A_288 = arith.constant 0 : i32
        %dma_wait3A_289 = arith.constant 0 : i32
        %dma_wait3A_290 = tpu.memref_slice %arg2[%dma_wait3A_288, %dma_wait3A_289] : memref<10000x128xf32, #tpu.memory_space<hbm>> -> memref<10000x128xf32, #tpu.memory_space<hbm>>
        tpu.wait_indirect_dma semaphore(%arg21 : memref<!tpu.dma_semaphore, #tpu.memory_space<semaphore_mem>>) src(%dma_wait3A_290 : memref<10000x128xf32, #tpu.memory_space<hbm>>) dst(%arg11 : memref<32x128xf32, #tpu.memory_space<vmem>>)
        %add3A_291 = arith.constant 16 : i32
        %add3A_292 = arith.addi %add3A_291, %add3A_272 : i32
        %dma_start3A_293 = arith.constant 0 : i32
        %dma_start3A_294 = tpu.memref_slice %arg6[%add3A_292, %dma_start3A_293] : memref<32x32xi32, #tpu.memory_space<vmem>> -> memref<1x32xi32, #tpu.memory_space<vmem>>
        %dma_start3A_295 = tpu.memref_squeeze %dma_start3A_294 : memref<1x32xi32, #tpu.memory_space<vmem>> -> memref<32xi32, #tpu.memory_space<vmem>>
        %dma_start3A_296 = arith.constant 0 : i32
        %dma_start3A_297 = arith.constant 0 : i32
        %dma_start3A_298 = tpu.memref_slice %arg16[%dma_start3A_296, %dma_start3A_297] : memref<10240x128xf32, #tpu.memory_space<vmem_shared>> -> memref<10240x128xf32, #tpu.memory_space<vmem_shared>>
        tpu.enqueue_indirect_dma source(%arg11 : memref<32x128xf32, #tpu.memory_space<vmem>>) target(%dma_start3A_298 : memref<10240x128xf32, #tpu.memory_space<vmem_shared>>) offsets(%dma_start3A_295 : memref<32xi32, #tpu.memory_space<vmem>>) semaphore(%arg29 : memref<!tpu.dma_semaphore, #tpu.memory_space<semaphore_mem>>) {add = true}
        %mul3A_299 = arith.constant 8 : i32
        %mul3A_300 = arith.muli %mul3A_299, %scan3A_149 : i32
        %add3A_301 = arith.constant 5 : i32
        %add3A_302 = arith.addi %mul3A_300, %add3A_301 : i32
        %ge3A_303 = arith.constant 4 : i32
        %ge3A_304 = arith.cmpi sge, %add3A_302, %ge3A_303 : i32
        %convert_element_type3A_305 = arith.extui %ge3A_304 : i1 to i32
        %cond3A_306 = arith.constant 0 : i32
        %cond3A_307 = arith.cmpi ne, %convert_element_type3A_305, %cond3A_306 : i32
        scf.if %cond3A_307 {
          %add3A_389 = arith.constant 16 : i32
          %add3A_390 = arith.addi %add3A_389, %add3A_302 : i32
          %sub3A = arith.constant 4 : i32
          %sub3A_391 = arith.subi %add3A_390, %sub3A : i32
          %dma_wait3A_392 = arith.constant 0 : i32
          %dma_wait3A_393 = tpu.memref_slice %arg6[%sub3A_391, %dma_wait3A_392] : memref<32x32xi32, #tpu.memory_space<vmem>> -> memref<1x32xi32, #tpu.memory_space<vmem>>
          %dma_wait3A_394 = tpu.memref_squeeze %dma_wait3A_393 : memref<1x32xi32, #tpu.memory_space<vmem>> -> memref<32xi32, #tpu.memory_space<vmem>>
          %dma_wait3A_395 = arith.constant 0 : i32
          %dma_wait3A_396 = arith.constant 0 : i32
          %dma_wait3A_397 = tpu.memref_slice %arg16[%dma_wait3A_395, %dma_wait3A_396] : memref<10240x128xf32, #tpu.memory_space<vmem_shared>> -> memref<10240x128xf32, #tpu.memory_space<vmem_shared>>
          tpu.wait_indirect_dma semaphore(%arg26 : memref<!tpu.dma_semaphore, #tpu.memory_space<semaphore_mem>>) src(%arg8 : memref<32x128xf32, #tpu.memory_space<vmem>>) dst(%dma_wait3A_397 : memref<10240x128xf32, #tpu.memory_space<vmem_shared>>)
        } else {
        }
        %add3A_308 = arith.constant 4 : i32
        %add3A_309 = arith.addi %add3A_302, %add3A_308 : i32
        %lt3A_310 = arith.constant 16 : i32
        %lt3A_311 = arith.cmpi slt, %add3A_309, %lt3A_310 : i32
        %convert_element_type3A_312 = arith.extui %lt3A_311 : i1 to i32
        %cond3A_313 = arith.constant 0 : i32
        %cond3A_314 = arith.cmpi ne, %convert_element_type3A_312, %cond3A_313 : i32
        scf.if %cond3A_314 {
          %add3A_389 = arith.constant 4 : i32
          %add3A_390 = arith.addi %add3A_302, %add3A_389 : i32
          %dma_start3A_391 = arith.constant 0 : i32
          %dma_start3A_392 = tpu.memref_slice %arg6[%add3A_390, %dma_start3A_391] : memref<32x32xi32, #tpu.memory_space<vmem>> -> memref<1x32xi32, #tpu.memory_space<vmem>>
          %dma_start3A_393 = tpu.memref_squeeze %dma_start3A_392 : memref<1x32xi32, #tpu.memory_space<vmem>> -> memref<32xi32, #tpu.memory_space<vmem>>
          %dma_start3A_394 = arith.constant 0 : i32
          %dma_start3A_395 = arith.constant 0 : i32
          %dma_start3A_396 = tpu.memref_slice %arg2[%dma_start3A_394, %dma_start3A_395] : memref<10000x128xf32, #tpu.memory_space<hbm>> -> memref<10000x128xf32, #tpu.memory_space<hbm>>
          tpu.enqueue_indirect_dma source(%dma_start3A_396 : memref<10000x128xf32, #tpu.memory_space<hbm>>) target(%arg8 : memref<32x128xf32, #tpu.memory_space<vmem>>) offsets(%dma_start3A_393 : memref<32xi32, #tpu.memory_space<vmem>>) semaphore(%arg18 : memref<!tpu.dma_semaphore, #tpu.memory_space<semaphore_mem>>)
        } else {
        }
        %dma_wait3A_315 = arith.constant 0 : i32
        %dma_wait3A_316 = tpu.memref_slice %arg6[%add3A_302, %dma_wait3A_315] : memref<32x32xi32, #tpu.memory_space<vmem>> -> memref<1x32xi32, #tpu.memory_space<vmem>>
        %dma_wait3A_317 = tpu.memref_squeeze %dma_wait3A_316 : memref<1x32xi32, #tpu.memory_space<vmem>> -> memref<32xi32, #tpu.memory_space<vmem>>
        %dma_wait3A_318 = arith.constant 0 : i32
        %dma_wait3A_319 = arith.constant 0 : i32
        %dma_wait3A_320 = tpu.memref_slice %arg2[%dma_wait3A_318, %dma_wait3A_319] : memref<10000x128xf32, #tpu.memory_space<hbm>> -> memref<10000x128xf32, #tpu.memory_space<hbm>>
        tpu.wait_indirect_dma semaphore(%arg22 : memref<!tpu.dma_semaphore, #tpu.memory_space<semaphore_mem>>) src(%dma_wait3A_320 : memref<10000x128xf32, #tpu.memory_space<hbm>>) dst(%arg12 : memref<32x128xf32, #tpu.memory_space<vmem>>)
        %add3A_321 = arith.constant 16 : i32
        %add3A_322 = arith.addi %add3A_321, %add3A_302 : i32
        %dma_start3A_323 = arith.constant 0 : i32
        %dma_start3A_324 = tpu.memref_slice %arg6[%add3A_322, %dma_start3A_323] : memref<32x32xi32, #tpu.memory_space<vmem>> -> memref<1x32xi32, #tpu.memory_space<vmem>>
        %dma_start3A_325 = tpu.memref_squeeze %dma_start3A_324 : memref<1x32xi32, #tpu.memory_space<vmem>> -> memref<32xi32, #tpu.memory_space<vmem>>
        %dma_start3A_326 = arith.constant 0 : i32
        %dma_start3A_327 = arith.constant 0 : i32
        %dma_start3A_328 = tpu.memref_slice %arg16[%dma_start3A_326, %dma_start3A_327] : memref<10240x128xf32, #tpu.memory_space<vmem_shared>> -> memref<10240x128xf32, #tpu.memory_space<vmem_shared>>
        tpu.enqueue_indirect_dma source(%arg12 : memref<32x128xf32, #tpu.memory_space<vmem>>) target(%dma_start3A_328 : memref<10240x128xf32, #tpu.memory_space<vmem_shared>>) offsets(%dma_start3A_325 : memref<32xi32, #tpu.memory_space<vmem>>) semaphore(%arg30 : memref<!tpu.dma_semaphore, #tpu.memory_space<semaphore_mem>>) {add = true}
        %mul3A_329 = arith.constant 8 : i32
        %mul3A_330 = arith.muli %mul3A_329, %scan3A_149 : i32
        %add3A_331 = arith.constant 6 : i32
        %add3A_332 = arith.addi %mul3A_330, %add3A_331 : i32
        %ge3A_333 = arith.constant 4 : i32
        %ge3A_334 = arith.cmpi sge, %add3A_332, %ge3A_333 : i32
        %convert_element_type3A_335 = arith.extui %ge3A_334 : i1 to i32
        %cond3A_336 = arith.constant 0 : i32
        %cond3A_337 = arith.cmpi ne, %convert_element_type3A_335, %cond3A_336 : i32
        scf.if %cond3A_337 {
          %add3A_389 = arith.constant 16 : i32
          %add3A_390 = arith.addi %add3A_389, %add3A_332 : i32
          %sub3A = arith.constant 4 : i32
          %sub3A_391 = arith.subi %add3A_390, %sub3A : i32
          %dma_wait3A_392 = arith.constant 0 : i32
          %dma_wait3A_393 = tpu.memref_slice %arg6[%sub3A_391, %dma_wait3A_392] : memref<32x32xi32, #tpu.memory_space<vmem>> -> memref<1x32xi32, #tpu.memory_space<vmem>>
          %dma_wait3A_394 = tpu.memref_squeeze %dma_wait3A_393 : memref<1x32xi32, #tpu.memory_space<vmem>> -> memref<32xi32, #tpu.memory_space<vmem>>
          %dma_wait3A_395 = arith.constant 0 : i32
          %dma_wait3A_396 = arith.constant 0 : i32
          %dma_wait3A_397 = tpu.memref_slice %arg16[%dma_wait3A_395, %dma_wait3A_396] : memref<10240x128xf32, #tpu.memory_space<vmem_shared>> -> memref<10240x128xf32, #tpu.memory_space<vmem_shared>>
          tpu.wait_indirect_dma semaphore(%arg27 : memref<!tpu.dma_semaphore, #tpu.memory_space<semaphore_mem>>) src(%arg9 : memref<32x128xf32, #tpu.memory_space<vmem>>) dst(%dma_wait3A_397 : memref<10240x128xf32, #tpu.memory_space<vmem_shared>>)
        } else {
        }
        %add3A_338 = arith.constant 4 : i32
        %add3A_339 = arith.addi %add3A_332, %add3A_338 : i32
        %lt3A_340 = arith.constant 16 : i32
        %lt3A_341 = arith.cmpi slt, %add3A_339, %lt3A_340 : i32
        %convert_element_type3A_342 = arith.extui %lt3A_341 : i1 to i32
        %cond3A_343 = arith.constant 0 : i32
        %cond3A_344 = arith.cmpi ne, %convert_element_type3A_342, %cond3A_343 : i32
        scf.if %cond3A_344 {
          %add3A_389 = arith.constant 4 : i32
          %add3A_390 = arith.addi %add3A_332, %add3A_389 : i32
          %dma_start3A_391 = arith.constant 0 : i32
          %dma_start3A_392 = tpu.memref_slice %arg6[%add3A_390, %dma_start3A_391] : memref<32x32xi32, #tpu.memory_space<vmem>> -> memref<1x32xi32, #tpu.memory_space<vmem>>
          %dma_start3A_393 = tpu.memref_squeeze %dma_start3A_392 : memref<1x32xi32, #tpu.memory_space<vmem>> -> memref<32xi32, #tpu.memory_space<vmem>>
          %dma_start3A_394 = arith.constant 0 : i32
          %dma_start3A_395 = arith.constant 0 : i32
          %dma_start3A_396 = tpu.memref_slice %arg2[%dma_start3A_394, %dma_start3A_395] : memref<10000x128xf32, #tpu.memory_space<hbm>> -> memref<10000x128xf32, #tpu.memory_space<hbm>>
          tpu.enqueue_indirect_dma source(%dma_start3A_396 : memref<10000x128xf32, #tpu.memory_space<hbm>>) target(%arg9 : memref<32x128xf32, #tpu.memory_space<vmem>>) offsets(%dma_start3A_393 : memref<32xi32, #tpu.memory_space<vmem>>) semaphore(%arg19 : memref<!tpu.dma_semaphore, #tpu.memory_space<semaphore_mem>>)
        } else {
        }
        %dma_wait3A_345 = arith.constant 0 : i32
        %dma_wait3A_346 = tpu.memref_slice %arg6[%add3A_332, %dma_wait3A_345] : memref<32x32xi32, #tpu.memory_space<vmem>> -> memref<1x32xi32, #tpu.memory_space<vmem>>
        %dma_wait3A_347 = tpu.memref_squeeze %dma_wait3A_346 : memref<1x32xi32, #tpu.memory_space<vmem>> -> memref<32xi32, #tpu.memory_space<vmem>>
        %dma_wait3A_348 = arith.constant 0 : i32
        %dma_wait3A_349 = arith.constant 0 : i32
        %dma_wait3A_350 = tpu.memref_slice %arg2[%dma_wait3A_348, %dma_wait3A_349] : memref<10000x128xf32, #tpu.memory_space<hbm>> -> memref<10000x128xf32, #tpu.memory_space<hbm>>
        tpu.wait_indirect_dma semaphore(%arg23 : memref<!tpu.dma_semaphore, #tpu.memory_space<semaphore_mem>>) src(%dma_wait3A_350 : memref<10000x128xf32, #tpu.memory_space<hbm>>) dst(%arg13 : memref<32x128xf32, #tpu.memory_space<vmem>>)
        %add3A_351 = arith.constant 16 : i32
        %add3A_352 = arith.addi %add3A_351, %add3A_332 : i32
        %dma_start3A_353 = arith.constant 0 : i32
        %dma_start3A_354 = tpu.memref_slice %arg6[%add3A_352, %dma_start3A_353] : memref<32x32xi32, #tpu.memory_space<vmem>> -> memref<1x32xi32, #tpu.memory_space<vmem>>
        %dma_start3A_355 = tpu.memref_squeeze %dma_start3A_354 : memref<1x32xi32, #tpu.memory_space<vmem>> -> memref<32xi32, #tpu.memory_space<vmem>>
        %dma_start3A_356 = arith.constant 0 : i32
        %dma_start3A_357 = arith.constant 0 : i32
        %dma_start3A_358 = tpu.memref_slice %arg16[%dma_start3A_356, %dma_start3A_357] : memref<10240x128xf32, #tpu.memory_space<vmem_shared>> -> memref<10240x128xf32, #tpu.memory_space<vmem_shared>>
        tpu.enqueue_indirect_dma source(%arg13 : memref<32x128xf32, #tpu.memory_space<vmem>>) target(%dma_start3A_358 : memref<10240x128xf32, #tpu.memory_space<vmem_shared>>) offsets(%dma_start3A_355 : memref<32xi32, #tpu.memory_space<vmem>>) semaphore(%arg31 : memref<!tpu.dma_semaphore, #tpu.memory_space<semaphore_mem>>) {add = true}
        %mul3A_359 = arith.constant 8 : i32
        %mul3A_360 = arith.muli %mul3A_359, %scan3A_149 : i32
        %add3A_361 = arith.constant 7 : i32
        %add3A_362 = arith.addi %mul3A_360, %add3A_361 : i32
        %ge3A_363 = arith.constant 4 : i32
        %ge3A_364 = arith.cmpi sge, %add3A_362, %ge3A_363 : i32
        %convert_element_type3A_365 = arith.extui %ge3A_364 : i1 to i32
        %cond3A_366 = arith.constant 0 : i32
        %cond3A_367 = arith.cmpi ne, %convert_element_type3A_365, %cond3A_366 : i32
        scf.if %cond3A_367 {
          %add3A_389 = arith.constant 16 : i32
          %add3A_390 = arith.addi %add3A_389, %add3A_362 : i32
          %sub3A = arith.constant 4 : i32
          %sub3A_391 = arith.subi %add3A_390, %sub3A : i32
          %dma_wait3A_392 = arith.constant 0 : i32
          %dma_wait3A_393 = tpu.memref_slice %arg6[%sub3A_391, %dma_wait3A_392] : memref<32x32xi32, #tpu.memory_space<vmem>> -> memref<1x32xi32, #tpu.memory_space<vmem>>
          %dma_wait3A_394 = tpu.memref_squeeze %dma_wait3A_393 : memref<1x32xi32, #tpu.memory_space<vmem>> -> memref<32xi32, #tpu.memory_space<vmem>>
          %dma_wait3A_395 = arith.constant 0 : i32
          %dma_wait3A_396 = arith.constant 0 : i32
          %dma_wait3A_397 = tpu.memref_slice %arg16[%dma_wait3A_395, %dma_wait3A_396] : memref<10240x128xf32, #tpu.memory_space<vmem_shared>> -> memref<10240x128xf32, #tpu.memory_space<vmem_shared>>
          tpu.wait_indirect_dma semaphore(%arg28 : memref<!tpu.dma_semaphore, #tpu.memory_space<semaphore_mem>>) src(%arg10 : memref<32x128xf32, #tpu.memory_space<vmem>>) dst(%dma_wait3A_397 : memref<10240x128xf32, #tpu.memory_space<vmem_shared>>)
        } else {
        }
        %add3A_368 = arith.constant 4 : i32
        %add3A_369 = arith.addi %add3A_362, %add3A_368 : i32
        %lt3A_370 = arith.constant 16 : i32
        %lt3A_371 = arith.cmpi slt, %add3A_369, %lt3A_370 : i32
        %convert_element_type3A_372 = arith.extui %lt3A_371 : i1 to i32
        %cond3A_373 = arith.constant 0 : i32
        %cond3A_374 = arith.cmpi ne, %convert_element_type3A_372, %cond3A_373 : i32
        scf.if %cond3A_374 {
          %add3A_389 = arith.constant 4 : i32
          %add3A_390 = arith.addi %add3A_362, %add3A_389 : i32
          %dma_start3A_391 = arith.constant 0 : i32
          %dma_start3A_392 = tpu.memref_slice %arg6[%add3A_390, %dma_start3A_391] : memref<32x32xi32, #tpu.memory_space<vmem>> -> memref<1x32xi32, #tpu.memory_space<vmem>>
          %dma_start3A_393 = tpu.memref_squeeze %dma_start3A_392 : memref<1x32xi32, #tpu.memory_space<vmem>> -> memref<32xi32, #tpu.memory_space<vmem>>
          %dma_start3A_394 = arith.constant 0 : i32
          %dma_start3A_395 = arith.constant 0 : i32
          %dma_start3A_396 = tpu.memref_slice %arg2[%dma_start3A_394, %dma_start3A_395] : memref<10000x128xf32, #tpu.memory_space<hbm>> -> memref<10000x128xf32, #tpu.memory_space<hbm>>
          tpu.enqueue_indirect_dma source(%dma_start3A_396 : memref<10000x128xf32, #tpu.memory_space<hbm>>) target(%arg10 : memref<32x128xf32, #tpu.memory_space<vmem>>) offsets(%dma_start3A_393 : memref<32xi32, #tpu.memory_space<vmem>>) semaphore(%arg20 : memref<!tpu.dma_semaphore, #tpu.memory_space<semaphore_mem>>)
        } else {
        }
        %dma_wait3A_375 = arith.constant 0 : i32
        %dma_wait3A_376 = tpu.memref_slice %arg6[%add3A_362, %dma_wait3A_375] : memref<32x32xi32, #tpu.memory_space<vmem>> -> memref<1x32xi32, #tpu.memory_space<vmem>>
        %dma_wait3A_377 = tpu.memref_squeeze %dma_wait3A_376 : memref<1x32xi32, #tpu.memory_space<vmem>> -> memref<32xi32, #tpu.memory_space<vmem>>
        %dma_wait3A_378 = arith.constant 0 : i32
        %dma_wait3A_379 = arith.constant 0 : i32
        %dma_wait3A_380 = tpu.memref_slice %arg2[%dma_wait3A_378, %dma_wait3A_379] : memref<10000x128xf32, #tpu.memory_space<hbm>> -> memref<10000x128xf32, #tpu.memory_space<hbm>>
        tpu.wait_indirect_dma semaphore(%arg24 : memref<!tpu.dma_semaphore, #tpu.memory_space<semaphore_mem>>) src(%dma_wait3A_380 : memref<10000x128xf32, #tpu.memory_space<hbm>>) dst(%arg14 : memref<32x128xf32, #tpu.memory_space<vmem>>)
        %add3A_381 = arith.constant 16 : i32
        %add3A_382 = arith.addi %add3A_381, %add3A_362 : i32
        %dma_start3A_383 = arith.constant 0 : i32
        %dma_start3A_384 = tpu.memref_slice %arg6[%add3A_382, %dma_start3A_383] : memref<32x32xi32, #tpu.memory_space<vmem>> -> memref<1x32xi32, #tpu.memory_space<vmem>>
        %dma_start3A_385 = tpu.memref_squeeze %dma_start3A_384 : memref<1x32xi32, #tpu.memory_space<vmem>> -> memref<32xi32, #tpu.memory_space<vmem>>
        %dma_start3A_386 = arith.constant 0 : i32
        %dma_start3A_387 = arith.constant 0 : i32
        %dma_start3A_388 = tpu.memref_slice %arg16[%dma_start3A_386, %dma_start3A_387] : memref<10240x128xf32, #tpu.memory_space<vmem_shared>> -> memref<10240x128xf32, #tpu.memory_space<vmem_shared>>
        tpu.enqueue_indirect_dma source(%arg14 : memref<32x128xf32, #tpu.memory_space<vmem>>) target(%dma_start3A_388 : memref<10240x128xf32, #tpu.memory_space<vmem_shared>>) offsets(%dma_start3A_385 : memref<32xi32, #tpu.memory_space<vmem>>) semaphore(%arg32 : memref<!tpu.dma_semaphore, #tpu.memory_space<semaphore_mem>>) {add = true}
      }
      %scan3A_113 = arith.constant 2 : i32
      %dma_wait3A_114 = arith.constant 28 : i32
      %dma_wait3A_115 = arith.constant 0 : i32
      %dma_wait3A_116 = tpu.memref_slice %arg6[%dma_wait3A_114, %dma_wait3A_115] : memref<32x32xi32, #tpu.memory_space<vmem>> -> memref<1x32xi32, #tpu.memory_space<vmem>>
      %dma_wait3A_117 = tpu.memref_squeeze %dma_wait3A_116 : memref<1x32xi32, #tpu.memory_space<vmem>> -> memref<32xi32, #tpu.memory_space<vmem>>
      %dma_wait3A_118 = arith.constant 0 : i32
      %dma_wait3A_119 = arith.constant 0 : i32
      %dma_wait3A_120 = tpu.memref_slice %arg16[%dma_wait3A_118, %dma_wait3A_119] : memref<10240x128xf32, #tpu.memory_space<vmem_shared>> -> memref<10240x128xf32, #tpu.memory_space<vmem_shared>>
      tpu.wait_indirect_dma semaphore(%arg29 : memref<!tpu.dma_semaphore, #tpu.memory_space<semaphore_mem>>) src(%arg11 : memref<32x128xf32, #tpu.memory_space<vmem>>) dst(%dma_wait3A_120 : memref<10240x128xf32, #tpu.memory_space<vmem_shared>>)
      %dma_wait3A_121 = arith.constant 29 : i32
      %dma_wait3A_122 = arith.constant 0 : i32
      %dma_wait3A_123 = tpu.memref_slice %arg6[%dma_wait3A_121, %dma_wait3A_122] : memref<32x32xi32, #tpu.memory_space<vmem>> -> memref<1x32xi32, #tpu.memory_space<vmem>>
      %dma_wait3A_124 = tpu.memref_squeeze %dma_wait3A_123 : memref<1x32xi32, #tpu.memory_space<vmem>> -> memref<32xi32, #tpu.memory_space<vmem>>
      %dma_wait3A_125 = arith.constant 0 : i32
      %dma_wait3A_126 = arith.constant 0 : i32
      %dma_wait3A_127 = tpu.memref_slice %arg16[%dma_wait3A_125, %dma_wait3A_126] : memref<10240x128xf32, #tpu.memory_space<vmem_shared>> -> memref<10240x128xf32, #tpu.memory_space<vmem_shared>>
      tpu.wait_indirect_dma semaphore(%arg30 : memref<!tpu.dma_semaphore, #tpu.memory_space<semaphore_mem>>) src(%arg12 : memref<32x128xf32, #tpu.memory_space<vmem>>) dst(%dma_wait3A_127 : memref<10240x128xf32, #tpu.memory_space<vmem_shared>>)
      %dma_wait3A_128 = arith.constant 30 : i32
      %dma_wait3A_129 = arith.constant 0 : i32
      %dma_wait3A_130 = tpu.memref_slice %arg6[%dma_wait3A_128, %dma_wait3A_129] : memref<32x32xi32, #tpu.memory_space<vmem>> -> memref<1x32xi32, #tpu.memory_space<vmem>>
      %dma_wait3A_131 = tpu.memref_squeeze %dma_wait3A_130 : memref<1x32xi32, #tpu.memory_space<vmem>> -> memref<32xi32, #tpu.memory_space<vmem>>
      %dma_wait3A_132 = arith.constant 0 : i32
      %dma_wait3A_133 = arith.constant 0 : i32
      %dma_wait3A_134 = tpu.memref_slice %arg16[%dma_wait3A_132, %dma_wait3A_133] : memref<10240x128xf32, #tpu.memory_space<vmem_shared>> -> memref<10240x128xf32, #tpu.memory_space<vmem_shared>>
      tpu.wait_indirect_dma semaphore(%arg31 : memref<!tpu.dma_semaphore, #tpu.memory_space<semaphore_mem>>) src(%arg13 : memref<32x128xf32, #tpu.memory_space<vmem>>) dst(%dma_wait3A_134 : memref<10240x128xf32, #tpu.memory_space<vmem_shared>>)
      %dma_wait3A_135 = arith.constant 31 : i32
      %dma_wait3A_136 = arith.constant 0 : i32
      %dma_wait3A_137 = tpu.memref_slice %arg6[%dma_wait3A_135, %dma_wait3A_136] : memref<32x32xi32, #tpu.memory_space<vmem>> -> memref<1x32xi32, #tpu.memory_space<vmem>>
      %dma_wait3A_138 = tpu.memref_squeeze %dma_wait3A_137 : memref<1x32xi32, #tpu.memory_space<vmem>> -> memref<32xi32, #tpu.memory_space<vmem>>
      %dma_wait3A_139 = arith.constant 0 : i32
      %dma_wait3A_140 = arith.constant 0 : i32
      %dma_wait3A_141 = tpu.memref_slice %arg16[%dma_wait3A_139, %dma_wait3A_140] : memref<10240x128xf32, #tpu.memory_space<vmem_shared>> -> memref<10240x128xf32, #tpu.memory_space<vmem_shared>>
      tpu.wait_indirect_dma semaphore(%arg32 : memref<!tpu.dma_semaphore, #tpu.memory_space<semaphore_mem>>) src(%arg14 : memref<32x128xf32, #tpu.memory_space<vmem>>) dst(%dma_wait3A_141 : memref<10240x128xf32, #tpu.memory_space<vmem_shared>>)
      %add3A_142 = arith.constant 1 : i32
      %add3A_143 = arith.addi %add3A_100, %add3A_142 : i32
      %lt3A_144 = arith.constant 20 : i32
      %lt3A_145 = arith.cmpi slt, %add3A_143, %lt3A_144 : i32
      %convert_element_type3A_146 = arith.extui %lt3A_145 : i1 to i32
      %cond3A_147 = arith.constant 0 : i32
      %cond3A_148 = arith.cmpi ne, %convert_element_type3A_146, %cond3A_147 : i32
      scf.if %cond3A_148 {
        %add3A_149 = arith.constant 1 : i32
        %add3A_150 = arith.addi %add3A_100, %add3A_149 : i32
        %dma_wait3A_151 = arith.constant 0 : i32
        %dma_wait3A_152 = arith.constant 0 : i32
        %dma_wait3A_153 = tpu.memref_slice %arg3[%add3A, %add3A_150, %dma_wait3A_151, %dma_wait3A_152] : memref<32x20x32x32xi32, #tpu.memory_space<hbm>> -> memref<1x1x32x32xi32, #tpu.memory_space<hbm>>
        %dma_wait3A_154 = tpu.memref_squeeze %dma_wait3A_153 : memref<1x1x32x32xi32, #tpu.memory_space<hbm>> -> memref<32x32xi32, #tpu.memory_space<hbm>>
        %dma_wait3A_155 = arith.constant 0 : i32
        %dma_wait3A_156 = arith.constant 0 : i32
        %dma_wait3A_157 = tpu.memref_slice %arg3[%add3A, %add3A_150, %dma_wait3A_155, %dma_wait3A_156] : memref<32x20x32x32xi32, #tpu.memory_space<hbm>> -> memref<1x1x32x32xi32, #tpu.memory_space<hbm>>
        %dma_wait3A_158 = tpu.memref_squeeze %dma_wait3A_157 : memref<1x1x32x32xi32, #tpu.memory_space<hbm>> -> memref<32x32xi32, #tpu.memory_space<hbm>>
        tpu.wait_dma2 semaphore(%arg33 : memref<!tpu.dma_semaphore, #tpu.memory_space<semaphore_mem>>) src(%dma_wait3A_158 : memref<32x32xi32, #tpu.memory_space<hbm>>) dst(%arg5 : memref<32x32xi32, #tpu.memory_space<vmem>>)
        %dma_start3A_159 = arith.constant 0 : i32
        %dma_start3A_160 = arith.constant 0 : i32
        %dma_start3A_161 = tpu.memref_slice %arg5[%dma_start3A_159, %dma_start3A_160] : memref<32x32xi32, #tpu.memory_space<vmem>> -> memref<1x32xi32, #tpu.memory_space<vmem>>
        %dma_start3A_162 = tpu.memref_squeeze %dma_start3A_161 : memref<1x32xi32, #tpu.memory_space<vmem>> -> memref<32xi32, #tpu.memory_space<vmem>>
        %dma_start3A_163 = arith.constant 0 : i32
        %dma_start3A_164 = arith.constant 0 : i32
        %dma_start3A_165 = tpu.memref_slice %arg2[%dma_start3A_163, %dma_start3A_164] : memref<10000x128xf32, #tpu.memory_space<hbm>> -> memref<10000x128xf32, #tpu.memory_space<hbm>>
        tpu.enqueue_indirect_dma source(%dma_start3A_165 : memref<10000x128xf32, #tpu.memory_space<hbm>>) target(%arg7 : memref<32x128xf32, #tpu.memory_space<vmem>>) offsets(%dma_start3A_162 : memref<32xi32, #tpu.memory_space<vmem>>) semaphore(%arg17 : memref<!tpu.dma_semaphore, #tpu.memory_space<semaphore_mem>>)
        %dma_start3A_166 = arith.constant 1 : i32
        %dma_start3A_167 = arith.constant 0 : i32
        %dma_start3A_168 = tpu.memref_slice %arg5[%dma_start3A_166, %dma_start3A_167] : memref<32x32xi32, #tpu.memory_space<vmem>> -> memref<1x32xi32, #tpu.memory_space<vmem>>
        %dma_start3A_169 = tpu.memref_squeeze %dma_start3A_168 : memref<1x32xi32, #tpu.memory_space<vmem>> -> memref<32xi32, #tpu.memory_space<vmem>>
        %dma_start3A_170 = arith.constant 0 : i32
        %dma_start3A_171 = arith.constant 0 : i32
        %dma_start3A_172 = tpu.memref_slice %arg2[%dma_start3A_170, %dma_start3A_171] : memref<10000x128xf32, #tpu.memory_space<hbm>> -> memref<10000x128xf32, #tpu.memory_space<hbm>>
        tpu.enqueue_indirect_dma source(%dma_start3A_172 : memref<10000x128xf32, #tpu.memory_space<hbm>>) target(%arg8 : memref<32x128xf32, #tpu.memory_space<vmem>>) offsets(%dma_start3A_169 : memref<32xi32, #tpu.memory_space<vmem>>) semaphore(%arg18 : memref<!tpu.dma_semaphore, #tpu.memory_space<semaphore_mem>>)
        %dma_start3A_173 = arith.constant 2 : i32
        %dma_start3A_174 = arith.constant 0 : i32
        %dma_start3A_175 = tpu.memref_slice %arg5[%dma_start3A_173, %dma_start3A_174] : memref<32x32xi32, #tpu.memory_space<vmem>> -> memref<1x32xi32, #tpu.memory_space<vmem>>
        %dma_start3A_176 = tpu.memref_squeeze %dma_start3A_175 : memref<1x32xi32, #tpu.memory_space<vmem>> -> memref<32xi32, #tpu.memory_space<vmem>>
        %dma_start3A_177 = arith.constant 0 : i32
        %dma_start3A_178 = arith.constant 0 : i32
        %dma_start3A_179 = tpu.memref_slice %arg2[%dma_start3A_177, %dma_start3A_178] : memref<10000x128xf32, #tpu.memory_space<hbm>> -> memref<10000x128xf32, #tpu.memory_space<hbm>>
        tpu.enqueue_indirect_dma source(%dma_start3A_179 : memref<10000x128xf32, #tpu.memory_space<hbm>>) target(%arg9 : memref<32x128xf32, #tpu.memory_space<vmem>>) offsets(%dma_start3A_176 : memref<32xi32, #tpu.memory_space<vmem>>) semaphore(%arg19 : memref<!tpu.dma_semaphore, #tpu.memory_space<semaphore_mem>>)
        %dma_start3A_180 = arith.constant 3 : i32
        %dma_start3A_181 = arith.constant 0 : i32
        %dma_start3A_182 = tpu.memref_slice %arg5[%dma_start3A_180, %dma_start3A_181] : memref<32x32xi32, #tpu.memory_space<vmem>> -> memref<1x32xi32, #tpu.memory_space<vmem>>
        %dma_start3A_183 = tpu.memref_squeeze %dma_start3A_182 : memref<1x32xi32, #tpu.memory_space<vmem>> -> memref<32xi32, #tpu.memory_space<vmem>>
        %dma_start3A_184 = arith.constant 0 : i32
        %dma_start3A_185 = arith.constant 0 : i32
        %dma_start3A_186 = tpu.memref_slice %arg2[%dma_start3A_184, %dma_start3A_185] : memref<10000x128xf32, #tpu.memory_space<hbm>> -> memref<10000x128xf32, #tpu.memory_space<hbm>>
        tpu.enqueue_indirect_dma source(%dma_start3A_186 : memref<10000x128xf32, #tpu.memory_space<hbm>>) target(%arg10 : memref<32x128xf32, #tpu.memory_space<vmem>>) offsets(%dma_start3A_183 : memref<32xi32, #tpu.memory_space<vmem>>) semaphore(%arg20 : memref<!tpu.dma_semaphore, #tpu.memory_space<semaphore_mem>>)
      } else {
      }
    }
    %scan3A_46 = arith.constant 10 : i32
    %barrier3A_47 = arith.constant 0 : index
    tpu.barrier barrier_id(%barrier3A_47)
    "tpu.region"() ({
      %run_scoped3A_48 = tpu.sem_alloc : memref<!tpu.dma_semaphore, #tpu.memory_space<semaphore_mem>>
      %dma_start3A_49 = arith.constant 0 : i32
      %dma_start3A_50 = tpu.memref_slice %arg4[%arg0, %mul3A_7, %dma_start3A_49] : memref<2x10240x128xf32, #tpu.memory_space<hbm>> -> memref<1x640x128xf32, #tpu.memory_space<hbm>>
      %dma_start3A_51 = tpu.memref_squeeze %dma_start3A_50 : memref<1x640x128xf32, #tpu.memory_space<hbm>> -> memref<640x128xf32, #tpu.memory_space<hbm>>
      %dma_start3A_52 = arith.constant 0 : i32
      %dma_start3A_53 = tpu.memref_slice %arg16[%mul3A_7, %dma_start3A_52] : memref<10240x128xf32, #tpu.memory_space<vmem_shared>> -> memref<640x128xf32, #tpu.memory_space<vmem_shared>>
      tpu.enqueue_dma source(%dma_start3A_53 : memref<640x128xf32, #tpu.memory_space<vmem_shared>>) target(%dma_start3A_51 : memref<640x128xf32, #tpu.memory_space<hbm>>) target_semaphore(%run_scoped3A_48 : memref<!tpu.dma_semaphore, #tpu.memory_space<semaphore_mem>>)
      %dma_wait3A = arith.constant 0 : i32
      %dma_wait3A_54 = tpu.memref_slice %arg4[%arg0, %mul3A_7, %dma_wait3A] : memref<2x10240x128xf32, #tpu.memory_space<hbm>> -> memref<1x640x128xf32, #tpu.memory_space<hbm>>
      %dma_wait3A_55 = tpu.memref_squeeze %dma_wait3A_54 : memref<1x640x128xf32, #tpu.memory_space<hbm>> -> memref<640x128xf32, #tpu.memory_space<hbm>>
      %dma_wait3A_56 = arith.constant 0 : i32
      %dma_wait3A_57 = tpu.memref_slice %arg16[%mul3A_7, %dma_wait3A_56] : memref<10240x128xf32, #tpu.memory_space<vmem_shared>> -> memref<640x128xf32, #tpu.memory_space<vmem_shared>>
      tpu.wait_dma2 semaphore(%run_scoped3A_48 : memref<!tpu.dma_semaphore, #tpu.memory_space<semaphore_mem>>) src(%dma_wait3A_57 : memref<640x128xf32, #tpu.memory_space<vmem_shared>>) dst(%dma_wait3A_55 : memref<640x128xf32, #tpu.memory_space<hbm>>)
      tpu.yield
    }) : () -> ()
    return
  }
}

module attributes {stable_mosaic.version = 14 : i64} {
  func.func @body(%arg0: i32, %arg1: memref<2x2000x16xf32, #tpu.memory_space<vmem>>, %arg2: memref<2000x128xf32, #tpu.memory_space<vmem>>, %arg3: memref<128x128xf32, #tpu.memory_space<vmem>>, %arg4: memref<2000x128xf32, #tpu.memory_space<vmem>>) attributes {dimension_semantics = [#tpu.dimension_semantics<arbitrary>], iteration_bounds = array<i64: 5>, scalar_prefetch = 0 : i64, scratch_operands = 0 : i64, tpu.core_type = #tpu.core_type<tc>, window_params = [{transform_indices = @transform_0, window_bounds = array<i64: 2, 2000, 16>}, {transform_indices = @transform_1, window_bounds = array<i64: 2000, 128>}, {pipeline_mode = #tpu.pipeline_mode<synchronous>, transform_indices = @transform_2, window_bounds = array<i64: 128, 128>}, {transform_indices = @transform_3, window_bounds = array<i64: 2000, 128>}]} {
    %get3A = arith.constant 0 : index
    %get3A_0 = arith.constant 0 : index
    %get3A_1 = arith.constant 0 : index
    %get3A_2 = vector.load %arg1[%get3A, %get3A_0, %get3A_1] : memref<2x2000x16xf32, #tpu.memory_space<vmem>>, vector<2x2000x16xf32>
    %slice3A = vector.extract_strided_slice %get3A_2 {offsets = [0, 0, 0], sizes = [1, 2000, 16], strides = [1, 1, 1]} : vector<2x2000x16xf32> to vector<1x2000x16xf32>
    %squeeze3A = vector.shape_cast %slice3A : vector<1x2000x16xf32> to vector<2000x16xf32>
    %slice3A_3 = vector.extract_strided_slice %get3A_2 {offsets = [1, 0, 0], sizes = [1, 2000, 16], strides = [1, 1, 1]} : vector<2x2000x16xf32> to vector<1x2000x16xf32>
    %squeeze3A_4 = vector.shape_cast %slice3A_3 : vector<1x2000x16xf32> to vector<2000x16xf32>
    %add3A = arith.addf %squeeze3A, %squeeze3A_4 : vector<2000x16xf32>
    %add3A_5 = arith.constant 1.000000e+00 : f32
    %add3A_6 = vector.broadcast %add3A_5 : f32 to vector<2000x16xf32>
    %add3A_7 = arith.addf %add3A, %add3A_6 : vector<2000x16xf32>
    %rsqrt3A = math.rsqrt %add3A_7 : vector<2000x16xf32>
    %concatenate3A = tpu.concatenate %rsqrt3A, %rsqrt3A, %rsqrt3A, %rsqrt3A, %rsqrt3A, %rsqrt3A, %rsqrt3A, %rsqrt3A in 1 : vector<2000x16xf32>, vector<2000x16xf32>, vector<2000x16xf32>, vector<2000x16xf32>, vector<2000x16xf32>, vector<2000x16xf32>, vector<2000x16xf32>, vector<2000x16xf32> -> vector<2000x128xf32>
    %get3A_8 = arith.constant 0 : index
    %get3A_9 = arith.constant 0 : index
    %get3A_10 = vector.load %arg2[%get3A_8, %get3A_9] : memref<2000x128xf32, #tpu.memory_space<vmem>>, vector<2000x128xf32>
    %get3A_11 = arith.constant 0 : index
    %get3A_12 = arith.constant 0 : index
    %get3A_13 = vector.load %arg3[%get3A_11, %get3A_12] : memref<128x128xf32, #tpu.memory_space<vmem>>, vector<128x128xf32>
    %dot_general3A = arith.constant dense<0.000000e+00> : vector<2000x128xf32>
    %dot_general3A_14 = tpu.matmul %get3A_10, %get3A_13, %dot_general3A {dimension_numbers = #tpu.dot_dimension_numbers<[1], [0], [0], [1], [0, 0, 1, 1], [], []>, transpose_lhs_hint = false} : vector<2000x128xf32>, vector<128x128xf32>, vector<2000x128xf32> -> vector<2000x128xf32>
    %mul3A = arith.mulf %concatenate3A, %dot_general3A_14 : vector<2000x128xf32>
    %swap3A = arith.constant 0 : index
    %swap3A_15 = arith.constant 0 : index
    %swap3A_16 = vector.load %arg4[%swap3A, %swap3A_15] : memref<2000x128xf32, #tpu.memory_space<vmem>>, vector<2000x128xf32>
    tpu.vector_store %arg4[%swap3A, %swap3A_15], %mul3A {strides = array<i32>} : memref<2000x128xf32, #tpu.memory_space<vmem>>, vector<2000x128xf32>,
    return
  }
  func.func @transform_0(%arg0: i32) -> (i32, i32, i32) {
    %c0_i32 = arith.constant 0 : i32
    %c0_i32_0 = arith.constant 0 : i32
    %c0_i32_1 = arith.constant 0 : i32
    return %c0_i32, %arg0, %c0_i32_0 : i32, i32, i32
  }
  func.func @transform_1(%arg0: i32) -> (i32, i32) {
    %c0_i32 = arith.constant 0 : i32
    %c0_i32_0 = arith.constant 0 : i32
    return %arg0, %c0_i32 : i32, i32
  }
  func.func @transform_2(%arg0: i32) -> (i32, i32) {
    %c0_i32 = arith.constant 0 : i32
    %c0_i32_0 = arith.constant 0 : i32
    %c0_i32_1 = arith.constant 0 : i32
    return %c0_i32, %c0_i32_0 : i32, i32
  }
  func.func @transform_3(%arg0: i32) -> (i32, i32) {
    %c0_i32 = arith.constant 0 : i32
    %c0_i32_0 = arith.constant 0 : i32
    return %arg0, %c0_i32 : i32, i32
  }
}

module attributes {stable_mosaic.version = 14 : i64} {
  func.func @body(%arg0: i32, %arg1: memref<2x2000x128xf32, #tpu.memory_space<vmem>>, %arg2: memref<2000x128xf32, #tpu.memory_space<vmem>>, %arg3: memref<2x2000x16xf32, #tpu.memory_space<vmem>>, %arg4: memref<128x128xf32, #tpu.memory_space<vmem>>, %arg5: memref<1x128xf32, #tpu.memory_space<vmem>>, %arg6: memref<2000x128xf32, #tpu.memory_space<vmem>>) attributes {dimension_semantics = [#tpu.dimension_semantics<arbitrary>], iteration_bounds = array<i64: 5>, scalar_prefetch = 0 : i64, scratch_operands = 0 : i64, tpu.core_type = #tpu.core_type<tc>, window_params = [{transform_indices = @transform_0, window_bounds = array<i64: 2, 2000, 128>}, {transform_indices = @transform_1, window_bounds = array<i64: 2000, 128>}, {transform_indices = @transform_2, window_bounds = array<i64: 2, 2000, 16>}, {pipeline_mode = #tpu.pipeline_mode<synchronous>, transform_indices = @transform_3, window_bounds = array<i64: 128, 128>}, {pipeline_mode = #tpu.pipeline_mode<synchronous>, transform_indices = @transform_4, window_bounds = array<i64: 1, 128>}, {transform_indices = @transform_5, window_bounds = array<i64: 2000, 128>}]} {
    %get3A = arith.constant 0 : index
    %get3A_0 = arith.constant 0 : index
    %get3A_1 = arith.constant 0 : index
    %get3A_2 = vector.load %arg3[%get3A, %get3A_0, %get3A_1] : memref<2x2000x16xf32, #tpu.memory_space<vmem>>, vector<2x2000x16xf32>
    %slice3A = vector.extract_strided_slice %get3A_2 {offsets = [0, 0, 0], sizes = [1, 2000, 16], strides = [1, 1, 1]} : vector<2x2000x16xf32> to vector<1x2000x16xf32>
    %squeeze3A = vector.shape_cast %slice3A : vector<1x2000x16xf32> to vector<2000x16xf32>
    %slice3A_3 = vector.extract_strided_slice %get3A_2 {offsets = [1, 0, 0], sizes = [1, 2000, 16], strides = [1, 1, 1]} : vector<2x2000x16xf32> to vector<1x2000x16xf32>
    %squeeze3A_4 = vector.shape_cast %slice3A_3 : vector<1x2000x16xf32> to vector<2000x16xf32>
    %add3A = arith.addf %squeeze3A, %squeeze3A_4 : vector<2000x16xf32>
    %add3A_5 = arith.constant 1.000000e+00 : f32
    %add3A_6 = vector.broadcast %add3A_5 : f32 to vector<2000x16xf32>
    %add3A_7 = arith.addf %add3A, %add3A_6 : vector<2000x16xf32>
    %rsqrt3A = math.rsqrt %add3A_7 : vector<2000x16xf32>
    %concatenate3A = tpu.concatenate %rsqrt3A, %rsqrt3A, %rsqrt3A, %rsqrt3A, %rsqrt3A, %rsqrt3A, %rsqrt3A, %rsqrt3A in 1 : vector<2000x16xf32>, vector<2000x16xf32>, vector<2000x16xf32>, vector<2000x16xf32>, vector<2000x16xf32>, vector<2000x16xf32>, vector<2000x16xf32>, vector<2000x16xf32> -> vector<2000x128xf32>
    %get3A_8 = arith.constant 0 : index
    %get3A_9 = arith.constant 0 : index
    %get3A_10 = arith.constant 0 : index
    %get3A_11 = vector.load %arg1[%get3A_8, %get3A_9, %get3A_10] : memref<2x2000x128xf32, #tpu.memory_space<vmem>>, vector<1x2000x128xf32>
    %get3A_12 = vector.shape_cast %get3A_11 : vector<1x2000x128xf32> to vector<2000x128xf32>
    %get3A_13 = arith.constant 1 : index
    %get3A_14 = arith.constant 0 : index
    %get3A_15 = arith.constant 0 : index
    %get3A_16 = vector.load %arg1[%get3A_13, %get3A_14, %get3A_15] : memref<2x2000x128xf32, #tpu.memory_space<vmem>>, vector<1x2000x128xf32>
    %get3A_17 = vector.shape_cast %get3A_16 : vector<1x2000x128xf32> to vector<2000x128xf32>
    %add3A_18 = arith.addf %get3A_12, %get3A_17 : vector<2000x128xf32>
    %get3A_19 = arith.constant 0 : index
    %get3A_20 = arith.constant 0 : index
    %get3A_21 = vector.load %arg2[%get3A_19, %get3A_20] : memref<2000x128xf32, #tpu.memory_space<vmem>>, vector<2000x128xf32>
    %add3A_22 = arith.addf %add3A_18, %get3A_21 : vector<2000x128xf32>
    %mul3A = arith.mulf %concatenate3A, %add3A_22 : vector<2000x128xf32>
    %get3A_23 = arith.constant 0 : index
    %get3A_24 = arith.constant 0 : index
    %get3A_25 = vector.load %arg5[%get3A_23, %get3A_24] : memref<1x128xf32, #tpu.memory_space<vmem>>, vector<1x128xf32>
    %add3A_26 = vector.broadcast %get3A_25 : vector<1x128xf32> to vector<2000x128xf32>
    %add3A_27 = arith.addf %mul3A, %add3A_26 : vector<2000x128xf32>
    %max3A = arith.constant 0.000000e+00 : f32
    %max3A_28 = vector.broadcast %max3A : f32 to vector<2000x128xf32>
    %max3A_29 = arith.maximumf %add3A_27, %max3A_28 : vector<2000x128xf32>
    %get3A_30 = arith.constant 0 : index
    %get3A_31 = arith.constant 0 : index
    %get3A_32 = vector.load %arg4[%get3A_30, %get3A_31] : memref<128x128xf32, #tpu.memory_space<vmem>>, vector<128x128xf32>
    %dot_general3A = arith.constant dense<0.000000e+00> : vector<2000x128xf32>
    %dot_general3A_33 = tpu.matmul %max3A_29, %get3A_32, %dot_general3A {dimension_numbers = #tpu.dot_dimension_numbers<[1], [0], [0], [1], [0, 0, 1, 1], [], []>, transpose_lhs_hint = false} : vector<2000x128xf32>, vector<128x128xf32>, vector<2000x128xf32> -> vector<2000x128xf32>
    %mul3A_34 = arith.mulf %concatenate3A, %dot_general3A_33 : vector<2000x128xf32>
    %swap3A = arith.constant 0 : index
    %swap3A_35 = arith.constant 0 : index
    %swap3A_36 = vector.load %arg6[%swap3A, %swap3A_35] : memref<2000x128xf32, #tpu.memory_space<vmem>>, vector<2000x128xf32>
    tpu.vector_store %arg6[%swap3A, %swap3A_35], %mul3A_34 {strides = array<i32>} : memref<2000x128xf32, #tpu.memory_space<vmem>>, vector<2000x128xf32>,
    return
  }
  func.func @transform_0(%arg0: i32) -> (i32, i32, i32) {
    %c0_i32 = arith.constant 0 : i32
    %c0_i32_0 = arith.constant 0 : i32
    %c0_i32_1 = arith.constant 0 : i32
    return %c0_i32, %arg0, %c0_i32_0 : i32, i32, i32
  }
  func.func @transform_1(%arg0: i32) -> (i32, i32) {
    %c0_i32 = arith.constant 0 : i32
    %c0_i32_0 = arith.constant 0 : i32
    return %arg0, %c0_i32 : i32, i32
  }
  func.func @transform_2(%arg0: i32) -> (i32, i32, i32) {
    %c0_i32 = arith.constant 0 : i32
    %c0_i32_0 = arith.constant 0 : i32
    %c0_i32_1 = arith.constant 0 : i32
    return %c0_i32, %arg0, %c0_i32_0 : i32, i32, i32
  }
  func.func @transform_3(%arg0: i32) -> (i32, i32) {
    %c0_i32 = arith.constant 0 : i32
    %c0_i32_0 = arith.constant 0 : i32
    %c0_i32_1 = arith.constant 0 : i32
    return %c0_i32, %c0_i32_0 : i32, i32
  }
  func.func @transform_4(%arg0: i32) -> (i32, i32) {
    %c0_i32 = arith.constant 0 : i32
    %c0_i32_0 = arith.constant 0 : i32
    %c0_i32_1 = arith.constant 0 : i32
    return %c0_i32, %c0_i32_0 : i32, i32
  }
  func.func @transform_5(%arg0: i32) -> (i32, i32) {
    %c0_i32 = arith.constant 0 : i32
    %c0_i32_0 = arith.constant 0 : i32
    return %arg0, %c0_i32 : i32, i32
  }
}

module attributes {stable_mosaic.version = 14 : i64} {
  func.func @body(%arg0: i32, %arg1: memref<2x2000x128xf32, #tpu.memory_space<vmem>>, %arg2: memref<2000x128xf32, #tpu.memory_space<vmem>>, %arg3: memref<2x2000x16xf32, #tpu.memory_space<vmem>>, %arg4: memref<1x128xf32, #tpu.memory_space<vmem>>, %arg5: memref<2000x128xf32, #tpu.memory_space<vmem>>) attributes {dimension_semantics = [#tpu.dimension_semantics<arbitrary>], iteration_bounds = array<i64: 5>, scalar_prefetch = 0 : i64, scratch_operands = 0 : i64, tpu.core_type = #tpu.core_type<tc>, window_params = [{transform_indices = @transform_0, window_bounds = array<i64: 2, 2000, 128>}, {transform_indices = @transform_1, window_bounds = array<i64: 2000, 128>}, {transform_indices = @transform_2, window_bounds = array<i64: 2, 2000, 16>}, {pipeline_mode = #tpu.pipeline_mode<synchronous>, transform_indices = @transform_3, window_bounds = array<i64: 1, 128>}, {transform_indices = @transform_4, window_bounds = array<i64: 2000, 128>}]} {
    %get3A = arith.constant 0 : index
    %get3A_0 = arith.constant 0 : index
    %get3A_1 = arith.constant 0 : index
    %get3A_2 = vector.load %arg3[%get3A, %get3A_0, %get3A_1] : memref<2x2000x16xf32, #tpu.memory_space<vmem>>, vector<2x2000x16xf32>
    %slice3A = vector.extract_strided_slice %get3A_2 {offsets = [0, 0, 0], sizes = [1, 2000, 16], strides = [1, 1, 1]} : vector<2x2000x16xf32> to vector<1x2000x16xf32>
    %squeeze3A = vector.shape_cast %slice3A : vector<1x2000x16xf32> to vector<2000x16xf32>
    %slice3A_3 = vector.extract_strided_slice %get3A_2 {offsets = [1, 0, 0], sizes = [1, 2000, 16], strides = [1, 1, 1]} : vector<2x2000x16xf32> to vector<1x2000x16xf32>
    %squeeze3A_4 = vector.shape_cast %slice3A_3 : vector<1x2000x16xf32> to vector<2000x16xf32>
    %add3A = arith.addf %squeeze3A, %squeeze3A_4 : vector<2000x16xf32>
    %add3A_5 = arith.constant 1.000000e+00 : f32
    %add3A_6 = vector.broadcast %add3A_5 : f32 to vector<2000x16xf32>
    %add3A_7 = arith.addf %add3A, %add3A_6 : vector<2000x16xf32>
    %rsqrt3A = math.rsqrt %add3A_7 : vector<2000x16xf32>
    %concatenate3A = tpu.concatenate %rsqrt3A, %rsqrt3A, %rsqrt3A, %rsqrt3A, %rsqrt3A, %rsqrt3A, %rsqrt3A, %rsqrt3A in 1 : vector<2000x16xf32>, vector<2000x16xf32>, vector<2000x16xf32>, vector<2000x16xf32>, vector<2000x16xf32>, vector<2000x16xf32>, vector<2000x16xf32>, vector<2000x16xf32> -> vector<2000x128xf32>
    %get3A_8 = arith.constant 0 : index
    %get3A_9 = arith.constant 0 : index
    %get3A_10 = arith.constant 0 : index
    %get3A_11 = vector.load %arg1[%get3A_8, %get3A_9, %get3A_10] : memref<2x2000x128xf32, #tpu.memory_space<vmem>>, vector<1x2000x128xf32>
    %get3A_12 = vector.shape_cast %get3A_11 : vector<1x2000x128xf32> to vector<2000x128xf32>
    %get3A_13 = arith.constant 1 : index
    %get3A_14 = arith.constant 0 : index
    %get3A_15 = arith.constant 0 : index
    %get3A_16 = vector.load %arg1[%get3A_13, %get3A_14, %get3A_15] : memref<2x2000x128xf32, #tpu.memory_space<vmem>>, vector<1x2000x128xf32>
    %get3A_17 = vector.shape_cast %get3A_16 : vector<1x2000x128xf32> to vector<2000x128xf32>
    %add3A_18 = arith.addf %get3A_12, %get3A_17 : vector<2000x128xf32>
    %get3A_19 = arith.constant 0 : index
    %get3A_20 = arith.constant 0 : index
    %get3A_21 = vector.load %arg2[%get3A_19, %get3A_20] : memref<2000x128xf32, #tpu.memory_space<vmem>>, vector<2000x128xf32>
    %add3A_22 = arith.addf %add3A_18, %get3A_21 : vector<2000x128xf32>
    %mul3A = arith.mulf %concatenate3A, %add3A_22 : vector<2000x128xf32>
    %get3A_23 = arith.constant 0 : index
    %get3A_24 = arith.constant 0 : index
    %get3A_25 = vector.load %arg4[%get3A_23, %get3A_24] : memref<1x128xf32, #tpu.memory_space<vmem>>, vector<1x128xf32>
    %add3A_26 = vector.broadcast %get3A_25 : vector<1x128xf32> to vector<2000x128xf32>
    %add3A_27 = arith.addf %mul3A, %add3A_26 : vector<2000x128xf32>
    %swap3A = arith.constant 0 : index
    %swap3A_28 = arith.constant 0 : index
    %swap3A_29 = vector.load %arg5[%swap3A, %swap3A_28] : memref<2000x128xf32, #tpu.memory_space<vmem>>, vector<2000x128xf32>
    tpu.vector_store %arg5[%swap3A, %swap3A_28], %add3A_27 {strides = array<i32>} : memref<2000x128xf32, #tpu.memory_space<vmem>>, vector<2000x128xf32>,
    return
  }
  func.func @transform_0(%arg0: i32) -> (i32, i32, i32) {
    %c0_i32 = arith.constant 0 : i32
    %c0_i32_0 = arith.constant 0 : i32
    %c0_i32_1 = arith.constant 0 : i32
    return %c0_i32, %arg0, %c0_i32_0 : i32, i32, i32
  }
  func.func @transform_1(%arg0: i32) -> (i32, i32) {
    %c0_i32 = arith.constant 0 : i32
    %c0_i32_0 = arith.constant 0 : i32
    return %arg0, %c0_i32 : i32, i32
  }
  func.func @transform_2(%arg0: i32) -> (i32, i32, i32) {
    %c0_i32 = arith.constant 0 : i32
    %c0_i32_0 = arith.constant 0 : i32
    %c0_i32_1 = arith.constant 0 : i32
    return %c0_i32, %arg0, %c0_i32_0 : i32, i32, i32
  }
  func.func @transform_3(%arg0: i32) -> (i32, i32) {
    %c0_i32 = arith.constant 0 : i32
    %c0_i32_0 = arith.constant 0 : i32
    %c0_i32_1 = arith.constant 0 : i32
    return %c0_i32, %c0_i32_0 : i32, i32
  }
  func.func @transform_4(%arg0: i32) -> (i32, i32) {
    %c0_i32 = arith.constant 0 : i32
    %c0_i32_0 = arith.constant 0 : i32
    return %arg0, %c0_i32 : i32, i32
  }
}

</mosaic_0001>

<sc_bundles>
// kernel: kernel.11.cloned.1.call-start
scs
__scs_entry_jumppad:
0x0: {  	(pc) =	sbr.rel $0x88, $3  }
0x1: {  	(tag) =	ssettag $0x0;
	lr =	simm.s32 $0x1  }
0x2: {  	[smem:$0x3F9B] =	sst lr;
	_ =	strace $0xD0000000  }
0x3: {  	_ = 	snop  }
0x4: {  	_ = 	snop  }
0x5: {  	_ = 	snop  }
0x6: {  	_ = 	snop  }
0x7: {  	_ = 	snop  }
__scs_overlays_trampoline_lowered:
0x8: {  	[smem:$0x3FAA] =	sst s0  }
0x9: {  	[smem:$0x3FAB] =	sst s1  }
0xa: {  	[smem:$0x3FAC] =	sst s2  }
0xb: {  	[smem:$0x3FAD] =	sst s3  }
0xc: {  	[smem:$0x3FAE] =	sst s4  }
0xd: {  	[smem:$0x3FAF] =	sst s5  }
0xe: {  	[smem:$0x3FB0] =	sst s6  }
0xf: {  	[smem:$0x3FB1] =	sst s7  }
0x10: {  	[smem:$0x3FB2] =	sst s8  }
0x11: {  	[smem:$0x3FB3] =	sst s9;
	s0 =	simm.s32 @!p0 $0x0  }
0x12: {  	s1 =	sld [smem:$0x3F99];
	s0 =	simm.s32 @p0 $0x1  }
0x13: {  	[smem:$0x3FB4] =	sst s0;
	s0 =	simm.s32 @!p1 $0x0  }
0x14: {  	s2 =	sld [smem:$0x3F98];
	s0 =	simm.s32 @p1 $0x1  }
0x15: {  	[smem:$0x3FB5] =	sst s0;
	s0 =	simm.s32 @!p2 $0x0  }
0x16: {  	s3 =	sld [smem:$0x3FDB];
	s0 =	simm.s32 @p2 $0x1  }
0x17: {  	s4 =	simm.s32 $0x1BF5;
	[smem:$0x3FB7] =	sst s0  }
0x18: {  	s0 =	sld [smem:$0x3F9A];
	_ =	swait.ge [sflag:s4], $0x0  }
0x19: {  	s7 =	sld [smem:$0x3F9B]  }
0x1a: {  	s8 =	sadd.s32 $0xFFFFE003, lr  }
0x1b: {  	s9 =	sadd.s32 $0xFFFFFEF7, lr;
	s5 =	simm.s32 $0xFFFFFFFF;
	p2 =	slt.u32 s8, $0xFFFFF086  }
0x1c: {  	p1 =	slt.u32 s9, $0xF7A;
	s5 =	simm.s32 @!p2 $0x0  }
0x1d: {  	s5 =	simm.s32 @p1 $0x1;
	p0 =	seq.s32 s7, s2  }
0x1e: {  	s7 =	smul.u32 @!p0 $0xF7A, s2;
	p2 =	seq.s32 @!p0 s5, $0x0  }
0x1f: {  	s9 =	smul.u32 $0xF7A, s1;
	s8 =	simm.s32 @!p0 $0x1BF5;
	p2 =	por !p2, p0  }
0x20: {  	[sflag:s8] =	ssyncset.s32 @!p0 $0xFFFFF086;
	s6 =	sadd.s32 @!p0 s3, s7;
	s7 =	simm.s32 @!p0 $0x108  }
0x21: {  	s3 =	sadd.s32 s3, s9;
	s6 =	sadd.s32 @!p0 $0x88, s6;
	s7 =	simm.s32 @p2 $0x1082  }
0x22: {  	[simem:s7], [sflag:s8] =	dma.local @!p0 [hbm:s6], $0xF7A  }
0x23: {  	s9 =	sor.u32 $0xD0000000, s2;
	s6 =	simm.s32 $0x108;
	_ =	swait.ge @!p0 [sflag:s8], $0x0  }
0x24: {  	s3 =	sadd.s32 $0x88, s3;
	s6 =	simm.s32 @!p1 $0x1082;
	[sflag:s4] =	ssyncset.s32 $0xFFFFF086  }
0x25: {  	[simem:s6], [sflag:s4] =	dma.local [hbm:s3], $0xF7A  }
0x26: {  	[smem:$0x3F9B] =	sst s1;
	(tag) =	ssettag s2;
	_ =	strace s9  }
0x27: {  	s1 =	sld [smem:$0x3FAB]  }
0x28: {  	s2 =	sld [smem:$0x3FAC]  }
0x29: {  	s4 =	sld [smem:$0x3FAE]  }
0x2a: {  	p0 =	seq.s32 s5, $0x0;
	s5 =	sld [smem:$0x3FAF]  }
0x2b: {  	s6 =	sld [smem:$0x3FB0]  }
0x2c: {  	s7 =	sld [smem:$0x3FB1]  }
0x2d: {  	s3 =	simm.s32 $0x108;
	s8 =	sld [smem:$0x3FB2]  }
0x2e: {  	s3 =	simm.s32 @!p0 $0x1082;
	s9 =	sld [smem:$0x3FB3]  }
0x2f: {  	lr =	sadd.s32 s0, s3;
	s0 =	sld [smem:$0x3FAA]  }
0x30: {  	s3 =	sld [smem:$0x3FAD]  }
0x31: {  	[smem:$0x3FB6] =	sst s10  }
0x32: {  	s10 =	sld [smem:$0x3FB4];
	_ =	sdelay $0x3  }
0x33: {  	p0 =	seq.s32 s10, $0x1;
	s10 =	sld [smem:$0x3FB6];
	_ =	sdelay $0x3  }
0x34: {  	[smem:$0x3FB6] =	sst s10  }
0x35: {  	s10 =	sld [smem:$0x3FB5];
	_ =	sdelay $0x3  }
0x36: {  	p1 =	seq.s32 s10, $0x1;
	s10 =	sld [smem:$0x3FB6];
	_ =	sdelay $0x3  }
0x37: {  	[smem:$0x3FB6] =	sst s10  }
0x38: {  	s10 =	sld [smem:$0x3FB7]  }
0x39: {  	_ = 	snop;
	(pc) =	sbr.ind lr, $3  }
0x3a: {  	_ = 	snop  }
0x3b: {  	_ = 	snop  }
0x3c: {  	p2 =	seq.s32 s10, $0x1;
	s10 =	sld [smem:$0x3FB6]  }
0x3d: {  	_ =	shalt  }
0x3e: {  	_ =	shalt  }
0x3f: {  	_ =	shalt  }
0x40: {  	_ =	shalt  }
0x41: {  	_ =	shalt  }
0x42: {  	_ =	shalt  }
0x43: {  	_ =	shalt  }
0x44: {  	_ =	shalt  }
0x45: {  	_ =	shalt  }
0x46: {  	_ =	shalt  }
0x47: {  	_ =	shalt  }
0x48: {  	_ =	shalt  }
0x49: {  	_ =	shalt  }
0x4a: {  	_ =	shalt  }
0x4b: {  	_ =	shalt  }
0x4c: {  	_ =	shalt  }
0x4d: {  	_ =	shalt  }
0x4e: {  	_ =	shalt  }
0x4f: {  	_ =	shalt  }
0x50: {  	_ =	shalt  }
0x51: {  	_ =	shalt  }
0x52: {  	_ =	shalt  }
0x53: {  	_ =	shalt  }
0x54: {  	_ =	shalt  }
0x55: {  	_ =	shalt  }
0x56: {  	_ =	shalt  }
0x57: {  	_ =	shalt  }
0x58: {  	_ =	shalt  }
0x59: {  	_ =	shalt  }
0x5a: {  	_ =	shalt  }
0x5b: {  	_ =	shalt  }
0x5c: {  	_ =	shalt  }
0x5d: {  	_ =	shalt  }
0x5e: {  	_ =	shalt  }
0x5f: {  	_ =	shalt  }
0x60: {  	_ =	shalt  }
0x61: {  	_ =	shalt  }
0x62: {  	_ =	shalt  }
0x63: {  	_ =	shalt  }
0x64: {  	_ =	shalt  }
0x65: {  	_ =	shalt  }
0x66: {  	_ =	shalt  }
0x67: {  	_ =	shalt  }
0x68: {  	_ =	shalt  }
0x69: {  	_ =	shalt  }
0x6a: {  	_ =	shalt  }
0x6b: {  	_ =	shalt  }
0x6c: {  	_ =	shalt  }
0x6d: {  	_ =	shalt  }
0x6e: {  	_ =	shalt  }
0x6f: {  	_ =	shalt  }
0x70: {  	_ =	shalt  }
0x71: {  	_ =	shalt  }
0x72: {  	_ =	shalt  }
0x73: {  	_ =	shalt  }
0x74: {  	_ =	shalt  }
0x75: {  	_ =	shalt  }
0x76: {  	_ =	shalt  }
0x77: {  	_ =	shalt  }
0x78: {  	_ =	shalt  }
0x79: {  	_ =	shalt  }
0x7a: {  	_ =	shalt  }
0x7b: {  	_ =	shalt  }
0x7c: {  	_ =	shalt  }
0x7d: {  	_ =	shalt  }
0x7e: {  	_ =	shalt  }
0x7f: {  	_ =	shalt  }
0x80: {  	_ =	shalt  }
0x81: {  	_ =	shalt  }
0x82: {  	_ =	shalt  }
0x83: {  	_ =	shalt  }
0x84: {  	_ =	shalt  }
0x85: {  	_ =	shalt  }
0x86: {  	_ =	shalt  }
0x87: {  	_ =	shalt  }
.Lfunc_end0:
.L_simem_size_0:
called_computation.1_lowered:
.L_overlay_start_0:
0x88: {  	s2 =	sld [smem:$0x3FD9]  }
0x89: {  	s3 =	sld [smem:$0x3FFE];
	_ =	sdelay $0x1  }
0x8a: {  	s1 =	srdreg.scid  }
0x8b: {  	s0 =	sand.u32 $0x1, s1  }
0x8c: {  	s17 =	sshll.u32 s0, $0xA;
	s2 =	sadd.s32 s3, s2  }
0x8d: {  	s2 =	sadd.s32 s2, s17  }
0x8e: {  	[smem:$0x3FC2] =	sst s2  }
0x8f: {  	_ = 	snop  }
0x90: {  	s2 =	sld [smem:$0x3FD0];
	(tm) =	ssettm $0x1  }
0x91: {  	s18 =	sld [smem:$0x3FFB];
	_ =	sdelay $0x3  }
0x92: {  	_ =	strace s18  }
0x93: {  	s3 =	sld [smem:$0x3FFC];
	_ =	sdelay $0x3  }
0x94: {  	_ =	strace s3  }
0x95: {  	s3 =	sld [smem:$0x3FFD];
	_ =	sdelay $0x3  }
0x96: {  	_ =	strace s3  }
0x97: {  	_ =	strace $0x8FFFFFFF  }
0x98: {  	s19 =	sld [smem:$0x3FDB];
	_ =	sdelay $0x1  }
0x99: {  	s4 =	simm.s32 $_scs_section_size  }
0x9a: {  	s5 =	simm.s32 $_size__tile_overlayer_lowered;
	s6 =	simm.s32 $_tile_overlayer_lowered  }
0x9b: {  	s22 =	simm.s32 $0x1BFF;
	s21 =	sshll.u32 s6, $0x1;
	s3 =	sadd.s32 s4, s19  }
0x9c: {  	s7 =	simm.s32 $0x0;
	s20 =	sshll.u32 s5, $0x1;
	s5 =	sadd.s32 s21, s3  }
0x9d: {  	[timem:s7], [sflag:s22] =	dma.local [hbm:s5], s20  }
0x9e: {  	_ =	swait.ge [sflag:s22], s20  }
0x9f: {  	s4 =	ssub.s32 $0x0, s20;
	[sflag:s22] =	ssyncset.done $0x0  }
0xa0: {  	[sflag:s22] =	ssyncadd.s32 s4;
	_ =	sdelay $0x1  }
0xa1: {  	s23 =	simm.s32 $0x1B8B  }
0xa2: {  	_ =	swait.ge [sflag:s23], $0x1  }
0xa3: {  	[sflag:s23] =	ssyncset.done $0x0  }
0xa4: {  	s25 =	simm.s32 $0x1B8E;
	s24 =	sld [smem:$0x3FFE];
	[sflag:s23] =	ssyncadd.s32 $0xFFFFFFFF  }
0xa5: {  	s26 =	simm.s32 $execute0_lowered;
	[smem:$0x3FD2] =	sst s25  }
0xa6: {  	s5 =	sshll.u32 s26, $0x1;
	_ =	strace $0x80000049;
	[dreg:$0x1] =	wrdreg $0xFFFFFFFF  }
0xa7: {  	s28 =	simm.s32 $_size_execute0_lowered;
	s3 =	sadd.s32 s3, s5;
	[dreg:$0x0] =	wrdreg $0x0  }
0xa8: {  	s5 =	sshll.u32 s28, $0x1;
	[dreg:$0x2] =	wrdreg s3  }
0xa9: {  	[dreg:$0x3] =	wrdreg s5  }
0xaa: {  	[dreg:$0x4] =	wrdreg $0xC0  }
0xab: {  	_ =	task [dreg:s7], $0x5FFFF  }
0xac: {  	[dreg:$0x1] =	wrdreg $0xFFFFFFFF  }
0xad: {  	[dreg:$0x0] =	wrdreg $0x60  }
0xae: {  	[dreg:$0x2] =	wrdreg s2  }
0xaf: {  	[dreg:$0x3] =	wrdreg s24  }
0xb0: {  	[dreg:$0x4] =	wrdreg $0xB0000  }
0xb1: {  	[dreg:$0x5] =	wrdreg $0x9  }
0xb2: {  	_ =	task.clear_ibuf [dreg:s7], $0x6FFFF;
	_ =	strace $0x90000049  }
0xb3: {  	s29 =	simm.s32 $0x9;
	_ =	strace $0x8000004B  }
0xb4: {  	_ =	swait.ge [sflag:s29], $0x1  }
0xb5: {  	[sflag:s29] =	ssyncadd.s32 $0xFFFFFFFF  }
0xb6: {  	_ =	strace $0x9000004B  }
0xb7: {  	_ =	sfence  }
0xb8: {  	s30 =	sld [smem:$0x0];
	_ =	sdelay $0x2  }
0xb9: {  	s31 =	sshll.u32 s1, $0xD;
	s1 =	sshrl.u32 s1, $0x2  }
0xba: {  	s3 =	sand.u32 $0x4000, s31;
	s1 =	sadd.s32 s1, s30  }
0xbb: {  	s0 =	sor.u32 s3, s0;
	s1 =	sshll.u32 s1, $0x11  }
0xbc: {  	s0 =	sor.u32 s1, s0  }
0xbd: {  	s0 =	sadd.s32 $0x8F2B, s0  }
0xbe: {  	[sflag:s0] =	ssyncadd.remote.s32 $0x1  }
0xbf: {  	_ =	sfence.sel $0xFFFF  }
0xc0: {  	[dreg:$0x0] =	wrdreg $0xFFFFFFFF;
	(pc) =	sbr.abs _section_cstart, $3  }
0xc1: {  	[dreg:$0x1] =	wrdreg $0xFFFFFFFF  }
0xc2: {  	_ =	task.clear_ibuf [dreg:s7], $0x2FFFF;
	_ =	strace $0x9FFFFFFF  }
0xc3: {  	(tm) =	ssettm $0x7FFFFFFF  }
tec
execute0_lowered:
.L_overlay_start_1:
0x0: {  	(tag) =	ssettag $0x1  }
0x1: {  	s1 =	rddreg [dreg:$0x0]  }
0x2: {  	s0 =	rddreg [dreg:$0x1]  }
0x3: {  	s2 =	rddreg [dreg:$0x2]  }
0x4: {  	s3 =	srdreg.scid;
	s8 =	stileid.u32  }
0x5: {  	s13 =	simm.s32 $0x0;
	s3 =	sand.u32 $0x1, s3;
	s21 =	smul.u32 $0x50000, s8  }
0x6: {  	s4 =	smul.u32 $0x140000, s3;
	s7 =	sshll.u32 s3, $0x4;
	s3 =	ssub.s32 $0x2, s3  }
0x7: {  	s20 =	sor.u32 s8, s7;
	s23 =	sshrl.u32 s3, $0x1;
	s7 =	sshrl.u32 s21, $0x2  }
0x8: {  	[smem:$0x7FF] =	sst s13;
	s3 =	ssub.s32 s3, s23;
	s7 =	sadd.s32 s7, s2  }
0x9: {  	_ =	strace $0x8000004A;
	s24 =	smax.u32 s3, $0x1;
	[dreg:$0x4] =	wrdreg s7  }
0xa: {  	s30 =	simm.s32 $0x9000;
	s25 =	sadd.s32 $0x1000, s7;
	[dreg:$0x7] =	wrdreg s24  }
0xb: {  	s28 =	simm.s32 $0xB;
	s26 =	sadd.s32 $0x2000, s7;
	[dreg:$0x8] =	wrdreg s25  }
0xc: {  	s31 =	simm.s32 $0x7;
	s3 =	sadd.s32 $0x3000, s7;
	[dreg:$0x9] =	wrdreg s26  }
0xd: {  	s5 =	smul.u32 $0x14000, s8;
	s8 =	sadd.s32 $0x5000, s7;
	[dreg:$0xa] =	wrdreg s3  }
0xe: {  	s29 =	simm.s32 $0xF;
	s9 =	sadd.s32 $0x6000, s7;
	[dreg:$0xc] =	wrdreg s8  }
0xf: {  	s6 =	sadd.s32 $0x52800, s0;
	s10 =	sadd.s32 $0x7000, s7;
	[dreg:$0xd] =	wrdreg s9  }
0x10: {  	s4 =	sadd.s32 s5, s4;
	s11 =	sadd.s32 $0x8000, s7;
	[dreg:$0xe] =	wrdreg s10  }
0x11: {  	s5 =	smul.u32 $0x14000, s20;
	s12 =	sadd.s32 $0x9000, s7;
	[dreg:$0xf] =	wrdreg s11  }
0x12: {  	s22 =	sshrl.u32 s4, $0x3;
	s14 =	sadd.s32 $0xA000, s7;
	[dreg:$0x10] =	wrdreg s12  }
0x13: {  	s15 =	sadd.s32 $0xB000, s7;
	s16 =	sadd.s32 $0xC000, s7;
	[dreg:$0x11] =	wrdreg s14  }
0x14: {  	s17 =	sadd.s32 $0xD000, s7;
	s18 =	sor.u32 $0x2000, s4;
	[dreg:$0x12] =	wrdreg s15  }
0x15: {  	s19 =	sor.u32 $0x1000, s4;
	s20 =	sadd.s32 $0xE000, s7;
	[dreg:$0x13] =	wrdreg s16  }
0x16: {  	s23 =	sadd.s32 $0x10000, s7;
	s4 =	simm.s32 $0x10;
	[dreg:$0x14] =	wrdreg s17  }
0x17: {  	s0 =	sadd.s32 s22, s0;
	s5 =	sshrl.u32 s5, $0x3;
	[dreg:$0x15] =	wrdreg s20  }
0x18: {  	s3 =	sshrl.u32 s19, $0x3;
	s22 =	sadd.s32 $0xF000, s7;
	[dreg:$0x19] =	wrdreg s23  }
0x19: {  	s24 =	sadd.s32 $0x11000, s7;
	s25 =	sadd.s32 $0x12000, s7;
	s26 =	sadd.s32 $0x13000, s7  }
0x1a: {  	s8 =	simm.s32 $0x3000;
	s10 =	simm.s32 $0x4000;
	s12 =	simm.s32 $0x5000  }
0x1b: {  	s16 =	simm.s32 $0x1;
	s19 =	simm.s32 $0x7000;
	s20 =	simm.s32 $0x2  }
0x1c: {  	s11 =	simm.s32 $0x5;
	s17 =	simm.s32 $0xA;
	[dreg:$0x18] =	wrdreg s22  }
0x1d: {  	s14 =	simm.s32 $0xC;
	s9 =	simm.s32 $0xD;
	[dreg:$0x1a] =	wrdreg s24  }
0x1e: {  	s23 =	simm.s32 $0x0;
	s5 =	sadd.s32 s6, s5;
	[dreg:$0x1b] =	wrdreg s25  }
0x1f: {  	s0 =	sadd.s32 $0xA2800, s0;
	s21 =	sadd.s32 s3, s6;
	[dreg:$0x1c] =	wrdreg s26  }
0x20: {  	s3 =	simm.s32 $0x20;
	s25 =	simm.s32 $0x8000;
	s26 =	simm.s32 $0x3  }
.Ltmp0:
0x21: {  	s22 =	simm.s32 $0x8;
	[dreg:$0x5] =	wrdreg s5;
	(pc) =	sbr.rel .LBB2_1-.Ltmp0, $4  }
0x22: {  	[dreg:$0x6] =	wrdreg s0;
	s5 =	sadd.s32 $0x4000, s7;
	s0 =	sshrl.u32 s18, $0x3  }
0x23: {  	[dreg:$0x17] =	wrdreg s21;
	s7 =	simm.s32 $0x9;
	s21 =	simm.s32 $0x6  }
0x24: {  	s18 =	simm.s32 $0xE;
	[dreg:$0xb] =	wrdreg s5;
	s0 =	sadd.s32 s0, s6  }
0x25: {  	v0 =	vimm.f32 $0.0e+00;
	s6 =	simm.s32 $0x2000;
	s5 =	simm.s32 $0x4;
	[dreg:$0x16] =	wrdreg s0  }
.LBB2_6:
0x26: {  	s0 =	stileid.u32;
	[bflag:$0x0] =	sbarrier.arrive $0xFFFF  }
0x27: {  	s15 =	simm.s32 $0x12;
	s0 =	sshll.u32 s0, $0x6;
	s13 =	rddreg [dreg:$0x4]  }
0x28: {  	s24 =	rddreg [dreg:$0x6];
	s0 =	sor.u32 $0x1C12, s0;
	s13 =	sshrl.u32 s13, $0x3  }
0x29: {  	[hbm:s24], [sflag:s0] =	dma.local [spmem:s13], $0x2800  }
0x2a: {  	_ =	swait.ge [sflag:s15], $0x2800  }
0x2b: {  	s23 =	rddreg [dreg:$0x1d]  }
0x2c: {  	s24 =	rddreg [dreg:$0x7];
	s23 =	sadd.s32 $0x1, s23  }
0x2d: {  	p0 =	sne.s32 s23, s24  }
.Ltmp1:
0x2e: {  	_ = 	snop;
	(pc) =	sbr.rel @!p0 .LBB2_7-.Ltmp1, $3  }
0x2f: {  	_ =	sdelay $0x1  }
0x30: {  	[sflag:s15] =	ssyncset.done $0x0  }
0x31: {  	s13 =	simm.s32 $0x0;
	[sflag:s15] =	ssyncadd.s32 $0xFFFFD800  }
.LBB2_1:
0x32: {  	s0 =	sand.u32 $0x3E00, s13  }
0x33: {  	[dreg:$0x1d] =	wrdreg s23;
	s23 =	sand.u32 $0x70, s13;
	s0 =	sshrl.u32 s0, $0x2  }
0x34: {  	s24 =	simm.s32 $0x40;
	s13 =	simm.s32 $0x0;
	s0 =	sor.u32 s23, s0  }
.LBB2_2:
0x35: {  	p0 =	sne.s32 s24, $0x3FC0  }
0x36: {  	[tilespmem:s0+$0xA000] =	vst v0;
	s13 =	sadd.s32 $0x10, s13;
	s0 =	smov.u32 s24;
	s24 =	sadd.s32 $0x40, s24  }
.Ltmp2:
0x37: {  	(pc) =	sbr.rel @p0 .LBB2_2-.Ltmp2, $4  }
0x38: {  	_ = 	snop  }
0x39: {  	s0 =	sand.u32 $0x3E00, s0  }
0x3a: {  	s23 =	sand.u32 $0x70, s13;
	s0 =	sshrl.u32 s0, $0x2  }
0x3b: {  	s0 =	sor.u32 s23, s0  }
0x3c: {  	[tilespmem:s0+$0xA000] =	vst v0;
	s23 =	rddreg [dreg:$0x4];
	s13 =	simm.s32 $0xA000  }
0x3d: {  	[spmem:s23] =	stream.linear.scatter [tilespmem:s13], [sflag:$0x12], $0x1000, $0x38;
	[tilespmem:$0x1F000] =	vst v63  }
0x3e: {  	s23 =	simm.s32 $0x12  }
0x3f: {  	_ =	swait.ge [sflag:s23], $0x1000  }
0x40: {  	[sflag:s23] =	ssyncset.done $0x0  }
0x41: {  	s24 =	rddreg [dreg:$0x8];
	[sflag:s23] =	ssyncadd.s32 $0xFFFFF000  }
0x42: {  	[spmem:s24] =	stream.linear.scatter [tilespmem:s13], [sflag:$0x12], $0x1000, $0x38;
	[tilespmem:$0x1F000] =	vst v63  }
0x43: {  	_ =	swait.ge [sflag:s23], $0x1000  }
0x44: {  	[sflag:s23] =	ssyncset.done $0x0  }
0x45: {  	s15 =	rddreg [dreg:$0x9];
	[sflag:s23] =	ssyncadd.s32 $0xFFFFF000  }
0x46: {  	[spmem:s15] =	stream.linear.scatter [tilespmem:s13], [sflag:$0x12], $0x1000, $0x38;
	[tilespmem:$0x1F000] =	vst v63  }
0x47: {  	_ =	swait.ge [sflag:s23], $0x1000  }
0x48: {  	[sflag:s23] =	ssyncset.done $0x0  }
0x49: {  	s24 =	rddreg [dreg:$0xa];
	[sflag:s23] =	ssyncadd.s32 $0xFFFFF000  }
0x4a: {  	[spmem:s24] =	stream.linear.scatter [tilespmem:s13], [sflag:$0x12], $0x1000, $0x38;
	[tilespmem:$0x1F000] =	vst v63  }
0x4b: {  	_ =	swait.ge [sflag:s23], $0x1000  }
0x4c: {  	[sflag:s23] =	ssyncset.done $0x0  }
0x4d: {  	s15 =	rddreg [dreg:$0xb];
	[sflag:s23] =	ssyncadd.s32 $0xFFFFF000  }
0x4e: {  	[spmem:s15] =	stream.linear.scatter [tilespmem:s13], [sflag:$0x12], $0x1000, $0x38;
	[tilespmem:$0x1F000] =	vst v63  }
0x4f: {  	_ =	swait.ge [sflag:s23], $0x1000  }
0x50: {  	[sflag:s23] =	ssyncset.done $0x0  }
0x51: {  	s24 =	rddreg [dreg:$0xc];
	[sflag:s23] =	ssyncadd.s32 $0xFFFFF000  }
0x52: {  	[spmem:s24] =	stream.linear.scatter [tilespmem:s13], [sflag:$0x12], $0x1000, $0x38;
	[tilespmem:$0x1F000] =	vst v63  }
0x53: {  	_ =	swait.ge [sflag:s23], $0x1000  }
0x54: {  	[sflag:s23] =	ssyncset.done $0x0  }
0x55: {  	s15 =	rddreg [dreg:$0xd];
	[sflag:s23] =	ssyncadd.s32 $0xFFFFF000  }
0x56: {  	[spmem:s15] =	stream.linear.scatter [tilespmem:s13], [sflag:$0x12], $0x1000, $0x38;
	[tilespmem:$0x1F000] =	vst v63  }
0x57: {  	_ =	swait.ge [sflag:s23], $0x1000  }
0x58: {  	[sflag:s23] =	ssyncset.done $0x0  }
0x59: {  	s24 =	rddreg [dreg:$0xe];
	[sflag:s23] =	ssyncadd.s32 $0xFFFFF000  }
0x5a: {  	[spmem:s24] =	stream.linear.scatter [tilespmem:s13], [sflag:$0x12], $0x1000, $0x38;
	[tilespmem:$0x1F000] =	vst v63  }
0x5b: {  	_ =	swait.ge [sflag:s23], $0x1000  }
0x5c: {  	[sflag:s23] =	ssyncset.done $0x0  }
0x5d: {  	s15 =	rddreg [dreg:$0xf];
	[sflag:s23] =	ssyncadd.s32 $0xFFFFF000  }
0x5e: {  	[spmem:s15] =	stream.linear.scatter [tilespmem:s13], [sflag:$0x12], $0x1000, $0x38;
	[tilespmem:$0x1F000] =	vst v63  }
0x5f: {  	_ =	swait.ge [sflag:s23], $0x1000  }
0x60: {  	[sflag:s23] =	ssyncset.done $0x0  }
0x61: {  	s24 =	rddreg [dreg:$0x10];
	[sflag:s23] =	ssyncadd.s32 $0xFFFFF000  }
0x62: {  	[spmem:s24] =	stream.linear.scatter [tilespmem:s13], [sflag:$0x12], $0x1000, $0x38;
	[tilespmem:$0x1F000] =	vst v63  }
0x63: {  	_ =	swait.ge [sflag:s23], $0x1000  }
0x64: {  	[sflag:s23] =	ssyncset.done $0x0  }
0x65: {  	s15 =	rddreg [dreg:$0x11];
	[sflag:s23] =	ssyncadd.s32 $0xFFFFF000  }
0x66: {  	[spmem:s15] =	stream.linear.scatter [tilespmem:s13], [sflag:$0x12], $0x1000, $0x38;
	[tilespmem:$0x1F000] =	vst v63  }
0x67: {  	_ =	swait.ge [sflag:s23], $0x1000  }
0x68: {  	[sflag:s23] =	ssyncset.done $0x0  }
0x69: {  	s24 =	rddreg [dreg:$0x12];
	[sflag:s23] =	ssyncadd.s32 $0xFFFFF000  }
0x6a: {  	[spmem:s24] =	stream.linear.scatter [tilespmem:s13], [sflag:$0x12], $0x1000, $0x38;
	[tilespmem:$0x1F000] =	vst v63  }
0x6b: {  	_ =	swait.ge [sflag:s23], $0x1000  }
0x6c: {  	[sflag:s23] =	ssyncset.done $0x0  }
0x6d: {  	s15 =	rddreg [dreg:$0x13];
	[sflag:s23] =	ssyncadd.s32 $0xFFFFF000  }
0x6e: {  	[spmem:s15] =	stream.linear.scatter [tilespmem:s13], [sflag:$0x12], $0x1000, $0x38;
	[tilespmem:$0x1F000] =	vst v63  }
0x6f: {  	_ =	swait.ge [sflag:s23], $0x1000  }
0x70: {  	[sflag:s23] =	ssyncset.done $0x0  }
0x71: {  	s24 =	rddreg [dreg:$0x14];
	[sflag:s23] =	ssyncadd.s32 $0xFFFFF000  }
0x72: {  	[spmem:s24] =	stream.linear.scatter [tilespmem:s13], [sflag:$0x12], $0x1000, $0x38;
	[tilespmem:$0x1F000] =	vst v63  }
0x73: {  	_ =	swait.ge [sflag:s23], $0x1000  }
0x74: {  	[sflag:s23] =	ssyncset.done $0x0  }
0x75: {  	s15 =	rddreg [dreg:$0x15];
	[sflag:s23] =	ssyncadd.s32 $0xFFFFF000  }
0x76: {  	[spmem:s15] =	stream.linear.scatter [tilespmem:s13], [sflag:$0x12], $0x1000, $0x38;
	[tilespmem:$0x1F000] =	vst v63  }
0x77: {  	_ =	swait.ge [sflag:s23], $0x1000  }
0x78: {  	[sflag:s23] =	ssyncset.done $0x0  }
0x79: {  	s24 =	rddreg [dreg:$0x18];
	[sflag:s23] =	ssyncadd.s32 $0xFFFFF000  }
0x7a: {  	[spmem:s24] =	stream.linear.scatter [tilespmem:s13], [sflag:$0x12], $0x1000, $0x38;
	[tilespmem:$0x1F000] =	vst v63  }
0x7b: {  	_ =	swait.ge [sflag:s23], $0x1000  }
0x7c: {  	[sflag:s23] =	ssyncset.done $0x0  }
0x7d: {  	s15 =	rddreg [dreg:$0x19];
	[sflag:s23] =	ssyncadd.s32 $0xFFFFF000  }
0x7e: {  	[spmem:s15] =	stream.linear.scatter [tilespmem:s13], [sflag:$0x12], $0x1000, $0x38;
	[tilespmem:$0x1F000] =	vst v63  }
0x7f: {  	_ =	swait.ge [sflag:s23], $0x1000  }
0x80: {  	[sflag:s23] =	ssyncset.done $0x0  }
0x81: {  	s24 =	rddreg [dreg:$0x1a];
	[sflag:s23] =	ssyncadd.s32 $0xFFFFF000  }
0x82: {  	[spmem:s24] =	stream.linear.scatter [tilespmem:s13], [sflag:$0x12], $0x1000, $0x38;
	[tilespmem:$0x1F000] =	vst v63  }
0x83: {  	_ =	swait.ge [sflag:s23], $0x1000  }
0x84: {  	[sflag:s23] =	ssyncset.done $0x0  }
0x85: {  	s15 =	rddreg [dreg:$0x1b];
	[sflag:s23] =	ssyncadd.s32 $0xFFFFF000  }
0x86: {  	[spmem:s15] =	stream.linear.scatter [tilespmem:s13], [sflag:$0x12], $0x1000, $0x38;
	[tilespmem:$0x1F000] =	vst v63  }
0x87: {  	_ =	swait.ge [sflag:s23], $0x1000  }
0x88: {  	[sflag:s23] =	ssyncset.done $0x0  }
0x89: {  	s24 =	rddreg [dreg:$0x1c];
	[sflag:s23] =	ssyncadd.s32 $0xFFFFF000  }
0x8a: {  	[spmem:s24] =	stream.linear.scatter [tilespmem:s13], [sflag:$0x12], $0x1000, $0x38;
	[tilespmem:$0x1F000] =	vst v63  }
0x8b: {  	_ =	swait.ge [sflag:s23], $0x1000  }
0x8c: {  	[sflag:s23] =	ssyncset.done $0x0  }
0x8d: {  	[sflag:s23] =	ssyncadd.s32 $0xFFFFF000  }
0x8e: {  	[bflag:$0x0] =	sbarrier.arrive $0xFFFF  }
0x8f: {  	s24 =	simm.s32 $0x0;
	s15 =	rddreg [dreg:$0x5]  }
0x90: {  	[tilespmem:s24], [sflag:$0x12] =	stream.linear.gather [hbm4b:s15+s24], $0x1000, $0x38;
	[tilespmem:$0x1F000] =	vst v63  }
0x91: {  	_ =	swait.ge [sflag:s23], $0x1000  }
0x92: {  	[sflag:s23] =	ssyncset.done $0x0  }
0x93: {  	[sflag:s23] =	ssyncadd.s32 $0xFFFFF000  }
0x94: {  	[tilespmem:s6], [sflag:$0x1] =	stream.indirect.gather [hbm4b:s1+s3], $0x80, s24, s3, $0xb8;
	[tilespmem:$0x1F000] =	vst v63  }
0x95: {  	s13 =	simm.s32 $0x80  }
0x96: {  	[tilespmem:s8], [sflag:$0x2] =	stream.indirect.gather [hbm4b:s1+s3], $0x80, s13, s3, $0xb8;
	[tilespmem:$0x1F000] =	vst v63  }
0x97: {  	s15 =	simm.s32 $0x100  }
0x98: {  	[tilespmem:s10], [sflag:$0x3] =	stream.indirect.gather [hbm4b:s1+s3], $0x80, s15, s3, $0xb8;
	[tilespmem:$0x1F000] =	vst v63  }
0x99: {  	s23 =	simm.s32 $0x180;
	s8 =	simm.s32 $0x2000;
	s15 =	simm.s32 $0x5000  }
0x9a: {  	[tilespmem:s12], [sflag:$0x4] =	stream.indirect.gather [hbm4b:s1+s3], $0x80, s23, s3, $0xb8;
	[tilespmem:$0x1F000] =	vst v63  }
0x9b: {  	s10 =	simm.s32 $0x3000;
	s23 =	simm.s32 $0x11;
	s12 =	simm.s32 $0x4000  }
.LBB2_4:
0x9c: {  	s0 =	rddreg [dreg:$0x17]  }
0x9d: {  	s13 =	simm.s32 $0x1000;
	s6 =	simm.s32 $0x0;
	s0 =	sadd.s32 s24, s0  }
0x9e: {  	[tilespmem:s13], [sflag:$0x11] =	stream.linear.gather [hbm4b:s0+s6], $0x1000, $0x38;
	[tilespmem:$0x1F000] =	vst v63  }
0x9f: {  	s0 =	simm.s32 $0x200;
	s6 =	simm.s32 $0x6000  }
0xa0: {  	[tilespmem:s6], [sflag:$0x5] =	stream.indirect.gather [hbm4b:s1+s3], $0x80, s0, s3, $0xb8;
	[tilespmem:$0x1F000] =	vst v63  }
0xa1: {  	_ =	swait.ge [sflag:s16], $0x1000  }
0xa2: {  	[sflag:s16] =	ssyncset.done $0x0  }
0xa3: {  	s0 =	simm.s32 $0x800;
	[sflag:s16] =	ssyncadd.s32 $0xFFFFF000  }
0xa4: {  	[spmem:s2] =	stream.indirect.scatter.add.f32 [tilespmem:s8], [sflag:$0x9], $0x80, s0, s3, $0xb8;
	[tilespmem:$0x1F000] =	vst v63  }
0xa5: {  	s0 =	simm.s32 $0x280  }
0xa6: {  	[tilespmem:s19], [sflag:$0x6] =	stream.indirect.gather [hbm4b:s1+s3], $0x80, s0, s3, $0xb8;
	[tilespmem:$0x1F000] =	vst v63  }
0xa7: {  	_ =	swait.ge [sflag:s20], $0x1000  }
0xa8: {  	[sflag:s20] =	ssyncset.done $0x0  }
0xa9: {  	s0 =	simm.s32 $0x880;
	[sflag:s20] =	ssyncadd.s32 $0xFFFFF000  }
0xaa: {  	[spmem:s2] =	stream.indirect.scatter.add.f32 [tilespmem:s10], [sflag:$0xA], $0x80, s0, s3, $0xb8;
	[tilespmem:$0x1F000] =	vst v63  }
0xab: {  	s0 =	simm.s32 $0x300  }
0xac: {  	[tilespmem:s25], [sflag:$0x7] =	stream.indirect.gather [hbm4b:s1+s3], $0x80, s0, s3, $0xb8;
	[tilespmem:$0x1F000] =	vst v63  }
0xad: {  	_ =	swait.ge [sflag:s26], $0x1000  }
0xae: {  	[sflag:s26] =	ssyncset.done $0x0  }
0xaf: {  	s0 =	simm.s32 $0x900;
	[sflag:s26] =	ssyncadd.s32 $0xFFFFF000  }
0xb0: {  	[spmem:s2] =	stream.indirect.scatter.add.f32 [tilespmem:s12], [sflag:$0xB], $0x80, s0, s3, $0xb8;
	[tilespmem:$0x1F000] =	vst v63  }
0xb1: {  	s0 =	simm.s32 $0x380  }
0xb2: {  	[tilespmem:s30], [sflag:$0x8] =	stream.indirect.gather [hbm4b:s1+s3], $0x80, s0, s3, $0xb8;
	[tilespmem:$0x1F000] =	vst v63  }
0xb3: {  	_ =	swait.ge [sflag:s5], $0x1000  }
0xb4: {  	[sflag:s5] =	ssyncset.done $0x0  }
0xb5: {  	s0 =	simm.s32 $0x980;
	[sflag:s5] =	ssyncadd.s32 $0xFFFFF000  }
0xb6: {  	[spmem:s2] =	stream.indirect.scatter.add.f32 [tilespmem:s15], [sflag:$0xC], $0x80, s0, s3, $0xb8;
	[tilespmem:$0x1F000] =	vst v63  }
0xb7: {  	_ =	swait.ge [sflag:s7], $0x1000  }
0xb8: {  	[sflag:s7] =	ssyncset.done $0x0  }
0xb9: {  	s0 =	simm.s32 $0x400;
	[sflag:s7] =	ssyncadd.s32 $0xFFFFF000  }
0xba: {  	[tilespmem:s8], [sflag:$0x1] =	stream.indirect.gather [hbm4b:s1+s3], $0x80, s0, s3, $0xb8;
	[tilespmem:$0x1F000] =	vst v63  }
0xbb: {  	_ =	swait.ge [sflag:s11], $0x1000  }
0xbc: {  	[sflag:s11] =	ssyncset.done $0x0  }
0xbd: {  	s0 =	simm.s32 $0xA00;
	[sflag:s11] =	ssyncadd.s32 $0xFFFFF000  }
0xbe: {  	[spmem:s2] =	stream.indirect.scatter.add.f32 [tilespmem:s6], [sflag:$0xD], $0x80, s0, s3, $0xb8;
	[tilespmem:$0x1F000] =	vst v63  }
0xbf: {  	_ =	swait.ge [sflag:s17], $0x1000  }
0xc0: {  	[sflag:s17] =	ssyncset.done $0x0  }
0xc1: {  	s0 =	simm.s32 $0x480;
	[sflag:s17] =	ssyncadd.s32 $0xFFFFF000  }
0xc2: {  	[tilespmem:s10], [sflag:$0x2] =	stream.indirect.gather [hbm4b:s1+s3], $0x80, s0, s3, $0xb8;
	[tilespmem:$0x1F000] =	vst v63  }
0xc3: {  	_ =	swait.ge [sflag:s21], $0x1000  }
0xc4: {  	[sflag:s21] =	ssyncset.done $0x0  }
0xc5: {  	s0 =	simm.s32 $0xA80;
	[sflag:s21] =	ssyncadd.s32 $0xFFFFF000  }
0xc6: {  	[spmem:s2] =	stream.indirect.scatter.add.f32 [tilespmem:s19], [sflag:$0xE], $0x80, s0, s3, $0xb8;
	[tilespmem:$0x1F000] =	vst v63  }
0xc7: {  	_ =	swait.ge [sflag:s28], $0x1000  }
0xc8: {  	[sflag:s28] =	ssyncset.done $0x0  }
0xc9: {  	s0 =	simm.s32 $0x500;
	[sflag:s28] =	ssyncadd.s32 $0xFFFFF000  }
0xca: {  	[tilespmem:s12], [sflag:$0x3] =	stream.indirect.gather [hbm4b:s1+s3], $0x80, s0, s3, $0xb8;
	[tilespmem:$0x1F000] =	vst v63  }
0xcb: {  	_ =	swait.ge [sflag:s31], $0x1000  }
0xcc: {  	[sflag:s31] =	ssyncset.done $0x0  }
0xcd: {  	s0 =	simm.s32 $0xB00;
	[sflag:s31] =	ssyncadd.s32 $0xFFFFF000  }
0xce: {  	[spmem:s2] =	stream.indirect.scatter.add.f32 [tilespmem:s25], [sflag:$0xF], $0x80, s0, s3, $0xb8;
	[tilespmem:$0x1F000] =	vst v63  }
0xcf: {  	_ =	swait.ge [sflag:s14], $0x1000  }
0xd0: {  	[sflag:s14] =	ssyncset.done $0x0  }
0xd1: {  	s0 =	simm.s32 $0x580;
	[sflag:s14] =	ssyncadd.s32 $0xFFFFF000  }
0xd2: {  	[tilespmem:s15], [sflag:$0x4] =	stream.indirect.gather [hbm4b:s1+s3], $0x80, s0, s3, $0xb8;
	[tilespmem:$0x1F000] =	vst v63  }
0xd3: {  	_ =	swait.ge [sflag:s22], $0x1000  }
0xd4: {  	[sflag:s22] =	ssyncset.done $0x0  }
0xd5: {  	s0 =	simm.s32 $0xB80;
	[sflag:s22] =	ssyncadd.s32 $0xFFFFF000  }
0xd6: {  	[spmem:s2] =	stream.indirect.scatter.add.f32 [tilespmem:s30], [sflag:$0x10], $0x80, s0, s3, $0xb8;
	[tilespmem:$0x1F000] =	vst v63  }
0xd7: {  	_ =	swait.ge [sflag:s9], $0x1000  }
0xd8: {  	[sflag:s9] =	ssyncset.done $0x0  }
0xd9: {  	s0 =	simm.s32 $0x600;
	[sflag:s9] =	ssyncadd.s32 $0xFFFFF000  }
0xda: {  	[tilespmem:s6], [sflag:$0x5] =	stream.indirect.gather [hbm4b:s1+s3], $0x80, s0, s3, $0xb8;
	[tilespmem:$0x1F000] =	vst v63  }
0xdb: {  	_ =	swait.ge [sflag:s16], $0x1000  }
0xdc: {  	[sflag:s16] =	ssyncset.done $0x0  }
0xdd: {  	s0 =	simm.s32 $0xC00;
	[sflag:s16] =	ssyncadd.s32 $0xFFFFF000  }
0xde: {  	[spmem:s2] =	stream.indirect.scatter.add.f32 [tilespmem:s8], [sflag:$0x9], $0x80, s0, s3, $0xb8;
	[tilespmem:$0x1F000] =	vst v63  }
0xdf: {  	_ =	swait.ge [sflag:s18], $0x1000  }
0xe0: {  	[sflag:s18] =	ssyncset.done $0x0  }
0xe1: {  	s0 =	simm.s32 $0x680;
	[sflag:s18] =	ssyncadd.s32 $0xFFFFF000  }
0xe2: {  	[tilespmem:s19], [sflag:$0x6] =	stream.indirect.gather [hbm4b:s1+s3], $0x80, s0, s3, $0xb8;
	[tilespmem:$0x1F000] =	vst v63  }
0xe3: {  	_ =	swait.ge [sflag:s20], $0x1000  }
0xe4: {  	[sflag:s20] =	ssyncset.done $0x0  }
0xe5: {  	s0 =	simm.s32 $0xC80;
	[sflag:s20] =	ssyncadd.s32 $0xFFFFF000  }
0xe6: {  	[spmem:s2] =	stream.indirect.scatter.add.f32 [tilespmem:s10], [sflag:$0xA], $0x80, s0, s3, $0xb8;
	[tilespmem:$0x1F000] =	vst v63  }
0xe7: {  	_ =	swait.ge [sflag:s29], $0x1000  }
0xe8: {  	[sflag:s29] =	ssyncset.done $0x0  }
0xe9: {  	s0 =	simm.s32 $0x700;
	[sflag:s29] =	ssyncadd.s32 $0xFFFFF000  }
0xea: {  	[tilespmem:s25], [sflag:$0x7] =	stream.indirect.gather [hbm4b:s1+s3], $0x80, s0, s3, $0xb8;
	[tilespmem:$0x1F000] =	vst v63  }
0xeb: {  	_ =	swait.ge [sflag:s26], $0x1000  }
0xec: {  	[sflag:s26] =	ssyncset.done $0x0  }
0xed: {  	s0 =	simm.s32 $0xD00;
	[sflag:s26] =	ssyncadd.s32 $0xFFFFF000  }
0xee: {  	[spmem:s2] =	stream.indirect.scatter.add.f32 [tilespmem:s12], [sflag:$0xB], $0x80, s0, s3, $0xb8;
	[tilespmem:$0x1F000] =	vst v63  }
0xef: {  	_ =	swait.ge [sflag:s4], $0x1000  }
0xf0: {  	[sflag:s4] =	ssyncset.done $0x0  }
0xf1: {  	s0 =	simm.s32 $0x780;
	[sflag:s4] =	ssyncadd.s32 $0xFFFFF000  }
0xf2: {  	[tilespmem:s30], [sflag:$0x8] =	stream.indirect.gather [hbm4b:s1+s3], $0x80, s0, s3, $0xb8;
	[tilespmem:$0x1F000] =	vst v63  }
0xf3: {  	_ =	swait.ge [sflag:s5], $0x1000  }
0xf4: {  	[sflag:s5] =	ssyncset.done $0x0  }
0xf5: {  	s0 =	simm.s32 $0xD80;
	[sflag:s5] =	ssyncadd.s32 $0xFFFFF000  }
0xf6: {  	[spmem:s2] =	stream.indirect.scatter.add.f32 [tilespmem:s15], [sflag:$0xC], $0x80, s0, s3, $0xb8;
	[tilespmem:$0x1F000] =	vst v63  }
0xf7: {  	_ =	swait.ge [sflag:s7], $0x1000  }
0xf8: {  	[sflag:s7] =	ssyncset.done $0x0  }
0xf9: {  	[sflag:s7] =	ssyncadd.s32 $0xFFFFF000  }
0xfa: {  	_ =	swait.ge [sflag:s11], $0x1000  }
0xfb: {  	[sflag:s11] =	ssyncset.done $0x0  }
0xfc: {  	s0 =	simm.s32 $0xE00;
	[sflag:s11] =	ssyncadd.s32 $0xFFFFF000  }
0xfd: {  	[spmem:s2] =	stream.indirect.scatter.add.f32 [tilespmem:s6], [sflag:$0xD], $0x80, s0, s3, $0xb8;
	[tilespmem:$0x1F000] =	vst v63  }
0xfe: {  	_ =	swait.ge [sflag:s17], $0x1000  }
0xff: {  	[sflag:s17] =	ssyncset.done $0x0  }
0x100: {  	[sflag:s17] =	ssyncadd.s32 $0xFFFFF000  }
0x101: {  	_ =	swait.ge [sflag:s21], $0x1000  }
0x102: {  	[sflag:s21] =	ssyncset.done $0x0  }
0x103: {  	s0 =	simm.s32 $0xE80;
	[sflag:s21] =	ssyncadd.s32 $0xFFFFF000  }
0x104: {  	[spmem:s2] =	stream.indirect.scatter.add.f32 [tilespmem:s19], [sflag:$0xE], $0x80, s0, s3, $0xb8;
	[tilespmem:$0x1F000] =	vst v63  }
0x105: {  	_ =	swait.ge [sflag:s28], $0x1000  }
0x106: {  	[sflag:s28] =	ssyncset.done $0x0  }
0x107: {  	[sflag:s28] =	ssyncadd.s32 $0xFFFFF000  }
0x108: {  	_ =	swait.ge [sflag:s31], $0x1000  }
0x109: {  	[sflag:s31] =	ssyncset.done $0x0  }
0x10a: {  	s0 =	simm.s32 $0xF00;
	[sflag:s31] =	ssyncadd.s32 $0xFFFFF000  }
0x10b: {  	[spmem:s2] =	stream.indirect.scatter.add.f32 [tilespmem:s25], [sflag:$0xF], $0x80, s0, s3, $0xb8;
	[tilespmem:$0x1F000] =	vst v63  }
0x10c: {  	_ =	swait.ge [sflag:s14], $0x1000  }
0x10d: {  	[sflag:s14] =	ssyncset.done $0x0  }
0x10e: {  	[sflag:s14] =	ssyncadd.s32 $0xFFFFF000  }
0x10f: {  	_ =	swait.ge [sflag:s22], $0x1000  }
0x110: {  	[sflag:s22] =	ssyncset.done $0x0  }
0x111: {  	s0 =	simm.s32 $0xF80;
	[sflag:s22] =	ssyncadd.s32 $0xFFFFF000  }
0x112: {  	[spmem:s2] =	stream.indirect.scatter.add.f32 [tilespmem:s30], [sflag:$0x10], $0x80, s0, s3, $0xb8;
	[tilespmem:$0x1F000] =	vst v63  }
0x113: {  	_ =	swait.ge [sflag:s9], $0x1000  }
0x114: {  	[sflag:s9] =	ssyncset.done $0x0  }
0x115: {  	[sflag:s9] =	ssyncadd.s32 $0xFFFFF000  }
0x116: {  	_ =	swait.ge [sflag:s18], $0x1000  }
0x117: {  	[sflag:s18] =	ssyncset.done $0x0  }
0x118: {  	[sflag:s18] =	ssyncadd.s32 $0xFFFFF000  }
0x119: {  	_ =	swait.ge [sflag:s29], $0x1000  }
0x11a: {  	[sflag:s29] =	ssyncset.done $0x0  }
0x11b: {  	[sflag:s29] =	ssyncadd.s32 $0xFFFFF000  }
0x11c: {  	_ =	swait.ge [sflag:s4], $0x1000  }
0x11d: {  	[sflag:s4] =	ssyncset.done $0x0  }
0x11e: {  	[sflag:s4] =	ssyncadd.s32 $0xFFFFF000  }
0x11f: {  	_ =	swait.ge [sflag:s23], $0x1000  }
0x120: {  	[sflag:s23] =	ssyncset.done $0x0  }
0x121: {  	[sflag:s23] =	ssyncadd.s32 $0xFFFFF000  }
0x122: {  	[tilespmem:s8], [sflag:$0x1] =	stream.indirect.gather [hbm4b:s1+s3], $0x80, s13, s3, $0xb8;
	[tilespmem:$0x1F000] =	vst v63  }
0x123: {  	s13 =	simm.s32 $0x1080  }
0x124: {  	[tilespmem:s10], [sflag:$0x2] =	stream.indirect.gather [hbm4b:s1+s3], $0x80, s13, s3, $0xb8;
	[tilespmem:$0x1F000] =	vst v63  }
0x125: {  	s13 =	simm.s32 $0x1100  }
0x126: {  	[tilespmem:s12], [sflag:$0x3] =	stream.indirect.gather [hbm4b:s1+s3], $0x80, s13, s3, $0xb8;
	[tilespmem:$0x1F000] =	vst v63  }
0x127: {  	p0 =	seq.s32 s24, $0x2400;
	s0 =	rddreg [dreg:$0x16];
	s13 =	simm.s32 $0x1180  }
0x128: {  	[tilespmem:s15], [sflag:$0x4] =	stream.indirect.gather [hbm4b:s1+s3], $0x80, s13, s3, $0xb8;
	[tilespmem:$0x1F000] =	vst v63  }
0x129: {  	s0 =	sadd.s32 @!p0 s24, s0;
	s13 =	simm.s32 @!p0 $0x0  }
0x12a: {  	[tilespmem:s13], [sflag:$0x11] =	stream.linear.gather @!p0 [hbm4b:s0+s13], $0x1000, $0x38;
	[tilespmem:$0x1F000] =	vst v63  }
0x12b: {  	s13 =	simm.s32 $0x1200  }
0x12c: {  	[tilespmem:s6], [sflag:$0x5] =	stream.indirect.gather [hbm4b:s1+s3], $0x80, s13, s3, $0xb8;
	[tilespmem:$0x1F000] =	vst v63  }
0x12d: {  	_ =	swait.ge [sflag:s16], $0x1000  }
0x12e: {  	[sflag:s16] =	ssyncset.done $0x0  }
0x12f: {  	s13 =	simm.s32 $0x1800;
	[sflag:s16] =	ssyncadd.s32 $0xFFFFF000  }
0x130: {  	[spmem:s2] =	stream.indirect.scatter.add.f32 [tilespmem:s8], [sflag:$0x9], $0x80, s13, s3, $0xb8;
	[tilespmem:$0x1F000] =	vst v63  }
0x131: {  	s13 =	simm.s32 $0x1280  }
0x132: {  	[tilespmem:s19], [sflag:$0x6] =	stream.indirect.gather [hbm4b:s1+s3], $0x80, s13, s3, $0xb8;
	[tilespmem:$0x1F000] =	vst v63  }
0x133: {  	_ =	swait.ge [sflag:s20], $0x1000  }
0x134: {  	[sflag:s20] =	ssyncset.done $0x0  }
0x135: {  	s13 =	simm.s32 $0x1880;
	[sflag:s20] =	ssyncadd.s32 $0xFFFFF000  }
0x136: {  	[spmem:s2] =	stream.indirect.scatter.add.f32 [tilespmem:s10], [sflag:$0xA], $0x80, s13, s3, $0xb8;
	[tilespmem:$0x1F000] =	vst v63  }
0x137: {  	s13 =	simm.s32 $0x1300  }
0x138: {  	[tilespmem:s25], [sflag:$0x7] =	stream.indirect.gather [hbm4b:s1+s3], $0x80, s13, s3, $0xb8;
	[tilespmem:$0x1F000] =	vst v63  }
0x139: {  	_ =	swait.ge [sflag:s26], $0x1000  }
0x13a: {  	[sflag:s26] =	ssyncset.done $0x0  }
0x13b: {  	s13 =	simm.s32 $0x1900;
	[sflag:s26] =	ssyncadd.s32 $0xFFFFF000  }
0x13c: {  	[spmem:s2] =	stream.indirect.scatter.add.f32 [tilespmem:s12], [sflag:$0xB], $0x80, s13, s3, $0xb8;
	[tilespmem:$0x1F000] =	vst v63  }
0x13d: {  	s13 =	simm.s32 $0x1380  }
0x13e: {  	[tilespmem:s30], [sflag:$0x8] =	stream.indirect.gather [hbm4b:s1+s3], $0x80, s13, s3, $0xb8;
	[tilespmem:$0x1F000] =	vst v63  }
0x13f: {  	_ =	swait.ge [sflag:s5], $0x1000  }
0x140: {  	[sflag:s5] =	ssyncset.done $0x0  }
0x141: {  	s13 =	simm.s32 $0x1980;
	[sflag:s5] =	ssyncadd.s32 $0xFFFFF000  }
0x142: {  	[spmem:s2] =	stream.indirect.scatter.add.f32 [tilespmem:s15], [sflag:$0xC], $0x80, s13, s3, $0xb8;
	[tilespmem:$0x1F000] =	vst v63  }
0x143: {  	_ =	swait.ge [sflag:s7], $0x1000  }
0x144: {  	[sflag:s7] =	ssyncset.done $0x0  }
0x145: {  	s13 =	simm.s32 $0x1400;
	[sflag:s7] =	ssyncadd.s32 $0xFFFFF000  }
0x146: {  	[tilespmem:s8], [sflag:$0x1] =	stream.indirect.gather [hbm4b:s1+s3], $0x80, s13, s3, $0xb8;
	[tilespmem:$0x1F000] =	vst v63  }
0x147: {  	_ =	swait.ge [sflag:s11], $0x1000  }
0x148: {  	[sflag:s11] =	ssyncset.done $0x0  }
0x149: {  	s13 =	simm.s32 $0x1A00;
	[sflag:s11] =	ssyncadd.s32 $0xFFFFF000  }
0x14a: {  	[spmem:s2] =	stream.indirect.scatter.add.f32 [tilespmem:s6], [sflag:$0xD], $0x80, s13, s3, $0xb8;
	[tilespmem:$0x1F000] =	vst v63  }
0x14b: {  	_ =	swait.ge [sflag:s17], $0x1000  }
0x14c: {  	[sflag:s17] =	ssyncset.done $0x0  }
0x14d: {  	s13 =	simm.s32 $0x1480;
	[sflag:s17] =	ssyncadd.s32 $0xFFFFF000  }
0x14e: {  	[tilespmem:s10], [sflag:$0x2] =	stream.indirect.gather [hbm4b:s1+s3], $0x80, s13, s3, $0xb8;
	[tilespmem:$0x1F000] =	vst v63  }
0x14f: {  	_ =	swait.ge [sflag:s21], $0x1000  }
0x150: {  	[sflag:s21] =	ssyncset.done $0x0  }
0x151: {  	s13 =	simm.s32 $0x1A80;
	[sflag:s21] =	ssyncadd.s32 $0xFFFFF000  }
0x152: {  	[spmem:s2] =	stream.indirect.scatter.add.f32 [tilespmem:s19], [sflag:$0xE], $0x80, s13, s3, $0xb8;
	[tilespmem:$0x1F000] =	vst v63  }
0x153: {  	_ =	swait.ge [sflag:s28], $0x1000  }
0x154: {  	[sflag:s28] =	ssyncset.done $0x0  }
0x155: {  	s13 =	simm.s32 $0x1500;
	[sflag:s28] =	ssyncadd.s32 $0xFFFFF000  }
0x156: {  	[tilespmem:s12], [sflag:$0x3] =	stream.indirect.gather [hbm4b:s1+s3], $0x80, s13, s3, $0xb8;
	[tilespmem:$0x1F000] =	vst v63  }
0x157: {  	_ =	swait.ge [sflag:s31], $0x1000  }
0x158: {  	[sflag:s31] =	ssyncset.done $0x0  }
0x159: {  	s13 =	simm.s32 $0x1B00;
	[sflag:s31] =	ssyncadd.s32 $0xFFFFF000  }
0x15a: {  	[spmem:s2] =	stream.indirect.scatter.add.f32 [tilespmem:s25], [sflag:$0xF], $0x80, s13, s3, $0xb8;
	[tilespmem:$0x1F000] =	vst v63  }
0x15b: {  	_ =	swait.ge [sflag:s14], $0x1000  }
0x15c: {  	[sflag:s14] =	ssyncset.done $0x0  }
0x15d: {  	s13 =	simm.s32 $0x1580;
	[sflag:s14] =	ssyncadd.s32 $0xFFFFF000  }
0x15e: {  	[tilespmem:s15], [sflag:$0x4] =	stream.indirect.gather [hbm4b:s1+s3], $0x80, s13, s3, $0xb8;
	[tilespmem:$0x1F000] =	vst v63  }
0x15f: {  	_ =	swait.ge [sflag:s22], $0x1000  }
0x160: {  	[sflag:s22] =	ssyncset.done $0x0  }
0x161: {  	s13 =	simm.s32 $0x1B80;
	[sflag:s22] =	ssyncadd.s32 $0xFFFFF000  }
0x162: {  	[spmem:s2] =	stream.indirect.scatter.add.f32 [tilespmem:s30], [sflag:$0x10], $0x80, s13, s3, $0xb8;
	[tilespmem:$0x1F000] =	vst v63  }
0x163: {  	_ =	swait.ge [sflag:s9], $0x1000  }
0x164: {  	[sflag:s9] =	ssyncset.done $0x0  }
0x165: {  	s13 =	simm.s32 $0x1600;
	[sflag:s9] =	ssyncadd.s32 $0xFFFFF000  }
0x166: {  	[tilespmem:s6], [sflag:$0x5] =	stream.indirect.gather [hbm4b:s1+s3], $0x80, s13, s3, $0xb8;
	[tilespmem:$0x1F000] =	vst v63  }
0x167: {  	_ =	swait.ge [sflag:s16], $0x1000  }
0x168: {  	[sflag:s16] =	ssyncset.done $0x0  }
0x169: {  	s13 =	simm.s32 $0x1C00;
	[sflag:s16] =	ssyncadd.s32 $0xFFFFF000  }
0x16a: {  	[spmem:s2] =	stream.indirect.scatter.add.f32 [tilespmem:s8], [sflag:$0x9], $0x80, s13, s3, $0xb8;
	[tilespmem:$0x1F000] =	vst v63  }
0x16b: {  	_ =	swait.ge [sflag:s18], $0x1000  }
0x16c: {  	[sflag:s18] =	ssyncset.done $0x0  }
0x16d: {  	s8 =	simm.s32 $0x1680;
	[sflag:s18] =	ssyncadd.s32 $0xFFFFF000  }
0x16e: {  	[tilespmem:s19], [sflag:$0x6] =	stream.indirect.gather [hbm4b:s1+s3], $0x80, s8, s3, $0xb8;
	[tilespmem:$0x1F000] =	vst v63  }
0x16f: {  	_ =	swait.ge [sflag:s20], $0x1000  }
0x170: {  	[sflag:s20] =	ssyncset.done $0x0  }
0x171: {  	s13 =	simm.s32 $0x1C80;
	[sflag:s20] =	ssyncadd.s32 $0xFFFFF000  }
0x172: {  	[spmem:s2] =	stream.indirect.scatter.add.f32 [tilespmem:s10], [sflag:$0xA], $0x80, s13, s3, $0xb8;
	[tilespmem:$0x1F000] =	vst v63  }
0x173: {  	_ =	swait.ge [sflag:s29], $0x1000  }
0x174: {  	[sflag:s29] =	ssyncset.done $0x0  }
0x175: {  	s8 =	simm.s32 $0x1700;
	[sflag:s29] =	ssyncadd.s32 $0xFFFFF000  }
0x176: {  	[tilespmem:s25], [sflag:$0x7] =	stream.indirect.gather [hbm4b:s1+s3], $0x80, s8, s3, $0xb8;
	[tilespmem:$0x1F000] =	vst v63  }
0x177: {  	_ =	swait.ge [sflag:s26], $0x1000  }
0x178: {  	[sflag:s26] =	ssyncset.done $0x0  }
0x179: {  	s10 =	simm.s32 $0x1D00;
	[sflag:s26] =	ssyncadd.s32 $0xFFFFF000  }
0x17a: {  	[spmem:s2] =	stream.indirect.scatter.add.f32 [tilespmem:s12], [sflag:$0xB], $0x80, s10, s3, $0xb8;
	[tilespmem:$0x1F000] =	vst v63  }
0x17b: {  	_ =	swait.ge [sflag:s4], $0x1000  }
0x17c: {  	[sflag:s4] =	ssyncset.done $0x0  }
0x17d: {  	s13 =	simm.s32 $0x1780;
	[sflag:s4] =	ssyncadd.s32 $0xFFFFF000  }
0x17e: {  	[tilespmem:s30], [sflag:$0x8] =	stream.indirect.gather [hbm4b:s1+s3], $0x80, s13, s3, $0xb8;
	[tilespmem:$0x1F000] =	vst v63  }
0x17f: {  	_ =	swait.ge [sflag:s5], $0x1000  }
0x180: {  	[sflag:s5] =	ssyncset.done $0x0  }
0x181: {  	s8 =	simm.s32 $0x1D80;
	[sflag:s5] =	ssyncadd.s32 $0xFFFFF000  }
0x182: {  	[spmem:s2] =	stream.indirect.scatter.add.f32 [tilespmem:s15], [sflag:$0xC], $0x80, s8, s3, $0xb8;
	[tilespmem:$0x1F000] =	vst v63  }
0x183: {  	_ =	swait.ge [sflag:s7], $0x1000  }
0x184: {  	[sflag:s7] =	ssyncset.done $0x0  }
0x185: {  	[sflag:s7] =	ssyncadd.s32 $0xFFFFF000  }
0x186: {  	_ =	swait.ge [sflag:s11], $0x1000  }
0x187: {  	[sflag:s11] =	ssyncset.done $0x0  }
0x188: {  	s10 =	simm.s32 $0x1E00;
	[sflag:s11] =	ssyncadd.s32 $0xFFFFF000  }
0x189: {  	[spmem:s2] =	stream.indirect.scatter.add.f32 [tilespmem:s6], [sflag:$0xD], $0x80, s10, s3, $0xb8;
	[tilespmem:$0x1F000] =	vst v63  }
0x18a: {  	_ =	swait.ge [sflag:s17], $0x1000  }
0x18b: {  	[sflag:s17] =	ssyncset.done $0x0  }
0x18c: {  	[sflag:s17] =	ssyncadd.s32 $0xFFFFF000  }
0x18d: {  	_ =	swait.ge [sflag:s21], $0x1000  }
0x18e: {  	[sflag:s21] =	ssyncset.done $0x0  }
0x18f: {  	s12 =	simm.s32 $0x1E80;
	[sflag:s21] =	ssyncadd.s32 $0xFFFFF000  }
0x190: {  	[spmem:s2] =	stream.indirect.scatter.add.f32 [tilespmem:s19], [sflag:$0xE], $0x80, s12, s3, $0xb8;
	[tilespmem:$0x1F000] =	vst v63  }
0x191: {  	_ =	swait.ge [sflag:s28], $0x1000  }
0x192: {  	[sflag:s28] =	ssyncset.done $0x0  }
0x193: {  	[sflag:s28] =	ssyncadd.s32 $0xFFFFF000  }
0x194: {  	_ =	swait.ge [sflag:s31], $0x1000  }
0x195: {  	[sflag:s31] =	ssyncset.done $0x0  }
0x196: {  	s13 =	simm.s32 $0x1F00;
	[sflag:s31] =	ssyncadd.s32 $0xFFFFF000  }
0x197: {  	[spmem:s2] =	stream.indirect.scatter.add.f32 [tilespmem:s25], [sflag:$0xF], $0x80, s13, s3, $0xb8;
	[tilespmem:$0x1F000] =	vst v63  }
0x198: {  	_ =	swait.ge [sflag:s14], $0x1000  }
0x199: {  	[sflag:s14] =	ssyncset.done $0x0  }
0x19a: {  	[sflag:s14] =	ssyncadd.s32 $0xFFFFF000  }
0x19b: {  	_ =	swait.ge [sflag:s22], $0x1000  }
0x19c: {  	[sflag:s22] =	ssyncset.done $0x0  }
0x19d: {  	s15 =	simm.s32 $0x1F80;
	[sflag:s22] =	ssyncadd.s32 $0xFFFFF000  }
0x19e: {  	[spmem:s2] =	stream.indirect.scatter.add.f32 [tilespmem:s30], [sflag:$0x10], $0x80, s15, s3, $0xb8;
	[tilespmem:$0x1F000] =	vst v63  }
0x19f: {  	_ =	swait.ge [sflag:s9], $0x1000  }
0x1a0: {  	[sflag:s9] =	ssyncset.done $0x0  }
0x1a1: {  	[sflag:s9] =	ssyncadd.s32 $0xFFFFF000  }
0x1a2: {  	_ =	swait.ge [sflag:s18], $0x1000  }
0x1a3: {  	[sflag:s18] =	ssyncset.done $0x0  }
0x1a4: {  	[sflag:s18] =	ssyncadd.s32 $0xFFFFF000  }
0x1a5: {  	_ =	swait.ge [sflag:s29], $0x1000  }
.Ltmp3:
0x1a6: {  	[sflag:s29] =	ssyncset.done $0x0;
	(pc) =	sbr.rel @p0 .LBB2_6-.Ltmp3, $4  }
0x1a7: {  	[sflag:s29] =	ssyncadd.s32 $0xFFFFF000  }
0x1a8: {  	_ =	swait.ge [sflag:s4], $0x1000  }
0x1a9: {  	s8 =	simm.s32 $0x3000;
	s6 =	simm.s32 $0x2000;
	[sflag:s4] =	ssyncset.done $0x0  }
0x1aa: {  	s10 =	simm.s32 $0x4000;
	s12 =	simm.s32 $0x5000;
	[sflag:s4] =	ssyncadd.s32 $0xFFFFF000  }
0x1ab: {  	_ =	swait.ge [sflag:s23], $0x1000  }
0x1ac: {  	[sflag:s23] =	ssyncset.done $0x0  }
0x1ad: {  	s0 =	simm.s32 $0x0;
	[sflag:s23] =	ssyncadd.s32 $0xFFFFF000  }
0x1ae: {  	[tilespmem:s6], [sflag:$0x1] =	stream.indirect.gather [hbm4b:s1+s3], $0x80, s0, s3, $0xb8;
	[tilespmem:$0x1F000] =	vst v63  }
0x1af: {  	s6 =	simm.s32 $0x80  }
0x1b0: {  	[tilespmem:s8], [sflag:$0x2] =	stream.indirect.gather [hbm4b:s1+s3], $0x80, s6, s3, $0xb8;
	[tilespmem:$0x1F000] =	vst v63  }
.Ltmp4:
0x1b1: {  	s13 =	simm.s32 $0x100;
	(pc) =	sbr.rel .LBB2_4-.Ltmp4, $4  }
0x1b2: {  	[tilespmem:s10], [sflag:$0x3] =	stream.indirect.gather [hbm4b:s1+s3], $0x80, s13, s3, $0xb8;
	[tilespmem:$0x1F000] =	vst v63  }
0x1b3: {  	s15 =	simm.s32 $0x180;
	s24 =	sadd.s32 $0x400, s24;
	s8 =	simm.s32 $0x2000  }
0x1b4: {  	[tilespmem:s12], [sflag:$0x4] =	stream.indirect.gather [hbm4b:s1+s3], $0x80, s15, s3, $0xb8;
	[tilespmem:$0x1F000] =	vst v63  }
0x1b5: {  	s10 =	simm.s32 $0x3000;
	s15 =	simm.s32 $0x5000;
	s12 =	simm.s32 $0x4000  }
.LBB2_7:
0x1b6: {  	_ =	sfence.sel $0x180000  }
0x1b7: {  	[bflag:$0x0] =	sbarrier.arrive $0xFFFF  }
0x1b8: {  	_ =	strace $0x9000004A  }
0x1b9: {  	s0 =	stileid.u32;
	[bflag:$0x2] =	sbarrier.arrive $0xFFFF  }
0x1ba: {  	p0 =	sne.s32 s0, $0x0;
	s0 =	rddreg [dreg:$0x3]  }
0x1bb: {  	s0 =	sadd.s32 @!p0 $0x100000, s0  }
0x1bc: {  	[sflag:s0] =	ssyncadd.tile.s32 @!p0 $0x1;
	_ =	shalt  }
.Lfunc_end2:
_tile_overlayer_lowered:
.L_overlay_start_2:
0x1bd: {  	(tag) =	ssettag $0x2  }
0x1be: {  	s0 =	rddreg [dreg:$0x0];
	s2 =	stileid.u32  }
0x1bf: {  	s1 =	rddreg [dreg:$0x1];
	p0 =	sne.s32 s2, $0x0  }
0x1c0: {  	s3 =	rddreg [dreg:$0x2];
	[bflag:$0x3] =	sbarrier.arrive $0xFFFF;
	s2 =	simm.s32 @!p0 $0x1C12  }
0x1c1: {  	[timem:s3], [sflag:s2] =	dma.local @!p0 [hbm:s0], s1  }
0x1c2: {  	s0 =	simm.s32 @!p0 $0x12  }
0x1c3: {  	_ =	swait.ge @!p0 [sflag:s0], s1  }
0x1c4: {  	s1 =	ssub.s32 @!p0 $0x0, s1;
	[sflag:s0] =	ssyncset.done @!p0 $0x0  }
0x1c5: {  	[sflag:s0] =	ssyncadd.s32 @!p0 s1  }
0x1c6: {  	[bflag:$0x3] =	sbarrier.arrive $0xFFFF  }
0x1c7: {  	_ =	shalt  }

// kernel: kernel.14.cloned.1.call-start
scs
__scs_entry_jumppad:
0x0: {  	(pc) =	sbr.rel $0x88, $3  }
0x1: {  	(tag) =	ssettag $0x0;
	lr =	simm.s32 $0x1  }
0x2: {  	[smem:$0x3F9B] =	sst lr;
	_ =	strace $0xD0000000  }
0x3: {  	_ = 	snop  }
0x4: {  	_ = 	snop  }
0x5: {  	_ = 	snop  }
0x6: {  	_ = 	snop  }
0x7: {  	_ = 	snop  }
__scs_overlays_trampoline_lowered:
0x8: {  	[smem:$0x3FAA] =	sst s0  }
0x9: {  	[smem:$0x3FAB] =	sst s1  }
0xa: {  	[smem:$0x3FAC] =	sst s2  }
0xb: {  	[smem:$0x3FAD] =	sst s3  }
0xc: {  	[smem:$0x3FAE] =	sst s4  }
0xd: {  	[smem:$0x3FAF] =	sst s5  }
0xe: {  	[smem:$0x3FB0] =	sst s6  }
0xf: {  	[smem:$0x3FB1] =	sst s7  }
0x10: {  	[smem:$0x3FB2] =	sst s8  }
0x11: {  	[smem:$0x3FB3] =	sst s9;
	s0 =	simm.s32 @!p0 $0x0  }
0x12: {  	s1 =	sld [smem:$0x3F99];
	s0 =	simm.s32 @p0 $0x1  }
0x13: {  	[smem:$0x3FB4] =	sst s0;
	s0 =	simm.s32 @!p1 $0x0  }
0x14: {  	s2 =	sld [smem:$0x3F98];
	s0 =	simm.s32 @p1 $0x1  }
0x15: {  	[smem:$0x3FB5] =	sst s0;
	s0 =	simm.s32 @!p2 $0x0  }
0x16: {  	s3 =	sld [smem:$0x3FDB];
	s0 =	simm.s32 @p2 $0x1  }
0x17: {  	s4 =	simm.s32 $0x1BF5;
	[smem:$0x3FB7] =	sst s0  }
0x18: {  	s0 =	sld [smem:$0x3F9A];
	_ =	swait.ge [sflag:s4], $0x0  }
0x19: {  	s7 =	sld [smem:$0x3F9B]  }
0x1a: {  	s8 =	sadd.s32 $0xFFFFE003, lr  }
0x1b: {  	s9 =	sadd.s32 $0xFFFFFEF7, lr;
	s5 =	simm.s32 $0xFFFFFFFF;
	p2 =	slt.u32 s8, $0xFFFFF086  }
0x1c: {  	p1 =	slt.u32 s9, $0xF7A;
	s5 =	simm.s32 @!p2 $0x0  }
0x1d: {  	s5 =	simm.s32 @p1 $0x1;
	p0 =	seq.s32 s7, s2  }
0x1e: {  	s7 =	smul.u32 @!p0 $0xF7A, s2;
	p2 =	seq.s32 @!p0 s5, $0x0  }
0x1f: {  	s9 =	smul.u32 $0xF7A, s1;
	s8 =	simm.s32 @!p0 $0x1BF5;
	p2 =	por !p2, p0  }
0x20: {  	[sflag:s8] =	ssyncset.s32 @!p0 $0xFFFFF086;
	s6 =	sadd.s32 @!p0 s3, s7;
	s7 =	simm.s32 @!p0 $0x108  }
0x21: {  	s3 =	sadd.s32 s3, s9;
	s6 =	sadd.s32 @!p0 $0x88, s6;
	s7 =	simm.s32 @p2 $0x1082  }
0x22: {  	[simem:s7], [sflag:s8] =	dma.local @!p0 [hbm:s6], $0xF7A  }
0x23: {  	s9 =	sor.u32 $0xD0000000, s2;
	s6 =	simm.s32 $0x108;
	_ =	swait.ge @!p0 [sflag:s8], $0x0  }
0x24: {  	s3 =	sadd.s32 $0x88, s3;
	s6 =	simm.s32 @!p1 $0x1082;
	[sflag:s4] =	ssyncset.s32 $0xFFFFF086  }
0x25: {  	[simem:s6], [sflag:s4] =	dma.local [hbm:s3], $0xF7A  }
0x26: {  	[smem:$0x3F9B] =	sst s1;
	(tag) =	ssettag s2;
	_ =	strace s9  }
0x27: {  	s1 =	sld [smem:$0x3FAB]  }
0x28: {  	s2 =	sld [smem:$0x3FAC]  }
0x29: {  	s4 =	sld [smem:$0x3FAE]  }
0x2a: {  	p0 =	seq.s32 s5, $0x0;
	s5 =	sld [smem:$0x3FAF]  }
0x2b: {  	s6 =	sld [smem:$0x3FB0]  }
0x2c: {  	s7 =	sld [smem:$0x3FB1]  }
0x2d: {  	s3 =	simm.s32 $0x108;
	s8 =	sld [smem:$0x3FB2]  }
0x2e: {  	s3 =	simm.s32 @!p0 $0x1082;
	s9 =	sld [smem:$0x3FB3]  }
0x2f: {  	lr =	sadd.s32 s0, s3;
	s0 =	sld [smem:$0x3FAA]  }
0x30: {  	s3 =	sld [smem:$0x3FAD]  }
0x31: {  	[smem:$0x3FB6] =	sst s10  }
0x32: {  	s10 =	sld [smem:$0x3FB4];
	_ =	sdelay $0x3  }
0x33: {  	p0 =	seq.s32 s10, $0x1;
	s10 =	sld [smem:$0x3FB6];
	_ =	sdelay $0x3  }
0x34: {  	[smem:$0x3FB6] =	sst s10  }
0x35: {  	s10 =	sld [smem:$0x3FB5];
	_ =	sdelay $0x3  }
0x36: {  	p1 =	seq.s32 s10, $0x1;
	s10 =	sld [smem:$0x3FB6];
	_ =	sdelay $0x3  }
0x37: {  	[smem:$0x3FB6] =	sst s10  }
0x38: {  	s10 =	sld [smem:$0x3FB7]  }
0x39: {  	_ = 	snop;
	(pc) =	sbr.ind lr, $3  }
0x3a: {  	_ = 	snop  }
0x3b: {  	_ = 	snop  }
0x3c: {  	p2 =	seq.s32 s10, $0x1;
	s10 =	sld [smem:$0x3FB6]  }
0x3d: {  	_ =	shalt  }
0x3e: {  	_ =	shalt  }
0x3f: {  	_ =	shalt  }
0x40: {  	_ =	shalt  }
0x41: {  	_ =	shalt  }
0x42: {  	_ =	shalt  }
0x43: {  	_ =	shalt  }
0x44: {  	_ =	shalt  }
0x45: {  	_ =	shalt  }
0x46: {  	_ =	shalt  }
0x47: {  	_ =	shalt  }
0x48: {  	_ =	shalt  }
0x49: {  	_ =	shalt  }
0x4a: {  	_ =	shalt  }
0x4b: {  	_ =	shalt  }
0x4c: {  	_ =	shalt  }
0x4d: {  	_ =	shalt  }
0x4e: {  	_ =	shalt  }
0x4f: {  	_ =	shalt  }
0x50: {  	_ =	shalt  }
0x51: {  	_ =	shalt  }
0x52: {  	_ =	shalt  }
0x53: {  	_ =	shalt  }
0x54: {  	_ =	shalt  }
0x55: {  	_ =	shalt  }
0x56: {  	_ =	shalt  }
0x57: {  	_ =	shalt  }
0x58: {  	_ =	shalt  }
0x59: {  	_ =	shalt  }
0x5a: {  	_ =	shalt  }
0x5b: {  	_ =	shalt  }
0x5c: {  	_ =	shalt  }
0x5d: {  	_ =	shalt  }
0x5e: {  	_ =	shalt  }
0x5f: {  	_ =	shalt  }
0x60: {  	_ =	shalt  }
0x61: {  	_ =	shalt  }
0x62: {  	_ =	shalt  }
0x63: {  	_ =	shalt  }
0x64: {  	_ =	shalt  }
0x65: {  	_ =	shalt  }
0x66: {  	_ =	shalt  }
0x67: {  	_ =	shalt  }
0x68: {  	_ =	shalt  }
0x69: {  	_ =	shalt  }
0x6a: {  	_ =	shalt  }
0x6b: {  	_ =	shalt  }
0x6c: {  	_ =	shalt  }
0x6d: {  	_ =	shalt  }
0x6e: {  	_ =	shalt  }
0x6f: {  	_ =	shalt  }
0x70: {  	_ =	shalt  }
0x71: {  	_ =	shalt  }
0x72: {  	_ =	shalt  }
0x73: {  	_ =	shalt  }
0x74: {  	_ =	shalt  }
0x75: {  	_ =	shalt  }
0x76: {  	_ =	shalt  }
0x77: {  	_ =	shalt  }
0x78: {  	_ =	shalt  }
0x79: {  	_ =	shalt  }
0x7a: {  	_ =	shalt  }
0x7b: {  	_ =	shalt  }
0x7c: {  	_ =	shalt  }
0x7d: {  	_ =	shalt  }
0x7e: {  	_ =	shalt  }
0x7f: {  	_ =	shalt  }
0x80: {  	_ =	shalt  }
0x81: {  	_ =	shalt  }
0x82: {  	_ =	shalt  }
0x83: {  	_ =	shalt  }
0x84: {  	_ =	shalt  }
0x85: {  	_ =	shalt  }
0x86: {  	_ =	shalt  }
0x87: {  	_ =	shalt  }
.Lfunc_end0:
.L_simem_size_0:
called_computation.2_lowered:
.L_overlay_start_0:
0x88: {  	s2 =	sld [smem:$0x3FD9]  }
0x89: {  	s3 =	sld [smem:$0x3FFE];
	_ =	sdelay $0x1  }
0x8a: {  	s1 =	srdreg.scid  }
0x8b: {  	s0 =	sand.u32 $0x1, s1  }
0x8c: {  	s17 =	sshll.u32 s0, $0xA;
	s2 =	sadd.s32 s3, s2  }
0x8d: {  	s2 =	sadd.s32 s2, s17  }
0x8e: {  	[smem:$0x3FC2] =	sst s2  }
0x8f: {  	_ = 	snop  }
0x90: {  	s2 =	sld [smem:$0x3FD0];
	(tm) =	ssettm $0x1  }
0x91: {  	s18 =	sld [smem:$0x3FFB];
	_ =	sdelay $0x3  }
0x92: {  	_ =	strace s18  }
0x93: {  	s3 =	sld [smem:$0x3FFC];
	_ =	sdelay $0x3  }
0x94: {  	_ =	strace s3  }
0x95: {  	s3 =	sld [smem:$0x3FFD];
	_ =	sdelay $0x3  }
0x96: {  	_ =	strace s3  }
0x97: {  	_ =	strace $0x8FFFFFFF  }
0x98: {  	s19 =	sld [smem:$0x3FDB];
	_ =	sdelay $0x1  }
0x99: {  	s4 =	simm.s32 $_scs_section_size  }
0x9a: {  	s5 =	simm.s32 $_size__tile_overlayer_lowered;
	s6 =	simm.s32 $_tile_overlayer_lowered  }
0x9b: {  	s22 =	simm.s32 $0x1BFF;
	s21 =	sshll.u32 s6, $0x1;
	s3 =	sadd.s32 s4, s19  }
0x9c: {  	s7 =	simm.s32 $0x0;
	s20 =	sshll.u32 s5, $0x1;
	s5 =	sadd.s32 s21, s3  }
0x9d: {  	[timem:s7], [sflag:s22] =	dma.local [hbm:s5], s20  }
0x9e: {  	_ =	swait.ge [sflag:s22], s20  }
0x9f: {  	s4 =	ssub.s32 $0x0, s20;
	[sflag:s22] =	ssyncset.done $0x0  }
0xa0: {  	[sflag:s22] =	ssyncadd.s32 s4;
	_ =	sdelay $0x1  }
0xa1: {  	s23 =	simm.s32 $0x1B8B  }
0xa2: {  	_ =	swait.ge [sflag:s23], $0x1  }
0xa3: {  	[sflag:s23] =	ssyncset.done $0x0  }
0xa4: {  	s25 =	simm.s32 $0x1B8E;
	s24 =	sld [smem:$0x3FFE];
	[sflag:s23] =	ssyncadd.s32 $0xFFFFFFFF  }
0xa5: {  	s26 =	simm.s32 $execute0_lowered;
	[smem:$0x3FD2] =	sst s25  }
0xa6: {  	s5 =	sshll.u32 s26, $0x1;
	_ =	strace $0x8000004C;
	[dreg:$0x1] =	wrdreg $0xFFFFFFFF  }
0xa7: {  	s28 =	simm.s32 $_size_execute0_lowered;
	s3 =	sadd.s32 s3, s5;
	[dreg:$0x0] =	wrdreg $0x0  }
0xa8: {  	s5 =	sshll.u32 s28, $0x1;
	[dreg:$0x2] =	wrdreg s3  }
0xa9: {  	[dreg:$0x3] =	wrdreg s5  }
0xaa: {  	[dreg:$0x4] =	wrdreg $0xC0  }
0xab: {  	_ =	task [dreg:s7], $0x5FFFF  }
0xac: {  	[dreg:$0x1] =	wrdreg $0xFFFFFFFF  }
0xad: {  	[dreg:$0x0] =	wrdreg $0x60  }
0xae: {  	[dreg:$0x2] =	wrdreg s2  }
0xaf: {  	[dreg:$0x3] =	wrdreg s24  }
0xb0: {  	[dreg:$0x4] =	wrdreg $0xB0000  }
0xb1: {  	[dreg:$0x5] =	wrdreg $0x9  }
0xb2: {  	_ =	task.clear_ibuf [dreg:s7], $0x6FFFF;
	_ =	strace $0x9000004C  }
0xb3: {  	s29 =	simm.s32 $0x9;
	_ =	strace $0x8000004E  }
0xb4: {  	_ =	swait.ge [sflag:s29], $0x1  }
0xb5: {  	[sflag:s29] =	ssyncadd.s32 $0xFFFFFFFF  }
0xb6: {  	_ =	strace $0x9000004E  }
0xb7: {  	_ =	sfence  }
0xb8: {  	s30 =	sld [smem:$0x0];
	_ =	sdelay $0x2  }
0xb9: {  	s31 =	sshll.u32 s1, $0xD;
	s1 =	sshrl.u32 s1, $0x2  }
0xba: {  	s3 =	sand.u32 $0x4000, s31;
	s1 =	sadd.s32 s1, s30  }
0xbb: {  	s0 =	sor.u32 s3, s0;
	s1 =	sshll.u32 s1, $0x11  }
0xbc: {  	s0 =	sor.u32 s1, s0  }
0xbd: {  	s0 =	sadd.s32 $0x8F2B, s0  }
0xbe: {  	[sflag:s0] =	ssyncadd.remote.s32 $0x1  }
0xbf: {  	_ =	sfence.sel $0xFFFF  }
0xc0: {  	[dreg:$0x0] =	wrdreg $0xFFFFFFFF;
	(pc) =	sbr.abs _section_cstart, $3  }
0xc1: {  	[dreg:$0x1] =	wrdreg $0xFFFFFFFF  }
0xc2: {  	_ =	task.clear_ibuf [dreg:s7], $0x2FFFF;
	_ =	strace $0x9FFFFFFF  }
0xc3: {  	(tm) =	ssettm $0x7FFFFFFF  }
tec
execute0_lowered:
.L_overlay_start_1:
0x0: {  	(tag) =	ssettag $0x1  }
0x1: {  	s1 =	rddreg [dreg:$0x0]  }
0x2: {  	s0 =	rddreg [dreg:$0x1]  }
0x3: {  	s2 =	rddreg [dreg:$0x2]  }
0x4: {  	s3 =	srdreg.scid;
	s8 =	stileid.u32  }
0x5: {  	s13 =	simm.s32 $0x0;
	s3 =	sand.u32 $0x1, s3;
	s21 =	smul.u32 $0x50000, s8  }
0x6: {  	s4 =	smul.u32 $0x140000, s3;
	s7 =	sshll.u32 s3, $0x4;
	s3 =	ssub.s32 $0x2, s3  }
0x7: {  	s20 =	sor.u32 s8, s7;
	s23 =	sshrl.u32 s3, $0x1;
	s7 =	sshrl.u32 s21, $0x2  }
0x8: {  	[smem:$0x7FF] =	sst s13;
	s3 =	ssub.s32 s3, s23;
	s7 =	sadd.s32 s7, s2  }
0x9: {  	_ =	strace $0x8000004D;
	s24 =	smax.u32 s3, $0x1;
	[dreg:$0x4] =	wrdreg s7  }
0xa: {  	s30 =	simm.s32 $0x9000;
	s25 =	sadd.s32 $0x1000, s7;
	[dreg:$0x7] =	wrdreg s24  }
0xb: {  	s28 =	simm.s32 $0xB;
	s26 =	sadd.s32 $0x2000, s7;
	[dreg:$0x8] =	wrdreg s25  }
0xc: {  	s31 =	simm.s32 $0x7;
	s3 =	sadd.s32 $0x3000, s7;
	[dreg:$0x9] =	wrdreg s26  }
0xd: {  	s5 =	smul.u32 $0x14000, s8;
	s8 =	sadd.s32 $0x5000, s7;
	[dreg:$0xa] =	wrdreg s3  }
0xe: {  	s29 =	simm.s32 $0xF;
	s9 =	sadd.s32 $0x6000, s7;
	[dreg:$0xc] =	wrdreg s8  }
0xf: {  	s6 =	sadd.s32 $0x52800, s0;
	s10 =	sadd.s32 $0x7000, s7;
	[dreg:$0xd] =	wrdreg s9  }
0x10: {  	s4 =	sadd.s32 s5, s4;
	s11 =	sadd.s32 $0x8000, s7;
	[dreg:$0xe] =	wrdreg s10  }
0x11: {  	s5 =	smul.u32 $0x14000, s20;
	s12 =	sadd.s32 $0x9000, s7;
	[dreg:$0xf] =	wrdreg s11  }
0x12: {  	s22 =	sshrl.u32 s4, $0x3;
	s14 =	sadd.s32 $0xA000, s7;
	[dreg:$0x10] =	wrdreg s12  }
0x13: {  	s15 =	sadd.s32 $0xB000, s7;
	s16 =	sadd.s32 $0xC000, s7;
	[dreg:$0x11] =	wrdreg s14  }
0x14: {  	s17 =	sadd.s32 $0xD000, s7;
	s18 =	sor.u32 $0x2000, s4;
	[dreg:$0x12] =	wrdreg s15  }
0x15: {  	s19 =	sor.u32 $0x1000, s4;
	s20 =	sadd.s32 $0xE000, s7;
	[dreg:$0x13] =	wrdreg s16  }
0x16: {  	s23 =	sadd.s32 $0x10000, s7;
	s4 =	simm.s32 $0x10;
	[dreg:$0x14] =	wrdreg s17  }
0x17: {  	s0 =	sadd.s32 s22, s0;
	s5 =	sshrl.u32 s5, $0x3;
	[dreg:$0x15] =	wrdreg s20  }
0x18: {  	s3 =	sshrl.u32 s19, $0x3;
	s22 =	sadd.s32 $0xF000, s7;
	[dreg:$0x19] =	wrdreg s23  }
0x19: {  	s24 =	sadd.s32 $0x11000, s7;
	s25 =	sadd.s32 $0x12000, s7;
	s26 =	sadd.s32 $0x13000, s7  }
0x1a: {  	s8 =	simm.s32 $0x3000;
	s10 =	simm.s32 $0x4000;
	s12 =	simm.s32 $0x5000  }
0x1b: {  	s16 =	simm.s32 $0x1;
	s19 =	simm.s32 $0x7000;
	s20 =	simm.s32 $0x2  }
0x1c: {  	s11 =	simm.s32 $0x5;
	s17 =	simm.s32 $0xA;
	[dreg:$0x18] =	wrdreg s22  }
0x1d: {  	s14 =	simm.s32 $0xC;
	s9 =	simm.s32 $0xD;
	[dreg:$0x1a] =	wrdreg s24  }
0x1e: {  	s23 =	simm.s32 $0x0;
	s5 =	sadd.s32 s6, s5;
	[dreg:$0x1b] =	wrdreg s25  }
0x1f: {  	s0 =	sadd.s32 $0xA2800, s0;
	s21 =	sadd.s32 s3, s6;
	[dreg:$0x1c] =	wrdreg s26  }
0x20: {  	s3 =	simm.s32 $0x20;
	s25 =	simm.s32 $0x8000;
	s26 =	simm.s32 $0x3  }
.Ltmp0:
0x21: {  	s22 =	simm.s32 $0x8;
	[dreg:$0x5] =	wrdreg s5;
	(pc) =	sbr.rel .LBB2_1-.Ltmp0, $4  }
0x22: {  	[dreg:$0x6] =	wrdreg s0;
	s5 =	sadd.s32 $0x4000, s7;
	s0 =	sshrl.u32 s18, $0x3  }
0x23: {  	[dreg:$0x17] =	wrdreg s21;
	s7 =	simm.s32 $0x9;
	s21 =	simm.s32 $0x6  }
0x24: {  	s18 =	simm.s32 $0xE;
	[dreg:$0xb] =	wrdreg s5;
	s0 =	sadd.s32 s0, s6  }
0x25: {  	v0 =	vimm.f32 $0.0e+00;
	s6 =	simm.s32 $0x2000;
	s5 =	simm.s32 $0x4;
	[dreg:$0x16] =	wrdreg s0  }
.LBB2_6:
0x26: {  	s0 =	stileid.u32;
	[bflag:$0x0] =	sbarrier.arrive $0xFFFF  }
0x27: {  	s15 =	simm.s32 $0x12;
	s0 =	sshll.u32 s0, $0x6;
	s13 =	rddreg [dreg:$0x4]  }
0x28: {  	s24 =	rddreg [dreg:$0x6];
	s0 =	sor.u32 $0x1C12, s0;
	s13 =	sshrl.u32 s13, $0x3  }
0x29: {  	[hbm:s24], [sflag:s0] =	dma.local [spmem:s13], $0x2800  }
0x2a: {  	_ =	swait.ge [sflag:s15], $0x2800  }
0x2b: {  	s23 =	rddreg [dreg:$0x1d]  }
0x2c: {  	s24 =	rddreg [dreg:$0x7];
	s23 =	sadd.s32 $0x1, s23  }
0x2d: {  	p0 =	sne.s32 s23, s24  }
.Ltmp1:
0x2e: {  	_ = 	snop;
	(pc) =	sbr.rel @!p0 .LBB2_7-.Ltmp1, $3  }
0x2f: {  	_ =	sdelay $0x1  }
0x30: {  	[sflag:s15] =	ssyncset.done $0x0  }
0x31: {  	s13 =	simm.s32 $0x0;
	[sflag:s15] =	ssyncadd.s32 $0xFFFFD800  }
.LBB2_1:
0x32: {  	s0 =	sand.u32 $0x3E00, s13  }
0x33: {  	[dreg:$0x1d] =	wrdreg s23;
	s23 =	sand.u32 $0x70, s13;
	s0 =	sshrl.u32 s0, $0x2  }
0x34: {  	s24 =	simm.s32 $0x40;
	s13 =	simm.s32 $0x0;
	s0 =	sor.u32 s23, s0  }
.LBB2_2:
0x35: {  	p0 =	sne.s32 s24, $0x3FC0  }
0x36: {  	[tilespmem:s0+$0xA000] =	vst v0;
	s13 =	sadd.s32 $0x10, s13;
	s0 =	smov.u32 s24;
	s24 =	sadd.s32 $0x40, s24  }
.Ltmp2:
0x37: {  	(pc) =	sbr.rel @p0 .LBB2_2-.Ltmp2, $4  }
0x38: {  	_ = 	snop  }
0x39: {  	s0 =	sand.u32 $0x3E00, s0  }
0x3a: {  	s23 =	sand.u32 $0x70, s13;
	s0 =	sshrl.u32 s0, $0x2  }
0x3b: {  	s0 =	sor.u32 s23, s0  }
0x3c: {  	[tilespmem:s0+$0xA000] =	vst v0;
	s23 =	rddreg [dreg:$0x4];
	s13 =	simm.s32 $0xA000  }
0x3d: {  	[spmem:s23] =	stream.linear.scatter [tilespmem:s13], [sflag:$0x12], $0x1000, $0x38;
	[tilespmem:$0x1F000] =	vst v63  }
0x3e: {  	s23 =	simm.s32 $0x12  }
0x3f: {  	_ =	swait.ge [sflag:s23], $0x1000  }
0x40: {  	[sflag:s23] =	ssyncset.done $0x0  }
0x41: {  	s24 =	rddreg [dreg:$0x8];
	[sflag:s23] =	ssyncadd.s32 $0xFFFFF000  }
0x42: {  	[spmem:s24] =	stream.linear.scatter [tilespmem:s13], [sflag:$0x12], $0x1000, $0x38;
	[tilespmem:$0x1F000] =	vst v63  }
0x43: {  	_ =	swait.ge [sflag:s23], $0x1000  }
0x44: {  	[sflag:s23] =	ssyncset.done $0x0  }
0x45: {  	s15 =	rddreg [dreg:$0x9];
	[sflag:s23] =	ssyncadd.s32 $0xFFFFF000  }
0x46: {  	[spmem:s15] =	stream.linear.scatter [tilespmem:s13], [sflag:$0x12], $0x1000, $0x38;
	[tilespmem:$0x1F000] =	vst v63  }
0x47: {  	_ =	swait.ge [sflag:s23], $0x1000  }
0x48: {  	[sflag:s23] =	ssyncset.done $0x0  }
0x49: {  	s24 =	rddreg [dreg:$0xa];
	[sflag:s23] =	ssyncadd.s32 $0xFFFFF000  }
0x4a: {  	[spmem:s24] =	stream.linear.scatter [tilespmem:s13], [sflag:$0x12], $0x1000, $0x38;
	[tilespmem:$0x1F000] =	vst v63  }
0x4b: {  	_ =	swait.ge [sflag:s23], $0x1000  }
0x4c: {  	[sflag:s23] =	ssyncset.done $0x0  }
0x4d: {  	s15 =	rddreg [dreg:$0xb];
	[sflag:s23] =	ssyncadd.s32 $0xFFFFF000  }
0x4e: {  	[spmem:s15] =	stream.linear.scatter [tilespmem:s13], [sflag:$0x12], $0x1000, $0x38;
	[tilespmem:$0x1F000] =	vst v63  }
0x4f: {  	_ =	swait.ge [sflag:s23], $0x1000  }
0x50: {  	[sflag:s23] =	ssyncset.done $0x0  }
0x51: {  	s24 =	rddreg [dreg:$0xc];
	[sflag:s23] =	ssyncadd.s32 $0xFFFFF000  }
0x52: {  	[spmem:s24] =	stream.linear.scatter [tilespmem:s13], [sflag:$0x12], $0x1000, $0x38;
	[tilespmem:$0x1F000] =	vst v63  }
0x53: {  	_ =	swait.ge [sflag:s23], $0x1000  }
0x54: {  	[sflag:s23] =	ssyncset.done $0x0  }
0x55: {  	s15 =	rddreg [dreg:$0xd];
	[sflag:s23] =	ssyncadd.s32 $0xFFFFF000  }
0x56: {  	[spmem:s15] =	stream.linear.scatter [tilespmem:s13], [sflag:$0x12], $0x1000, $0x38;
	[tilespmem:$0x1F000] =	vst v63  }
0x57: {  	_ =	swait.ge [sflag:s23], $0x1000  }
0x58: {  	[sflag:s23] =	ssyncset.done $0x0  }
0x59: {  	s24 =	rddreg [dreg:$0xe];
	[sflag:s23] =	ssyncadd.s32 $0xFFFFF000  }
0x5a: {  	[spmem:s24] =	stream.linear.scatter [tilespmem:s13], [sflag:$0x12], $0x1000, $0x38;
	[tilespmem:$0x1F000] =	vst v63  }
0x5b: {  	_ =	swait.ge [sflag:s23], $0x1000  }
0x5c: {  	[sflag:s23] =	ssyncset.done $0x0  }
0x5d: {  	s15 =	rddreg [dreg:$0xf];
	[sflag:s23] =	ssyncadd.s32 $0xFFFFF000  }
0x5e: {  	[spmem:s15] =	stream.linear.scatter [tilespmem:s13], [sflag:$0x12], $0x1000, $0x38;
	[tilespmem:$0x1F000] =	vst v63  }
0x5f: {  	_ =	swait.ge [sflag:s23], $0x1000  }
0x60: {  	[sflag:s23] =	ssyncset.done $0x0  }
0x61: {  	s24 =	rddreg [dreg:$0x10];
	[sflag:s23] =	ssyncadd.s32 $0xFFFFF000  }
0x62: {  	[spmem:s24] =	stream.linear.scatter [tilespmem:s13], [sflag:$0x12], $0x1000, $0x38;
	[tilespmem:$0x1F000] =	vst v63  }
0x63: {  	_ =	swait.ge [sflag:s23], $0x1000  }
0x64: {  	[sflag:s23] =	ssyncset.done $0x0  }
0x65: {  	s15 =	rddreg [dreg:$0x11];
	[sflag:s23] =	ssyncadd.s32 $0xFFFFF000  }
0x66: {  	[spmem:s15] =	stream.linear.scatter [tilespmem:s13], [sflag:$0x12], $0x1000, $0x38;
	[tilespmem:$0x1F000] =	vst v63  }
0x67: {  	_ =	swait.ge [sflag:s23], $0x1000  }
0x68: {  	[sflag:s23] =	ssyncset.done $0x0  }
0x69: {  	s24 =	rddreg [dreg:$0x12];
	[sflag:s23] =	ssyncadd.s32 $0xFFFFF000  }
0x6a: {  	[spmem:s24] =	stream.linear.scatter [tilespmem:s13], [sflag:$0x12], $0x1000, $0x38;
	[tilespmem:$0x1F000] =	vst v63  }
0x6b: {  	_ =	swait.ge [sflag:s23], $0x1000  }
0x6c: {  	[sflag:s23] =	ssyncset.done $0x0  }
0x6d: {  	s15 =	rddreg [dreg:$0x13];
	[sflag:s23] =	ssyncadd.s32 $0xFFFFF000  }
0x6e: {  	[spmem:s15] =	stream.linear.scatter [tilespmem:s13], [sflag:$0x12], $0x1000, $0x38;
	[tilespmem:$0x1F000] =	vst v63  }
0x6f: {  	_ =	swait.ge [sflag:s23], $0x1000  }
0x70: {  	[sflag:s23] =	ssyncset.done $0x0  }
0x71: {  	s24 =	rddreg [dreg:$0x14];
	[sflag:s23] =	ssyncadd.s32 $0xFFFFF000  }
0x72: {  	[spmem:s24] =	stream.linear.scatter [tilespmem:s13], [sflag:$0x12], $0x1000, $0x38;
	[tilespmem:$0x1F000] =	vst v63  }
0x73: {  	_ =	swait.ge [sflag:s23], $0x1000  }
0x74: {  	[sflag:s23] =	ssyncset.done $0x0  }
0x75: {  	s15 =	rddreg [dreg:$0x15];
	[sflag:s23] =	ssyncadd.s32 $0xFFFFF000  }
0x76: {  	[spmem:s15] =	stream.linear.scatter [tilespmem:s13], [sflag:$0x12], $0x1000, $0x38;
	[tilespmem:$0x1F000] =	vst v63  }
0x77: {  	_ =	swait.ge [sflag:s23], $0x1000  }
0x78: {  	[sflag:s23] =	ssyncset.done $0x0  }
0x79: {  	s24 =	rddreg [dreg:$0x18];
	[sflag:s23] =	ssyncadd.s32 $0xFFFFF000  }
0x7a: {  	[spmem:s24] =	stream.linear.scatter [tilespmem:s13], [sflag:$0x12], $0x1000, $0x38;
	[tilespmem:$0x1F000] =	vst v63  }
0x7b: {  	_ =	swait.ge [sflag:s23], $0x1000  }
0x7c: {  	[sflag:s23] =	ssyncset.done $0x0  }
0x7d: {  	s15 =	rddreg [dreg:$0x19];
	[sflag:s23] =	ssyncadd.s32 $0xFFFFF000  }
0x7e: {  	[spmem:s15] =	stream.linear.scatter [tilespmem:s13], [sflag:$0x12], $0x1000, $0x38;
	[tilespmem:$0x1F000] =	vst v63  }
0x7f: {  	_ =	swait.ge [sflag:s23], $0x1000  }
0x80: {  	[sflag:s23] =	ssyncset.done $0x0  }
0x81: {  	s24 =	rddreg [dreg:$0x1a];
	[sflag:s23] =	ssyncadd.s32 $0xFFFFF000  }
0x82: {  	[spmem:s24] =	stream.linear.scatter [tilespmem:s13], [sflag:$0x12], $0x1000, $0x38;
	[tilespmem:$0x1F000] =	vst v63  }
0x83: {  	_ =	swait.ge [sflag:s23], $0x1000  }
0x84: {  	[sflag:s23] =	ssyncset.done $0x0  }
0x85: {  	s15 =	rddreg [dreg:$0x1b];
	[sflag:s23] =	ssyncadd.s32 $0xFFFFF000  }
0x86: {  	[spmem:s15] =	stream.linear.scatter [tilespmem:s13], [sflag:$0x12], $0x1000, $0x38;
	[tilespmem:$0x1F000] =	vst v63  }
0x87: {  	_ =	swait.ge [sflag:s23], $0x1000  }
0x88: {  	[sflag:s23] =	ssyncset.done $0x0  }
0x89: {  	s24 =	rddreg [dreg:$0x1c];
	[sflag:s23] =	ssyncadd.s32 $0xFFFFF000  }
0x8a: {  	[spmem:s24] =	stream.linear.scatter [tilespmem:s13], [sflag:$0x12], $0x1000, $0x38;
	[tilespmem:$0x1F000] =	vst v63  }
0x8b: {  	_ =	swait.ge [sflag:s23], $0x1000  }
0x8c: {  	[sflag:s23] =	ssyncset.done $0x0  }
0x8d: {  	[sflag:s23] =	ssyncadd.s32 $0xFFFFF000  }
0x8e: {  	[bflag:$0x0] =	sbarrier.arrive $0xFFFF  }
0x8f: {  	s24 =	simm.s32 $0x0;
	s15 =	rddreg [dreg:$0x5]  }
0x90: {  	[tilespmem:s24], [sflag:$0x12] =	stream.linear.gather [hbm4b:s15+s24], $0x1000, $0x38;
	[tilespmem:$0x1F000] =	vst v63  }
0x91: {  	_ =	swait.ge [sflag:s23], $0x1000  }
0x92: {  	[sflag:s23] =	ssyncset.done $0x0  }
0x93: {  	[sflag:s23] =	ssyncadd.s32 $0xFFFFF000  }
0x94: {  	[tilespmem:s6], [sflag:$0x1] =	stream.indirect.gather [hbm4b:s1+s3], $0x80, s24, s3, $0xb8;
	[tilespmem:$0x1F000] =	vst v63  }
0x95: {  	s13 =	simm.s32 $0x80  }
0x96: {  	[tilespmem:s8], [sflag:$0x2] =	stream.indirect.gather [hbm4b:s1+s3], $0x80, s13, s3, $0xb8;
	[tilespmem:$0x1F000] =	vst v63  }
0x97: {  	s15 =	simm.s32 $0x100  }
0x98: {  	[tilespmem:s10], [sflag:$0x3] =	stream.indirect.gather [hbm4b:s1+s3], $0x80, s15, s3, $0xb8;
	[tilespmem:$0x1F000] =	vst v63  }
0x99: {  	s23 =	simm.s32 $0x180;
	s8 =	simm.s32 $0x2000;
	s15 =	simm.s32 $0x5000  }
0x9a: {  	[tilespmem:s12], [sflag:$0x4] =	stream.indirect.gather [hbm4b:s1+s3], $0x80, s23, s3, $0xb8;
	[tilespmem:$0x1F000] =	vst v63  }
0x9b: {  	s10 =	simm.s32 $0x3000;
	s23 =	simm.s32 $0x11;
	s12 =	simm.s32 $0x4000  }
.LBB2_4:
0x9c: {  	s0 =	rddreg [dreg:$0x17]  }
0x9d: {  	s13 =	simm.s32 $0x1000;
	s6 =	simm.s32 $0x0;
	s0 =	sadd.s32 s24, s0  }
0x9e: {  	[tilespmem:s13], [sflag:$0x11] =	stream.linear.gather [hbm4b:s0+s6], $0x1000, $0x38;
	[tilespmem:$0x1F000] =	vst v63  }
0x9f: {  	s0 =	simm.s32 $0x200;
	s6 =	simm.s32 $0x6000  }
0xa0: {  	[tilespmem:s6], [sflag:$0x5] =	stream.indirect.gather [hbm4b:s1+s3], $0x80, s0, s3, $0xb8;
	[tilespmem:$0x1F000] =	vst v63  }
0xa1: {  	_ =	swait.ge [sflag:s16], $0x1000  }
0xa2: {  	[sflag:s16] =	ssyncset.done $0x0  }
0xa3: {  	s0 =	simm.s32 $0x800;
	[sflag:s16] =	ssyncadd.s32 $0xFFFFF000  }
0xa4: {  	[spmem:s2] =	stream.indirect.scatter.add.f32 [tilespmem:s8], [sflag:$0x9], $0x80, s0, s3, $0xb8;
	[tilespmem:$0x1F000] =	vst v63  }
0xa5: {  	s0 =	simm.s32 $0x280  }
0xa6: {  	[tilespmem:s19], [sflag:$0x6] =	stream.indirect.gather [hbm4b:s1+s3], $0x80, s0, s3, $0xb8;
	[tilespmem:$0x1F000] =	vst v63  }
0xa7: {  	_ =	swait.ge [sflag:s20], $0x1000  }
0xa8: {  	[sflag:s20] =	ssyncset.done $0x0  }
0xa9: {  	s0 =	simm.s32 $0x880;
	[sflag:s20] =	ssyncadd.s32 $0xFFFFF000  }
0xaa: {  	[spmem:s2] =	stream.indirect.scatter.add.f32 [tilespmem:s10], [sflag:$0xA], $0x80, s0, s3, $0xb8;
	[tilespmem:$0x1F000] =	vst v63  }
0xab: {  	s0 =	simm.s32 $0x300  }
0xac: {  	[tilespmem:s25], [sflag:$0x7] =	stream.indirect.gather [hbm4b:s1+s3], $0x80, s0, s3, $0xb8;
	[tilespmem:$0x1F000] =	vst v63  }
0xad: {  	_ =	swait.ge [sflag:s26], $0x1000  }
0xae: {  	[sflag:s26] =	ssyncset.done $0x0  }
0xaf: {  	s0 =	simm.s32 $0x900;
	[sflag:s26] =	ssyncadd.s32 $0xFFFFF000  }
0xb0: {  	[spmem:s2] =	stream.indirect.scatter.add.f32 [tilespmem:s12], [sflag:$0xB], $0x80, s0, s3, $0xb8;
	[tilespmem:$0x1F000] =	vst v63  }
0xb1: {  	s0 =	simm.s32 $0x380  }
0xb2: {  	[tilespmem:s30], [sflag:$0x8] =	stream.indirect.gather [hbm4b:s1+s3], $0x80, s0, s3, $0xb8;
	[tilespmem:$0x1F000] =	vst v63  }
0xb3: {  	_ =	swait.ge [sflag:s5], $0x1000  }
0xb4: {  	[sflag:s5] =	ssyncset.done $0x0  }
0xb5: {  	s0 =	simm.s32 $0x980;
	[sflag:s5] =	ssyncadd.s32 $0xFFFFF000  }
0xb6: {  	[spmem:s2] =	stream.indirect.scatter.add.f32 [tilespmem:s15], [sflag:$0xC], $0x80, s0, s3, $0xb8;
	[tilespmem:$0x1F000] =	vst v63  }
0xb7: {  	_ =	swait.ge [sflag:s7], $0x1000  }
0xb8: {  	[sflag:s7] =	ssyncset.done $0x0  }
0xb9: {  	s0 =	simm.s32 $0x400;
	[sflag:s7] =	ssyncadd.s32 $0xFFFFF000  }
0xba: {  	[tilespmem:s8], [sflag:$0x1] =	stream.indirect.gather [hbm4b:s1+s3], $0x80, s0, s3, $0xb8;
	[tilespmem:$0x1F000] =	vst v63  }
0xbb: {  	_ =	swait.ge [sflag:s11], $0x1000  }
0xbc: {  	[sflag:s11] =	ssyncset.done $0x0  }
0xbd: {  	s0 =	simm.s32 $0xA00;
	[sflag:s11] =	ssyncadd.s32 $0xFFFFF000  }
0xbe: {  	[spmem:s2] =	stream.indirect.scatter.add.f32 [tilespmem:s6], [sflag:$0xD], $0x80, s0, s3, $0xb8;
	[tilespmem:$0x1F000] =	vst v63  }
0xbf: {  	_ =	swait.ge [sflag:s17], $0x1000  }
0xc0: {  	[sflag:s17] =	ssyncset.done $0x0  }
0xc1: {  	s0 =	simm.s32 $0x480;
	[sflag:s17] =	ssyncadd.s32 $0xFFFFF000  }
0xc2: {  	[tilespmem:s10], [sflag:$0x2] =	stream.indirect.gather [hbm4b:s1+s3], $0x80, s0, s3, $0xb8;
	[tilespmem:$0x1F000] =	vst v63  }
0xc3: {  	_ =	swait.ge [sflag:s21], $0x1000  }
0xc4: {  	[sflag:s21] =	ssyncset.done $0x0  }
0xc5: {  	s0 =	simm.s32 $0xA80;
	[sflag:s21] =	ssyncadd.s32 $0xFFFFF000  }
0xc6: {  	[spmem:s2] =	stream.indirect.scatter.add.f32 [tilespmem:s19], [sflag:$0xE], $0x80, s0, s3, $0xb8;
	[tilespmem:$0x1F000] =	vst v63  }
0xc7: {  	_ =	swait.ge [sflag:s28], $0x1000  }
0xc8: {  	[sflag:s28] =	ssyncset.done $0x0  }
0xc9: {  	s0 =	simm.s32 $0x500;
	[sflag:s28] =	ssyncadd.s32 $0xFFFFF000  }
0xca: {  	[tilespmem:s12], [sflag:$0x3] =	stream.indirect.gather [hbm4b:s1+s3], $0x80, s0, s3, $0xb8;
	[tilespmem:$0x1F000] =	vst v63  }
0xcb: {  	_ =	swait.ge [sflag:s31], $0x1000  }
0xcc: {  	[sflag:s31] =	ssyncset.done $0x0  }
0xcd: {  	s0 =	simm.s32 $0xB00;
	[sflag:s31] =	ssyncadd.s32 $0xFFFFF000  }
0xce: {  	[spmem:s2] =	stream.indirect.scatter.add.f32 [tilespmem:s25], [sflag:$0xF], $0x80, s0, s3, $0xb8;
	[tilespmem:$0x1F000] =	vst v63  }
0xcf: {  	_ =	swait.ge [sflag:s14], $0x1000  }
0xd0: {  	[sflag:s14] =	ssyncset.done $0x0  }
0xd1: {  	s0 =	simm.s32 $0x580;
	[sflag:s14] =	ssyncadd.s32 $0xFFFFF000  }
0xd2: {  	[tilespmem:s15], [sflag:$0x4] =	stream.indirect.gather [hbm4b:s1+s3], $0x80, s0, s3, $0xb8;
	[tilespmem:$0x1F000] =	vst v63  }
0xd3: {  	_ =	swait.ge [sflag:s22], $0x1000  }
0xd4: {  	[sflag:s22] =	ssyncset.done $0x0  }
0xd5: {  	s0 =	simm.s32 $0xB80;
	[sflag:s22] =	ssyncadd.s32 $0xFFFFF000  }
0xd6: {  	[spmem:s2] =	stream.indirect.scatter.add.f32 [tilespmem:s30], [sflag:$0x10], $0x80, s0, s3, $0xb8;
	[tilespmem:$0x1F000] =	vst v63  }
0xd7: {  	_ =	swait.ge [sflag:s9], $0x1000  }
0xd8: {  	[sflag:s9] =	ssyncset.done $0x0  }
0xd9: {  	s0 =	simm.s32 $0x600;
	[sflag:s9] =	ssyncadd.s32 $0xFFFFF000  }
0xda: {  	[tilespmem:s6], [sflag:$0x5] =	stream.indirect.gather [hbm4b:s1+s3], $0x80, s0, s3, $0xb8;
	[tilespmem:$0x1F000] =	vst v63  }
0xdb: {  	_ =	swait.ge [sflag:s16], $0x1000  }
0xdc: {  	[sflag:s16] =	ssyncset.done $0x0  }
0xdd: {  	s0 =	simm.s32 $0xC00;
	[sflag:s16] =	ssyncadd.s32 $0xFFFFF000  }
0xde: {  	[spmem:s2] =	stream.indirect.scatter.add.f32 [tilespmem:s8], [sflag:$0x9], $0x80, s0, s3, $0xb8;
	[tilespmem:$0x1F000] =	vst v63  }
0xdf: {  	_ =	swait.ge [sflag:s18], $0x1000  }
0xe0: {  	[sflag:s18] =	ssyncset.done $0x0  }
0xe1: {  	s0 =	simm.s32 $0x680;
	[sflag:s18] =	ssyncadd.s32 $0xFFFFF000  }
0xe2: {  	[tilespmem:s19], [sflag:$0x6] =	stream.indirect.gather [hbm4b:s1+s3], $0x80, s0, s3, $0xb8;
	[tilespmem:$0x1F000] =	vst v63  }
0xe3: {  	_ =	swait.ge [sflag:s20], $0x1000  }
0xe4: {  	[sflag:s20] =	ssyncset.done $0x0  }
0xe5: {  	s0 =	simm.s32 $0xC80;
	[sflag:s20] =	ssyncadd.s32 $0xFFFFF000  }
0xe6: {  	[spmem:s2] =	stream.indirect.scatter.add.f32 [tilespmem:s10], [sflag:$0xA], $0x80, s0, s3, $0xb8;
	[tilespmem:$0x1F000] =	vst v63  }
0xe7: {  	_ =	swait.ge [sflag:s29], $0x1000  }
0xe8: {  	[sflag:s29] =	ssyncset.done $0x0  }
0xe9: {  	s0 =	simm.s32 $0x700;
	[sflag:s29] =	ssyncadd.s32 $0xFFFFF000  }
0xea: {  	[tilespmem:s25], [sflag:$0x7] =	stream.indirect.gather [hbm4b:s1+s3], $0x80, s0, s3, $0xb8;
	[tilespmem:$0x1F000] =	vst v63  }
0xeb: {  	_ =	swait.ge [sflag:s26], $0x1000  }
0xec: {  	[sflag:s26] =	ssyncset.done $0x0  }
0xed: {  	s0 =	simm.s32 $0xD00;
	[sflag:s26] =	ssyncadd.s32 $0xFFFFF000  }
0xee: {  	[spmem:s2] =	stream.indirect.scatter.add.f32 [tilespmem:s12], [sflag:$0xB], $0x80, s0, s3, $0xb8;
	[tilespmem:$0x1F000] =	vst v63  }
0xef: {  	_ =	swait.ge [sflag:s4], $0x1000  }
0xf0: {  	[sflag:s4] =	ssyncset.done $0x0  }
0xf1: {  	s0 =	simm.s32 $0x780;
	[sflag:s4] =	ssyncadd.s32 $0xFFFFF000  }
0xf2: {  	[tilespmem:s30], [sflag:$0x8] =	stream.indirect.gather [hbm4b:s1+s3], $0x80, s0, s3, $0xb8;
	[tilespmem:$0x1F000] =	vst v63  }
0xf3: {  	_ =	swait.ge [sflag:s5], $0x1000  }
0xf4: {  	[sflag:s5] =	ssyncset.done $0x0  }
0xf5: {  	s0 =	simm.s32 $0xD80;
	[sflag:s5] =	ssyncadd.s32 $0xFFFFF000  }
0xf6: {  	[spmem:s2] =	stream.indirect.scatter.add.f32 [tilespmem:s15], [sflag:$0xC], $0x80, s0, s3, $0xb8;
	[tilespmem:$0x1F000] =	vst v63  }
0xf7: {  	_ =	swait.ge [sflag:s7], $0x1000  }
0xf8: {  	[sflag:s7] =	ssyncset.done $0x0  }
0xf9: {  	[sflag:s7] =	ssyncadd.s32 $0xFFFFF000  }
0xfa: {  	_ =	swait.ge [sflag:s11], $0x1000  }
0xfb: {  	[sflag:s11] =	ssyncset.done $0x0  }
0xfc: {  	s0 =	simm.s32 $0xE00;
	[sflag:s11] =	ssyncadd.s32 $0xFFFFF000  }
0xfd: {  	[spmem:s2] =	stream.indirect.scatter.add.f32 [tilespmem:s6], [sflag:$0xD], $0x80, s0, s3, $0xb8;
	[tilespmem:$0x1F000] =	vst v63  }
0xfe: {  	_ =	swait.ge [sflag:s17], $0x1000  }
0xff: {  	[sflag:s17] =	ssyncset.done $0x0  }
0x100: {  	[sflag:s17] =	ssyncadd.s32 $0xFFFFF000  }
0x101: {  	_ =	swait.ge [sflag:s21], $0x1000  }
0x102: {  	[sflag:s21] =	ssyncset.done $0x0  }
0x103: {  	s0 =	simm.s32 $0xE80;
	[sflag:s21] =	ssyncadd.s32 $0xFFFFF000  }
0x104: {  	[spmem:s2] =	stream.indirect.scatter.add.f32 [tilespmem:s19], [sflag:$0xE], $0x80, s0, s3, $0xb8;
	[tilespmem:$0x1F000] =	vst v63  }
0x105: {  	_ =	swait.ge [sflag:s28], $0x1000  }
0x106: {  	[sflag:s28] =	ssyncset.done $0x0  }
0x107: {  	[sflag:s28] =	ssyncadd.s32 $0xFFFFF000  }
0x108: {  	_ =	swait.ge [sflag:s31], $0x1000  }
0x109: {  	[sflag:s31] =	ssyncset.done $0x0  }
0x10a: {  	s0 =	simm.s32 $0xF00;
	[sflag:s31] =	ssyncadd.s32 $0xFFFFF000  }
0x10b: {  	[spmem:s2] =	stream.indirect.scatter.add.f32 [tilespmem:s25], [sflag:$0xF], $0x80, s0, s3, $0xb8;
	[tilespmem:$0x1F000] =	vst v63  }
0x10c: {  	_ =	swait.ge [sflag:s14], $0x1000  }
0x10d: {  	[sflag:s14] =	ssyncset.done $0x0  }
0x10e: {  	[sflag:s14] =	ssyncadd.s32 $0xFFFFF000  }
0x10f: {  	_ =	swait.ge [sflag:s22], $0x1000  }
0x110: {  	[sflag:s22] =	ssyncset.done $0x0  }
0x111: {  	s0 =	simm.s32 $0xF80;
	[sflag:s22] =	ssyncadd.s32 $0xFFFFF000  }
0x112: {  	[spmem:s2] =	stream.indirect.scatter.add.f32 [tilespmem:s30], [sflag:$0x10], $0x80, s0, s3, $0xb8;
	[tilespmem:$0x1F000] =	vst v63  }
0x113: {  	_ =	swait.ge [sflag:s9], $0x1000  }
0x114: {  	[sflag:s9] =	ssyncset.done $0x0  }
0x115: {  	[sflag:s9] =	ssyncadd.s32 $0xFFFFF000  }
0x116: {  	_ =	swait.ge [sflag:s18], $0x1000  }
0x117: {  	[sflag:s18] =	ssyncset.done $0x0  }
0x118: {  	[sflag:s18] =	ssyncadd.s32 $0xFFFFF000  }
0x119: {  	_ =	swait.ge [sflag:s29], $0x1000  }
0x11a: {  	[sflag:s29] =	ssyncset.done $0x0  }
0x11b: {  	[sflag:s29] =	ssyncadd.s32 $0xFFFFF000  }
0x11c: {  	_ =	swait.ge [sflag:s4], $0x1000  }
0x11d: {  	[sflag:s4] =	ssyncset.done $0x0  }
0x11e: {  	[sflag:s4] =	ssyncadd.s32 $0xFFFFF000  }
0x11f: {  	_ =	swait.ge [sflag:s23], $0x1000  }
0x120: {  	[sflag:s23] =	ssyncset.done $0x0  }
0x121: {  	[sflag:s23] =	ssyncadd.s32 $0xFFFFF000  }
0x122: {  	[tilespmem:s8], [sflag:$0x1] =	stream.indirect.gather [hbm4b:s1+s3], $0x80, s13, s3, $0xb8;
	[tilespmem:$0x1F000] =	vst v63  }
0x123: {  	s13 =	simm.s32 $0x1080  }
0x124: {  	[tilespmem:s10], [sflag:$0x2] =	stream.indirect.gather [hbm4b:s1+s3], $0x80, s13, s3, $0xb8;
	[tilespmem:$0x1F000] =	vst v63  }
0x125: {  	s13 =	simm.s32 $0x1100  }
0x126: {  	[tilespmem:s12], [sflag:$0x3] =	stream.indirect.gather [hbm4b:s1+s3], $0x80, s13, s3, $0xb8;
	[tilespmem:$0x1F000] =	vst v63  }
0x127: {  	p0 =	seq.s32 s24, $0x2400;
	s0 =	rddreg [dreg:$0x16];
	s13 =	simm.s32 $0x1180  }
0x128: {  	[tilespmem:s15], [sflag:$0x4] =	stream.indirect.gather [hbm4b:s1+s3], $0x80, s13, s3, $0xb8;
	[tilespmem:$0x1F000] =	vst v63  }
0x129: {  	s0 =	sadd.s32 @!p0 s24, s0;
	s13 =	simm.s32 @!p0 $0x0  }
0x12a: {  	[tilespmem:s13], [sflag:$0x11] =	stream.linear.gather @!p0 [hbm4b:s0+s13], $0x1000, $0x38;
	[tilespmem:$0x1F000] =	vst v63  }
0x12b: {  	s13 =	simm.s32 $0x1200  }
0x12c: {  	[tilespmem:s6], [sflag:$0x5] =	stream.indirect.gather [hbm4b:s1+s3], $0x80, s13, s3, $0xb8;
	[tilespmem:$0x1F000] =	vst v63  }
0x12d: {  	_ =	swait.ge [sflag:s16], $0x1000  }
0x12e: {  	[sflag:s16] =	ssyncset.done $0x0  }
0x12f: {  	s13 =	simm.s32 $0x1800;
	[sflag:s16] =	ssyncadd.s32 $0xFFFFF000  }
0x130: {  	[spmem:s2] =	stream.indirect.scatter.add.f32 [tilespmem:s8], [sflag:$0x9], $0x80, s13, s3, $0xb8;
	[tilespmem:$0x1F000] =	vst v63  }
0x131: {  	s13 =	simm.s32 $0x1280  }
0x132: {  	[tilespmem:s19], [sflag:$0x6] =	stream.indirect.gather [hbm4b:s1+s3], $0x80, s13, s3, $0xb8;
	[tilespmem:$0x1F000] =	vst v63  }
0x133: {  	_ =	swait.ge [sflag:s20], $0x1000  }
0x134: {  	[sflag:s20] =	ssyncset.done $0x0  }
0x135: {  	s13 =	simm.s32 $0x1880;
	[sflag:s20] =	ssyncadd.s32 $0xFFFFF000  }
0x136: {  	[spmem:s2] =	stream.indirect.scatter.add.f32 [tilespmem:s10], [sflag:$0xA], $0x80, s13, s3, $0xb8;
	[tilespmem:$0x1F000] =	vst v63  }
0x137: {  	s13 =	simm.s32 $0x1300  }
0x138: {  	[tilespmem:s25], [sflag:$0x7] =	stream.indirect.gather [hbm4b:s1+s3], $0x80, s13, s3, $0xb8;
	[tilespmem:$0x1F000] =	vst v63  }
0x139: {  	_ =	swait.ge [sflag:s26], $0x1000  }
0x13a: {  	[sflag:s26] =	ssyncset.done $0x0  }
0x13b: {  	s13 =	simm.s32 $0x1900;
	[sflag:s26] =	ssyncadd.s32 $0xFFFFF000  }
0x13c: {  	[spmem:s2] =	stream.indirect.scatter.add.f32 [tilespmem:s12], [sflag:$0xB], $0x80, s13, s3, $0xb8;
	[tilespmem:$0x1F000] =	vst v63  }
0x13d: {  	s13 =	simm.s32 $0x1380  }
0x13e: {  	[tilespmem:s30], [sflag:$0x8] =	stream.indirect.gather [hbm4b:s1+s3], $0x80, s13, s3, $0xb8;
	[tilespmem:$0x1F000] =	vst v63  }
0x13f: {  	_ =	swait.ge [sflag:s5], $0x1000  }
0x140: {  	[sflag:s5] =	ssyncset.done $0x0  }
0x141: {  	s13 =	simm.s32 $0x1980;
	[sflag:s5] =	ssyncadd.s32 $0xFFFFF000  }
0x142: {  	[spmem:s2] =	stream.indirect.scatter.add.f32 [tilespmem:s15], [sflag:$0xC], $0x80, s13, s3, $0xb8;
	[tilespmem:$0x1F000] =	vst v63  }
0x143: {  	_ =	swait.ge [sflag:s7], $0x1000  }
0x144: {  	[sflag:s7] =	ssyncset.done $0x0  }
0x145: {  	s13 =	simm.s32 $0x1400;
	[sflag:s7] =	ssyncadd.s32 $0xFFFFF000  }
0x146: {  	[tilespmem:s8], [sflag:$0x1] =	stream.indirect.gather [hbm4b:s1+s3], $0x80, s13, s3, $0xb8;
	[tilespmem:$0x1F000] =	vst v63  }
0x147: {  	_ =	swait.ge [sflag:s11], $0x1000  }
0x148: {  	[sflag:s11] =	ssyncset.done $0x0  }
0x149: {  	s13 =	simm.s32 $0x1A00;
	[sflag:s11] =	ssyncadd.s32 $0xFFFFF000  }
0x14a: {  	[spmem:s2] =	stream.indirect.scatter.add.f32 [tilespmem:s6], [sflag:$0xD], $0x80, s13, s3, $0xb8;
	[tilespmem:$0x1F000] =	vst v63  }
0x14b: {  	_ =	swait.ge [sflag:s17], $0x1000  }
0x14c: {  	[sflag:s17] =	ssyncset.done $0x0  }
0x14d: {  	s13 =	simm.s32 $0x1480;
	[sflag:s17] =	ssyncadd.s32 $0xFFFFF000  }
0x14e: {  	[tilespmem:s10], [sflag:$0x2] =	stream.indirect.gather [hbm4b:s1+s3], $0x80, s13, s3, $0xb8;
	[tilespmem:$0x1F000] =	vst v63  }
0x14f: {  	_ =	swait.ge [sflag:s21], $0x1000  }
0x150: {  	[sflag:s21] =	ssyncset.done $0x0  }
0x151: {  	s13 =	simm.s32 $0x1A80;
	[sflag:s21] =	ssyncadd.s32 $0xFFFFF000  }
0x152: {  	[spmem:s2] =	stream.indirect.scatter.add.f32 [tilespmem:s19], [sflag:$0xE], $0x80, s13, s3, $0xb8;
	[tilespmem:$0x1F000] =	vst v63  }
0x153: {  	_ =	swait.ge [sflag:s28], $0x1000  }
0x154: {  	[sflag:s28] =	ssyncset.done $0x0  }
0x155: {  	s13 =	simm.s32 $0x1500;
	[sflag:s28] =	ssyncadd.s32 $0xFFFFF000  }
0x156: {  	[tilespmem:s12], [sflag:$0x3] =	stream.indirect.gather [hbm4b:s1+s3], $0x80, s13, s3, $0xb8;
	[tilespmem:$0x1F000] =	vst v63  }
0x157: {  	_ =	swait.ge [sflag:s31], $0x1000  }
0x158: {  	[sflag:s31] =	ssyncset.done $0x0  }
0x159: {  	s13 =	simm.s32 $0x1B00;
	[sflag:s31] =	ssyncadd.s32 $0xFFFFF000  }
0x15a: {  	[spmem:s2] =	stream.indirect.scatter.add.f32 [tilespmem:s25], [sflag:$0xF], $0x80, s13, s3, $0xb8;
	[tilespmem:$0x1F000] =	vst v63  }
0x15b: {  	_ =	swait.ge [sflag:s14], $0x1000  }
0x15c: {  	[sflag:s14] =	ssyncset.done $0x0  }
0x15d: {  	s13 =	simm.s32 $0x1580;
	[sflag:s14] =	ssyncadd.s32 $0xFFFFF000  }
0x15e: {  	[tilespmem:s15], [sflag:$0x4] =	stream.indirect.gather [hbm4b:s1+s3], $0x80, s13, s3, $0xb8;
	[tilespmem:$0x1F000] =	vst v63  }
0x15f: {  	_ =	swait.ge [sflag:s22], $0x1000  }
0x160: {  	[sflag:s22] =	ssyncset.done $0x0  }
0x161: {  	s13 =	simm.s32 $0x1B80;
	[sflag:s22] =	ssyncadd.s32 $0xFFFFF000  }
0x162: {  	[spmem:s2] =	stream.indirect.scatter.add.f32 [tilespmem:s30], [sflag:$0x10], $0x80, s13, s3, $0xb8;
	[tilespmem:$0x1F000] =	vst v63  }
0x163: {  	_ =	swait.ge [sflag:s9], $0x1000  }
0x164: {  	[sflag:s9] =	ssyncset.done $0x0  }
0x165: {  	s13 =	simm.s32 $0x1600;
	[sflag:s9] =	ssyncadd.s32 $0xFFFFF000  }
0x166: {  	[tilespmem:s6], [sflag:$0x5] =	stream.indirect.gather [hbm4b:s1+s3], $0x80, s13, s3, $0xb8;
	[tilespmem:$0x1F000] =	vst v63  }
0x167: {  	_ =	swait.ge [sflag:s16], $0x1000  }
0x168: {  	[sflag:s16] =	ssyncset.done $0x0  }
0x169: {  	s13 =	simm.s32 $0x1C00;
	[sflag:s16] =	ssyncadd.s32 $0xFFFFF000  }
0x16a: {  	[spmem:s2] =	stream.indirect.scatter.add.f32 [tilespmem:s8], [sflag:$0x9], $0x80, s13, s3, $0xb8;
	[tilespmem:$0x1F000] =	vst v63  }
0x16b: {  	_ =	swait.ge [sflag:s18], $0x1000  }
0x16c: {  	[sflag:s18] =	ssyncset.done $0x0  }
0x16d: {  	s8 =	simm.s32 $0x1680;
	[sflag:s18] =	ssyncadd.s32 $0xFFFFF000  }
0x16e: {  	[tilespmem:s19], [sflag:$0x6] =	stream.indirect.gather [hbm4b:s1+s3], $0x80, s8, s3, $0xb8;
	[tilespmem:$0x1F000] =	vst v63  }
0x16f: {  	_ =	swait.ge [sflag:s20], $0x1000  }
0x170: {  	[sflag:s20] =	ssyncset.done $0x0  }
0x171: {  	s13 =	simm.s32 $0x1C80;
	[sflag:s20] =	ssyncadd.s32 $0xFFFFF000  }
0x172: {  	[spmem:s2] =	stream.indirect.scatter.add.f32 [tilespmem:s10], [sflag:$0xA], $0x80, s13, s3, $0xb8;
	[tilespmem:$0x1F000] =	vst v63  }
0x173: {  	_ =	swait.ge [sflag:s29], $0x1000  }
0x174: {  	[sflag:s29] =	ssyncset.done $0x0  }
0x175: {  	s8 =	simm.s32 $0x1700;
	[sflag:s29] =	ssyncadd.s32 $0xFFFFF000  }
0x176: {  	[tilespmem:s25], [sflag:$0x7] =	stream.indirect.gather [hbm4b:s1+s3], $0x80, s8, s3, $0xb8;
	[tilespmem:$0x1F000] =	vst v63  }
0x177: {  	_ =	swait.ge [sflag:s26], $0x1000  }
0x178: {  	[sflag:s26] =	ssyncset.done $0x0  }
0x179: {  	s10 =	simm.s32 $0x1D00;
	[sflag:s26] =	ssyncadd.s32 $0xFFFFF000  }
0x17a: {  	[spmem:s2] =	stream.indirect.scatter.add.f32 [tilespmem:s12], [sflag:$0xB], $0x80, s10, s3, $0xb8;
	[tilespmem:$0x1F000] =	vst v63  }
0x17b: {  	_ =	swait.ge [sflag:s4], $0x1000  }
0x17c: {  	[sflag:s4] =	ssyncset.done $0x0  }
0x17d: {  	s13 =	simm.s32 $0x1780;
	[sflag:s4] =	ssyncadd.s32 $0xFFFFF000  }
0x17e: {  	[tilespmem:s30], [sflag:$0x8] =	stream.indirect.gather [hbm4b:s1+s3], $0x80, s13, s3, $0xb8;
	[tilespmem:$0x1F000] =	vst v63  }
0x17f: {  	_ =	swait.ge [sflag:s5], $0x1000  }
0x180: {  	[sflag:s5] =	ssyncset.done $0x0  }
0x181: {  	s8 =	simm.s32 $0x1D80;
	[sflag:s5] =	ssyncadd.s32 $0xFFFFF000  }
0x182: {  	[spmem:s2] =	stream.indirect.scatter.add.f32 [tilespmem:s15], [sflag:$0xC], $0x80, s8, s3, $0xb8;
	[tilespmem:$0x1F000] =	vst v63  }
0x183: {  	_ =	swait.ge [sflag:s7], $0x1000  }
0x184: {  	[sflag:s7] =	ssyncset.done $0x0  }
0x185: {  	[sflag:s7] =	ssyncadd.s32 $0xFFFFF000  }
0x186: {  	_ =	swait.ge [sflag:s11], $0x1000  }
0x187: {  	[sflag:s11] =	ssyncset.done $0x0  }
0x188: {  	s10 =	simm.s32 $0x1E00;
	[sflag:s11] =	ssyncadd.s32 $0xFFFFF000  }
0x189: {  	[spmem:s2] =	stream.indirect.scatter.add.f32 [tilespmem:s6], [sflag:$0xD], $0x80, s10, s3, $0xb8;
	[tilespmem:$0x1F000] =	vst v63  }
0x18a: {  	_ =	swait.ge [sflag:s17], $0x1000  }
0x18b: {  	[sflag:s17] =	ssyncset.done $0x0  }
0x18c: {  	[sflag:s17] =	ssyncadd.s32 $0xFFFFF000  }
0x18d: {  	_ =	swait.ge [sflag:s21], $0x1000  }
0x18e: {  	[sflag:s21] =	ssyncset.done $0x0  }
0x18f: {  	s12 =	simm.s32 $0x1E80;
	[sflag:s21] =	ssyncadd.s32 $0xFFFFF000  }
0x190: {  	[spmem:s2] =	stream.indirect.scatter.add.f32 [tilespmem:s19], [sflag:$0xE], $0x80, s12, s3, $0xb8;
	[tilespmem:$0x1F000] =	vst v63  }
0x191: {  	_ =	swait.ge [sflag:s28], $0x1000  }
0x192: {  	[sflag:s28] =	ssyncset.done $0x0  }
0x193: {  	[sflag:s28] =	ssyncadd.s32 $0xFFFFF000  }
0x194: {  	_ =	swait.ge [sflag:s31], $0x1000  }
0x195: {  	[sflag:s31] =	ssyncset.done $0x0  }
0x196: {  	s13 =	simm.s32 $0x1F00;
	[sflag:s31] =	ssyncadd.s32 $0xFFFFF000  }
0x197: {  	[spmem:s2] =	stream.indirect.scatter.add.f32 [tilespmem:s25], [sflag:$0xF], $0x80, s13, s3, $0xb8;
	[tilespmem:$0x1F000] =	vst v63  }
0x198: {  	_ =	swait.ge [sflag:s14], $0x1000  }
0x199: {  	[sflag:s14] =	ssyncset.done $0x0  }
0x19a: {  	[sflag:s14] =	ssyncadd.s32 $0xFFFFF000  }
0x19b: {  	_ =	swait.ge [sflag:s22], $0x1000  }
0x19c: {  	[sflag:s22] =	ssyncset.done $0x0  }
0x19d: {  	s15 =	simm.s32 $0x1F80;
	[sflag:s22] =	ssyncadd.s32 $0xFFFFF000  }
0x19e: {  	[spmem:s2] =	stream.indirect.scatter.add.f32 [tilespmem:s30], [sflag:$0x10], $0x80, s15, s3, $0xb8;
	[tilespmem:$0x1F000] =	vst v63  }
0x19f: {  	_ =	swait.ge [sflag:s9], $0x1000  }
0x1a0: {  	[sflag:s9] =	ssyncset.done $0x0  }
0x1a1: {  	[sflag:s9] =	ssyncadd.s32 $0xFFFFF000  }
0x1a2: {  	_ =	swait.ge [sflag:s18], $0x1000  }
0x1a3: {  	[sflag:s18] =	ssyncset.done $0x0  }
0x1a4: {  	[sflag:s18] =	ssyncadd.s32 $0xFFFFF000  }
0x1a5: {  	_ =	swait.ge [sflag:s29], $0x1000  }
.Ltmp3:
0x1a6: {  	[sflag:s29] =	ssyncset.done $0x0;
	(pc) =	sbr.rel @p0 .LBB2_6-.Ltmp3, $4  }
0x1a7: {  	[sflag:s29] =	ssyncadd.s32 $0xFFFFF000  }
0x1a8: {  	_ =	swait.ge [sflag:s4], $0x1000  }
0x1a9: {  	s8 =	simm.s32 $0x3000;
	s6 =	simm.s32 $0x2000;
	[sflag:s4] =	ssyncset.done $0x0  }
0x1aa: {  	s10 =	simm.s32 $0x4000;
	s12 =	simm.s32 $0x5000;
	[sflag:s4] =	ssyncadd.s32 $0xFFFFF000  }
0x1ab: {  	_ =	swait.ge [sflag:s23], $0x1000  }
0x1ac: {  	[sflag:s23] =	ssyncset.done $0x0  }
0x1ad: {  	s0 =	simm.s32 $0x0;
	[sflag:s23] =	ssyncadd.s32 $0xFFFFF000  }
0x1ae: {  	[tilespmem:s6], [sflag:$0x1] =	stream.indirect.gather [hbm4b:s1+s3], $0x80, s0, s3, $0xb8;
	[tilespmem:$0x1F000] =	vst v63  }
0x1af: {  	s6 =	simm.s32 $0x80  }
0x1b0: {  	[tilespmem:s8], [sflag:$0x2] =	stream.indirect.gather [hbm4b:s1+s3], $0x80, s6, s3, $0xb8;
	[tilespmem:$0x1F000] =	vst v63  }
.Ltmp4:
0x1b1: {  	s13 =	simm.s32 $0x100;
	(pc) =	sbr.rel .LBB2_4-.Ltmp4, $4  }
0x1b2: {  	[tilespmem:s10], [sflag:$0x3] =	stream.indirect.gather [hbm4b:s1+s3], $0x80, s13, s3, $0xb8;
	[tilespmem:$0x1F000] =	vst v63  }
0x1b3: {  	s15 =	simm.s32 $0x180;
	s24 =	sadd.s32 $0x400, s24;
	s8 =	simm.s32 $0x2000  }
0x1b4: {  	[tilespmem:s12], [sflag:$0x4] =	stream.indirect.gather [hbm4b:s1+s3], $0x80, s15, s3, $0xb8;
	[tilespmem:$0x1F000] =	vst v63  }
0x1b5: {  	s10 =	simm.s32 $0x3000;
	s15 =	simm.s32 $0x5000;
	s12 =	simm.s32 $0x4000  }
.LBB2_7:
0x1b6: {  	_ =	sfence.sel $0x180000  }
0x1b7: {  	[bflag:$0x0] =	sbarrier.arrive $0xFFFF  }
0x1b8: {  	_ =	strace $0x9000004D  }
0x1b9: {  	s0 =	stileid.u32;
	[bflag:$0x2] =	sbarrier.arrive $0xFFFF  }
0x1ba: {  	p0 =	sne.s32 s0, $0x0;
	s0 =	rddreg [dreg:$0x3]  }
0x1bb: {  	s0 =	sadd.s32 @!p0 $0x100000, s0  }
0x1bc: {  	[sflag:s0] =	ssyncadd.tile.s32 @!p0 $0x1;
	_ =	shalt  }
.Lfunc_end2:
_tile_overlayer_lowered:
.L_overlay_start_2:
0x1bd: {  	(tag) =	ssettag $0x2  }
0x1be: {  	s0 =	rddreg [dreg:$0x0];
	s2 =	stileid.u32  }
0x1bf: {  	s1 =	rddreg [dreg:$0x1];
	p0 =	sne.s32 s2, $0x0  }
0x1c0: {  	s3 =	rddreg [dreg:$0x2];
	[bflag:$0x3] =	sbarrier.arrive $0xFFFF;
	s2 =	simm.s32 @!p0 $0x1C12  }
0x1c1: {  	[timem:s3], [sflag:s2] =	dma.local @!p0 [hbm:s0], s1  }
0x1c2: {  	s0 =	simm.s32 @!p0 $0x12  }
0x1c3: {  	_ =	swait.ge @!p0 [sflag:s0], s1  }
0x1c4: {  	s1 =	ssub.s32 @!p0 $0x0, s1;
	[sflag:s0] =	ssyncset.done @!p0 $0x0  }
0x1c5: {  	[sflag:s0] =	ssyncadd.s32 @!p0 s1  }
0x1c6: {  	[bflag:$0x3] =	sbarrier.arrive $0xFFFF  }
0x1c7: {  	_ =	shalt  }

// kernel: kernel.8.cloned.1.call-start
scs
__scs_entry_jumppad:
0x0: {  	(pc) =	sbr.rel $0x88, $3  }
0x1: {  	(tag) =	ssettag $0x0;
	lr =	simm.s32 $0x1  }
0x2: {  	[smem:$0x3F9B] =	sst lr;
	_ =	strace $0xD0000000  }
0x3: {  	_ = 	snop  }
0x4: {  	_ = 	snop  }
0x5: {  	_ = 	snop  }
0x6: {  	_ = 	snop  }
0x7: {  	_ = 	snop  }
__scs_overlays_trampoline_lowered:
0x8: {  	[smem:$0x3FAA] =	sst s0  }
0x9: {  	[smem:$0x3FAB] =	sst s1  }
0xa: {  	[smem:$0x3FAC] =	sst s2  }
0xb: {  	[smem:$0x3FAD] =	sst s3  }
0xc: {  	[smem:$0x3FAE] =	sst s4  }
0xd: {  	[smem:$0x3FAF] =	sst s5  }
0xe: {  	[smem:$0x3FB0] =	sst s6  }
0xf: {  	[smem:$0x3FB1] =	sst s7  }
0x10: {  	[smem:$0x3FB2] =	sst s8  }
0x11: {  	[smem:$0x3FB3] =	sst s9;
	s0 =	simm.s32 @!p0 $0x0  }
0x12: {  	s1 =	sld [smem:$0x3F99];
	s0 =	simm.s32 @p0 $0x1  }
0x13: {  	[smem:$0x3FB4] =	sst s0;
	s0 =	simm.s32 @!p1 $0x0  }
0x14: {  	s2 =	sld [smem:$0x3F98];
	s0 =	simm.s32 @p1 $0x1  }
0x15: {  	[smem:$0x3FB5] =	sst s0;
	s0 =	simm.s32 @!p2 $0x0  }
0x16: {  	s3 =	sld [smem:$0x3FDB];
	s0 =	simm.s32 @p2 $0x1  }
0x17: {  	s4 =	simm.s32 $0x1BF5;
	[smem:$0x3FB7] =	sst s0  }
0x18: {  	s0 =	sld [smem:$0x3F9A];
	_ =	swait.ge [sflag:s4], $0x0  }
0x19: {  	s7 =	sld [smem:$0x3F9B]  }
0x1a: {  	s8 =	sadd.s32 $0xFFFFE003, lr  }
0x1b: {  	s9 =	sadd.s32 $0xFFFFFEF7, lr;
	s5 =	simm.s32 $0xFFFFFFFF;
	p2 =	slt.u32 s8, $0xFFFFF086  }
0x1c: {  	p1 =	slt.u32 s9, $0xF7A;
	s5 =	simm.s32 @!p2 $0x0  }
0x1d: {  	s5 =	simm.s32 @p1 $0x1;
	p0 =	seq.s32 s7, s2  }
0x1e: {  	s7 =	smul.u32 @!p0 $0xF7A, s2;
	p2 =	seq.s32 @!p0 s5, $0x0  }
0x1f: {  	s9 =	smul.u32 $0xF7A, s1;
	s8 =	simm.s32 @!p0 $0x1BF5;
	p2 =	por !p2, p0  }
0x20: {  	[sflag:s8] =	ssyncset.s32 @!p0 $0xFFFFF086;
	s6 =	sadd.s32 @!p0 s3, s7;
	s7 =	simm.s32 @!p0 $0x108  }
0x21: {  	s3 =	sadd.s32 s3, s9;
	s6 =	sadd.s32 @!p0 $0x88, s6;
	s7 =	simm.s32 @p2 $0x1082  }
0x22: {  	[simem:s7], [sflag:s8] =	dma.local @!p0 [hbm:s6], $0xF7A  }
0x23: {  	s9 =	sor.u32 $0xD0000000, s2;
	s6 =	simm.s32 $0x108;
	_ =	swait.ge @!p0 [sflag:s8], $0x0  }
0x24: {  	s3 =	sadd.s32 $0x88, s3;
	s6 =	simm.s32 @!p1 $0x1082;
	[sflag:s4] =	ssyncset.s32 $0xFFFFF086  }
0x25: {  	[simem:s6], [sflag:s4] =	dma.local [hbm:s3], $0xF7A  }
0x26: {  	[smem:$0x3F9B] =	sst s1;
	(tag) =	ssettag s2;
	_ =	strace s9  }
0x27: {  	s1 =	sld [smem:$0x3FAB]  }
0x28: {  	s2 =	sld [smem:$0x3FAC]  }
0x29: {  	s4 =	sld [smem:$0x3FAE]  }
0x2a: {  	p0 =	seq.s32 s5, $0x0;
	s5 =	sld [smem:$0x3FAF]  }
0x2b: {  	s6 =	sld [smem:$0x3FB0]  }
0x2c: {  	s7 =	sld [smem:$0x3FB1]  }
0x2d: {  	s3 =	simm.s32 $0x108;
	s8 =	sld [smem:$0x3FB2]  }
0x2e: {  	s3 =	simm.s32 @!p0 $0x1082;
	s9 =	sld [smem:$0x3FB3]  }
0x2f: {  	lr =	sadd.s32 s0, s3;
	s0 =	sld [smem:$0x3FAA]  }
0x30: {  	s3 =	sld [smem:$0x3FAD]  }
0x31: {  	[smem:$0x3FB6] =	sst s10  }
0x32: {  	s10 =	sld [smem:$0x3FB4];
	_ =	sdelay $0x3  }
0x33: {  	p0 =	seq.s32 s10, $0x1;
	s10 =	sld [smem:$0x3FB6];
	_ =	sdelay $0x3  }
0x34: {  	[smem:$0x3FB6] =	sst s10  }
0x35: {  	s10 =	sld [smem:$0x3FB5];
	_ =	sdelay $0x3  }
0x36: {  	p1 =	seq.s32 s10, $0x1;
	s10 =	sld [smem:$0x3FB6];
	_ =	sdelay $0x3  }
0x37: {  	[smem:$0x3FB6] =	sst s10  }
0x38: {  	s10 =	sld [smem:$0x3FB7]  }
0x39: {  	_ = 	snop;
	(pc) =	sbr.ind lr, $3  }
0x3a: {  	_ = 	snop  }
0x3b: {  	_ = 	snop  }
0x3c: {  	p2 =	seq.s32 s10, $0x1;
	s10 =	sld [smem:$0x3FB6]  }
0x3d: {  	_ =	shalt  }
0x3e: {  	_ =	shalt  }
0x3f: {  	_ =	shalt  }
0x40: {  	_ =	shalt  }
0x41: {  	_ =	shalt  }
0x42: {  	_ =	shalt  }
0x43: {  	_ =	shalt  }
0x44: {  	_ =	shalt  }
0x45: {  	_ =	shalt  }
0x46: {  	_ =	shalt  }
0x47: {  	_ =	shalt  }
0x48: {  	_ =	shalt  }
0x49: {  	_ =	shalt  }
0x4a: {  	_ =	shalt  }
0x4b: {  	_ =	shalt  }
0x4c: {  	_ =	shalt  }
0x4d: {  	_ =	shalt  }
0x4e: {  	_ =	shalt  }
0x4f: {  	_ =	shalt  }
0x50: {  	_ =	shalt  }
0x51: {  	_ =	shalt  }
0x52: {  	_ =	shalt  }
0x53: {  	_ =	shalt  }
0x54: {  	_ =	shalt  }
0x55: {  	_ =	shalt  }
0x56: {  	_ =	shalt  }
0x57: {  	_ =	shalt  }
0x58: {  	_ =	shalt  }
0x59: {  	_ =	shalt  }
0x5a: {  	_ =	shalt  }
0x5b: {  	_ =	shalt  }
0x5c: {  	_ =	shalt  }
0x5d: {  	_ =	shalt  }
0x5e: {  	_ =	shalt  }
0x5f: {  	_ =	shalt  }
0x60: {  	_ =	shalt  }
0x61: {  	_ =	shalt  }
0x62: {  	_ =	shalt  }
0x63: {  	_ =	shalt  }
0x64: {  	_ =	shalt  }
0x65: {  	_ =	shalt  }
0x66: {  	_ =	shalt  }
0x67: {  	_ =	shalt  }
0x68: {  	_ =	shalt  }
0x69: {  	_ =	shalt  }
0x6a: {  	_ =	shalt  }
0x6b: {  	_ =	shalt  }
0x6c: {  	_ =	shalt  }
0x6d: {  	_ =	shalt  }
0x6e: {  	_ =	shalt  }
0x6f: {  	_ =	shalt  }
0x70: {  	_ =	shalt  }
0x71: {  	_ =	shalt  }
0x72: {  	_ =	shalt  }
0x73: {  	_ =	shalt  }
0x74: {  	_ =	shalt  }
0x75: {  	_ =	shalt  }
0x76: {  	_ =	shalt  }
0x77: {  	_ =	shalt  }
0x78: {  	_ =	shalt  }
0x79: {  	_ =	shalt  }
0x7a: {  	_ =	shalt  }
0x7b: {  	_ =	shalt  }
0x7c: {  	_ =	shalt  }
0x7d: {  	_ =	shalt  }
0x7e: {  	_ =	shalt  }
0x7f: {  	_ =	shalt  }
0x80: {  	_ =	shalt  }
0x81: {  	_ =	shalt  }
0x82: {  	_ =	shalt  }
0x83: {  	_ =	shalt  }
0x84: {  	_ =	shalt  }
0x85: {  	_ =	shalt  }
0x86: {  	_ =	shalt  }
0x87: {  	_ =	shalt  }
.Lfunc_end0:
.L_simem_size_0:
called_computation_lowered:
.L_overlay_start_0:
0x88: {  	s2 =	sld [smem:$0x3FD9]  }
0x89: {  	s3 =	sld [smem:$0x3FFE];
	_ =	sdelay $0x1  }
0x8a: {  	s1 =	srdreg.scid  }
0x8b: {  	s0 =	sand.u32 $0x1, s1  }
0x8c: {  	s17 =	sshll.u32 s0, $0xA;
	s2 =	sadd.s32 s3, s2  }
0x8d: {  	s2 =	sadd.s32 s2, s17  }
0x8e: {  	[smem:$0x3FC2] =	sst s2  }
0x8f: {  	_ = 	snop  }
0x90: {  	s2 =	sld [smem:$0x3FD0];
	(tm) =	ssettm $0x1  }
0x91: {  	s18 =	sld [smem:$0x3FFB];
	_ =	sdelay $0x3  }
0x92: {  	_ =	strace s18  }
0x93: {  	s3 =	sld [smem:$0x3FFC];
	_ =	sdelay $0x3  }
0x94: {  	_ =	strace s3  }
0x95: {  	s3 =	sld [smem:$0x3FFD];
	_ =	sdelay $0x3  }
0x96: {  	_ =	strace s3  }
0x97: {  	_ =	strace $0x8FFFFFFF  }
0x98: {  	s19 =	sld [smem:$0x3FDB];
	_ =	sdelay $0x1  }
0x99: {  	s4 =	simm.s32 $_scs_section_size  }
0x9a: {  	s5 =	simm.s32 $_size__tile_overlayer_lowered;
	s6 =	simm.s32 $_tile_overlayer_lowered  }
0x9b: {  	s22 =	simm.s32 $0x1BFF;
	s21 =	sshll.u32 s6, $0x1;
	s3 =	sadd.s32 s4, s19  }
0x9c: {  	s7 =	simm.s32 $0x0;
	s20 =	sshll.u32 s5, $0x1;
	s5 =	sadd.s32 s21, s3  }
0x9d: {  	[timem:s7], [sflag:s22] =	dma.local [hbm:s5], s20  }
0x9e: {  	_ =	swait.ge [sflag:s22], s20  }
0x9f: {  	s4 =	ssub.s32 $0x0, s20;
	[sflag:s22] =	ssyncset.done $0x0  }
0xa0: {  	[sflag:s22] =	ssyncadd.s32 s4;
	_ =	sdelay $0x1  }
0xa1: {  	s23 =	simm.s32 $0x1B8B  }
0xa2: {  	_ =	swait.ge [sflag:s23], $0x1  }
0xa3: {  	[sflag:s23] =	ssyncset.done $0x0  }
0xa4: {  	s25 =	simm.s32 $0x1B8E;
	s24 =	sld [smem:$0x3FFE];
	[sflag:s23] =	ssyncadd.s32 $0xFFFFFFFF  }
0xa5: {  	s26 =	simm.s32 $execute0_lowered;
	[smem:$0x3FD2] =	sst s25  }
0xa6: {  	s5 =	sshll.u32 s26, $0x1;
	_ =	strace $0x80000046;
	[dreg:$0x1] =	wrdreg $0xFFFFFFFF  }
0xa7: {  	s28 =	simm.s32 $_size_execute0_lowered;
	s3 =	sadd.s32 s3, s5;
	[dreg:$0x0] =	wrdreg $0x0  }
0xa8: {  	s5 =	sshll.u32 s28, $0x1;
	[dreg:$0x2] =	wrdreg s3  }
0xa9: {  	[dreg:$0x3] =	wrdreg s5  }
0xaa: {  	[dreg:$0x4] =	wrdreg $0xC0  }
0xab: {  	_ =	task [dreg:s7], $0x5FFFF  }
0xac: {  	[dreg:$0x1] =	wrdreg $0xFFFFFFFF  }
0xad: {  	[dreg:$0x0] =	wrdreg $0x60  }
0xae: {  	[dreg:$0x2] =	wrdreg s2  }
0xaf: {  	[dreg:$0x3] =	wrdreg s24  }
0xb0: {  	[dreg:$0x4] =	wrdreg $0xA8000  }
0xb1: {  	[dreg:$0x5] =	wrdreg $0x9  }
0xb2: {  	_ =	task.clear_ibuf [dreg:s7], $0x6FFFF;
	_ =	strace $0x90000046  }
0xb3: {  	s29 =	simm.s32 $0x9;
	_ =	strace $0x80000048  }
0xb4: {  	_ =	swait.ge [sflag:s29], $0x1  }
0xb5: {  	[sflag:s29] =	ssyncadd.s32 $0xFFFFFFFF  }
0xb6: {  	_ =	strace $0x90000048  }
0xb7: {  	_ =	sfence  }
0xb8: {  	s30 =	sld [smem:$0x0];
	_ =	sdelay $0x2  }
0xb9: {  	s31 =	sshll.u32 s1, $0xD;
	s1 =	sshrl.u32 s1, $0x2  }
0xba: {  	s3 =	sand.u32 $0x4000, s31;
	s1 =	sadd.s32 s1, s30  }
0xbb: {  	s0 =	sor.u32 s3, s0;
	s1 =	sshll.u32 s1, $0x11  }
0xbc: {  	s0 =	sor.u32 s1, s0  }
0xbd: {  	s0 =	sadd.s32 $0x8F2B, s0  }
0xbe: {  	[sflag:s0] =	ssyncadd.remote.s32 $0x1  }
0xbf: {  	_ =	sfence.sel $0xFFFF  }
0xc0: {  	[dreg:$0x0] =	wrdreg $0xFFFFFFFF;
	(pc) =	sbr.abs _section_cstart, $3  }
0xc1: {  	[dreg:$0x1] =	wrdreg $0xFFFFFFFF  }
0xc2: {  	_ =	task.clear_ibuf [dreg:s7], $0x2FFFF;
	_ =	strace $0x9FFFFFFF  }
0xc3: {  	(tm) =	ssettm $0x7FFFFFFF  }
tec
execute0_lowered:
.L_overlay_start_1:
0x0: {  	(tag) =	ssettag $0x1  }
0x1: {  	s5 =	rddreg [dreg:$0x0]  }
0x2: {  	s4 =	rddreg [dreg:$0x1]  }
0x3: {  	s1 =	rddreg [dreg:$0x2]  }
0x4: {  	s2 =	srdreg.scid;
	s0 =	rddreg [dreg:$0x3];
	s3 =	simm.s32 $0x0  }
0x5: {  	s12 =	simm.s32 $0x6800;
	s13 =	simm.s32 $0x2;
	s14 =	simm.s32 $0x80  }
0x6: {  	s15 =	simm.s32 $0x2800;
	s6 =	sand.u32 $0x1, s2;
	s2 =	stileid.u32  }
0x7: {  	s16 =	simm.s32 $0x1;
	[smem:$0x7FF] =	sst s3;
	s7 =	smul.u32 $0x140000, s6  }
0x8: {  	s8 =	smul.u32 $0x14000, s2;
	_ =	strace $0x80000047;
	s31 =	sshll.u32 s6, $0x4  }
0x9: {  	s9 =	smul.u32 $0x50000, s2;
	s6 =	ssub.s32 $0x2, s6;
	s17 =	sshll.u32 s2, $0x6  }
0xa: {  	s10 =	sshrl.u32 s6, $0x1;
	s7 =	sadd.s32 s8, s7;
	s8 =	sor.u32 s2, s31  }
0xb: {  	s17 =	sor.u32 $0x1C02, s17;
	s7 =	sshrl.u32 s7, $0x3;
	s8 =	smul.u32 $0x500, s8  }
0xc: {  	s9 =	sshrl.u32 s9, $0x2;
	s10 =	ssub.s32 s6, s10;
	s7 =	sadd.s32 s7, s4  }
0xd: {  	s4 =	sadd.s32 s9, s1;
	s5 =	sadd.s32 s5, s8;
	s6 =	sadd.s32 $0x2800, s7  }
0xe: {  	s7 =	smax.u32 s10, $0x1;
	s8 =	sadd.s32 $0x4000, s4;
	s9 =	sadd.s32 $0x8000, s4  }
0xf: {  	v0 =	vimm.f32 $1.000000000e+00;
	v1 =	vimm.f32 $0.0e+00;
	s10 =	sadd.s32 $0xC000, s4;
	s11 =	sadd.s32 $0x10000, s4;
	s18 =	sshrl.u32 s4, $0x3  }
.LBB2_1:
0x10: {  	s19 =	simm.s32 $0x200;
	s20 =	simm.s32 $0x0  }
.LBB2_2:
0x11: {  	p0 =	sne.s32 s19, $0xFE00;
	[tilespmem:s20+$0x2800] =	vst v0;
	s21 =	smov.u32 s19;
	s19 =	sadd.s32 $0x200, s19  }
.Ltmp0:
0x12: {  	[tilespmem:s20+$0x6800] =	vst v1;
	(pc) =	sbr.rel @p0 .LBB2_2-.Ltmp0, $2  }
0x13: {  	_ =	sdelay $0x2  }
0x14: {  	s20 =	sshra.s32 s21, $0x2  }
0x15: {  	[tilespmem:s20+$0x2800] =	vst v0  }
0x16: {  	[tilespmem:s20+$0x6800] =	vst v1  }
0x17: {  	[spmem:s4] =	stream.linear.scatter [tilespmem:s12], [sflag:$0x2], $0x4000, $0x38;
	[tilespmem:$0xD000] =	vst v63  }
0x18: {  	_ =	swait.ge [sflag:s13], $0x4000  }
0x19: {  	[sflag:s13] =	ssyncset.done $0x0  }
0x1a: {  	[sflag:s13] =	ssyncadd.s32 $0xFFFFC000  }
0x1b: {  	[spmem:s8] =	stream.linear.scatter [tilespmem:s12], [sflag:$0x2], $0x4000, $0x38;
	[tilespmem:$0xD000] =	vst v63  }
0x1c: {  	_ =	swait.ge [sflag:s13], $0x4000  }
0x1d: {  	[sflag:s13] =	ssyncset.done $0x0  }
0x1e: {  	[sflag:s13] =	ssyncadd.s32 $0xFFFFC000  }
0x1f: {  	[spmem:s9] =	stream.linear.scatter [tilespmem:s12], [sflag:$0x2], $0x4000, $0x38;
	[tilespmem:$0xD000] =	vst v63  }
0x20: {  	_ =	swait.ge [sflag:s13], $0x4000  }
0x21: {  	[sflag:s13] =	ssyncset.done $0x0  }
0x22: {  	[sflag:s13] =	ssyncadd.s32 $0xFFFFC000  }
0x23: {  	[spmem:s10] =	stream.linear.scatter [tilespmem:s12], [sflag:$0x2], $0x4000, $0x38;
	[tilespmem:$0xD000] =	vst v63  }
0x24: {  	_ =	swait.ge [sflag:s13], $0x4000  }
0x25: {  	[sflag:s13] =	ssyncset.done $0x0  }
0x26: {  	[sflag:s13] =	ssyncadd.s32 $0xFFFFC000  }
0x27: {  	[spmem:s11] =	stream.linear.scatter [tilespmem:s12], [sflag:$0x2], $0x4000, $0x38;
	[tilespmem:$0xD000] =	vst v63  }
0x28: {  	_ =	swait.ge [sflag:s13], $0x4000  }
0x29: {  	[sflag:s13] =	ssyncset.done $0x0  }
0x2a: {  	s19 =	simm.s32 $0x0;
	[sflag:s13] =	ssyncadd.s32 $0xFFFFC000  }
0x2b: {  	[tilespmem:s19], [sflag:$0x2] =	stream.linear.gather [hbm4b:s5+s19], $0x2800, $0x38;
	[tilespmem:$0xD000] =	vst v63  }
0x2c: {  	_ =	swait.ge [sflag:s13], $0x2800  }
0x2d: {  	[sflag:s13] =	ssyncset.done $0x0  }
0x2e: {  	[sflag:s13] =	ssyncadd.s32 $0xFFFFD800  }
0x2f: {  	s23 =	simm.s32 $0x0;
	[bflag:$0x0] =	sbarrier.arrive $0xFFFF  }
0x30: {  	[spmem:s1] =	stream.indirect.scatter.add.f32 [tilespmem:s15], [sflag:$0x1], $0x10, s23, s14, $0xb8;
	[tilespmem:$0xD000] =	vst v63  }
0x31: {  	s24 =	simm.s32 $0x80  }
0x32: {  	[spmem:s1] =	stream.indirect.scatter.add.f32 [tilespmem:s15], [sflag:$0x1], $0x10, s24, s14, $0xb8;
	[tilespmem:$0xD000] =	vst v63  }
0x33: {  	s25 =	simm.s32 $0x100  }
0x34: {  	[spmem:s1] =	stream.indirect.scatter.add.f32 [tilespmem:s15], [sflag:$0x1], $0x10, s25, s14, $0xb8;
	[tilespmem:$0xD000] =	vst v63  }
0x35: {  	s26 =	simm.s32 $0x180  }
0x36: {  	[spmem:s1] =	stream.indirect.scatter.add.f32 [tilespmem:s15], [sflag:$0x1], $0x10, s26, s14, $0xb8;
	[tilespmem:$0xD000] =	vst v63  }
0x37: {  	s28 =	simm.s32 $0x200  }
0x38: {  	[spmem:s1] =	stream.indirect.scatter.add.f32 [tilespmem:s15], [sflag:$0x1], $0x10, s28, s14, $0xb8;
	[tilespmem:$0xD000] =	vst v63  }
0x39: {  	s29 =	simm.s32 $0x280  }
0x3a: {  	[spmem:s1] =	stream.indirect.scatter.add.f32 [tilespmem:s15], [sflag:$0x1], $0x10, s29, s14, $0xb8;
	[tilespmem:$0xD000] =	vst v63  }
0x3b: {  	s30 =	simm.s32 $0x300  }
0x3c: {  	[spmem:s1] =	stream.indirect.scatter.add.f32 [tilespmem:s15], [sflag:$0x1], $0x10, s30, s14, $0xb8;
	[tilespmem:$0xD000] =	vst v63  }
0x3d: {  	s31 =	simm.s32 $0x380  }
0x3e: {  	[spmem:s1] =	stream.indirect.scatter.add.f32 [tilespmem:s15], [sflag:$0x1], $0x10, s31, s14, $0xb8;
	[tilespmem:$0xD000] =	vst v63  }
0x3f: {  	_ =	swait.ge [sflag:s16], $0x800  }
0x40: {  	[sflag:s16] =	ssyncset.done $0x0  }
0x41: {  	[sflag:s16] =	ssyncadd.s32 $0xFFFFF800  }
0x42: {  	_ =	swait.ge [sflag:s16], $0x800  }
0x43: {  	[sflag:s16] =	ssyncset.done $0x0  }
0x44: {  	[sflag:s16] =	ssyncadd.s32 $0xFFFFF800  }
0x45: {  	_ =	swait.ge [sflag:s16], $0x800  }
0x46: {  	[sflag:s16] =	ssyncset.done $0x0  }
0x47: {  	[sflag:s16] =	ssyncadd.s32 $0xFFFFF800  }
0x48: {  	_ =	swait.ge [sflag:s16], $0x800  }
0x49: {  	[sflag:s16] =	ssyncset.done $0x0  }
0x4a: {  	[sflag:s16] =	ssyncadd.s32 $0xFFFFF800  }
0x4b: {  	_ =	swait.ge [sflag:s16], $0x800  }
0x4c: {  	[sflag:s16] =	ssyncset.done $0x0  }
0x4d: {  	[sflag:s16] =	ssyncadd.s32 $0xFFFFF800  }
0x4e: {  	_ =	swait.ge [sflag:s16], $0x800  }
0x4f: {  	[sflag:s16] =	ssyncset.done $0x0  }
0x50: {  	[sflag:s16] =	ssyncadd.s32 $0xFFFFF800  }
0x51: {  	_ =	swait.ge [sflag:s16], $0x800  }
0x52: {  	[sflag:s16] =	ssyncset.done $0x0  }
0x53: {  	[sflag:s16] =	ssyncadd.s32 $0xFFFFF800  }
0x54: {  	_ =	swait.ge [sflag:s16], $0x800  }
0x55: {  	s21 =	simm.s32 $0x2000;
	s19 =	simm.s32 $0x1000;
	[sflag:s16] =	ssyncset.done $0x0  }
.LBB2_4:
0x56: {  	s22 =	sshra.s32 s19, $0x2  }
0x57: {  	[sflag:s16] =	ssyncadd.s32 $0xFFFFF800;
	s19 =	smov.u32 s21;
	s20 =	sadd.s32 $0x1000, s21  }
0x58: {  	[spmem:s1] =	stream.indirect.scatter.add.f32 [tilespmem:s15], [sflag:$0x1], $0x10, s22, s14, $0xb8;
	[tilespmem:$0xD000] =	vst v63  }
0x59: {  	p0 =	sne.s32 s21, $0x9000;
	s21 =	sadd.s32 $0x80, s22  }
0x5a: {  	[spmem:s1] =	stream.indirect.scatter.add.f32 [tilespmem:s15], [sflag:$0x1], $0x10, s21, s14, $0xb8;
	[tilespmem:$0xD000] =	vst v63  }
0x5b: {  	s21 =	sadd.s32 $0x100, s22  }
0x5c: {  	[spmem:s1] =	stream.indirect.scatter.add.f32 [tilespmem:s15], [sflag:$0x1], $0x10, s21, s14, $0xb8;
	[tilespmem:$0xD000] =	vst v63  }
0x5d: {  	s21 =	sadd.s32 $0x180, s22  }
0x5e: {  	[spmem:s1] =	stream.indirect.scatter.add.f32 [tilespmem:s15], [sflag:$0x1], $0x10, s21, s14, $0xb8;
	[tilespmem:$0xD000] =	vst v63  }
0x5f: {  	s21 =	sadd.s32 $0x200, s22  }
0x60: {  	[spmem:s1] =	stream.indirect.scatter.add.f32 [tilespmem:s15], [sflag:$0x1], $0x10, s21, s14, $0xb8;
	[tilespmem:$0xD000] =	vst v63  }
0x61: {  	s21 =	sadd.s32 $0x280, s22  }
0x62: {  	[spmem:s1] =	stream.indirect.scatter.add.f32 [tilespmem:s15], [sflag:$0x1], $0x10, s21, s14, $0xb8;
	[tilespmem:$0xD000] =	vst v63  }
0x63: {  	s21 =	sadd.s32 $0x300, s22  }
0x64: {  	[spmem:s1] =	stream.indirect.scatter.add.f32 [tilespmem:s15], [sflag:$0x1], $0x10, s21, s14, $0xb8;
	[tilespmem:$0xD000] =	vst v63  }
0x65: {  	s21 =	sadd.s32 $0x380, s22  }
0x66: {  	[spmem:s1] =	stream.indirect.scatter.add.f32 [tilespmem:s15], [sflag:$0x1], $0x10, s21, s14, $0xb8;
	[tilespmem:$0xD000] =	vst v63  }
0x67: {  	_ =	swait.ge [sflag:s16], $0x800  }
0x68: {  	[sflag:s16] =	ssyncset.done $0x0  }
0x69: {  	[sflag:s16] =	ssyncadd.s32 $0xFFFFF800  }
0x6a: {  	_ =	swait.ge [sflag:s16], $0x800  }
0x6b: {  	[sflag:s16] =	ssyncset.done $0x0  }
0x6c: {  	[sflag:s16] =	ssyncadd.s32 $0xFFFFF800  }
0x6d: {  	_ =	swait.ge [sflag:s16], $0x800  }
0x6e: {  	[sflag:s16] =	ssyncset.done $0x0  }
0x6f: {  	[sflag:s16] =	ssyncadd.s32 $0xFFFFF800  }
0x70: {  	_ =	swait.ge [sflag:s16], $0x800  }
0x71: {  	[sflag:s16] =	ssyncset.done $0x0  }
0x72: {  	[sflag:s16] =	ssyncadd.s32 $0xFFFFF800  }
0x73: {  	_ =	swait.ge [sflag:s16], $0x800  }
0x74: {  	[sflag:s16] =	ssyncset.done $0x0  }
0x75: {  	[sflag:s16] =	ssyncadd.s32 $0xFFFFF800  }
0x76: {  	_ =	swait.ge [sflag:s16], $0x800  }
0x77: {  	[sflag:s16] =	ssyncset.done $0x0  }
0x78: {  	[sflag:s16] =	ssyncadd.s32 $0xFFFFF800  }
.Ltmp1:
0x79: {  	_ =	swait.ge [sflag:s16], $0x800;
	(pc) =	sbr.rel @p0 .LBB2_4-.Ltmp1, $4  }
0x7a: {  	[sflag:s16] =	ssyncset.done $0x0  }
0x7b: {  	[sflag:s16] =	ssyncadd.s32 $0xFFFFF800  }
0x7c: {  	_ =	swait.ge [sflag:s16], $0x800  }
0x7d: {  	s21 =	smov.u32 s20;
	[sflag:s16] =	ssyncset.done $0x0  }
0x7e: {  	s19 =	sshra.s32 s19, $0x2;
	[sflag:s16] =	ssyncadd.s32 $0xFFFFF800  }
0x7f: {  	[spmem:s1] =	stream.indirect.scatter.add.f32 [tilespmem:s15], [sflag:$0x1], $0x10, s19, s14, $0xb8;
	[tilespmem:$0xD000] =	vst v63  }
0x80: {  	s20 =	sadd.s32 $0x80, s19  }
0x81: {  	[spmem:s1] =	stream.indirect.scatter.add.f32 [tilespmem:s15], [sflag:$0x1], $0x10, s20, s14, $0xb8;
	[tilespmem:$0xD000] =	vst v63  }
0x82: {  	s26 =	sadd.s32 $0x100, s19  }
0x83: {  	[spmem:s1] =	stream.indirect.scatter.add.f32 [tilespmem:s15], [sflag:$0x1], $0x10, s26, s14, $0xb8;
	[tilespmem:$0xD000] =	vst v63  }
0x84: {  	s28 =	sadd.s32 $0x180, s19  }
0x85: {  	[spmem:s1] =	stream.indirect.scatter.add.f32 [tilespmem:s15], [sflag:$0x1], $0x10, s28, s14, $0xb8;
	[tilespmem:$0xD000] =	vst v63  }
0x86: {  	s29 =	sadd.s32 $0x200, s19  }
0x87: {  	[spmem:s1] =	stream.indirect.scatter.add.f32 [tilespmem:s15], [sflag:$0x1], $0x10, s29, s14, $0xb8;
	[tilespmem:$0xD000] =	vst v63  }
0x88: {  	s30 =	sadd.s32 $0x280, s19  }
0x89: {  	[spmem:s1] =	stream.indirect.scatter.add.f32 [tilespmem:s15], [sflag:$0x1], $0x10, s30, s14, $0xb8;
	[tilespmem:$0xD000] =	vst v63  }
0x8a: {  	s31 =	sadd.s32 $0x300, s19  }
0x8b: {  	[spmem:s1] =	stream.indirect.scatter.add.f32 [tilespmem:s15], [sflag:$0x1], $0x10, s31, s14, $0xb8;
	[tilespmem:$0xD000] =	vst v63  }
0x8c: {  	s19 =	sadd.s32 $0x380, s19  }
0x8d: {  	[spmem:s1] =	stream.indirect.scatter.add.f32 [tilespmem:s15], [sflag:$0x1], $0x10, s19, s14, $0xb8;
	[tilespmem:$0xD000] =	vst v63  }
0x8e: {  	_ =	swait.ge [sflag:s16], $0x800  }
0x8f: {  	[sflag:s16] =	ssyncset.done $0x0  }
0x90: {  	[sflag:s16] =	ssyncadd.s32 $0xFFFFF800  }
0x91: {  	_ =	swait.ge [sflag:s16], $0x800  }
0x92: {  	[sflag:s16] =	ssyncset.done $0x0  }
0x93: {  	[sflag:s16] =	ssyncadd.s32 $0xFFFFF800  }
0x94: {  	_ =	swait.ge [sflag:s16], $0x800  }
0x95: {  	[sflag:s16] =	ssyncset.done $0x0  }
0x96: {  	[sflag:s16] =	ssyncadd.s32 $0xFFFFF800  }
0x97: {  	_ =	swait.ge [sflag:s16], $0x800  }
0x98: {  	[sflag:s16] =	ssyncset.done $0x0  }
0x99: {  	[sflag:s16] =	ssyncadd.s32 $0xFFFFF800  }
0x9a: {  	_ =	swait.ge [sflag:s16], $0x800  }
0x9b: {  	[sflag:s16] =	ssyncset.done $0x0  }
0x9c: {  	[sflag:s16] =	ssyncadd.s32 $0xFFFFF800  }
0x9d: {  	_ =	swait.ge [sflag:s16], $0x800  }
0x9e: {  	[sflag:s16] =	ssyncset.done $0x0  }
0x9f: {  	[sflag:s16] =	ssyncadd.s32 $0xFFFFF800  }
0xa0: {  	_ =	swait.ge [sflag:s16], $0x800  }
0xa1: {  	[sflag:s16] =	ssyncset.done $0x0  }
0xa2: {  	[sflag:s16] =	ssyncadd.s32 $0xFFFFF800  }
0xa3: {  	_ =	swait.ge [sflag:s16], $0x800  }
0xa4: {  	s3 =	sadd.s32 $0x1, s3;
	[sflag:s16] =	ssyncset.done $0x0  }
0xa5: {  	p0 =	sne.s32 s3, s7;
	[sflag:s16] =	ssyncadd.s32 $0xFFFFF800  }
.Ltmp2:
0xa6: {  	[bflag:$0x0] =	sbarrier.arrive $0xFFFF;
	(pc) =	sbr.rel @p0 .LBB2_1-.Ltmp2, $4  }
0xa7: {  	[hbm:s6], [sflag:s17] =	dma.local [spmem:s18], $0x2800  }
0xa8: {  	_ =	swait.ge [sflag:s13], $0x2800  }
0xa9: {  	[sflag:s13] =	ssyncset.done $0x0  }
0xaa: {  	[sflag:s13] =	ssyncadd.s32 $0xFFFFD800  }
0xab: {  	_ =	sfence.sel $0x180000  }
0xac: {  	[bflag:$0x0] =	sbarrier.arrive $0xFFFF  }
0xad: {  	p0 =	sne.s32 s2, $0x0;
	_ =	strace $0x90000047  }
0xae: {  	s0 =	sadd.s32 @!p0 $0x100000, s0;
	[bflag:$0x2] =	sbarrier.arrive $0xFFFF  }
0xaf: {  	[sflag:s0] =	ssyncadd.tile.s32 @!p0 $0x1;
	_ =	shalt  }
.Lfunc_end2:
_tile_overlayer_lowered:
.L_overlay_start_2:
0xb0: {  	(tag) =	ssettag $0x2  }
0xb1: {  	s0 =	rddreg [dreg:$0x0];
	s2 =	stileid.u32  }
0xb2: {  	s1 =	rddreg [dreg:$0x1];
	p0 =	sne.s32 s2, $0x0  }
0xb3: {  	s3 =	rddreg [dreg:$0x2];
	[bflag:$0x3] =	sbarrier.arrive $0xFFFF;
	s2 =	simm.s32 @!p0 $0x1C02  }
0xb4: {  	[timem:s3], [sflag:s2] =	dma.local @!p0 [hbm:s0], s1  }
0xb5: {  	s0 =	simm.s32 @!p0 $0x2  }
0xb6: {  	_ =	swait.ge @!p0 [sflag:s0], s1  }
0xb7: {  	s1 =	ssub.s32 @!p0 $0x0, s1;
	[sflag:s0] =	ssyncset.done @!p0 $0x0  }
0xb8: {  	[sflag:s0] =	ssyncadd.s32 @!p0 s1  }
0xb9: {  	[bflag:$0x3] =	sbarrier.arrive $0xFFFF  }
0xba: {  	_ =	shalt  }

</sc_bundles>
